<compile_context>
chip_gen: v7x
topology: tpu7x:2x2x1
jax: 0.10.2.dev20260603
libtpu: 0.0.44.dev20260713+nightly
codegen_flags: <defaults>
</compile_context>

<pallas_src>
import functools

import jax
import jax.numpy as jnp
from jax.experimental import pallas as pl
from jax.experimental.pallas import tpu as pltpu
from jax.experimental.pallas import tpu_sc as plsc

_LANES = 128
_TOPK = 2
_SCV = 16


def _logits_kernel(Epad, NC, x_ref, wg_ref, lt_ref):
    logits = jnp.dot(x_ref[0], wg_ref[...],
                     preferred_element_type=jnp.float32)
    lt_ref[...] = jnp.swapaxes(logits, 0, 1)[:lt_ref.shape[0]]


def _sc_router(logitsT, E):
    Epad, T = logitsT.shape
    mesh = plsc.VectorSubcoreMesh(core_axis_name="c", subcore_axis_name="s")

    def body(lt_vmem, w_vmem, d_vmem):
        for c1 in range(0, _LANES, _SCV):
            sl = pl.ds(c1, _SCV)
            m1 = jnp.full((_SCV,), -1e30, jnp.float32)
            m2 = jnp.full((_SCV,), -1e30, jnp.float32)
            i1 = jnp.zeros((_SCV,), jnp.int32)
            i2 = jnp.zeros((_SCV,), jnp.int32)
            for e in range(E):
                le = lt_vmem[e, sl]
                gt1 = le > m1
                gt2 = le > m2
                i2 = jnp.where(gt1, i1, jnp.where(gt2, e, i2))
                m2 = jnp.where(gt1, m1, jnp.where(gt2, le, m2))
                i1 = jnp.where(gt1, e, i1)
                m1 = jnp.where(gt1, le, m1)
            d = m2 - m1
            ed = jnp.exp(d)
            g1 = 1.0 / (1.0 + ed)
            g2 = ed * g1
            for e in range(E):
                w_vmem[e, sl] = (jnp.where(i1 == e, g1, 0.0)
                                 + jnp.where(i2 == e, g2, 0.0))
            d_vmem[0, sl] = d

    @pl.kernel(out_type=[jax.ShapeDtypeStruct((Epad, T), jnp.float32),
                         jax.ShapeDtypeStruct((8, T), jnp.float32)],
               mesh=mesh)
    def k(lt_hbm, w_hbm, d_hbm):
        pltpu.emit_pipeline(
            body,
            grid=(T // _LANES,),
            in_specs=[pl.BlockSpec((Epad, _LANES), lambda i: (0, i))],
            out_specs=[pl.BlockSpec((Epad, _LANES), lambda i: (0, i)),
                       pl.BlockSpec((8, _LANES), lambda i: (0, i))],
            core_axis_name=("c", "s"),
            dimension_semantics=(pltpu.PARALLEL,),
        )(lt_hbm, w_hbm, d_hbm)

    return k(logitsT)


def _stats_kernel(w_ref, d_ref, load_ref, ent_ref):
    load = jnp.sum(w_ref[...], axis=1, keepdims=True)
    load_ref[...] = jnp.broadcast_to(load, load_ref.shape)
    d = d_ref[0:1, :]
    ed = jnp.exp(d)
    lse = jnp.log1p(ed)
    g2 = ed / (1.0 + ed)
    ent = lse - g2 * d
    ent_ref[...] = jnp.broadcast_to(
        jnp.sum(ent, axis=1, keepdims=True), ent_ref.shape)


def _moe_kernel(DI, N, K, CL,
                x_ref, win_ref, wct_ref, bconv_ref, wxp_ref, wdt_ref,
                bdt_ref, at_ref, dsk_ref, wout_ref, wT_ref,
                out_ref,
                cbuf, dt_s, u_s, bp_s, cp_s, ys_s, h_s):
    e = pl.program_id(0)
    b = pl.program_id(1)
    c = pl.program_id(2)

    xz = jnp.dot(x_ref[0], win_ref[0], preferred_element_type=jnp.float32)
    xi_raw = xz[:, :DI]
    z = xz[:, DI:]

    @pl.when(c == 0)
    def _zero_tail():
        cbuf[8 - (K - 1):8, :] = jnp.zeros((K - 1, DI), jnp.float32)

    cbuf[8:8 + CL, :] = xi_raw
    conv = bconv_ref[0]
    for k in range(K):
        conv = conv + cbuf[8 - (K - 1) + k:8 - (K - 1) + k + CL, :] \
            * wct_ref[0, k:k + 1, :]
    cbuf[8 - (K - 1):8, :] = xi_raw[CL - (K - 1):, :]
    xi = conv * jax.nn.sigmoid(conv)

    xdbl = jnp.dot(xi.astype(jnp.bfloat16), wxp_ref[0],
                   preferred_element_type=jnp.float32)
    dtpre = jnp.dot(xdbl[:, 0:_LANES].astype(jnp.bfloat16), wdt_ref[0],
                    preferred_element_type=jnp.float32) + bdt_ref[0]
    dt = jnp.where(dtpre > 20.0, dtpre,
                   jnp.log1p(jnp.exp(jnp.minimum(dtpre, 20.0))))
    dt_s[0:CL, :] = dt
    u_s[0:CL, :] = dt * xi
    dt_s[CL:CL + 8, :] = jnp.zeros((8, DI), jnp.float32)
    u_s[CL:CL + 8, :] = jnp.zeros((8, DI), jnp.float32)
    bp_s[0:CL, :] = xdbl[:, _LANES:_LANES + N]
    cp_s[0:CL, :] = xdbl[:, 2 * _LANES:2 * _LANES + N]

    @pl.when(c == 0)
    def _zero_h():
        h_s[...] = jnp.zeros((N, DI), jnp.float32)

    eye = (jax.lax.broadcasted_iota(jnp.int32, (N, N), 0)
           == jax.lax.broadcasted_iota(jnp.int32, (N, N), 1))
    A2 = at_ref[0]

    def _col(ref, t):
        row = jnp.broadcast_to(ref[pl.ds(t, 1), :], (N, N))
        return jnp.sum(jnp.where(eye, row, 0.0), axis=1, keepdims=True)

    def body(t, h):
        dtr = dt_s[pl.ds(t, 1), :]
        dA = jnp.exp2(A2 * dtr)
        ur = u_s[pl.ds(t, 1), :]
        bcol = _col(bp_s, t)
        ccol = _col(cp_s, t)
        h = dA * h + ur * bcol
        ys_s[pl.ds(t, 1), :] = jnp.sum(h * ccol, axis=0, keepdims=True)
        return h

    UF = 4 if CL % 4 == 0 else (2 if CL % 2 == 0 else 1)

    def bodyu(i, h):
        for j in range(UF):
            h = body(UF * i + j, h)
        return h

    h = jax.lax.fori_loop(0, CL // UF, bodyu, h_s[...])
    h_s[...] = h

    y = ys_s[...] + xi * dsk_ref[0]
    y = y * (z * jax.nn.sigmoid(z))

    wrow = wT_ref[0, pl.ds(e, 1), :]
    wcol = jnp.swapaxes(wrow, 0, 1)
    contrib = jnp.dot((y * wcol).astype(jnp.bfloat16), wout_ref[0],
                      preferred_element_type=jnp.float32)

    sl = pl.ds(c * CL, CL)

    @pl.when(e == 0)
    def _first():
        out_ref[pl.ds(b, 1), sl, :] = contrib[None]

    @pl.when(e > 0)
    def _accum():
        out_ref[pl.ds(b, 1), sl, :] += contrib[None]


def kernel(x, W_gate, W_in, W_conv, b_conv, W_xproj, W_dt, b_dt, A_log,
           D_skip, W_out):
    B, L, D = x.shape
    E = W_gate.shape[0]
    DI, K = W_conv.shape[1], W_conv.shape[2]
    N = A_log.shape[2]
    DT_RANK = W_dt.shape[1]
    f32 = jnp.float32
    bf16 = jnp.bfloat16

    CL = 256 if L % 256 == 0 else (128 if L % 128 == 0 else L)
    NC = L // CL
    Epad = max(8, -(-E // 8) * 8)

    wg_pad = jnp.pad(W_gate.T, ((0, 0), (0, _LANES - E)))
    win_bf = W_in.astype(bf16)
    wct = jnp.pad(jnp.swapaxes(W_conv, 1, 2), ((0, 0), (0, 8 - K), (0, 0)))
    bconv3 = b_conv[:, None, :]
    wxp = jnp.concatenate([
        jnp.pad(W_xproj[:, :, :DT_RANK], ((0, 0), (0, 0), (0, _LANES - DT_RANK))),
        jnp.pad(W_xproj[:, :, DT_RANK:DT_RANK + N], ((0, 0), (0, 0), (0, _LANES - N))),
        jnp.pad(W_xproj[:, :, DT_RANK + N:], ((0, 0), (0, 0), (0, _LANES - N))),
    ], axis=-1).astype(bf16)
    wdt = jnp.pad(W_dt, ((0, 0), (0, _LANES - DT_RANK), (0, 0))).astype(bf16)
    bdt3 = b_dt[:, None, :]
    at = jnp.swapaxes(-jnp.exp(A_log), 1, 2) * 1.4426950408889634
    dsk3 = D_skip[:, None, :]
    wout_bf = W_out.astype(bf16)
    x_bf = x.astype(bf16)

    logitsT = pl.pallas_call(
        functools.partial(_logits_kernel, Epad, NC),
        grid=(B, NC),
        in_specs=[
            pl.BlockSpec((1, CL, D), lambda b, c: (b, c, 0)),
            pl.BlockSpec((D, _LANES), lambda b, c: (0, 0)),
        ],
        out_specs=pl.BlockSpec((Epad, CL), lambda b, c, NC=NC: (0, b * NC + c)),
        out_shape=jax.ShapeDtypeStruct((Epad, B * L), f32),
    )(x, wg_pad)
    wsc, dsc = _sc_router(logitsT, E)
    loadb, entb = pl.pallas_call(
        _stats_kernel,
        grid=(1,),
        in_specs=[
            pl.BlockSpec((Epad, B * L), lambda i: (0, 0)),
            pl.BlockSpec((8, B * L), lambda i: (0, 0)),
        ],
        out_specs=[
            pl.BlockSpec((8, _LANES), lambda i: (0, 0)),
            pl.BlockSpec((8, _LANES), lambda i: (0, 0)),
        ],
        out_shape=[
            jax.ShapeDtypeStruct((8, _LANES), f32),
            jax.ShapeDtypeStruct((8, _LANES), f32),
        ],
    )(wsc, dsc)
    wT = wsc.reshape(Epad, B, L).transpose(1, 0, 2)

    out = pl.pallas_call(
        functools.partial(_moe_kernel, DI, N, K, CL),
        grid=(E, B, NC),
        in_specs=[
            pl.BlockSpec((1, CL, D), lambda e, b, c: (b, c, 0)),
            pl.BlockSpec((1, D, 2 * DI), lambda e, b, c: (e, 0, 0)),
            pl.BlockSpec((1, 8, DI), lambda e, b, c: (e, 0, 0)),
            pl.BlockSpec((1, 1, DI), lambda e, b, c: (e, 0, 0)),
            pl.BlockSpec((1, DI, 3 * _LANES), lambda e, b, c: (e, 0, 0)),
            pl.BlockSpec((1, _LANES, DI), lambda e, b, c: (e, 0, 0)),
            pl.BlockSpec((1, 1, DI), lambda e, b, c: (e, 0, 0)),
            pl.BlockSpec((1, N, DI), lambda e, b, c: (e, 0, 0)),
            pl.BlockSpec((1, 1, DI), lambda e, b, c: (e, 0, 0)),
            pl.BlockSpec((1, DI, D), lambda e, b, c: (e, 0, 0)),
            pl.BlockSpec((1, Epad, CL), lambda e, b, c: (b, 0, c)),
        ],
        out_specs=pl.BlockSpec((B, L, D), lambda e, b, c: (0, 0, 0)),
        out_shape=jax.ShapeDtypeStruct((B, L, D), f32),
        scratch_shapes=[
            pltpu.VMEM((CL + 8, DI), f32),
            pltpu.VMEM((CL + 8, DI), f32),
            pltpu.VMEM((CL + 8, DI), f32),
            pltpu.VMEM((CL + 8, N), f32),
            pltpu.VMEM((CL + 8, N), f32),
            pltpu.VMEM((CL, DI), f32),
            pltpu.VMEM((N, DI), f32),
        ],
        compiler_params=pltpu.CompilerParams(
            dimension_semantics=("arbitrary",) * 3,
            vmem_limit_bytes=100 * 1024 * 1024,
        ),
    )(x_bf, win_bf, wct, bconv3, wxp, wdt, bdt3, at, dsk3, wout_bf, wT)

    load = loadb[:E, 0]
    routing_entropy = entb[0, 0] / (B * L)
    target = B * L * _TOPK / E
    ln = load / (target + 1e-8)
    mean = jnp.clip(jnp.mean(ln), 1e-8)
    std = jnp.std(ln, ddof=1)
    lb_loss = std / mean * 0.01 * E
    return out, lb_loss, load, routing_entropy

# --- scband reference (transcript-rebuilt; emitter-appended) ---
"""Pipeline reference for scband-mixture-of-mamba-block-81853486727573 (READ-ONLY COPY).

The authoritative reference and input builder live on the scoring server;
editing this copy changes nothing except your own understanding.
"""

import jax, jax.numpy as jnp
import numpy as np

E = 8
TOPK = 2
D = 1024
N = 16
EXPAND = 2
DI = EXPAND * D
DT_RANK = 64
K_CONV = 4
B = 2
L = 2048


def setup_inputs(seed: int = 0) -> dict:
    key = jax.random.key(seed)
    ks = jax.random.split(key, 8)
    x = jax.random.normal(ks[0], (B, L, D), dtype=jnp.float32)
    W_gate = jax.random.normal(ks[1], (E, D), dtype=jnp.float32) * 0.02
    W_in = jax.random.normal(ks[2], (E, D, 2 * DI), dtype=jnp.float32) * 0.02
    W_conv = jax.random.normal(ks[3], (E, DI, K_CONV), dtype=jnp.float32) * 0.1
    b_conv = jnp.zeros((E, DI), dtype=jnp.float32)
    W_xproj = jax.random.normal(ks[4], (E, DI, DT_RANK + 2 * N), dtype=jnp.float32) * 0.02
    W_dt = jax.random.normal(ks[5], (E, DT_RANK, DI), dtype=jnp.float32) * 0.02
    b_dt = jnp.full((E, DI), -4.0, dtype=jnp.float32)
    A_log = jnp.tile(jnp.log(jnp.arange(1, N + 1, dtype=jnp.float32))[None, None, :], (E, DI, 1))
    D_skip = jnp.ones((E, DI), dtype=jnp.float32)
    W_out = jax.random.normal(ks[6], (E, DI, D), dtype=jnp.float32) * 0.02
    return dict(x=x, W_gate=W_gate, W_in=W_in, W_conv=W_conv, b_conv=b_conv,
                W_xproj=W_xproj, W_dt=W_dt, b_dt=b_dt, A_log=A_log,
                D_skip=D_skip, W_out=W_out)


def _silu(v):
    return v * jax.nn.sigmoid(v)


def _mamba_block(x, W_in, W_conv, b_conv, W_xproj, W_dt, b_dt, A_log, D_skip, W_out):
    # Canonical Mamba block: in_proj -> depthwise causal conv -> selective SSM scan -> gate -> out_proj
    Bsz, Ls, _ = x.shape
    xz = x @ W_in                       # [B, L, 2*DI]
    xi, z = jnp.split(xz, 2, axis=-1)   # [B, L, DI] each
    xpad = jnp.pad(xi, ((0, 0), (K_CONV - 1, 0), (0, 0)))
    conv = b_conv[None, None, :]
    for k in range(K_CONV):
        conv = conv + xpad[:, k:k + Ls, :] * W_conv[:, k][None, None, :]
    xi = _silu(conv)
    x_dbl = xi @ W_xproj                # [B, L, DT_RANK + 2N]
    dt = x_dbl[..., :DT_RANK]
    Bp = x_dbl[..., DT_RANK:DT_RANK + N]
    Cp = x_dbl[..., DT_RANK + N:]
    dt = jax.nn.softplus(dt @ W_dt + b_dt[None, None, :])   # [B, L, DI]
    A = -jnp.exp(A_log)                  # [DI, N]

    def step(h, inp):
        dt_t, B_t, C_t, x_t = inp        # [B,DI], [B,N], [B,N], [B,DI]
        dA = jnp.exp(dt_t[..., None] * A[None, :, :])             # [B, DI, N]
        dBx = dt_t[..., None] * B_t[:, None, :] * x_t[..., None]  # [B, DI, N]
        h = dA * h + dBx
        y = jnp.sum(h * C_t[:, None, :], axis=-1)                 # [B, DI]
        return h, y

    h0 = jnp.zeros((Bsz, DI, N), dtype=x.dtype)
    inputs = (jnp.swapaxes(dt, 0, 1), jnp.swapaxes(Bp, 0, 1),
              jnp.swapaxes(Cp, 0, 1), jnp.swapaxes(xi, 0, 1))
    _, ys = jax.lax.scan(step, h0, inputs)
    y = jnp.swapaxes(ys, 0, 1) + xi * D_skip[None, None, :]
    y = y * _silu(z)
    return y @ W_out


def reference(x, W_gate, W_in, W_conv, b_conv, W_xproj, W_dt, b_dt, A_log, D_skip, W_out):
    Bsz, Ls, _ = x.shape
    # Router (eval mode: no jitter noise)
    logits = x @ W_gate.T                                  # [B, L, E]
    top_logits, top_idx = jax.lax.top_k(logits, TOPK)      # [B, L, TOPK]
    gates = jax.nn.softmax(top_logits, axis=-1)
    load = jnp.zeros((E,), dtype=x.dtype)
    for k in range(TOPK):
        load = load.at[top_idx[..., k].reshape(-1)].add(gates[..., k].reshape(-1))
    # Expert mixing
    output = jnp.zeros_like(x)
    for e in range(E):
        eo = _mamba_block(x, W_in[e], W_conv[e], b_conv[e], W_xproj[e], W_dt[e],
                          b_dt[e], A_log[e], D_skip[e], W_out[e])
        contrib = jnp.zeros_like(x)
        for k in range(TOPK):
            m = (top_idx[..., k] == e).astype(x.dtype)[..., None]
            contrib = contrib + m * gates[..., k][..., None] * eo
        output = output + contrib
    # Load balance loss (torch std is unbiased -> ddof=1)
    num_tokens = Bsz * Ls
    target = num_tokens * TOPK / E
    ln = load / (target + 1e-8)
    mean = jnp.clip(jnp.mean(ln), 1e-8)
    std = jnp.std(ln, ddof=1)
    lb_loss = std / mean * 0.01 * E
    # Routing entropy over returned top-k logits
    probs = jax.nn.softmax(top_logits, axis=-1)
    logp = jax.nn.log_softmax(top_logits, axis=-1)
    routing_entropy = -jnp.sum(probs * logp, axis=-1).mean()
    return output, lb_loss, load, routing_entropy

if __name__ == "__main__":
    import jax
    _d = setup_inputs()
    print(jax.jit(kernel)(*tuple(_d.values())))

</pallas_src>

<mosaic_0001>
#map = affine_map<(d0, d1) -> (0, 0)>
module attributes {stable_mosaic.version = 14 : i64} {
  func.func @k(%arg0: i32, %arg1: i32, %arg2: memref<8x4096xf32, #tpu.memory_space<hbm>>, %arg3: memref<8x4096xf32, #tpu.memory_space<hbm>>, %arg4: memref<8x4096xf32, #tpu.memory_space<hbm>>) attributes {dimension_semantics = [#tpu.dimension_semantics<core_parallel>, #tpu.dimension_semantics<subcore_parallel>], iteration_bounds = array<i64: 2, 16>, scalar_prefetch = 0 : i64, scratch_operands = 0 : i64, tpu.core_type = #tpu.core_type<sc_vector_subcore>, window_params = [{transform_indices = #map}, {transform_indices = #map}, {transform_indices = #map}]} {
    %mul3A = arith.constant 1 : i32
    %mul3A_0 = arith.muli %arg1, %mul3A : i32
    %add3A = arith.constant 0 : i32
    %add3A_1 = arith.addi %add3A, %mul3A_0 : i32
    %mul3A_2 = arith.constant 16 : i32
    %mul3A_3 = arith.muli %arg0, %mul3A_2 : i32
    %add3A_4 = arith.addi %add3A_1, %mul3A_3 : i32
    %mul3A_5 = arith.constant 1 : i32
    %mul3A_6 = arith.muli %add3A_4, %mul3A_5 : i32
    "tpu.region"() ({
      %run_scoped3A = memref.alloca() : memref<2x8x128xf32, #tpu.memory_space<vmem>>
      %run_scoped3A_7 = tpu.sem_alloc : memref<2x!tpu.dma_semaphore, #tpu.memory_space<semaphore_mem>>
      %run_scoped3A_8 = memref.alloca() : memref<2x8x128xf32, #tpu.memory_space<vmem>>
      %run_scoped3A_9 = tpu.sem_alloc : memref<2x!tpu.dma_semaphore, #tpu.memory_space<semaphore_mem>>
      %run_scoped3A_10 = memref.alloca() : memref<2x8x128xf32, #tpu.memory_space<vmem>>
      %run_scoped3A_11 = tpu.sem_alloc : memref<2x!tpu.dma_semaphore, #tpu.memory_space<semaphore_mem>>
      %add3A_12 = arith.constant 0 : i32
      %add3A_13 = arith.addi %add3A_12, %mul3A_6 : i32
      %select_n3A = arith.constant true
      %select_n3A_14 = arith.constant 0 : i32
      %select_n3A_15 = arith.constant -1 : i32
      %select_n3A_16 = arith.select %select_n3A, %select_n3A_15, %select_n3A_14 : i32
      %eq3A = arith.constant -1 : i32
      %eq3A_17 = arith.cmpi eq, %select_n3A_16, %eq3A : i32
      %select_n3A_18 = arith.constant 0 : i32
      %select_n3A_19 = arith.select %eq3A_17, %select_n3A_18, %select_n3A_16 : i32
      %add3A_20 = arith.constant 0 : i32
      %add3A_21 = arith.addi %add3A_20, %mul3A_6 : i32
      %select_n3A_22 = arith.constant true
      %select_n3A_23 = arith.constant 0 : i32
      %select_n3A_24 = arith.constant 1 : i32
      %select_n3A_25 = arith.select %select_n3A_22, %select_n3A_24, %select_n3A_23 : i32
      %eq3A_26 = arith.constant 1 : i32
      %eq3A_27 = arith.cmpi eq, %select_n3A_25, %eq3A_26 : i32
      %select_n3A_28 = arith.constant 0 : i32
      %select_n3A_29 = arith.select %eq3A_27, %select_n3A_28, %select_n3A_25 : i32
      %add3A_30 = arith.constant 0 : i32
      %add3A_31 = arith.addi %add3A_30, %mul3A_6 : i32
      %select_n3A_32 = arith.constant true
      %select_n3A_33 = arith.constant 0 : i32
      %select_n3A_34 = arith.constant 1 : i32
      %select_n3A_35 = arith.select %select_n3A_32, %select_n3A_34, %select_n3A_33 : i32
      %eq3A_36 = arith.constant 1 : i32
      %eq3A_37 = arith.cmpi eq, %select_n3A_35, %eq3A_36 : i32
      %select_n3A_38 = arith.constant 0 : i32
      %select_n3A_39 = arith.select %eq3A_37, %select_n3A_38, %select_n3A_35 : i32
      %add3A_40 = arith.constant 0 : i32
      %add3A_41 = arith.addi %add3A_40, %mul3A_6 : i32
      "tpu.trace_start"() <{level = 10 : i32, message = "ep_initialize_0"}> : () -> ()
      %rem3A = arith.constant 0 : i32
      %rem3A_42 = arith.constant 2 : i32
      %rem3A_43 = arith.remui %rem3A, %rem3A_42 : i32
      %mul3A_44 = arith.constant 128 : i32
      %mul3A_45 = arith.muli %mul3A_44, %add3A_13 : i32
      %dma_start3A = arith.constant 0 : i32
      %dma_start3A_46 = arith.constant 0 : i32
      %dma_start3A_47 = tpu.memref_slice %run_scoped3A[%rem3A_43, %dma_start3A, %dma_start3A_46] : memref<2x8x128xf32, #tpu.memory_space<vmem>> -> memref<1x8x128xf32, #tpu.memory_space<vmem>>
      %dma_start3A_48 = tpu.memref_squeeze %dma_start3A_47 : memref<1x8x128xf32, #tpu.memory_space<vmem>> -> memref<8x128xf32, #tpu.memory_space<vmem>>
      %dma_start3A_49 = arith.constant 0 : i32
      %dma_start3A_50 = tpu.memref_slice %arg2[%dma_start3A_49, %mul3A_45] : memref<8x4096xf32, #tpu.memory_space<hbm>> -> memref<8x128xf32, #tpu.memory_space<hbm>>
      %dma_start3A_51 = tpu.memref_slice %run_scoped3A_7[%rem3A_43] : memref<2x!tpu.dma_semaphore, #tpu.memory_space<semaphore_mem>> -> memref<1x!tpu.dma_semaphore, #tpu.memory_space<semaphore_mem>>
      %dma_start3A_52 = tpu.memref_squeeze %dma_start3A_51 : memref<1x!tpu.dma_semaphore, #tpu.memory_space<semaphore_mem>> -> memref<!tpu.dma_semaphore, #tpu.memory_space<semaphore_mem>>
      %dma_start3A_53 = arith.constant 0 : i32
      %dma_start3A_54 = arith.constant 0 : i32
      %dma_start3A_55 = tpu.memref_slice %run_scoped3A[%rem3A_43, %dma_start3A_53, %dma_start3A_54] : memref<2x8x128xf32, #tpu.memory_space<vmem>> -> memref<1x8x128xf32, #tpu.memory_space<vmem>>
      %dma_start3A_56 = tpu.memref_squeeze %dma_start3A_55 : memref<1x8x128xf32, #tpu.memory_space<vmem>> -> memref<8x128xf32, #tpu.memory_space<vmem>>
      %dma_start3A_57 = arith.constant 0 : i32
      %dma_start3A_58 = tpu.memref_slice %arg2[%dma_start3A_57, %mul3A_45] : memref<8x4096xf32, #tpu.memory_space<hbm>> -> memref<8x128xf32, #tpu.memory_space<hbm>>
      tpu.enqueue_dma source(%dma_start3A_58 : memref<8x128xf32, #tpu.memory_space<hbm>>) target(%dma_start3A_56 : memref<8x128xf32, #tpu.memory_space<vmem>>) target_semaphore(%dma_start3A_52 : memref<!tpu.dma_semaphore, #tpu.memory_space<semaphore_mem>>)
      %add3A_59 = arith.constant 0 : i32
      %add3A_60 = arith.constant 1 : i32
      %add3A_61 = arith.addi %add3A_59, %add3A_60 : i32
      %select_n3A_62 = arith.constant true
      %select_n3A_63 = arith.constant 0 : i32
      %select_n3A_64 = arith.select %select_n3A_62, %add3A_61, %select_n3A_63 : i32
      "tpu.trace_stop"() : () -> ()
      %scan3A = arith.constant 0 : i32
      %scan3A_65 = arith.constant 0 : i32
      %scan3A_66 = arith.constant 0 : i32
      %scan3A_67 = arith.constant 0 : i32
      %scan3A_68 = arith.constant 0 : i32
      %scan3A_69 = arith.constant 0 : i32
      %scan3A_70 = arith.constant 0 : i32
      %eq3A_71 = arith.constant 0 : i32
      %eq3A_72 = arith.cmpi eq, %scan3A_70, %eq3A_71 : i32
      %eq3A_73 = arith.constant 0 : i32
      %eq3A_74 = arith.cmpi eq, %scan3A_70, %eq3A_73 : i32
      %add3A_75 = arith.constant 0 : i32
      %add3A_76 = arith.addi %add3A_75, %mul3A_6 : i32
      %select_n3A_77 = arith.constant true
      %select_n3A_78 = arith.constant 0 : i32
      %select_n3A_79 = arith.constant -1 : i32
      %select_n3A_80 = arith.select %select_n3A_77, %select_n3A_79, %select_n3A_78 : i32
      %eq3A_81 = arith.constant -1 : i32
      %eq3A_82 = arith.cmpi eq, %select_n3A_80, %eq3A_81 : i32
      %select_n3A_83 = arith.constant 0 : i32
      %select_n3A_84 = arith.select %eq3A_82, %select_n3A_83, %select_n3A_80 : i32
      %add3A_85 = arith.constant 0 : i32
      %add3A_86 = arith.addi %add3A_85, %mul3A_6 : i32
      %select_n3A_87 = arith.constant true
      %select_n3A_88 = arith.constant 0 : i32
      %select_n3A_89 = arith.constant 1 : i32
      %select_n3A_90 = arith.select %select_n3A_87, %select_n3A_89, %select_n3A_88 : i32
      %eq3A_91 = arith.constant 1 : i32
      %eq3A_92 = arith.cmpi eq, %select_n3A_90, %eq3A_91 : i32
      %select_n3A_93 = arith.constant 0 : i32
      %select_n3A_94 = arith.select %eq3A_92, %select_n3A_93, %select_n3A_90 : i32
      %add3A_95 = arith.constant 0 : i32
      %add3A_96 = arith.addi %add3A_95, %mul3A_6 : i32
      %select_n3A_97 = arith.constant true
      %select_n3A_98 = arith.constant 0 : i32
      %select_n3A_99 = arith.constant 1 : i32
      %select_n3A_100 = arith.select %select_n3A_97, %select_n3A_99, %select_n3A_98 : i32
      %eq3A_101 = arith.constant 1 : i32
      %eq3A_102 = arith.cmpi eq, %select_n3A_100, %eq3A_101 : i32
      %select_n3A_103 = arith.constant 0 : i32
      %select_n3A_104 = arith.select %eq3A_102, %select_n3A_103, %select_n3A_100 : i32
      %add3A_105 = arith.constant 0 : i32
      %add3A_106 = arith.addi %add3A_105, %mul3A_6 : i32
      %ne3A = arith.cmpi ne, %add3A_76, %add3A_96 : i32
      %or3A = arith.constant false
      %or3A_107 = arith.ori %or3A, %ne3A : i1
      %ge3A = arith.constant 0 : i32
      %ge3A_108 = arith.cmpi sge, %scan3A_70, %ge3A : i32
      %not3A = arith.constant true
      %not3A_109 = arith.xori %ge3A_108, %not3A : i1
      %and3A = arith.andi %or3A_107, %not3A_109 : i1
      %convert_element_type3A = arith.extui %and3A : i1 to i32
      %cond3A = arith.constant 0 : i32
      %cond3A_110 = arith.cmpi ne, %convert_element_type3A, %cond3A : i32
      scf.if %cond3A_110 {
        "tpu.trace_start"() <{level = 10 : i32, message = "ep_copy_in"}> : () -> ()
        %rem3A_3347 = arith.constant 2 : i32
        %rem3A_3348 = arith.remui %select_n3A_64, %rem3A_3347 : i32
        %mul3A_3349 = arith.constant 128 : i32
        %mul3A_3350 = arith.muli %mul3A_3349, %add3A_96 : i32
        %dma_start3A_3351 = arith.constant 0 : i32
        %dma_start3A_3352 = arith.constant 0 : i32
        %dma_start3A_3353 = tpu.memref_slice %run_scoped3A[%rem3A_3348, %dma_start3A_3351, %dma_start3A_3352] : memref<2x8x128xf32, #tpu.memory_space<vmem>> -> memref<1x8x128xf32, #tpu.memory_space<vmem>>
        %dma_start3A_3354 = tpu.memref_squeeze %dma_start3A_3353 : memref<1x8x128xf32, #tpu.memory_space<vmem>> -> memref<8x128xf32, #tpu.memory_space<vmem>>
        %dma_start3A_3355 = arith.constant 0 : i32
        %dma_start3A_3356 = tpu.memref_slice %arg2[%dma_start3A_3355, %mul3A_3350] : memref<8x4096xf32, #tpu.memory_space<hbm>> -> memref<8x128xf32, #tpu.memory_space<hbm>>
        %dma_start3A_3357 = tpu.memref_slice %run_scoped3A_7[%rem3A_3348] : memref<2x!tpu.dma_semaphore, #tpu.memory_space<semaphore_mem>> -> memref<1x!tpu.dma_semaphore, #tpu.memory_space<semaphore_mem>>
        %dma_start3A_3358 = tpu.memref_squeeze %dma_start3A_3357 : memref<1x!tpu.dma_semaphore, #tpu.memory_space<semaphore_mem>> -> memref<!tpu.dma_semaphore, #tpu.memory_space<semaphore_mem>>
        %dma_start3A_3359 = arith.constant 0 : i32
        %dma_start3A_3360 = arith.constant 0 : i32
        %dma_start3A_3361 = tpu.memref_slice %run_scoped3A[%rem3A_3348, %dma_start3A_3359, %dma_start3A_3360] : memref<2x8x128xf32, #tpu.memory_space<vmem>> -> memref<1x8x128xf32, #tpu.memory_space<vmem>>
        %dma_start3A_3362 = tpu.memref_squeeze %dma_start3A_3361 : memref<1x8x128xf32, #tpu.memory_space<vmem>> -> memref<8x128xf32, #tpu.memory_space<vmem>>
        %dma_start3A_3363 = arith.constant 0 : i32
        %dma_start3A_3364 = tpu.memref_slice %arg2[%dma_start3A_3363, %mul3A_3350] : memref<8x4096xf32, #tpu.memory_space<hbm>> -> memref<8x128xf32, #tpu.memory_space<hbm>>
        tpu.enqueue_dma source(%dma_start3A_3364 : memref<8x128xf32, #tpu.memory_space<hbm>>) target(%dma_start3A_3362 : memref<8x128xf32, #tpu.memory_space<vmem>>) target_semaphore(%dma_start3A_3358 : memref<!tpu.dma_semaphore, #tpu.memory_space<semaphore_mem>>)
        "tpu.trace_stop"() : () -> ()
      } else {
      }
      %and3A_111 = arith.constant true
      %and3A_112 = arith.andi %and3A, %and3A_111 : i1
      %add3A_113 = arith.constant 1 : i32
      %add3A_114 = arith.addi %select_n3A_64, %add3A_113 : i32
      %select_n3A_115 = arith.select %and3A_112, %add3A_114, %select_n3A_64 : i32
      %ne3A_116 = arith.cmpi ne, %add3A_76, %add3A_96 : i32
      %or3A_117 = arith.constant false
      %or3A_118 = arith.ori %or3A_117, %ne3A_116 : i1
      %ge3A_119 = arith.constant 0 : i32
      %ge3A_120 = arith.cmpi sge, %scan3A_70, %ge3A_119 : i32
      %not3A_121 = arith.constant true
      %not3A_122 = arith.xori %ge3A_120, %not3A_121 : i1
      %and3A_123 = arith.andi %or3A_118, %not3A_122 : i1
      %ne3A_124 = arith.cmpi ne, %add3A_76, %add3A_96 : i32
      %or3A_125 = arith.constant false
      %or3A_126 = arith.ori %or3A_125, %ne3A_124 : i1
      %ge3A_127 = arith.constant 0 : i32
      %ge3A_128 = arith.cmpi sge, %scan3A_70, %ge3A_127 : i32
      %not3A_129 = arith.constant true
      %not3A_130 = arith.xori %ge3A_128, %not3A_129 : i1
      %and3A_131 = arith.andi %or3A_126, %not3A_130 : i1
      %ne3A_132 = arith.cmpi ne, %add3A_76, %add3A_86 : i32
      %or3A_133 = arith.constant false
      %or3A_134 = arith.ori %or3A_133, %ne3A_132 : i1
      %or3A_135 = arith.ori %or3A_134, %eq3A_72 : i1
      %convert_element_type3A_136 = arith.extui %or3A_135 : i1 to i32
      %cond3A_137 = arith.constant 0 : i32
      %cond3A_138 = arith.cmpi ne, %convert_element_type3A_136, %cond3A_137 : i32
      scf.if %cond3A_138 {
        "tpu.trace_start"() <{level = 10 : i32, message = "ep_wait_in"}> : () -> ()
        %mul3A_3347 = arith.constant 128 : i32
        %mul3A_3348 = arith.muli %mul3A_3347, %add3A_76 : i32
        %rem3A_3349 = arith.constant 2 : i32
        %rem3A_3350 = arith.remui %scan3A, %rem3A_3349 : i32
        %dma_wait3A_3351 = arith.constant 0 : i32
        %dma_wait3A_3352 = arith.constant 0 : i32
        %dma_wait3A_3353 = tpu.memref_slice %run_scoped3A[%rem3A_3350, %dma_wait3A_3351, %dma_wait3A_3352] : memref<2x8x128xf32, #tpu.memory_space<vmem>> -> memref<1x8x128xf32, #tpu.memory_space<vmem>>
        %dma_wait3A_3354 = tpu.memref_squeeze %dma_wait3A_3353 : memref<1x8x128xf32, #tpu.memory_space<vmem>> -> memref<8x128xf32, #tpu.memory_space<vmem>>
        %dma_wait3A_3355 = arith.constant 0 : i32
        %dma_wait3A_3356 = tpu.memref_slice %arg2[%dma_wait3A_3355, %mul3A_3348] : memref<8x4096xf32, #tpu.memory_space<hbm>> -> memref<8x128xf32, #tpu.memory_space<hbm>>
        %dma_wait3A_3357 = tpu.memref_slice %run_scoped3A_7[%rem3A_3350] : memref<2x!tpu.dma_semaphore, #tpu.memory_space<semaphore_mem>> -> memref<1x!tpu.dma_semaphore, #tpu.memory_space<semaphore_mem>>
        %dma_wait3A_3358 = tpu.memref_squeeze %dma_wait3A_3357 : memref<1x!tpu.dma_semaphore, #tpu.memory_space<semaphore_mem>> -> memref<!tpu.dma_semaphore, #tpu.memory_space<semaphore_mem>>
        %dma_wait3A_3359 = arith.constant 0 : i32
        %dma_wait3A_3360 = arith.constant 0 : i32
        %dma_wait3A_3361 = tpu.memref_slice %run_scoped3A[%rem3A_3350, %dma_wait3A_3359, %dma_wait3A_3360] : memref<2x8x128xf32, #tpu.memory_space<vmem>> -> memref<1x8x128xf32, #tpu.memory_space<vmem>>
        %dma_wait3A_3362 = tpu.memref_squeeze %dma_wait3A_3361 : memref<1x8x128xf32, #tpu.memory_space<vmem>> -> memref<8x128xf32, #tpu.memory_space<vmem>>
        %dma_wait3A_3363 = arith.constant 0 : i32
        %dma_wait3A_3364 = tpu.memref_slice %arg2[%dma_wait3A_3363, %mul3A_3348] : memref<8x4096xf32, #tpu.memory_space<hbm>> -> memref<8x128xf32, #tpu.memory_space<hbm>>
        tpu.wait_dma2 semaphore(%dma_wait3A_3358 : memref<!tpu.dma_semaphore, #tpu.memory_space<semaphore_mem>>) src(%dma_wait3A_3364 : memref<8x128xf32, #tpu.memory_space<hbm>>) dst(%dma_wait3A_3362 : memref<8x128xf32, #tpu.memory_space<vmem>>)
        "tpu.trace_stop"() : () -> ()
      } else {
      }
      %ne3A_139 = arith.cmpi ne, %add3A_76, %add3A_86 : i32
      %or3A_140 = arith.constant false
      %or3A_141 = arith.ori %or3A_140, %ne3A_139 : i1
      %or3A_142 = arith.ori %or3A_141, %eq3A_72 : i1
      %convert_element_type3A_143 = arith.extui %or3A_142 : i1 to i32
      %cond3A_144 = arith.constant 0 : i32
      %cond3A_145 = arith.cmpi ne, %convert_element_type3A_143, %cond3A_144 : i32
      scf.if %cond3A_145 {
      } else {
      }
      %ne3A_146 = arith.cmpi ne, %add3A_76, %add3A_86 : i32
      %or3A_147 = arith.constant false
      %or3A_148 = arith.ori %or3A_147, %ne3A_146 : i1
      %or3A_149 = arith.ori %or3A_148, %eq3A_72 : i1
      %convert_element_type3A_150 = arith.extui %or3A_149 : i1 to i32
      %cond3A_151 = arith.constant 0 : i32
      %cond3A_152 = arith.cmpi ne, %convert_element_type3A_150, %cond3A_151 : i32
      scf.if %cond3A_152 {
      } else {
      }
      %rem3A_153 = arith.constant 2 : i32
      %rem3A_154 = arith.remui %scan3A, %rem3A_153 : i32
      %rem3A_155 = arith.constant 2 : i32
      %rem3A_156 = arith.remui %scan3A_65, %rem3A_155 : i32
      %rem3A_157 = arith.constant 2 : i32
      %rem3A_158 = arith.remui %scan3A_67, %rem3A_157 : i32
      %broadcast_in_dim3A = arith.constant -1.000000e+30 : f32
      "tpu.trace_start"() <{level = 10 : i32, message = "ep_run_kernel"}> : () -> ()
      %broadcast_in_dim3A_159 = vector.broadcast %broadcast_in_dim3A : f32 to vector<16xf32>
      %broadcast_in_dim3A_160 = arith.constant -1.000000e+30 : f32
      %broadcast_in_dim3A_161 = vector.broadcast %broadcast_in_dim3A_160 : f32 to vector<16xf32>
      %broadcast_in_dim3A_162 = arith.constant 0 : i32
      %broadcast_in_dim3A_163 = vector.broadcast %broadcast_in_dim3A_162 : i32 to vector<16xi32>
      %broadcast_in_dim3A_164 = arith.constant 0 : i32
      %broadcast_in_dim3A_165 = vector.broadcast %broadcast_in_dim3A_164 : i32 to vector<16xi32>
      %get3A = arith.constant 0 : i32
      %get3A_166 = arith.constant 0 : i32
      %get3A_167 = arith.constant 0 : i32
      %get3A_168 = tpu.memref_slice %run_scoped3A[%rem3A_154, %get3A_166, %get3A_167] : memref<2x8x128xf32, #tpu.memory_space<vmem>> -> memref<1x8x128xf32, #tpu.memory_space<vmem>>
      %get3A_169 = tpu.memref_squeeze %get3A_168 : memref<1x8x128xf32, #tpu.memory_space<vmem>> -> memref<8x128xf32, #tpu.memory_space<vmem>>
      %get3A_170 = arith.index_cast %get3A : i32 to index
      %get3A_171 = arith.constant 0 : index
      %get3A_172 = tpu.vector_load %get3A_169[%get3A_170, %get3A_171] {strides = array<i32>} : memref<8x128xf32, #tpu.memory_space<vmem>>, vector<1x16xf32>,
      %get3A_173 = vector.shape_cast %get3A_172 : vector<1x16xf32> to vector<16xf32>
      %gt3A = arith.cmpf ogt, %get3A_173, %broadcast_in_dim3A_159 : vector<16xf32>
      %gt3A_174 = arith.cmpf ogt, %get3A_173, %broadcast_in_dim3A_161 : vector<16xf32>
      %jit3A = arith.constant 0 : i32
      %broadcast_in_dim3A_175 = vector.broadcast %jit3A : i32 to vector<16xi32>
      %select_n3A_176 = arith.select %gt3A_174, %broadcast_in_dim3A_175, %broadcast_in_dim3A_165 : vector<16xi1>, vector<16xi32>
      %select_n3A_177 = arith.select %gt3A, %broadcast_in_dim3A_163, %select_n3A_176 : vector<16xi1>, vector<16xi32>
      %select_n3A_178 = arith.select %gt3A_174, %get3A_173, %broadcast_in_dim3A_161 : vector<16xi1>, vector<16xf32>
      %select_n3A_179 = arith.select %gt3A, %broadcast_in_dim3A_159, %select_n3A_178 : vector<16xi1>, vector<16xf32>
      %jit3A_180 = arith.constant 0 : i32
      %broadcast_in_dim3A_181 = vector.broadcast %jit3A_180 : i32 to vector<16xi32>
      %select_n3A_182 = arith.select %gt3A, %broadcast_in_dim3A_181, %broadcast_in_dim3A_163 : vector<16xi1>, vector<16xi32>
      %select_n3A_183 = arith.select %gt3A, %get3A_173, %broadcast_in_dim3A_159 : vector<16xi1>, vector<16xf32>
      %get3A_184 = arith.constant 1 : i32
      %get3A_185 = arith.constant 0 : i32
      %get3A_186 = arith.constant 0 : i32
      %get3A_187 = tpu.memref_slice %run_scoped3A[%rem3A_154, %get3A_185, %get3A_186] : memref<2x8x128xf32, #tpu.memory_space<vmem>> -> memref<1x8x128xf32, #tpu.memory_space<vmem>>
      %get3A_188 = tpu.memref_squeeze %get3A_187 : memref<1x8x128xf32, #tpu.memory_space<vmem>> -> memref<8x128xf32, #tpu.memory_space<vmem>>
      %get3A_189 = arith.index_cast %get3A_184 : i32 to index
      %get3A_190 = arith.constant 0 : index
      %get3A_191 = tpu.vector_load %get3A_188[%get3A_189, %get3A_190] {strides = array<i32>} : memref<8x128xf32, #tpu.memory_space<vmem>>, vector<1x16xf32>,
      %get3A_192 = vector.shape_cast %get3A_191 : vector<1x16xf32> to vector<16xf32>
      %gt3A_193 = arith.cmpf ogt, %get3A_192, %select_n3A_183 : vector<16xf32>
      %gt3A_194 = arith.cmpf ogt, %get3A_192, %select_n3A_179 : vector<16xf32>
      %jit3A_195 = arith.constant 1 : i32
      %broadcast_in_dim3A_196 = vector.broadcast %jit3A_195 : i32 to vector<16xi32>
      %select_n3A_197 = arith.select %gt3A_194, %broadcast_in_dim3A_196, %select_n3A_177 : vector<16xi1>, vector<16xi32>
      %select_n3A_198 = arith.select %gt3A_193, %select_n3A_182, %select_n3A_197 : vector<16xi1>, vector<16xi32>
      %select_n3A_199 = arith.select %gt3A_194, %get3A_192, %select_n3A_179 : vector<16xi1>, vector<16xf32>
      %select_n3A_200 = arith.select %gt3A_193, %select_n3A_183, %select_n3A_199 : vector<16xi1>, vector<16xf32>
      %jit3A_201 = arith.constant 1 : i32
      %broadcast_in_dim3A_202 = vector.broadcast %jit3A_201 : i32 to vector<16xi32>
      %select_n3A_203 = arith.select %gt3A_193, %broadcast_in_dim3A_202, %select_n3A_182 : vector<16xi1>, vector<16xi32>
      %select_n3A_204 = arith.select %gt3A_193, %get3A_192, %select_n3A_183 : vector<16xi1>, vector<16xf32>
      %get3A_205 = arith.constant 2 : i32
      %get3A_206 = arith.constant 0 : i32
      %get3A_207 = arith.constant 0 : i32
      %get3A_208 = tpu.memref_slice %run_scoped3A[%rem3A_154, %get3A_206, %get3A_207] : memref<2x8x128xf32, #tpu.memory_space<vmem>> -> memref<1x8x128xf32, #tpu.memory_space<vmem>>
      %get3A_209 = tpu.memref_squeeze %get3A_208 : memref<1x8x128xf32, #tpu.memory_space<vmem>> -> memref<8x128xf32, #tpu.memory_space<vmem>>
      %get3A_210 = arith.index_cast %get3A_205 : i32 to index
      %get3A_211 = arith.constant 0 : index
      %get3A_212 = tpu.vector_load %get3A_209[%get3A_210, %get3A_211] {strides = array<i32>} : memref<8x128xf32, #tpu.memory_space<vmem>>, vector<1x16xf32>,
      %get3A_213 = vector.shape_cast %get3A_212 : vector<1x16xf32> to vector<16xf32>
      %gt3A_214 = arith.cmpf ogt, %get3A_213, %select_n3A_204 : vector<16xf32>
      %gt3A_215 = arith.cmpf ogt, %get3A_213, %select_n3A_200 : vector<16xf32>
      %jit3A_216 = arith.constant 2 : i32
      %broadcast_in_dim3A_217 = vector.broadcast %jit3A_216 : i32 to vector<16xi32>
      %select_n3A_218 = arith.select %gt3A_215, %broadcast_in_dim3A_217, %select_n3A_198 : vector<16xi1>, vector<16xi32>
      %select_n3A_219 = arith.select %gt3A_214, %select_n3A_203, %select_n3A_218 : vector<16xi1>, vector<16xi32>
      %select_n3A_220 = arith.select %gt3A_215, %get3A_213, %select_n3A_200 : vector<16xi1>, vector<16xf32>
      %select_n3A_221 = arith.select %gt3A_214, %select_n3A_204, %select_n3A_220 : vector<16xi1>, vector<16xf32>
      %jit3A_222 = arith.constant 2 : i32
      %broadcast_in_dim3A_223 = vector.broadcast %jit3A_222 : i32 to vector<16xi32>
      %select_n3A_224 = arith.select %gt3A_214, %broadcast_in_dim3A_223, %select_n3A_203 : vector<16xi1>, vector<16xi32>
      %select_n3A_225 = arith.select %gt3A_214, %get3A_213, %select_n3A_204 : vector<16xi1>, vector<16xf32>
      %get3A_226 = arith.constant 3 : i32
      %get3A_227 = arith.constant 0 : i32
      %get3A_228 = arith.constant 0 : i32
      %get3A_229 = tpu.memref_slice %run_scoped3A[%rem3A_154, %get3A_227, %get3A_228] : memref<2x8x128xf32, #tpu.memory_space<vmem>> -> memref<1x8x128xf32, #tpu.memory_space<vmem>>
      %get3A_230 = tpu.memref_squeeze %get3A_229 : memref<1x8x128xf32, #tpu.memory_space<vmem>> -> memref<8x128xf32, #tpu.memory_space<vmem>>
      %get3A_231 = arith.index_cast %get3A_226 : i32 to index
      %get3A_232 = arith.constant 0 : index
      %get3A_233 = tpu.vector_load %get3A_230[%get3A_231, %get3A_232] {strides = array<i32>} : memref<8x128xf32, #tpu.memory_space<vmem>>, vector<1x16xf32>,
      %get3A_234 = vector.shape_cast %get3A_233 : vector<1x16xf32> to vector<16xf32>
      %gt3A_235 = arith.cmpf ogt, %get3A_234, %select_n3A_225 : vector<16xf32>
      %gt3A_236 = arith.cmpf ogt, %get3A_234, %select_n3A_221 : vector<16xf32>
      %jit3A_237 = arith.constant 3 : i32
      %broadcast_in_dim3A_238 = vector.broadcast %jit3A_237 : i32 to vector<16xi32>
      %select_n3A_239 = arith.select %gt3A_236, %broadcast_in_dim3A_238, %select_n3A_219 : vector<16xi1>, vector<16xi32>
      %select_n3A_240 = arith.select %gt3A_235, %select_n3A_224, %select_n3A_239 : vector<16xi1>, vector<16xi32>
      %select_n3A_241 = arith.select %gt3A_236, %get3A_234, %select_n3A_221 : vector<16xi1>, vector<16xf32>
      %select_n3A_242 = arith.select %gt3A_235, %select_n3A_225, %select_n3A_241 : vector<16xi1>, vector<16xf32>
      %jit3A_243 = arith.constant 3 : i32
      %broadcast_in_dim3A_244 = vector.broadcast %jit3A_243 : i32 to vector<16xi32>
      %select_n3A_245 = arith.select %gt3A_235, %broadcast_in_dim3A_244, %select_n3A_224 : vector<16xi1>, vector<16xi32>
      %select_n3A_246 = arith.select %gt3A_235, %get3A_234, %select_n3A_225 : vector<16xi1>, vector<16xf32>
      %get3A_247 = arith.constant 4 : i32
      %get3A_248 = arith.constant 0 : i32
      %get3A_249 = arith.constant 0 : i32
      %get3A_250 = tpu.memref_slice %run_scoped3A[%rem3A_154, %get3A_248, %get3A_249] : memref<2x8x128xf32, #tpu.memory_space<vmem>> -> memref<1x8x128xf32, #tpu.memory_space<vmem>>
      %get3A_251 = tpu.memref_squeeze %get3A_250 : memref<1x8x128xf32, #tpu.memory_space<vmem>> -> memref<8x128xf32, #tpu.memory_space<vmem>>
      %get3A_252 = arith.index_cast %get3A_247 : i32 to index
      %get3A_253 = arith.constant 0 : index
      %get3A_254 = tpu.vector_load %get3A_251[%get3A_252, %get3A_253] {strides = array<i32>} : memref<8x128xf32, #tpu.memory_space<vmem>>, vector<1x16xf32>,
      %get3A_255 = vector.shape_cast %get3A_254 : vector<1x16xf32> to vector<16xf32>
      %gt3A_256 = arith.cmpf ogt, %get3A_255, %select_n3A_246 : vector<16xf32>
      %gt3A_257 = arith.cmpf ogt, %get3A_255, %select_n3A_242 : vector<16xf32>
      %jit3A_258 = arith.constant 4 : i32
      %broadcast_in_dim3A_259 = vector.broadcast %jit3A_258 : i32 to vector<16xi32>
      %select_n3A_260 = arith.select %gt3A_257, %broadcast_in_dim3A_259, %select_n3A_240 : vector<16xi1>, vector<16xi32>
      %select_n3A_261 = arith.select %gt3A_256, %select_n3A_245, %select_n3A_260 : vector<16xi1>, vector<16xi32>
      %select_n3A_262 = arith.select %gt3A_257, %get3A_255, %select_n3A_242 : vector<16xi1>, vector<16xf32>
      %select_n3A_263 = arith.select %gt3A_256, %select_n3A_246, %select_n3A_262 : vector<16xi1>, vector<16xf32>
      %jit3A_264 = arith.constant 4 : i32
      %broadcast_in_dim3A_265 = vector.broadcast %jit3A_264 : i32 to vector<16xi32>
      %select_n3A_266 = arith.select %gt3A_256, %broadcast_in_dim3A_265, %select_n3A_245 : vector<16xi1>, vector<16xi32>
      %select_n3A_267 = arith.select %gt3A_256, %get3A_255, %select_n3A_246 : vector<16xi1>, vector<16xf32>
      %get3A_268 = arith.constant 5 : i32
      %get3A_269 = arith.constant 0 : i32
      %get3A_270 = arith.constant 0 : i32
      %get3A_271 = tpu.memref_slice %run_scoped3A[%rem3A_154, %get3A_269, %get3A_270] : memref<2x8x128xf32, #tpu.memory_space<vmem>> -> memref<1x8x128xf32, #tpu.memory_space<vmem>>
      %get3A_272 = tpu.memref_squeeze %get3A_271 : memref<1x8x128xf32, #tpu.memory_space<vmem>> -> memref<8x128xf32, #tpu.memory_space<vmem>>
      %get3A_273 = arith.index_cast %get3A_268 : i32 to index
      %get3A_274 = arith.constant 0 : index
      %get3A_275 = tpu.vector_load %get3A_272[%get3A_273, %get3A_274] {strides = array<i32>} : memref<8x128xf32, #tpu.memory_space<vmem>>, vector<1x16xf32>,
      %get3A_276 = vector.shape_cast %get3A_275 : vector<1x16xf32> to vector<16xf32>
      %gt3A_277 = arith.cmpf ogt, %get3A_276, %select_n3A_267 : vector<16xf32>
      %gt3A_278 = arith.cmpf ogt, %get3A_276, %select_n3A_263 : vector<16xf32>
      %jit3A_279 = arith.constant 5 : i32
      %broadcast_in_dim3A_280 = vector.broadcast %jit3A_279 : i32 to vector<16xi32>
      %select_n3A_281 = arith.select %gt3A_278, %broadcast_in_dim3A_280, %select_n3A_261 : vector<16xi1>, vector<16xi32>
      %select_n3A_282 = arith.select %gt3A_277, %select_n3A_266, %select_n3A_281 : vector<16xi1>, vector<16xi32>
      %select_n3A_283 = arith.select %gt3A_278, %get3A_276, %select_n3A_263 : vector<16xi1>, vector<16xf32>
      %select_n3A_284 = arith.select %gt3A_277, %select_n3A_267, %select_n3A_283 : vector<16xi1>, vector<16xf32>
      %jit3A_285 = arith.constant 5 : i32
      %broadcast_in_dim3A_286 = vector.broadcast %jit3A_285 : i32 to vector<16xi32>
      %select_n3A_287 = arith.select %gt3A_277, %broadcast_in_dim3A_286, %select_n3A_266 : vector<16xi1>, vector<16xi32>
      %select_n3A_288 = arith.select %gt3A_277, %get3A_276, %select_n3A_267 : vector<16xi1>, vector<16xf32>
      %get3A_289 = arith.constant 6 : i32
      %get3A_290 = arith.constant 0 : i32
      %get3A_291 = arith.constant 0 : i32
      %get3A_292 = tpu.memref_slice %run_scoped3A[%rem3A_154, %get3A_290, %get3A_291] : memref<2x8x128xf32, #tpu.memory_space<vmem>> -> memref<1x8x128xf32, #tpu.memory_space<vmem>>
      %get3A_293 = tpu.memref_squeeze %get3A_292 : memref<1x8x128xf32, #tpu.memory_space<vmem>> -> memref<8x128xf32, #tpu.memory_space<vmem>>
      %get3A_294 = arith.index_cast %get3A_289 : i32 to index
      %get3A_295 = arith.constant 0 : index
      %get3A_296 = tpu.vector_load %get3A_293[%get3A_294, %get3A_295] {strides = array<i32>} : memref<8x128xf32, #tpu.memory_space<vmem>>, vector<1x16xf32>,
      %get3A_297 = vector.shape_cast %get3A_296 : vector<1x16xf32> to vector<16xf32>
      %gt3A_298 = arith.cmpf ogt, %get3A_297, %select_n3A_288 : vector<16xf32>
      %gt3A_299 = arith.cmpf ogt, %get3A_297, %select_n3A_284 : vector<16xf32>
      %jit3A_300 = arith.constant 6 : i32
      %broadcast_in_dim3A_301 = vector.broadcast %jit3A_300 : i32 to vector<16xi32>
      %select_n3A_302 = arith.select %gt3A_299, %broadcast_in_dim3A_301, %select_n3A_282 : vector<16xi1>, vector<16xi32>
      %select_n3A_303 = arith.select %gt3A_298, %select_n3A_287, %select_n3A_302 : vector<16xi1>, vector<16xi32>
      %select_n3A_304 = arith.select %gt3A_299, %get3A_297, %select_n3A_284 : vector<16xi1>, vector<16xf32>
      %select_n3A_305 = arith.select %gt3A_298, %select_n3A_288, %select_n3A_304 : vector<16xi1>, vector<16xf32>
      %jit3A_306 = arith.constant 6 : i32
      %broadcast_in_dim3A_307 = vector.broadcast %jit3A_306 : i32 to vector<16xi32>
      %select_n3A_308 = arith.select %gt3A_298, %broadcast_in_dim3A_307, %select_n3A_287 : vector<16xi1>, vector<16xi32>
      %select_n3A_309 = arith.select %gt3A_298, %get3A_297, %select_n3A_288 : vector<16xi1>, vector<16xf32>
      %get3A_310 = arith.constant 7 : i32
      %get3A_311 = arith.constant 0 : i32
      %get3A_312 = arith.constant 0 : i32
      %get3A_313 = tpu.memref_slice %run_scoped3A[%rem3A_154, %get3A_311, %get3A_312] : memref<2x8x128xf32, #tpu.memory_space<vmem>> -> memref<1x8x128xf32, #tpu.memory_space<vmem>>
      %get3A_314 = tpu.memref_squeeze %get3A_313 : memref<1x8x128xf32, #tpu.memory_space<vmem>> -> memref<8x128xf32, #tpu.memory_space<vmem>>
      %get3A_315 = arith.index_cast %get3A_310 : i32 to index
      %get3A_316 = arith.constant 0 : index
      %get3A_317 = tpu.vector_load %get3A_314[%get3A_315, %get3A_316] {strides = array<i32>} : memref<8x128xf32, #tpu.memory_space<vmem>>, vector<1x16xf32>,
      %get3A_318 = vector.shape_cast %get3A_317 : vector<1x16xf32> to vector<16xf32>
      %gt3A_319 = arith.cmpf ogt, %get3A_318, %select_n3A_309 : vector<16xf32>
      %gt3A_320 = arith.cmpf ogt, %get3A_318, %select_n3A_305 : vector<16xf32>
      %jit3A_321 = arith.constant 7 : i32
      %broadcast_in_dim3A_322 = vector.broadcast %jit3A_321 : i32 to vector<16xi32>
      %select_n3A_323 = arith.select %gt3A_320, %broadcast_in_dim3A_322, %select_n3A_303 : vector<16xi1>, vector<16xi32>
      %select_n3A_324 = arith.select %gt3A_319, %select_n3A_308, %select_n3A_323 : vector<16xi1>, vector<16xi32>
      %select_n3A_325 = arith.select %gt3A_320, %get3A_318, %select_n3A_305 : vector<16xi1>, vector<16xf32>
      %select_n3A_326 = arith.select %gt3A_319, %select_n3A_309, %select_n3A_325 : vector<16xi1>, vector<16xf32>
      %jit3A_327 = arith.constant 7 : i32
      %broadcast_in_dim3A_328 = vector.broadcast %jit3A_327 : i32 to vector<16xi32>
      %select_n3A_329 = arith.select %gt3A_319, %broadcast_in_dim3A_328, %select_n3A_308 : vector<16xi1>, vector<16xi32>
      %select_n3A_330 = arith.select %gt3A_319, %get3A_318, %select_n3A_309 : vector<16xi1>, vector<16xf32>
      %sub3A = arith.subf %select_n3A_326, %select_n3A_330 : vector<16xf32>
      %exp3A = math.exp %sub3A : vector<16xf32>
      %add3A_331 = arith.constant 1.000000e+00 : f32
      %add3A_332 = vector.broadcast %add3A_331 : f32 to vector<16xf32>
      %add3A_333 = arith.addf %add3A_332, %exp3A : vector<16xf32>
      %div3A = arith.constant 1.000000e+00 : f32
      %div3A_334 = vector.broadcast %div3A : f32 to vector<16xf32>
      %div3A_335 = arith.divf %div3A_334, %add3A_333 : vector<16xf32>
      %mul3A_336 = arith.mulf %exp3A, %div3A_335 : vector<16xf32>
      %eq3A_337 = arith.constant 0 : i32
      %eq3A_338 = vector.broadcast %eq3A_337 : i32 to vector<16xi32>
      %eq3A_339 = arith.cmpi eq, %select_n3A_329, %eq3A_338 : vector<16xi32>
      %jit3A_340 = arith.constant 0.000000e+00 : f32
      %broadcast_in_dim3A_341 = vector.broadcast %jit3A_340 : f32 to vector<16xf32>
      %select_n3A_342 = arith.select %eq3A_339, %div3A_335, %broadcast_in_dim3A_341 : vector<16xi1>, vector<16xf32>
      %eq3A_343 = arith.constant 0 : i32
      %eq3A_344 = vector.broadcast %eq3A_343 : i32 to vector<16xi32>
      %eq3A_345 = arith.cmpi eq, %select_n3A_324, %eq3A_344 : vector<16xi32>
      %jit3A_346 = arith.constant 0.000000e+00 : f32
      %broadcast_in_dim3A_347 = vector.broadcast %jit3A_346 : f32 to vector<16xf32>
      %select_n3A_348 = arith.select %eq3A_345, %mul3A_336, %broadcast_in_dim3A_347 : vector<16xi1>, vector<16xf32>
      %add3A_349 = arith.addf %select_n3A_342, %select_n3A_348 : vector<16xf32>
      %swap3A = arith.constant 0 : i32
      %swap3A_350 = arith.constant 0 : i32
      %swap3A_351 = arith.constant 0 : i32
      %swap3A_352 = tpu.memref_slice %run_scoped3A_8[%rem3A_156, %swap3A_350, %swap3A_351] : memref<2x8x128xf32, #tpu.memory_space<vmem>> -> memref<1x8x128xf32, #tpu.memory_space<vmem>>
      %swap3A_353 = tpu.memref_squeeze %swap3A_352 : memref<1x8x128xf32, #tpu.memory_space<vmem>> -> memref<8x128xf32, #tpu.memory_space<vmem>>
      %swap3A_354 = arith.index_cast %swap3A : i32 to index
      %swap3A_355 = arith.constant 0 : index
      %swap3A_356 = tpu.vector_load %swap3A_353[%swap3A_354, %swap3A_355] {strides = array<i32>} : memref<8x128xf32, #tpu.memory_space<vmem>>, vector<1x16xf32>,
      %swap3A_357 = vector.shape_cast %swap3A_356 : vector<1x16xf32> to vector<16xf32>
      %swap3A_358 = vector.shape_cast %add3A_349 : vector<16xf32> to vector<1x16xf32>
      tpu.vector_store %swap3A_353[%swap3A_354, %swap3A_355], %swap3A_358 {strides = array<i32>} : memref<8x128xf32, #tpu.memory_space<vmem>>, vector<1x16xf32>,
      %eq3A_359 = arith.constant 1 : i32
      %eq3A_360 = vector.broadcast %eq3A_359 : i32 to vector<16xi32>
      %eq3A_361 = arith.cmpi eq, %select_n3A_329, %eq3A_360 : vector<16xi32>
      %jit3A_362 = arith.constant 0.000000e+00 : f32
      %broadcast_in_dim3A_363 = vector.broadcast %jit3A_362 : f32 to vector<16xf32>
      %select_n3A_364 = arith.select %eq3A_361, %div3A_335, %broadcast_in_dim3A_363 : vector<16xi1>, vector<16xf32>
      %eq3A_365 = arith.constant 1 : i32
      %eq3A_366 = vector.broadcast %eq3A_365 : i32 to vector<16xi32>
      %eq3A_367 = arith.cmpi eq, %select_n3A_324, %eq3A_366 : vector<16xi32>
      %jit3A_368 = arith.constant 0.000000e+00 : f32
      %broadcast_in_dim3A_369 = vector.broadcast %jit3A_368 : f32 to vector<16xf32>
      %select_n3A_370 = arith.select %eq3A_367, %mul3A_336, %broadcast_in_dim3A_369 : vector<16xi1>, vector<16xf32>
      %add3A_371 = arith.addf %select_n3A_364, %select_n3A_370 : vector<16xf32>
      %swap3A_372 = arith.constant 1 : i32
      %swap3A_373 = arith.constant 0 : i32
      %swap3A_374 = arith.constant 0 : i32
      %swap3A_375 = tpu.memref_slice %run_scoped3A_8[%rem3A_156, %swap3A_373, %swap3A_374] : memref<2x8x128xf32, #tpu.memory_space<vmem>> -> memref<1x8x128xf32, #tpu.memory_space<vmem>>
      %swap3A_376 = tpu.memref_squeeze %swap3A_375 : memref<1x8x128xf32, #tpu.memory_space<vmem>> -> memref<8x128xf32, #tpu.memory_space<vmem>>
      %swap3A_377 = arith.index_cast %swap3A_372 : i32 to index
      %swap3A_378 = arith.constant 0 : index
      %swap3A_379 = tpu.vector_load %swap3A_376[%swap3A_377, %swap3A_378] {strides = array<i32>} : memref<8x128xf32, #tpu.memory_space<vmem>>, vector<1x16xf32>,
      %swap3A_380 = vector.shape_cast %swap3A_379 : vector<1x16xf32> to vector<16xf32>
      %swap3A_381 = vector.shape_cast %add3A_371 : vector<16xf32> to vector<1x16xf32>
      tpu.vector_store %swap3A_376[%swap3A_377, %swap3A_378], %swap3A_381 {strides = array<i32>} : memref<8x128xf32, #tpu.memory_space<vmem>>, vector<1x16xf32>,
      %eq3A_382 = arith.constant 2 : i32
      %eq3A_383 = vector.broadcast %eq3A_382 : i32 to vector<16xi32>
      %eq3A_384 = arith.cmpi eq, %select_n3A_329, %eq3A_383 : vector<16xi32>
      %jit3A_385 = arith.constant 0.000000e+00 : f32
      %broadcast_in_dim3A_386 = vector.broadcast %jit3A_385 : f32 to vector<16xf32>
      %select_n3A_387 = arith.select %eq3A_384, %div3A_335, %broadcast_in_dim3A_386 : vector<16xi1>, vector<16xf32>
      %eq3A_388 = arith.constant 2 : i32
      %eq3A_389 = vector.broadcast %eq3A_388 : i32 to vector<16xi32>
      %eq3A_390 = arith.cmpi eq, %select_n3A_324, %eq3A_389 : vector<16xi32>
      %jit3A_391 = arith.constant 0.000000e+00 : f32
      %broadcast_in_dim3A_392 = vector.broadcast %jit3A_391 : f32 to vector<16xf32>
      %select_n3A_393 = arith.select %eq3A_390, %mul3A_336, %broadcast_in_dim3A_392 : vector<16xi1>, vector<16xf32>
      %add3A_394 = arith.addf %select_n3A_387, %select_n3A_393 : vector<16xf32>
      %swap3A_395 = arith.constant 2 : i32
      %swap3A_396 = arith.constant 0 : i32
      %swap3A_397 = arith.constant 0 : i32
      %swap3A_398 = tpu.memref_slice %run_scoped3A_8[%rem3A_156, %swap3A_396, %swap3A_397] : memref<2x8x128xf32, #tpu.memory_space<vmem>> -> memref<1x8x128xf32, #tpu.memory_space<vmem>>
      %swap3A_399 = tpu.memref_squeeze %swap3A_398 : memref<1x8x128xf32, #tpu.memory_space<vmem>> -> memref<8x128xf32, #tpu.memory_space<vmem>>
      %swap3A_400 = arith.index_cast %swap3A_395 : i32 to index
      %swap3A_401 = arith.constant 0 : index
      %swap3A_402 = tpu.vector_load %swap3A_399[%swap3A_400, %swap3A_401] {strides = array<i32>} : memref<8x128xf32, #tpu.memory_space<vmem>>, vector<1x16xf32>,
      %swap3A_403 = vector.shape_cast %swap3A_402 : vector<1x16xf32> to vector<16xf32>
      %swap3A_404 = vector.shape_cast %add3A_394 : vector<16xf32> to vector<1x16xf32>
      tpu.vector_store %swap3A_399[%swap3A_400, %swap3A_401], %swap3A_404 {strides = array<i32>} : memref<8x128xf32, #tpu.memory_space<vmem>>, vector<1x16xf32>,
      %eq3A_405 = arith.constant 3 : i32
      %eq3A_406 = vector.broadcast %eq3A_405 : i32 to vector<16xi32>
      %eq3A_407 = arith.cmpi eq, %select_n3A_329, %eq3A_406 : vector<16xi32>
      %jit3A_408 = arith.constant 0.000000e+00 : f32
      %broadcast_in_dim3A_409 = vector.broadcast %jit3A_408 : f32 to vector<16xf32>
      %select_n3A_410 = arith.select %eq3A_407, %div3A_335, %broadcast_in_dim3A_409 : vector<16xi1>, vector<16xf32>
      %eq3A_411 = arith.constant 3 : i32
      %eq3A_412 = vector.broadcast %eq3A_411 : i32 to vector<16xi32>
      %eq3A_413 = arith.cmpi eq, %select_n3A_324, %eq3A_412 : vector<16xi32>
      %jit3A_414 = arith.constant 0.000000e+00 : f32
      %broadcast_in_dim3A_415 = vector.broadcast %jit3A_414 : f32 to vector<16xf32>
      %select_n3A_416 = arith.select %eq3A_413, %mul3A_336, %broadcast_in_dim3A_415 : vector<16xi1>, vector<16xf32>
      %add3A_417 = arith.addf %select_n3A_410, %select_n3A_416 : vector<16xf32>
      %swap3A_418 = arith.constant 3 : i32
      %swap3A_419 = arith.constant 0 : i32
      %swap3A_420 = arith.constant 0 : i32
      %swap3A_421 = tpu.memref_slice %run_scoped3A_8[%rem3A_156, %swap3A_419, %swap3A_420] : memref<2x8x128xf32, #tpu.memory_space<vmem>> -> memref<1x8x128xf32, #tpu.memory_space<vmem>>
      %swap3A_422 = tpu.memref_squeeze %swap3A_421 : memref<1x8x128xf32, #tpu.memory_space<vmem>> -> memref<8x128xf32, #tpu.memory_space<vmem>>
      %swap3A_423 = arith.index_cast %swap3A_418 : i32 to index
      %swap3A_424 = arith.constant 0 : index
      %swap3A_425 = tpu.vector_load %swap3A_422[%swap3A_423, %swap3A_424] {strides = array<i32>} : memref<8x128xf32, #tpu.memory_space<vmem>>, vector<1x16xf32>,
      %swap3A_426 = vector.shape_cast %swap3A_425 : vector<1x16xf32> to vector<16xf32>
      %swap3A_427 = vector.shape_cast %add3A_417 : vector<16xf32> to vector<1x16xf32>
      tpu.vector_store %swap3A_422[%swap3A_423, %swap3A_424], %swap3A_427 {strides = array<i32>} : memref<8x128xf32, #tpu.memory_space<vmem>>, vector<1x16xf32>,
      %eq3A_428 = arith.constant 4 : i32
      %eq3A_429 = vector.broadcast %eq3A_428 : i32 to vector<16xi32>
      %eq3A_430 = arith.cmpi eq, %select_n3A_329, %eq3A_429 : vector<16xi32>
      %jit3A_431 = arith.constant 0.000000e+00 : f32
      %broadcast_in_dim3A_432 = vector.broadcast %jit3A_431 : f32 to vector<16xf32>
      %select_n3A_433 = arith.select %eq3A_430, %div3A_335, %broadcast_in_dim3A_432 : vector<16xi1>, vector<16xf32>
      %eq3A_434 = arith.constant 4 : i32
      %eq3A_435 = vector.broadcast %eq3A_434 : i32 to vector<16xi32>
      %eq3A_436 = arith.cmpi eq, %select_n3A_324, %eq3A_435 : vector<16xi32>
      %jit3A_437 = arith.constant 0.000000e+00 : f32
      %broadcast_in_dim3A_438 = vector.broadcast %jit3A_437 : f32 to vector<16xf32>
      %select_n3A_439 = arith.select %eq3A_436, %mul3A_336, %broadcast_in_dim3A_438 : vector<16xi1>, vector<16xf32>
      %add3A_440 = arith.addf %select_n3A_433, %select_n3A_439 : vector<16xf32>
      %swap3A_441 = arith.constant 4 : i32
      %swap3A_442 = arith.constant 0 : i32
      %swap3A_443 = arith.constant 0 : i32
      %swap3A_444 = tpu.memref_slice %run_scoped3A_8[%rem3A_156, %swap3A_442, %swap3A_443] : memref<2x8x128xf32, #tpu.memory_space<vmem>> -> memref<1x8x128xf32, #tpu.memory_space<vmem>>
      %swap3A_445 = tpu.memref_squeeze %swap3A_444 : memref<1x8x128xf32, #tpu.memory_space<vmem>> -> memref<8x128xf32, #tpu.memory_space<vmem>>
      %swap3A_446 = arith.index_cast %swap3A_441 : i32 to index
      %swap3A_447 = arith.constant 0 : index
      %swap3A_448 = tpu.vector_load %swap3A_445[%swap3A_446, %swap3A_447] {strides = array<i32>} : memref<8x128xf32, #tpu.memory_space<vmem>>, vector<1x16xf32>,
      %swap3A_449 = vector.shape_cast %swap3A_448 : vector<1x16xf32> to vector<16xf32>
      %swap3A_450 = vector.shape_cast %add3A_440 : vector<16xf32> to vector<1x16xf32>
      tpu.vector_store %swap3A_445[%swap3A_446, %swap3A_447], %swap3A_450 {strides = array<i32>} : memref<8x128xf32, #tpu.memory_space<vmem>>, vector<1x16xf32>,
      %eq3A_451 = arith.constant 5 : i32
      %eq3A_452 = vector.broadcast %eq3A_451 : i32 to vector<16xi32>
      %eq3A_453 = arith.cmpi eq, %select_n3A_329, %eq3A_452 : vector<16xi32>
      %jit3A_454 = arith.constant 0.000000e+00 : f32
      %broadcast_in_dim3A_455 = vector.broadcast %jit3A_454 : f32 to vector<16xf32>
      %select_n3A_456 = arith.select %eq3A_453, %div3A_335, %broadcast_in_dim3A_455 : vector<16xi1>, vector<16xf32>
      %eq3A_457 = arith.constant 5 : i32
      %eq3A_458 = vector.broadcast %eq3A_457 : i32 to vector<16xi32>
      %eq3A_459 = arith.cmpi eq, %select_n3A_324, %eq3A_458 : vector<16xi32>
      %jit3A_460 = arith.constant 0.000000e+00 : f32
      %broadcast_in_dim3A_461 = vector.broadcast %jit3A_460 : f32 to vector<16xf32>
      %select_n3A_462 = arith.select %eq3A_459, %mul3A_336, %broadcast_in_dim3A_461 : vector<16xi1>, vector<16xf32>
      %add3A_463 = arith.addf %select_n3A_456, %select_n3A_462 : vector<16xf32>
      %swap3A_464 = arith.constant 5 : i32
      %swap3A_465 = arith.constant 0 : i32
      %swap3A_466 = arith.constant 0 : i32
      %swap3A_467 = tpu.memref_slice %run_scoped3A_8[%rem3A_156, %swap3A_465, %swap3A_466] : memref<2x8x128xf32, #tpu.memory_space<vmem>> -> memref<1x8x128xf32, #tpu.memory_space<vmem>>
      %swap3A_468 = tpu.memref_squeeze %swap3A_467 : memref<1x8x128xf32, #tpu.memory_space<vmem>> -> memref<8x128xf32, #tpu.memory_space<vmem>>
      %swap3A_469 = arith.index_cast %swap3A_464 : i32 to index
      %swap3A_470 = arith.constant 0 : index
      %swap3A_471 = tpu.vector_load %swap3A_468[%swap3A_469, %swap3A_470] {strides = array<i32>} : memref<8x128xf32, #tpu.memory_space<vmem>>, vector<1x16xf32>,
      %swap3A_472 = vector.shape_cast %swap3A_471 : vector<1x16xf32> to vector<16xf32>
      %swap3A_473 = vector.shape_cast %add3A_463 : vector<16xf32> to vector<1x16xf32>
      tpu.vector_store %swap3A_468[%swap3A_469, %swap3A_470], %swap3A_473 {strides = array<i32>} : memref<8x128xf32, #tpu.memory_space<vmem>>, vector<1x16xf32>,
      %eq3A_474 = arith.constant 6 : i32
      %eq3A_475 = vector.broadcast %eq3A_474 : i32 to vector<16xi32>
      %eq3A_476 = arith.cmpi eq, %select_n3A_329, %eq3A_475 : vector<16xi32>
      %jit3A_477 = arith.constant 0.000000e+00 : f32
      %broadcast_in_dim3A_478 = vector.broadcast %jit3A_477 : f32 to vector<16xf32>
      %select_n3A_479 = arith.select %eq3A_476, %div3A_335, %broadcast_in_dim3A_478 : vector<16xi1>, vector<16xf32>
      %eq3A_480 = arith.constant 6 : i32
      %eq3A_481 = vector.broadcast %eq3A_480 : i32 to vector<16xi32>
      %eq3A_482 = arith.cmpi eq, %select_n3A_324, %eq3A_481 : vector<16xi32>
      %jit3A_483 = arith.constant 0.000000e+00 : f32
      %broadcast_in_dim3A_484 = vector.broadcast %jit3A_483 : f32 to vector<16xf32>
      %select_n3A_485 = arith.select %eq3A_482, %mul3A_336, %broadcast_in_dim3A_484 : vector<16xi1>, vector<16xf32>
      %add3A_486 = arith.addf %select_n3A_479, %select_n3A_485 : vector<16xf32>
      %swap3A_487 = arith.constant 6 : i32
      %swap3A_488 = arith.constant 0 : i32
      %swap3A_489 = arith.constant 0 : i32
      %swap3A_490 = tpu.memref_slice %run_scoped3A_8[%rem3A_156, %swap3A_488, %swap3A_489] : memref<2x8x128xf32, #tpu.memory_space<vmem>> -> memref<1x8x128xf32, #tpu.memory_space<vmem>>
      %swap3A_491 = tpu.memref_squeeze %swap3A_490 : memref<1x8x128xf32, #tpu.memory_space<vmem>> -> memref<8x128xf32, #tpu.memory_space<vmem>>
      %swap3A_492 = arith.index_cast %swap3A_487 : i32 to index
      %swap3A_493 = arith.constant 0 : index
      %swap3A_494 = tpu.vector_load %swap3A_491[%swap3A_492, %swap3A_493] {strides = array<i32>} : memref<8x128xf32, #tpu.memory_space<vmem>>, vector<1x16xf32>,
      %swap3A_495 = vector.shape_cast %swap3A_494 : vector<1x16xf32> to vector<16xf32>
      %swap3A_496 = vector.shape_cast %add3A_486 : vector<16xf32> to vector<1x16xf32>
      tpu.vector_store %swap3A_491[%swap3A_492, %swap3A_493], %swap3A_496 {strides = array<i32>} : memref<8x128xf32, #tpu.memory_space<vmem>>, vector<1x16xf32>,
      %eq3A_497 = arith.constant 7 : i32
      %eq3A_498 = vector.broadcast %eq3A_497 : i32 to vector<16xi32>
      %eq3A_499 = arith.cmpi eq, %select_n3A_329, %eq3A_498 : vector<16xi32>
      %jit3A_500 = arith.constant 0.000000e+00 : f32
      %broadcast_in_dim3A_501 = vector.broadcast %jit3A_500 : f32 to vector<16xf32>
      %select_n3A_502 = arith.select %eq3A_499, %div3A_335, %broadcast_in_dim3A_501 : vector<16xi1>, vector<16xf32>
      %eq3A_503 = arith.constant 7 : i32
      %eq3A_504 = vector.broadcast %eq3A_503 : i32 to vector<16xi32>
      %eq3A_505 = arith.cmpi eq, %select_n3A_324, %eq3A_504 : vector<16xi32>
      %jit3A_506 = arith.constant 0.000000e+00 : f32
      %broadcast_in_dim3A_507 = vector.broadcast %jit3A_506 : f32 to vector<16xf32>
      %select_n3A_508 = arith.select %eq3A_505, %mul3A_336, %broadcast_in_dim3A_507 : vector<16xi1>, vector<16xf32>
      %add3A_509 = arith.addf %select_n3A_502, %select_n3A_508 : vector<16xf32>
      %swap3A_510 = arith.constant 7 : i32
      %swap3A_511 = arith.constant 0 : i32
      %swap3A_512 = arith.constant 0 : i32
      %swap3A_513 = tpu.memref_slice %run_scoped3A_8[%rem3A_156, %swap3A_511, %swap3A_512] : memref<2x8x128xf32, #tpu.memory_space<vmem>> -> memref<1x8x128xf32, #tpu.memory_space<vmem>>
      %swap3A_514 = tpu.memref_squeeze %swap3A_513 : memref<1x8x128xf32, #tpu.memory_space<vmem>> -> memref<8x128xf32, #tpu.memory_space<vmem>>
      %swap3A_515 = arith.index_cast %swap3A_510 : i32 to index
      %swap3A_516 = arith.constant 0 : index
      %swap3A_517 = tpu.vector_load %swap3A_514[%swap3A_515, %swap3A_516] {strides = array<i32>} : memref<8x128xf32, #tpu.memory_space<vmem>>, vector<1x16xf32>,
      %swap3A_518 = vector.shape_cast %swap3A_517 : vector<1x16xf32> to vector<16xf32>
      %swap3A_519 = vector.shape_cast %add3A_509 : vector<16xf32> to vector<1x16xf32>
      tpu.vector_store %swap3A_514[%swap3A_515, %swap3A_516], %swap3A_519 {strides = array<i32>} : memref<8x128xf32, #tpu.memory_space<vmem>>, vector<1x16xf32>,
      %swap3A_520 = arith.constant 0 : i32
      %swap3A_521 = arith.constant 0 : i32
      %swap3A_522 = arith.constant 0 : i32
      %swap3A_523 = tpu.memref_slice %run_scoped3A_10[%rem3A_158, %swap3A_521, %swap3A_522] : memref<2x8x128xf32, #tpu.memory_space<vmem>> -> memref<1x8x128xf32, #tpu.memory_space<vmem>>
      %swap3A_524 = tpu.memref_squeeze %swap3A_523 : memref<1x8x128xf32, #tpu.memory_space<vmem>> -> memref<8x128xf32, #tpu.memory_space<vmem>>
      %swap3A_525 = arith.index_cast %swap3A_520 : i32 to index
      %swap3A_526 = arith.constant 0 : index
      %swap3A_527 = tpu.vector_load %swap3A_524[%swap3A_525, %swap3A_526] {strides = array<i32>} : memref<8x128xf32, #tpu.memory_space<vmem>>, vector<1x16xf32>,
      %swap3A_528 = vector.shape_cast %swap3A_527 : vector<1x16xf32> to vector<16xf32>
      %swap3A_529 = vector.shape_cast %sub3A : vector<16xf32> to vector<1x16xf32>
      tpu.vector_store %swap3A_524[%swap3A_525, %swap3A_526], %swap3A_529 {strides = array<i32>} : memref<8x128xf32, #tpu.memory_space<vmem>>, vector<1x16xf32>,
      %broadcast_in_dim3A_530 = arith.constant -1.000000e+30 : f32
      %broadcast_in_dim3A_531 = vector.broadcast %broadcast_in_dim3A_530 : f32 to vector<16xf32>
      %broadcast_in_dim3A_532 = arith.constant -1.000000e+30 : f32
      %broadcast_in_dim3A_533 = vector.broadcast %broadcast_in_dim3A_532 : f32 to vector<16xf32>
      %broadcast_in_dim3A_534 = arith.constant 0 : i32
      %broadcast_in_dim3A_535 = vector.broadcast %broadcast_in_dim3A_534 : i32 to vector<16xi32>
      %broadcast_in_dim3A_536 = arith.constant 0 : i32
      %broadcast_in_dim3A_537 = vector.broadcast %broadcast_in_dim3A_536 : i32 to vector<16xi32>
      %get3A_538 = arith.constant 0 : i32
      %get3A_539 = arith.constant 0 : i32
      %get3A_540 = arith.constant 0 : i32
      %get3A_541 = tpu.memref_slice %run_scoped3A[%rem3A_154, %get3A_539, %get3A_540] : memref<2x8x128xf32, #tpu.memory_space<vmem>> -> memref<1x8x128xf32, #tpu.memory_space<vmem>>
      %get3A_542 = tpu.memref_squeeze %get3A_541 : memref<1x8x128xf32, #tpu.memory_space<vmem>> -> memref<8x128xf32, #tpu.memory_space<vmem>>
      %get3A_543 = arith.index_cast %get3A_538 : i32 to index
      %get3A_544 = arith.constant 16 : index
      %get3A_545 = tpu.vector_load %get3A_542[%get3A_543, %get3A_544] {strides = array<i32>} : memref<8x128xf32, #tpu.memory_space<vmem>>, vector<1x16xf32>,
      %get3A_546 = vector.shape_cast %get3A_545 : vector<1x16xf32> to vector<16xf32>
      %gt3A_547 = arith.cmpf ogt, %get3A_546, %broadcast_in_dim3A_531 : vector<16xf32>
      %gt3A_548 = arith.cmpf ogt, %get3A_546, %broadcast_in_dim3A_533 : vector<16xf32>
      %jit3A_549 = arith.constant 0 : i32
      %broadcast_in_dim3A_550 = vector.broadcast %jit3A_549 : i32 to vector<16xi32>
      %select_n3A_551 = arith.select %gt3A_548, %broadcast_in_dim3A_550, %broadcast_in_dim3A_537 : vector<16xi1>, vector<16xi32>
      %select_n3A_552 = arith.select %gt3A_547, %broadcast_in_dim3A_535, %select_n3A_551 : vector<16xi1>, vector<16xi32>
      %select_n3A_553 = arith.select %gt3A_548, %get3A_546, %broadcast_in_dim3A_533 : vector<16xi1>, vector<16xf32>
      %select_n3A_554 = arith.select %gt3A_547, %broadcast_in_dim3A_531, %select_n3A_553 : vector<16xi1>, vector<16xf32>
      %jit3A_555 = arith.constant 0 : i32
      %broadcast_in_dim3A_556 = vector.broadcast %jit3A_555 : i32 to vector<16xi32>
      %select_n3A_557 = arith.select %gt3A_547, %broadcast_in_dim3A_556, %broadcast_in_dim3A_535 : vector<16xi1>, vector<16xi32>
      %select_n3A_558 = arith.select %gt3A_547, %get3A_546, %broadcast_in_dim3A_531 : vector<16xi1>, vector<16xf32>
      %get3A_559 = arith.constant 1 : i32
      %get3A_560 = arith.constant 0 : i32
      %get3A_561 = arith.constant 0 : i32
      %get3A_562 = tpu.memref_slice %run_scoped3A[%rem3A_154, %get3A_560, %get3A_561] : memref<2x8x128xf32, #tpu.memory_space<vmem>> -> memref<1x8x128xf32, #tpu.memory_space<vmem>>
      %get3A_563 = tpu.memref_squeeze %get3A_562 : memref<1x8x128xf32, #tpu.memory_space<vmem>> -> memref<8x128xf32, #tpu.memory_space<vmem>>
      %get3A_564 = arith.index_cast %get3A_559 : i32 to index
      %get3A_565 = arith.constant 16 : index
      %get3A_566 = tpu.vector_load %get3A_563[%get3A_564, %get3A_565] {strides = array<i32>} : memref<8x128xf32, #tpu.memory_space<vmem>>, vector<1x16xf32>,
      %get3A_567 = vector.shape_cast %get3A_566 : vector<1x16xf32> to vector<16xf32>
      %gt3A_568 = arith.cmpf ogt, %get3A_567, %select_n3A_558 : vector<16xf32>
      %gt3A_569 = arith.cmpf ogt, %get3A_567, %select_n3A_554 : vector<16xf32>
      %jit3A_570 = arith.constant 1 : i32
      %broadcast_in_dim3A_571 = vector.broadcast %jit3A_570 : i32 to vector<16xi32>
      %select_n3A_572 = arith.select %gt3A_569, %broadcast_in_dim3A_571, %select_n3A_552 : vector<16xi1>, vector<16xi32>
      %select_n3A_573 = arith.select %gt3A_568, %select_n3A_557, %select_n3A_572 : vector<16xi1>, vector<16xi32>
      %select_n3A_574 = arith.select %gt3A_569, %get3A_567, %select_n3A_554 : vector<16xi1>, vector<16xf32>
      %select_n3A_575 = arith.select %gt3A_568, %select_n3A_558, %select_n3A_574 : vector<16xi1>, vector<16xf32>
      %jit3A_576 = arith.constant 1 : i32
      %broadcast_in_dim3A_577 = vector.broadcast %jit3A_576 : i32 to vector<16xi32>
      %select_n3A_578 = arith.select %gt3A_568, %broadcast_in_dim3A_577, %select_n3A_557 : vector<16xi1>, vector<16xi32>
      %select_n3A_579 = arith.select %gt3A_568, %get3A_567, %select_n3A_558 : vector<16xi1>, vector<16xf32>
      %get3A_580 = arith.constant 2 : i32
      %get3A_581 = arith.constant 0 : i32
      %get3A_582 = arith.constant 0 : i32
      %get3A_583 = tpu.memref_slice %run_scoped3A[%rem3A_154, %get3A_581, %get3A_582] : memref<2x8x128xf32, #tpu.memory_space<vmem>> -> memref<1x8x128xf32, #tpu.memory_space<vmem>>
      %get3A_584 = tpu.memref_squeeze %get3A_583 : memref<1x8x128xf32, #tpu.memory_space<vmem>> -> memref<8x128xf32, #tpu.memory_space<vmem>>
      %get3A_585 = arith.index_cast %get3A_580 : i32 to index
      %get3A_586 = arith.constant 16 : index
      %get3A_587 = tpu.vector_load %get3A_584[%get3A_585, %get3A_586] {strides = array<i32>} : memref<8x128xf32, #tpu.memory_space<vmem>>, vector<1x16xf32>,
      %get3A_588 = vector.shape_cast %get3A_587 : vector<1x16xf32> to vector<16xf32>
      %gt3A_589 = arith.cmpf ogt, %get3A_588, %select_n3A_579 : vector<16xf32>
      %gt3A_590 = arith.cmpf ogt, %get3A_588, %select_n3A_575 : vector<16xf32>
      %jit3A_591 = arith.constant 2 : i32
      %broadcast_in_dim3A_592 = vector.broadcast %jit3A_591 : i32 to vector<16xi32>
      %select_n3A_593 = arith.select %gt3A_590, %broadcast_in_dim3A_592, %select_n3A_573 : vector<16xi1>, vector<16xi32>
      %select_n3A_594 = arith.select %gt3A_589, %select_n3A_578, %select_n3A_593 : vector<16xi1>, vector<16xi32>
      %select_n3A_595 = arith.select %gt3A_590, %get3A_588, %select_n3A_575 : vector<16xi1>, vector<16xf32>
      %select_n3A_596 = arith.select %gt3A_589, %select_n3A_579, %select_n3A_595 : vector<16xi1>, vector<16xf32>
      %jit3A_597 = arith.constant 2 : i32
      %broadcast_in_dim3A_598 = vector.broadcast %jit3A_597 : i32 to vector<16xi32>
      %select_n3A_599 = arith.select %gt3A_589, %broadcast_in_dim3A_598, %select_n3A_578 : vector<16xi1>, vector<16xi32>
      %select_n3A_600 = arith.select %gt3A_589, %get3A_588, %select_n3A_579 : vector<16xi1>, vector<16xf32>
      %get3A_601 = arith.constant 3 : i32
      %get3A_602 = arith.constant 0 : i32
      %get3A_603 = arith.constant 0 : i32
      %get3A_604 = tpu.memref_slice %run_scoped3A[%rem3A_154, %get3A_602, %get3A_603] : memref<2x8x128xf32, #tpu.memory_space<vmem>> -> memref<1x8x128xf32, #tpu.memory_space<vmem>>
      %get3A_605 = tpu.memref_squeeze %get3A_604 : memref<1x8x128xf32, #tpu.memory_space<vmem>> -> memref<8x128xf32, #tpu.memory_space<vmem>>
      %get3A_606 = arith.index_cast %get3A_601 : i32 to index
      %get3A_607 = arith.constant 16 : index
      %get3A_608 = tpu.vector_load %get3A_605[%get3A_606, %get3A_607] {strides = array<i32>} : memref<8x128xf32, #tpu.memory_space<vmem>>, vector<1x16xf32>,
      %get3A_609 = vector.shape_cast %get3A_608 : vector<1x16xf32> to vector<16xf32>
      %gt3A_610 = arith.cmpf ogt, %get3A_609, %select_n3A_600 : vector<16xf32>
      %gt3A_611 = arith.cmpf ogt, %get3A_609, %select_n3A_596 : vector<16xf32>
      %jit3A_612 = arith.constant 3 : i32
      %broadcast_in_dim3A_613 = vector.broadcast %jit3A_612 : i32 to vector<16xi32>
      %select_n3A_614 = arith.select %gt3A_611, %broadcast_in_dim3A_613, %select_n3A_594 : vector<16xi1>, vector<16xi32>
      %select_n3A_615 = arith.select %gt3A_610, %select_n3A_599, %select_n3A_614 : vector<16xi1>, vector<16xi32>
      %select_n3A_616 = arith.select %gt3A_611, %get3A_609, %select_n3A_596 : vector<16xi1>, vector<16xf32>
      %select_n3A_617 = arith.select %gt3A_610, %select_n3A_600, %select_n3A_616 : vector<16xi1>, vector<16xf32>
      %jit3A_618 = arith.constant 3 : i32
      %broadcast_in_dim3A_619 = vector.broadcast %jit3A_618 : i32 to vector<16xi32>
      %select_n3A_620 = arith.select %gt3A_610, %broadcast_in_dim3A_619, %select_n3A_599 : vector<16xi1>, vector<16xi32>
      %select_n3A_621 = arith.select %gt3A_610, %get3A_609, %select_n3A_600 : vector<16xi1>, vector<16xf32>
      %get3A_622 = arith.constant 4 : i32
      %get3A_623 = arith.constant 0 : i32
      %get3A_624 = arith.constant 0 : i32
      %get3A_625 = tpu.memref_slice %run_scoped3A[%rem3A_154, %get3A_623, %get3A_624] : memref<2x8x128xf32, #tpu.memory_space<vmem>> -> memref<1x8x128xf32, #tpu.memory_space<vmem>>
      %get3A_626 = tpu.memref_squeeze %get3A_625 : memref<1x8x128xf32, #tpu.memory_space<vmem>> -> memref<8x128xf32, #tpu.memory_space<vmem>>
      %get3A_627 = arith.index_cast %get3A_622 : i32 to index
      %get3A_628 = arith.constant 16 : index
      %get3A_629 = tpu.vector_load %get3A_626[%get3A_627, %get3A_628] {strides = array<i32>} : memref<8x128xf32, #tpu.memory_space<vmem>>, vector<1x16xf32>,
      %get3A_630 = vector.shape_cast %get3A_629 : vector<1x16xf32> to vector<16xf32>
      %gt3A_631 = arith.cmpf ogt, %get3A_630, %select_n3A_621 : vector<16xf32>
      %gt3A_632 = arith.cmpf ogt, %get3A_630, %select_n3A_617 : vector<16xf32>
      %jit3A_633 = arith.constant 4 : i32
      %broadcast_in_dim3A_634 = vector.broadcast %jit3A_633 : i32 to vector<16xi32>
      %select_n3A_635 = arith.select %gt3A_632, %broadcast_in_dim3A_634, %select_n3A_615 : vector<16xi1>, vector<16xi32>
      %select_n3A_636 = arith.select %gt3A_631, %select_n3A_620, %select_n3A_635 : vector<16xi1>, vector<16xi32>
      %select_n3A_637 = arith.select %gt3A_632, %get3A_630, %select_n3A_617 : vector<16xi1>, vector<16xf32>
      %select_n3A_638 = arith.select %gt3A_631, %select_n3A_621, %select_n3A_637 : vector<16xi1>, vector<16xf32>
      %jit3A_639 = arith.constant 4 : i32
      %broadcast_in_dim3A_640 = vector.broadcast %jit3A_639 : i32 to vector<16xi32>
      %select_n3A_641 = arith.select %gt3A_631, %broadcast_in_dim3A_640, %select_n3A_620 : vector<16xi1>, vector<16xi32>
      %select_n3A_642 = arith.select %gt3A_631, %get3A_630, %select_n3A_621 : vector<16xi1>, vector<16xf32>
      %get3A_643 = arith.constant 5 : i32
      %get3A_644 = arith.constant 0 : i32
      %get3A_645 = arith.constant 0 : i32
      %get3A_646 = tpu.memref_slice %run_scoped3A[%rem3A_154, %get3A_644, %get3A_645] : memref<2x8x128xf32, #tpu.memory_space<vmem>> -> memref<1x8x128xf32, #tpu.memory_space<vmem>>
      %get3A_647 = tpu.memref_squeeze %get3A_646 : memref<1x8x128xf32, #tpu.memory_space<vmem>> -> memref<8x128xf32, #tpu.memory_space<vmem>>
      %get3A_648 = arith.index_cast %get3A_643 : i32 to index
      %get3A_649 = arith.constant 16 : index
      %get3A_650 = tpu.vector_load %get3A_647[%get3A_648, %get3A_649] {strides = array<i32>} : memref<8x128xf32, #tpu.memory_space<vmem>>, vector<1x16xf32>,
      %get3A_651 = vector.shape_cast %get3A_650 : vector<1x16xf32> to vector<16xf32>
      %gt3A_652 = arith.cmpf ogt, %get3A_651, %select_n3A_642 : vector<16xf32>
      %gt3A_653 = arith.cmpf ogt, %get3A_651, %select_n3A_638 : vector<16xf32>
      %jit3A_654 = arith.constant 5 : i32
      %broadcast_in_dim3A_655 = vector.broadcast %jit3A_654 : i32 to vector<16xi32>
      %select_n3A_656 = arith.select %gt3A_653, %broadcast_in_dim3A_655, %select_n3A_636 : vector<16xi1>, vector<16xi32>
      %select_n3A_657 = arith.select %gt3A_652, %select_n3A_641, %select_n3A_656 : vector<16xi1>, vector<16xi32>
      %select_n3A_658 = arith.select %gt3A_653, %get3A_651, %select_n3A_638 : vector<16xi1>, vector<16xf32>
      %select_n3A_659 = arith.select %gt3A_652, %select_n3A_642, %select_n3A_658 : vector<16xi1>, vector<16xf32>
      %jit3A_660 = arith.constant 5 : i32
      %broadcast_in_dim3A_661 = vector.broadcast %jit3A_660 : i32 to vector<16xi32>
      %select_n3A_662 = arith.select %gt3A_652, %broadcast_in_dim3A_661, %select_n3A_641 : vector<16xi1>, vector<16xi32>
      %select_n3A_663 = arith.select %gt3A_652, %get3A_651, %select_n3A_642 : vector<16xi1>, vector<16xf32>
      %get3A_664 = arith.constant 6 : i32
      %get3A_665 = arith.constant 0 : i32
      %get3A_666 = arith.constant 0 : i32
      %get3A_667 = tpu.memref_slice %run_scoped3A[%rem3A_154, %get3A_665, %get3A_666] : memref<2x8x128xf32, #tpu.memory_space<vmem>> -> memref<1x8x128xf32, #tpu.memory_space<vmem>>
      %get3A_668 = tpu.memref_squeeze %get3A_667 : memref<1x8x128xf32, #tpu.memory_space<vmem>> -> memref<8x128xf32, #tpu.memory_space<vmem>>
      %get3A_669 = arith.index_cast %get3A_664 : i32 to index
      %get3A_670 = arith.constant 16 : index
      %get3A_671 = tpu.vector_load %get3A_668[%get3A_669, %get3A_670] {strides = array<i32>} : memref<8x128xf32, #tpu.memory_space<vmem>>, vector<1x16xf32>,
      %get3A_672 = vector.shape_cast %get3A_671 : vector<1x16xf32> to vector<16xf32>
      %gt3A_673 = arith.cmpf ogt, %get3A_672, %select_n3A_663 : vector<16xf32>
      %gt3A_674 = arith.cmpf ogt, %get3A_672, %select_n3A_659 : vector<16xf32>
      %jit3A_675 = arith.constant 6 : i32
      %broadcast_in_dim3A_676 = vector.broadcast %jit3A_675 : i32 to vector<16xi32>
      %select_n3A_677 = arith.select %gt3A_674, %broadcast_in_dim3A_676, %select_n3A_657 : vector<16xi1>, vector<16xi32>
      %select_n3A_678 = arith.select %gt3A_673, %select_n3A_662, %select_n3A_677 : vector<16xi1>, vector<16xi32>
      %select_n3A_679 = arith.select %gt3A_674, %get3A_672, %select_n3A_659 : vector<16xi1>, vector<16xf32>
      %select_n3A_680 = arith.select %gt3A_673, %select_n3A_663, %select_n3A_679 : vector<16xi1>, vector<16xf32>
      %jit3A_681 = arith.constant 6 : i32
      %broadcast_in_dim3A_682 = vector.broadcast %jit3A_681 : i32 to vector<16xi32>
      %select_n3A_683 = arith.select %gt3A_673, %broadcast_in_dim3A_682, %select_n3A_662 : vector<16xi1>, vector<16xi32>
      %select_n3A_684 = arith.select %gt3A_673, %get3A_672, %select_n3A_663 : vector<16xi1>, vector<16xf32>
      %get3A_685 = arith.constant 7 : i32
      %get3A_686 = arith.constant 0 : i32
      %get3A_687 = arith.constant 0 : i32
      %get3A_688 = tpu.memref_slice %run_scoped3A[%rem3A_154, %get3A_686, %get3A_687] : memref<2x8x128xf32, #tpu.memory_space<vmem>> -> memref<1x8x128xf32, #tpu.memory_space<vmem>>
      %get3A_689 = tpu.memref_squeeze %get3A_688 : memref<1x8x128xf32, #tpu.memory_space<vmem>> -> memref<8x128xf32, #tpu.memory_space<vmem>>
      %get3A_690 = arith.index_cast %get3A_685 : i32 to index
      %get3A_691 = arith.constant 16 : index
      %get3A_692 = tpu.vector_load %get3A_689[%get3A_690, %get3A_691] {strides = array<i32>} : memref<8x128xf32, #tpu.memory_space<vmem>>, vector<1x16xf32>,
      %get3A_693 = vector.shape_cast %get3A_692 : vector<1x16xf32> to vector<16xf32>
      %gt3A_694 = arith.cmpf ogt, %get3A_693, %select_n3A_684 : vector<16xf32>
      %gt3A_695 = arith.cmpf ogt, %get3A_693, %select_n3A_680 : vector<16xf32>
      %jit3A_696 = arith.constant 7 : i32
      %broadcast_in_dim3A_697 = vector.broadcast %jit3A_696 : i32 to vector<16xi32>
      %select_n3A_698 = arith.select %gt3A_695, %broadcast_in_dim3A_697, %select_n3A_678 : vector<16xi1>, vector<16xi32>
      %select_n3A_699 = arith.select %gt3A_694, %select_n3A_683, %select_n3A_698 : vector<16xi1>, vector<16xi32>
      %select_n3A_700 = arith.select %gt3A_695, %get3A_693, %select_n3A_680 : vector<16xi1>, vector<16xf32>
      %select_n3A_701 = arith.select %gt3A_694, %select_n3A_684, %select_n3A_700 : vector<16xi1>, vector<16xf32>
      %jit3A_702 = arith.constant 7 : i32
      %broadcast_in_dim3A_703 = vector.broadcast %jit3A_702 : i32 to vector<16xi32>
      %select_n3A_704 = arith.select %gt3A_694, %broadcast_in_dim3A_703, %select_n3A_683 : vector<16xi1>, vector<16xi32>
      %select_n3A_705 = arith.select %gt3A_694, %get3A_693, %select_n3A_684 : vector<16xi1>, vector<16xf32>
      %sub3A_706 = arith.subf %select_n3A_701, %select_n3A_705 : vector<16xf32>
      %exp3A_707 = math.exp %sub3A_706 : vector<16xf32>
      %add3A_708 = arith.constant 1.000000e+00 : f32
      %add3A_709 = vector.broadcast %add3A_708 : f32 to vector<16xf32>
      %add3A_710 = arith.addf %add3A_709, %exp3A_707 : vector<16xf32>
      %div3A_711 = arith.constant 1.000000e+00 : f32
      %div3A_712 = vector.broadcast %div3A_711 : f32 to vector<16xf32>
      %div3A_713 = arith.divf %div3A_712, %add3A_710 : vector<16xf32>
      %mul3A_714 = arith.mulf %exp3A_707, %div3A_713 : vector<16xf32>
      %eq3A_715 = arith.constant 0 : i32
      %eq3A_716 = vector.broadcast %eq3A_715 : i32 to vector<16xi32>
      %eq3A_717 = arith.cmpi eq, %select_n3A_704, %eq3A_716 : vector<16xi32>
      %jit3A_718 = arith.constant 0.000000e+00 : f32
      %broadcast_in_dim3A_719 = vector.broadcast %jit3A_718 : f32 to vector<16xf32>
      %select_n3A_720 = arith.select %eq3A_717, %div3A_713, %broadcast_in_dim3A_719 : vector<16xi1>, vector<16xf32>
      %eq3A_721 = arith.constant 0 : i32
      %eq3A_722 = vector.broadcast %eq3A_721 : i32 to vector<16xi32>
      %eq3A_723 = arith.cmpi eq, %select_n3A_699, %eq3A_722 : vector<16xi32>
      %jit3A_724 = arith.constant 0.000000e+00 : f32
      %broadcast_in_dim3A_725 = vector.broadcast %jit3A_724 : f32 to vector<16xf32>
      %select_n3A_726 = arith.select %eq3A_723, %mul3A_714, %broadcast_in_dim3A_725 : vector<16xi1>, vector<16xf32>
      %add3A_727 = arith.addf %select_n3A_720, %select_n3A_726 : vector<16xf32>
      %swap3A_728 = arith.constant 0 : i32
      %swap3A_729 = arith.constant 0 : i32
      %swap3A_730 = arith.constant 0 : i32
      %swap3A_731 = tpu.memref_slice %run_scoped3A_8[%rem3A_156, %swap3A_729, %swap3A_730] : memref<2x8x128xf32, #tpu.memory_space<vmem>> -> memref<1x8x128xf32, #tpu.memory_space<vmem>>
      %swap3A_732 = tpu.memref_squeeze %swap3A_731 : memref<1x8x128xf32, #tpu.memory_space<vmem>> -> memref<8x128xf32, #tpu.memory_space<vmem>>
      %swap3A_733 = arith.index_cast %swap3A_728 : i32 to index
      %swap3A_734 = arith.constant 16 : index
      %swap3A_735 = tpu.vector_load %swap3A_732[%swap3A_733, %swap3A_734] {strides = array<i32>} : memref<8x128xf32, #tpu.memory_space<vmem>>, vector<1x16xf32>,
      %swap3A_736 = vector.shape_cast %swap3A_735 : vector<1x16xf32> to vector<16xf32>
      %swap3A_737 = vector.shape_cast %add3A_727 : vector<16xf32> to vector<1x16xf32>
      tpu.vector_store %swap3A_732[%swap3A_733, %swap3A_734], %swap3A_737 {strides = array<i32>} : memref<8x128xf32, #tpu.memory_space<vmem>>, vector<1x16xf32>,
      %eq3A_738 = arith.constant 1 : i32
      %eq3A_739 = vector.broadcast %eq3A_738 : i32 to vector<16xi32>
      %eq3A_740 = arith.cmpi eq, %select_n3A_704, %eq3A_739 : vector<16xi32>
      %jit3A_741 = arith.constant 0.000000e+00 : f32
      %broadcast_in_dim3A_742 = vector.broadcast %jit3A_741 : f32 to vector<16xf32>
      %select_n3A_743 = arith.select %eq3A_740, %div3A_713, %broadcast_in_dim3A_742 : vector<16xi1>, vector<16xf32>
      %eq3A_744 = arith.constant 1 : i32
      %eq3A_745 = vector.broadcast %eq3A_744 : i32 to vector<16xi32>
      %eq3A_746 = arith.cmpi eq, %select_n3A_699, %eq3A_745 : vector<16xi32>
      %jit3A_747 = arith.constant 0.000000e+00 : f32
      %broadcast_in_dim3A_748 = vector.broadcast %jit3A_747 : f32 to vector<16xf32>
      %select_n3A_749 = arith.select %eq3A_746, %mul3A_714, %broadcast_in_dim3A_748 : vector<16xi1>, vector<16xf32>
      %add3A_750 = arith.addf %select_n3A_743, %select_n3A_749 : vector<16xf32>
      %swap3A_751 = arith.constant 1 : i32
      %swap3A_752 = arith.constant 0 : i32
      %swap3A_753 = arith.constant 0 : i32
      %swap3A_754 = tpu.memref_slice %run_scoped3A_8[%rem3A_156, %swap3A_752, %swap3A_753] : memref<2x8x128xf32, #tpu.memory_space<vmem>> -> memref<1x8x128xf32, #tpu.memory_space<vmem>>
      %swap3A_755 = tpu.memref_squeeze %swap3A_754 : memref<1x8x128xf32, #tpu.memory_space<vmem>> -> memref<8x128xf32, #tpu.memory_space<vmem>>
      %swap3A_756 = arith.index_cast %swap3A_751 : i32 to index
      %swap3A_757 = arith.constant 16 : index
      %swap3A_758 = tpu.vector_load %swap3A_755[%swap3A_756, %swap3A_757] {strides = array<i32>} : memref<8x128xf32, #tpu.memory_space<vmem>>, vector<1x16xf32>,
      %swap3A_759 = vector.shape_cast %swap3A_758 : vector<1x16xf32> to vector<16xf32>
      %swap3A_760 = vector.shape_cast %add3A_750 : vector<16xf32> to vector<1x16xf32>
      tpu.vector_store %swap3A_755[%swap3A_756, %swap3A_757], %swap3A_760 {strides = array<i32>} : memref<8x128xf32, #tpu.memory_space<vmem>>, vector<1x16xf32>,
      %eq3A_761 = arith.constant 2 : i32
      %eq3A_762 = vector.broadcast %eq3A_761 : i32 to vector<16xi32>
      %eq3A_763 = arith.cmpi eq, %select_n3A_704, %eq3A_762 : vector<16xi32>
      %jit3A_764 = arith.constant 0.000000e+00 : f32
      %broadcast_in_dim3A_765 = vector.broadcast %jit3A_764 : f32 to vector<16xf32>
      %select_n3A_766 = arith.select %eq3A_763, %div3A_713, %broadcast_in_dim3A_765 : vector<16xi1>, vector<16xf32>
      %eq3A_767 = arith.constant 2 : i32
      %eq3A_768 = vector.broadcast %eq3A_767 : i32 to vector<16xi32>
      %eq3A_769 = arith.cmpi eq, %select_n3A_699, %eq3A_768 : vector<16xi32>
      %jit3A_770 = arith.constant 0.000000e+00 : f32
      %broadcast_in_dim3A_771 = vector.broadcast %jit3A_770 : f32 to vector<16xf32>
      %select_n3A_772 = arith.select %eq3A_769, %mul3A_714, %broadcast_in_dim3A_771 : vector<16xi1>, vector<16xf32>
      %add3A_773 = arith.addf %select_n3A_766, %select_n3A_772 : vector<16xf32>
      %swap3A_774 = arith.constant 2 : i32
      %swap3A_775 = arith.constant 0 : i32
      %swap3A_776 = arith.constant 0 : i32
      %swap3A_777 = tpu.memref_slice %run_scoped3A_8[%rem3A_156, %swap3A_775, %swap3A_776] : memref<2x8x128xf32, #tpu.memory_space<vmem>> -> memref<1x8x128xf32, #tpu.memory_space<vmem>>
      %swap3A_778 = tpu.memref_squeeze %swap3A_777 : memref<1x8x128xf32, #tpu.memory_space<vmem>> -> memref<8x128xf32, #tpu.memory_space<vmem>>
      %swap3A_779 = arith.index_cast %swap3A_774 : i32 to index
      %swap3A_780 = arith.constant 16 : index
      %swap3A_781 = tpu.vector_load %swap3A_778[%swap3A_779, %swap3A_780] {strides = array<i32>} : memref<8x128xf32, #tpu.memory_space<vmem>>, vector<1x16xf32>,
      %swap3A_782 = vector.shape_cast %swap3A_781 : vector<1x16xf32> to vector<16xf32>
      %swap3A_783 = vector.shape_cast %add3A_773 : vector<16xf32> to vector<1x16xf32>
      tpu.vector_store %swap3A_778[%swap3A_779, %swap3A_780], %swap3A_783 {strides = array<i32>} : memref<8x128xf32, #tpu.memory_space<vmem>>, vector<1x16xf32>,
      %eq3A_784 = arith.constant 3 : i32
      %eq3A_785 = vector.broadcast %eq3A_784 : i32 to vector<16xi32>
      %eq3A_786 = arith.cmpi eq, %select_n3A_704, %eq3A_785 : vector<16xi32>
      %jit3A_787 = arith.constant 0.000000e+00 : f32
      %broadcast_in_dim3A_788 = vector.broadcast %jit3A_787 : f32 to vector<16xf32>
      %select_n3A_789 = arith.select %eq3A_786, %div3A_713, %broadcast_in_dim3A_788 : vector<16xi1>, vector<16xf32>
      %eq3A_790 = arith.constant 3 : i32
      %eq3A_791 = vector.broadcast %eq3A_790 : i32 to vector<16xi32>
      %eq3A_792 = arith.cmpi eq, %select_n3A_699, %eq3A_791 : vector<16xi32>
      %jit3A_793 = arith.constant 0.000000e+00 : f32
      %broadcast_in_dim3A_794 = vector.broadcast %jit3A_793 : f32 to vector<16xf32>
      %select_n3A_795 = arith.select %eq3A_792, %mul3A_714, %broadcast_in_dim3A_794 : vector<16xi1>, vector<16xf32>
      %add3A_796 = arith.addf %select_n3A_789, %select_n3A_795 : vector<16xf32>
      %swap3A_797 = arith.constant 3 : i32
      %swap3A_798 = arith.constant 0 : i32
      %swap3A_799 = arith.constant 0 : i32
      %swap3A_800 = tpu.memref_slice %run_scoped3A_8[%rem3A_156, %swap3A_798, %swap3A_799] : memref<2x8x128xf32, #tpu.memory_space<vmem>> -> memref<1x8x128xf32, #tpu.memory_space<vmem>>
      %swap3A_801 = tpu.memref_squeeze %swap3A_800 : memref<1x8x128xf32, #tpu.memory_space<vmem>> -> memref<8x128xf32, #tpu.memory_space<vmem>>
      %swap3A_802 = arith.index_cast %swap3A_797 : i32 to index
      %swap3A_803 = arith.constant 16 : index
      %swap3A_804 = tpu.vector_load %swap3A_801[%swap3A_802, %swap3A_803] {strides = array<i32>} : memref<8x128xf32, #tpu.memory_space<vmem>>, vector<1x16xf32>,
      %swap3A_805 = vector.shape_cast %swap3A_804 : vector<1x16xf32> to vector<16xf32>
      %swap3A_806 = vector.shape_cast %add3A_796 : vector<16xf32> to vector<1x16xf32>
      tpu.vector_store %swap3A_801[%swap3A_802, %swap3A_803], %swap3A_806 {strides = array<i32>} : memref<8x128xf32, #tpu.memory_space<vmem>>, vector<1x16xf32>,
      %eq3A_807 = arith.constant 4 : i32
      %eq3A_808 = vector.broadcast %eq3A_807 : i32 to vector<16xi32>
      %eq3A_809 = arith.cmpi eq, %select_n3A_704, %eq3A_808 : vector<16xi32>
      %jit3A_810 = arith.constant 0.000000e+00 : f32
      %broadcast_in_dim3A_811 = vector.broadcast %jit3A_810 : f32 to vector<16xf32>
      %select_n3A_812 = arith.select %eq3A_809, %div3A_713, %broadcast_in_dim3A_811 : vector<16xi1>, vector<16xf32>
      %eq3A_813 = arith.constant 4 : i32
      %eq3A_814 = vector.broadcast %eq3A_813 : i32 to vector<16xi32>
      %eq3A_815 = arith.cmpi eq, %select_n3A_699, %eq3A_814 : vector<16xi32>
      %jit3A_816 = arith.constant 0.000000e+00 : f32
      %broadcast_in_dim3A_817 = vector.broadcast %jit3A_816 : f32 to vector<16xf32>
      %select_n3A_818 = arith.select %eq3A_815, %mul3A_714, %broadcast_in_dim3A_817 : vector<16xi1>, vector<16xf32>
      %add3A_819 = arith.addf %select_n3A_812, %select_n3A_818 : vector<16xf32>
      %swap3A_820 = arith.constant 4 : i32
      %swap3A_821 = arith.constant 0 : i32
      %swap3A_822 = arith.constant 0 : i32
      %swap3A_823 = tpu.memref_slice %run_scoped3A_8[%rem3A_156, %swap3A_821, %swap3A_822] : memref<2x8x128xf32, #tpu.memory_space<vmem>> -> memref<1x8x128xf32, #tpu.memory_space<vmem>>
      %swap3A_824 = tpu.memref_squeeze %swap3A_823 : memref<1x8x128xf32, #tpu.memory_space<vmem>> -> memref<8x128xf32, #tpu.memory_space<vmem>>
      %swap3A_825 = arith.index_cast %swap3A_820 : i32 to index
      %swap3A_826 = arith.constant 16 : index
      %swap3A_827 = tpu.vector_load %swap3A_824[%swap3A_825, %swap3A_826] {strides = array<i32>} : memref<8x128xf32, #tpu.memory_space<vmem>>, vector<1x16xf32>,
      %swap3A_828 = vector.shape_cast %swap3A_827 : vector<1x16xf32> to vector<16xf32>
      %swap3A_829 = vector.shape_cast %add3A_819 : vector<16xf32> to vector<1x16xf32>
      tpu.vector_store %swap3A_824[%swap3A_825, %swap3A_826], %swap3A_829 {strides = array<i32>} : memref<8x128xf32, #tpu.memory_space<vmem>>, vector<1x16xf32>,
      %eq3A_830 = arith.constant 5 : i32
      %eq3A_831 = vector.broadcast %eq3A_830 : i32 to vector<16xi32>
      %eq3A_832 = arith.cmpi eq, %select_n3A_704, %eq3A_831 : vector<16xi32>
      %jit3A_833 = arith.constant 0.000000e+00 : f32
      %broadcast_in_dim3A_834 = vector.broadcast %jit3A_833 : f32 to vector<16xf32>
      %select_n3A_835 = arith.select %eq3A_832, %div3A_713, %broadcast_in_dim3A_834 : vector<16xi1>, vector<16xf32>
      %eq3A_836 = arith.constant 5 : i32
      %eq3A_837 = vector.broadcast %eq3A_836 : i32 to vector<16xi32>
      %eq3A_838 = arith.cmpi eq, %select_n3A_699, %eq3A_837 : vector<16xi32>
      %jit3A_839 = arith.constant 0.000000e+00 : f32
      %broadcast_in_dim3A_840 = vector.broadcast %jit3A_839 : f32 to vector<16xf32>
      %select_n3A_841 = arith.select %eq3A_838, %mul3A_714, %broadcast_in_dim3A_840 : vector<16xi1>, vector<16xf32>
      %add3A_842 = arith.addf %select_n3A_835, %select_n3A_841 : vector<16xf32>
      %swap3A_843 = arith.constant 5 : i32
      %swap3A_844 = arith.constant 0 : i32
      %swap3A_845 = arith.constant 0 : i32
      %swap3A_846 = tpu.memref_slice %run_scoped3A_8[%rem3A_156, %swap3A_844, %swap3A_845] : memref<2x8x128xf32, #tpu.memory_space<vmem>> -> memref<1x8x128xf32, #tpu.memory_space<vmem>>
      %swap3A_847 = tpu.memref_squeeze %swap3A_846 : memref<1x8x128xf32, #tpu.memory_space<vmem>> -> memref<8x128xf32, #tpu.memory_space<vmem>>
      %swap3A_848 = arith.index_cast %swap3A_843 : i32 to index
      %swap3A_849 = arith.constant 16 : index
      %swap3A_850 = tpu.vector_load %swap3A_847[%swap3A_848, %swap3A_849] {strides = array<i32>} : memref<8x128xf32, #tpu.memory_space<vmem>>, vector<1x16xf32>,
      %swap3A_851 = vector.shape_cast %swap3A_850 : vector<1x16xf32> to vector<16xf32>
      %swap3A_852 = vector.shape_cast %add3A_842 : vector<16xf32> to vector<1x16xf32>
      tpu.vector_store %swap3A_847[%swap3A_848, %swap3A_849], %swap3A_852 {strides = array<i32>} : memref<8x128xf32, #tpu.memory_space<vmem>>, vector<1x16xf32>,
      %eq3A_853 = arith.constant 6 : i32
      %eq3A_854 = vector.broadcast %eq3A_853 : i32 to vector<16xi32>
      %eq3A_855 = arith.cmpi eq, %select_n3A_704, %eq3A_854 : vector<16xi32>
      %jit3A_856 = arith.constant 0.000000e+00 : f32
      %broadcast_in_dim3A_857 = vector.broadcast %jit3A_856 : f32 to vector<16xf32>
      %select_n3A_858 = arith.select %eq3A_855, %div3A_713, %broadcast_in_dim3A_857 : vector<16xi1>, vector<16xf32>
      %eq3A_859 = arith.constant 6 : i32
      %eq3A_860 = vector.broadcast %eq3A_859 : i32 to vector<16xi32>
      %eq3A_861 = arith.cmpi eq, %select_n3A_699, %eq3A_860 : vector<16xi32>
      %jit3A_862 = arith.constant 0.000000e+00 : f32
      %broadcast_in_dim3A_863 = vector.broadcast %jit3A_862 : f32 to vector<16xf32>
      %select_n3A_864 = arith.select %eq3A_861, %mul3A_714, %broadcast_in_dim3A_863 : vector<16xi1>, vector<16xf32>
      %add3A_865 = arith.addf %select_n3A_858, %select_n3A_864 : vector<16xf32>
      %swap3A_866 = arith.constant 6 : i32
      %swap3A_867 = arith.constant 0 : i32
      %swap3A_868 = arith.constant 0 : i32
      %swap3A_869 = tpu.memref_slice %run_scoped3A_8[%rem3A_156, %swap3A_867, %swap3A_868] : memref<2x8x128xf32, #tpu.memory_space<vmem>> -> memref<1x8x128xf32, #tpu.memory_space<vmem>>
      %swap3A_870 = tpu.memref_squeeze %swap3A_869 : memref<1x8x128xf32, #tpu.memory_space<vmem>> -> memref<8x128xf32, #tpu.memory_space<vmem>>
      %swap3A_871 = arith.index_cast %swap3A_866 : i32 to index
      %swap3A_872 = arith.constant 16 : index
      %swap3A_873 = tpu.vector_load %swap3A_870[%swap3A_871, %swap3A_872] {strides = array<i32>} : memref<8x128xf32, #tpu.memory_space<vmem>>, vector<1x16xf32>,
      %swap3A_874 = vector.shape_cast %swap3A_873 : vector<1x16xf32> to vector<16xf32>
      %swap3A_875 = vector.shape_cast %add3A_865 : vector<16xf32> to vector<1x16xf32>
      tpu.vector_store %swap3A_870[%swap3A_871, %swap3A_872], %swap3A_875 {strides = array<i32>} : memref<8x128xf32, #tpu.memory_space<vmem>>, vector<1x16xf32>,
      %eq3A_876 = arith.constant 7 : i32
      %eq3A_877 = vector.broadcast %eq3A_876 : i32 to vector<16xi32>
      %eq3A_878 = arith.cmpi eq, %select_n3A_704, %eq3A_877 : vector<16xi32>
      %jit3A_879 = arith.constant 0.000000e+00 : f32
      %broadcast_in_dim3A_880 = vector.broadcast %jit3A_879 : f32 to vector<16xf32>
      %select_n3A_881 = arith.select %eq3A_878, %div3A_713, %broadcast_in_dim3A_880 : vector<16xi1>, vector<16xf32>
      %eq3A_882 = arith.constant 7 : i32
      %eq3A_883 = vector.broadcast %eq3A_882 : i32 to vector<16xi32>
      %eq3A_884 = arith.cmpi eq, %select_n3A_699, %eq3A_883 : vector<16xi32>
      %jit3A_885 = arith.constant 0.000000e+00 : f32
      %broadcast_in_dim3A_886 = vector.broadcast %jit3A_885 : f32 to vector<16xf32>
      %select_n3A_887 = arith.select %eq3A_884, %mul3A_714, %broadcast_in_dim3A_886 : vector<16xi1>, vector<16xf32>
      %add3A_888 = arith.addf %select_n3A_881, %select_n3A_887 : vector<16xf32>
      %swap3A_889 = arith.constant 7 : i32
      %swap3A_890 = arith.constant 0 : i32
      %swap3A_891 = arith.constant 0 : i32
      %swap3A_892 = tpu.memref_slice %run_scoped3A_8[%rem3A_156, %swap3A_890, %swap3A_891] : memref<2x8x128xf32, #tpu.memory_space<vmem>> -> memref<1x8x128xf32, #tpu.memory_space<vmem>>
      %swap3A_893 = tpu.memref_squeeze %swap3A_892 : memref<1x8x128xf32, #tpu.memory_space<vmem>> -> memref<8x128xf32, #tpu.memory_space<vmem>>
      %swap3A_894 = arith.index_cast %swap3A_889 : i32 to index
      %swap3A_895 = arith.constant 16 : index
      %swap3A_896 = tpu.vector_load %swap3A_893[%swap3A_894, %swap3A_895] {strides = array<i32>} : memref<8x128xf32, #tpu.memory_space<vmem>>, vector<1x16xf32>,
      %swap3A_897 = vector.shape_cast %swap3A_896 : vector<1x16xf32> to vector<16xf32>
      %swap3A_898 = vector.shape_cast %add3A_888 : vector<16xf32> to vector<1x16xf32>
      tpu.vector_store %swap3A_893[%swap3A_894, %swap3A_895], %swap3A_898 {strides = array<i32>} : memref<8x128xf32, #tpu.memory_space<vmem>>, vector<1x16xf32>,
      %swap3A_899 = arith.constant 0 : i32
      %swap3A_900 = arith.constant 0 : i32
      %swap3A_901 = arith.constant 0 : i32
      %swap3A_902 = tpu.memref_slice %run_scoped3A_10[%rem3A_158, %swap3A_900, %swap3A_901] : memref<2x8x128xf32, #tpu.memory_space<vmem>> -> memref<1x8x128xf32, #tpu.memory_space<vmem>>
      %swap3A_903 = tpu.memref_squeeze %swap3A_902 : memref<1x8x128xf32, #tpu.memory_space<vmem>> -> memref<8x128xf32, #tpu.memory_space<vmem>>
      %swap3A_904 = arith.index_cast %swap3A_899 : i32 to index
      %swap3A_905 = arith.constant 16 : index
      %swap3A_906 = tpu.vector_load %swap3A_903[%swap3A_904, %swap3A_905] {strides = array<i32>} : memref<8x128xf32, #tpu.memory_space<vmem>>, vector<1x16xf32>,
      %swap3A_907 = vector.shape_cast %swap3A_906 : vector<1x16xf32> to vector<16xf32>
      %swap3A_908 = vector.shape_cast %sub3A_706 : vector<16xf32> to vector<1x16xf32>
      tpu.vector_store %swap3A_903[%swap3A_904, %swap3A_905], %swap3A_908 {strides = array<i32>} : memref<8x128xf32, #tpu.memory_space<vmem>>, vector<1x16xf32>,
      %broadcast_in_dim3A_909 = arith.constant -1.000000e+30 : f32
      %broadcast_in_dim3A_910 = vector.broadcast %broadcast_in_dim3A_909 : f32 to vector<16xf32>
      %broadcast_in_dim3A_911 = arith.constant -1.000000e+30 : f32
      %broadcast_in_dim3A_912 = vector.broadcast %broadcast_in_dim3A_911 : f32 to vector<16xf32>
      %broadcast_in_dim3A_913 = arith.constant 0 : i32
      %broadcast_in_dim3A_914 = vector.broadcast %broadcast_in_dim3A_913 : i32 to vector<16xi32>
      %broadcast_in_dim3A_915 = arith.constant 0 : i32
      %broadcast_in_dim3A_916 = vector.broadcast %broadcast_in_dim3A_915 : i32 to vector<16xi32>
      %get3A_917 = arith.constant 0 : i32
      %get3A_918 = arith.constant 0 : i32
      %get3A_919 = arith.constant 0 : i32
      %get3A_920 = tpu.memref_slice %run_scoped3A[%rem3A_154, %get3A_918, %get3A_919] : memref<2x8x128xf32, #tpu.memory_space<vmem>> -> memref<1x8x128xf32, #tpu.memory_space<vmem>>
      %get3A_921 = tpu.memref_squeeze %get3A_920 : memref<1x8x128xf32, #tpu.memory_space<vmem>> -> memref<8x128xf32, #tpu.memory_space<vmem>>
      %get3A_922 = arith.index_cast %get3A_917 : i32 to index
      %get3A_923 = arith.constant 32 : index
      %get3A_924 = tpu.vector_load %get3A_921[%get3A_922, %get3A_923] {strides = array<i32>} : memref<8x128xf32, #tpu.memory_space<vmem>>, vector<1x16xf32>,
      %get3A_925 = vector.shape_cast %get3A_924 : vector<1x16xf32> to vector<16xf32>
      %gt3A_926 = arith.cmpf ogt, %get3A_925, %broadcast_in_dim3A_910 : vector<16xf32>
      %gt3A_927 = arith.cmpf ogt, %get3A_925, %broadcast_in_dim3A_912 : vector<16xf32>
      %jit3A_928 = arith.constant 0 : i32
      %broadcast_in_dim3A_929 = vector.broadcast %jit3A_928 : i32 to vector<16xi32>
      %select_n3A_930 = arith.select %gt3A_927, %broadcast_in_dim3A_929, %broadcast_in_dim3A_916 : vector<16xi1>, vector<16xi32>
      %select_n3A_931 = arith.select %gt3A_926, %broadcast_in_dim3A_914, %select_n3A_930 : vector<16xi1>, vector<16xi32>
      %select_n3A_932 = arith.select %gt3A_927, %get3A_925, %broadcast_in_dim3A_912 : vector<16xi1>, vector<16xf32>
      %select_n3A_933 = arith.select %gt3A_926, %broadcast_in_dim3A_910, %select_n3A_932 : vector<16xi1>, vector<16xf32>
      %jit3A_934 = arith.constant 0 : i32
      %broadcast_in_dim3A_935 = vector.broadcast %jit3A_934 : i32 to vector<16xi32>
      %select_n3A_936 = arith.select %gt3A_926, %broadcast_in_dim3A_935, %broadcast_in_dim3A_914 : vector<16xi1>, vector<16xi32>
      %select_n3A_937 = arith.select %gt3A_926, %get3A_925, %broadcast_in_dim3A_910 : vector<16xi1>, vector<16xf32>
      %get3A_938 = arith.constant 1 : i32
      %get3A_939 = arith.constant 0 : i32
      %get3A_940 = arith.constant 0 : i32
      %get3A_941 = tpu.memref_slice %run_scoped3A[%rem3A_154, %get3A_939, %get3A_940] : memref<2x8x128xf32, #tpu.memory_space<vmem>> -> memref<1x8x128xf32, #tpu.memory_space<vmem>>
      %get3A_942 = tpu.memref_squeeze %get3A_941 : memref<1x8x128xf32, #tpu.memory_space<vmem>> -> memref<8x128xf32, #tpu.memory_space<vmem>>
      %get3A_943 = arith.index_cast %get3A_938 : i32 to index
      %get3A_944 = arith.constant 32 : index
      %get3A_945 = tpu.vector_load %get3A_942[%get3A_943, %get3A_944] {strides = array<i32>} : memref<8x128xf32, #tpu.memory_space<vmem>>, vector<1x16xf32>,
      %get3A_946 = vector.shape_cast %get3A_945 : vector<1x16xf32> to vector<16xf32>
      %gt3A_947 = arith.cmpf ogt, %get3A_946, %select_n3A_937 : vector<16xf32>
      %gt3A_948 = arith.cmpf ogt, %get3A_946, %select_n3A_933 : vector<16xf32>
      %jit3A_949 = arith.constant 1 : i32
      %broadcast_in_dim3A_950 = vector.broadcast %jit3A_949 : i32 to vector<16xi32>
      %select_n3A_951 = arith.select %gt3A_948, %broadcast_in_dim3A_950, %select_n3A_931 : vector<16xi1>, vector<16xi32>
      %select_n3A_952 = arith.select %gt3A_947, %select_n3A_936, %select_n3A_951 : vector<16xi1>, vector<16xi32>
      %select_n3A_953 = arith.select %gt3A_948, %get3A_946, %select_n3A_933 : vector<16xi1>, vector<16xf32>
      %select_n3A_954 = arith.select %gt3A_947, %select_n3A_937, %select_n3A_953 : vector<16xi1>, vector<16xf32>
      %jit3A_955 = arith.constant 1 : i32
      %broadcast_in_dim3A_956 = vector.broadcast %jit3A_955 : i32 to vector<16xi32>
      %select_n3A_957 = arith.select %gt3A_947, %broadcast_in_dim3A_956, %select_n3A_936 : vector<16xi1>, vector<16xi32>
      %select_n3A_958 = arith.select %gt3A_947, %get3A_946, %select_n3A_937 : vector<16xi1>, vector<16xf32>
      %get3A_959 = arith.constant 2 : i32
      %get3A_960 = arith.constant 0 : i32
      %get3A_961 = arith.constant 0 : i32
      %get3A_962 = tpu.memref_slice %run_scoped3A[%rem3A_154, %get3A_960, %get3A_961] : memref<2x8x128xf32, #tpu.memory_space<vmem>> -> memref<1x8x128xf32, #tpu.memory_space<vmem>>
      %get3A_963 = tpu.memref_squeeze %get3A_962 : memref<1x8x128xf32, #tpu.memory_space<vmem>> -> memref<8x128xf32, #tpu.memory_space<vmem>>
      %get3A_964 = arith.index_cast %get3A_959 : i32 to index
      %get3A_965 = arith.constant 32 : index
      %get3A_966 = tpu.vector_load %get3A_963[%get3A_964, %get3A_965] {strides = array<i32>} : memref<8x128xf32, #tpu.memory_space<vmem>>, vector<1x16xf32>,
      %get3A_967 = vector.shape_cast %get3A_966 : vector<1x16xf32> to vector<16xf32>
      %gt3A_968 = arith.cmpf ogt, %get3A_967, %select_n3A_958 : vector<16xf32>
      %gt3A_969 = arith.cmpf ogt, %get3A_967, %select_n3A_954 : vector<16xf32>
      %jit3A_970 = arith.constant 2 : i32
      %broadcast_in_dim3A_971 = vector.broadcast %jit3A_970 : i32 to vector<16xi32>
      %select_n3A_972 = arith.select %gt3A_969, %broadcast_in_dim3A_971, %select_n3A_952 : vector<16xi1>, vector<16xi32>
      %select_n3A_973 = arith.select %gt3A_968, %select_n3A_957, %select_n3A_972 : vector<16xi1>, vector<16xi32>
      %select_n3A_974 = arith.select %gt3A_969, %get3A_967, %select_n3A_954 : vector<16xi1>, vector<16xf32>
      %select_n3A_975 = arith.select %gt3A_968, %select_n3A_958, %select_n3A_974 : vector<16xi1>, vector<16xf32>
      %jit3A_976 = arith.constant 2 : i32
      %broadcast_in_dim3A_977 = vector.broadcast %jit3A_976 : i32 to vector<16xi32>
      %select_n3A_978 = arith.select %gt3A_968, %broadcast_in_dim3A_977, %select_n3A_957 : vector<16xi1>, vector<16xi32>
      %select_n3A_979 = arith.select %gt3A_968, %get3A_967, %select_n3A_958 : vector<16xi1>, vector<16xf32>
      %get3A_980 = arith.constant 3 : i32
      %get3A_981 = arith.constant 0 : i32
      %get3A_982 = arith.constant 0 : i32
      %get3A_983 = tpu.memref_slice %run_scoped3A[%rem3A_154, %get3A_981, %get3A_982] : memref<2x8x128xf32, #tpu.memory_space<vmem>> -> memref<1x8x128xf32, #tpu.memory_space<vmem>>
      %get3A_984 = tpu.memref_squeeze %get3A_983 : memref<1x8x128xf32, #tpu.memory_space<vmem>> -> memref<8x128xf32, #tpu.memory_space<vmem>>
      %get3A_985 = arith.index_cast %get3A_980 : i32 to index
      %get3A_986 = arith.constant 32 : index
      %get3A_987 = tpu.vector_load %get3A_984[%get3A_985, %get3A_986] {strides = array<i32>} : memref<8x128xf32, #tpu.memory_space<vmem>>, vector<1x16xf32>,
      %get3A_988 = vector.shape_cast %get3A_987 : vector<1x16xf32> to vector<16xf32>
      %gt3A_989 = arith.cmpf ogt, %get3A_988, %select_n3A_979 : vector<16xf32>
      %gt3A_990 = arith.cmpf ogt, %get3A_988, %select_n3A_975 : vector<16xf32>
      %jit3A_991 = arith.constant 3 : i32
      %broadcast_in_dim3A_992 = vector.broadcast %jit3A_991 : i32 to vector<16xi32>
      %select_n3A_993 = arith.select %gt3A_990, %broadcast_in_dim3A_992, %select_n3A_973 : vector<16xi1>, vector<16xi32>
      %select_n3A_994 = arith.select %gt3A_989, %select_n3A_978, %select_n3A_993 : vector<16xi1>, vector<16xi32>
      %select_n3A_995 = arith.select %gt3A_990, %get3A_988, %select_n3A_975 : vector<16xi1>, vector<16xf32>
      %select_n3A_996 = arith.select %gt3A_989, %select_n3A_979, %select_n3A_995 : vector<16xi1>, vector<16xf32>
      %jit3A_997 = arith.constant 3 : i32
      %broadcast_in_dim3A_998 = vector.broadcast %jit3A_997 : i32 to vector<16xi32>
      %select_n3A_999 = arith.select %gt3A_989, %broadcast_in_dim3A_998, %select_n3A_978 : vector<16xi1>, vector<16xi32>
      %select_n3A_1000 = arith.select %gt3A_989, %get3A_988, %select_n3A_979 : vector<16xi1>, vector<16xf32>
      %get3A_1001 = arith.constant 4 : i32
      %get3A_1002 = arith.constant 0 : i32
      %get3A_1003 = arith.constant 0 : i32
      %get3A_1004 = tpu.memref_slice %run_scoped3A[%rem3A_154, %get3A_1002, %get3A_1003] : memref<2x8x128xf32, #tpu.memory_space<vmem>> -> memref<1x8x128xf32, #tpu.memory_space<vmem>>
      %get3A_1005 = tpu.memref_squeeze %get3A_1004 : memref<1x8x128xf32, #tpu.memory_space<vmem>> -> memref<8x128xf32, #tpu.memory_space<vmem>>
      %get3A_1006 = arith.index_cast %get3A_1001 : i32 to index
      %get3A_1007 = arith.constant 32 : index
      %get3A_1008 = tpu.vector_load %get3A_1005[%get3A_1006, %get3A_1007] {strides = array<i32>} : memref<8x128xf32, #tpu.memory_space<vmem>>, vector<1x16xf32>,
      %get3A_1009 = vector.shape_cast %get3A_1008 : vector<1x16xf32> to vector<16xf32>
      %gt3A_1010 = arith.cmpf ogt, %get3A_1009, %select_n3A_1000 : vector<16xf32>
      %gt3A_1011 = arith.cmpf ogt, %get3A_1009, %select_n3A_996 : vector<16xf32>
      %jit3A_1012 = arith.constant 4 : i32
      %broadcast_in_dim3A_1013 = vector.broadcast %jit3A_1012 : i32 to vector<16xi32>
      %select_n3A_1014 = arith.select %gt3A_1011, %broadcast_in_dim3A_1013, %select_n3A_994 : vector<16xi1>, vector<16xi32>
      %select_n3A_1015 = arith.select %gt3A_1010, %select_n3A_999, %select_n3A_1014 : vector<16xi1>, vector<16xi32>
      %select_n3A_1016 = arith.select %gt3A_1011, %get3A_1009, %select_n3A_996 : vector<16xi1>, vector<16xf32>
      %select_n3A_1017 = arith.select %gt3A_1010, %select_n3A_1000, %select_n3A_1016 : vector<16xi1>, vector<16xf32>
      %jit3A_1018 = arith.constant 4 : i32
      %broadcast_in_dim3A_1019 = vector.broadcast %jit3A_1018 : i32 to vector<16xi32>
      %select_n3A_1020 = arith.select %gt3A_1010, %broadcast_in_dim3A_1019, %select_n3A_999 : vector<16xi1>, vector<16xi32>
      %select_n3A_1021 = arith.select %gt3A_1010, %get3A_1009, %select_n3A_1000 : vector<16xi1>, vector<16xf32>
      %get3A_1022 = arith.constant 5 : i32
      %get3A_1023 = arith.constant 0 : i32
      %get3A_1024 = arith.constant 0 : i32
      %get3A_1025 = tpu.memref_slice %run_scoped3A[%rem3A_154, %get3A_1023, %get3A_1024] : memref<2x8x128xf32, #tpu.memory_space<vmem>> -> memref<1x8x128xf32, #tpu.memory_space<vmem>>
      %get3A_1026 = tpu.memref_squeeze %get3A_1025 : memref<1x8x128xf32, #tpu.memory_space<vmem>> -> memref<8x128xf32, #tpu.memory_space<vmem>>
      %get3A_1027 = arith.index_cast %get3A_1022 : i32 to index
      %get3A_1028 = arith.constant 32 : index
      %get3A_1029 = tpu.vector_load %get3A_1026[%get3A_1027, %get3A_1028] {strides = array<i32>} : memref<8x128xf32, #tpu.memory_space<vmem>>, vector<1x16xf32>,
      %get3A_1030 = vector.shape_cast %get3A_1029 : vector<1x16xf32> to vector<16xf32>
      %gt3A_1031 = arith.cmpf ogt, %get3A_1030, %select_n3A_1021 : vector<16xf32>
      %gt3A_1032 = arith.cmpf ogt, %get3A_1030, %select_n3A_1017 : vector<16xf32>
      %jit3A_1033 = arith.constant 5 : i32
      %broadcast_in_dim3A_1034 = vector.broadcast %jit3A_1033 : i32 to vector<16xi32>
      %select_n3A_1035 = arith.select %gt3A_1032, %broadcast_in_dim3A_1034, %select_n3A_1015 : vector<16xi1>, vector<16xi32>
      %select_n3A_1036 = arith.select %gt3A_1031, %select_n3A_1020, %select_n3A_1035 : vector<16xi1>, vector<16xi32>
      %select_n3A_1037 = arith.select %gt3A_1032, %get3A_1030, %select_n3A_1017 : vector<16xi1>, vector<16xf32>
      %select_n3A_1038 = arith.select %gt3A_1031, %select_n3A_1021, %select_n3A_1037 : vector<16xi1>, vector<16xf32>
      %jit3A_1039 = arith.constant 5 : i32
      %broadcast_in_dim3A_1040 = vector.broadcast %jit3A_1039 : i32 to vector<16xi32>
      %select_n3A_1041 = arith.select %gt3A_1031, %broadcast_in_dim3A_1040, %select_n3A_1020 : vector<16xi1>, vector<16xi32>
      %select_n3A_1042 = arith.select %gt3A_1031, %get3A_1030, %select_n3A_1021 : vector<16xi1>, vector<16xf32>
      %get3A_1043 = arith.constant 6 : i32
      %get3A_1044 = arith.constant 0 : i32
      %get3A_1045 = arith.constant 0 : i32
      %get3A_1046 = tpu.memref_slice %run_scoped3A[%rem3A_154, %get3A_1044, %get3A_1045] : memref<2x8x128xf32, #tpu.memory_space<vmem>> -> memref<1x8x128xf32, #tpu.memory_space<vmem>>
      %get3A_1047 = tpu.memref_squeeze %get3A_1046 : memref<1x8x128xf32, #tpu.memory_space<vmem>> -> memref<8x128xf32, #tpu.memory_space<vmem>>
      %get3A_1048 = arith.index_cast %get3A_1043 : i32 to index
      %get3A_1049 = arith.constant 32 : index
      %get3A_1050 = tpu.vector_load %get3A_1047[%get3A_1048, %get3A_1049] {strides = array<i32>} : memref<8x128xf32, #tpu.memory_space<vmem>>, vector<1x16xf32>,
      %get3A_1051 = vector.shape_cast %get3A_1050 : vector<1x16xf32> to vector<16xf32>
      %gt3A_1052 = arith.cmpf ogt, %get3A_1051, %select_n3A_1042 : vector<16xf32>
      %gt3A_1053 = arith.cmpf ogt, %get3A_1051, %select_n3A_1038 : vector<16xf32>
      %jit3A_1054 = arith.constant 6 : i32
      %broadcast_in_dim3A_1055 = vector.broadcast %jit3A_1054 : i32 to vector<16xi32>
      %select_n3A_1056 = arith.select %gt3A_1053, %broadcast_in_dim3A_1055, %select_n3A_1036 : vector<16xi1>, vector<16xi32>
      %select_n3A_1057 = arith.select %gt3A_1052, %select_n3A_1041, %select_n3A_1056 : vector<16xi1>, vector<16xi32>
      %select_n3A_1058 = arith.select %gt3A_1053, %get3A_1051, %select_n3A_1038 : vector<16xi1>, vector<16xf32>
      %select_n3A_1059 = arith.select %gt3A_1052, %select_n3A_1042, %select_n3A_1058 : vector<16xi1>, vector<16xf32>
      %jit3A_1060 = arith.constant 6 : i32
      %broadcast_in_dim3A_1061 = vector.broadcast %jit3A_1060 : i32 to vector<16xi32>
      %select_n3A_1062 = arith.select %gt3A_1052, %broadcast_in_dim3A_1061, %select_n3A_1041 : vector<16xi1>, vector<16xi32>
      %select_n3A_1063 = arith.select %gt3A_1052, %get3A_1051, %select_n3A_1042 : vector<16xi1>, vector<16xf32>
      %get3A_1064 = arith.constant 7 : i32
      %get3A_1065 = arith.constant 0 : i32
      %get3A_1066 = arith.constant 0 : i32
      %get3A_1067 = tpu.memref_slice %run_scoped3A[%rem3A_154, %get3A_1065, %get3A_1066] : memref<2x8x128xf32, #tpu.memory_space<vmem>> -> memref<1x8x128xf32, #tpu.memory_space<vmem>>
      %get3A_1068 = tpu.memref_squeeze %get3A_1067 : memref<1x8x128xf32, #tpu.memory_space<vmem>> -> memref<8x128xf32, #tpu.memory_space<vmem>>
      %get3A_1069 = arith.index_cast %get3A_1064 : i32 to index
      %get3A_1070 = arith.constant 32 : index
      %get3A_1071 = tpu.vector_load %get3A_1068[%get3A_1069, %get3A_1070] {strides = array<i32>} : memref<8x128xf32, #tpu.memory_space<vmem>>, vector<1x16xf32>,
      %get3A_1072 = vector.shape_cast %get3A_1071 : vector<1x16xf32> to vector<16xf32>
      %gt3A_1073 = arith.cmpf ogt, %get3A_1072, %select_n3A_1063 : vector<16xf32>
      %gt3A_1074 = arith.cmpf ogt, %get3A_1072, %select_n3A_1059 : vector<16xf32>
      %jit3A_1075 = arith.constant 7 : i32
      %broadcast_in_dim3A_1076 = vector.broadcast %jit3A_1075 : i32 to vector<16xi32>
      %select_n3A_1077 = arith.select %gt3A_1074, %broadcast_in_dim3A_1076, %select_n3A_1057 : vector<16xi1>, vector<16xi32>
      %select_n3A_1078 = arith.select %gt3A_1073, %select_n3A_1062, %select_n3A_1077 : vector<16xi1>, vector<16xi32>
      %select_n3A_1079 = arith.select %gt3A_1074, %get3A_1072, %select_n3A_1059 : vector<16xi1>, vector<16xf32>
      %select_n3A_1080 = arith.select %gt3A_1073, %select_n3A_1063, %select_n3A_1079 : vector<16xi1>, vector<16xf32>
      %jit3A_1081 = arith.constant 7 : i32
      %broadcast_in_dim3A_1082 = vector.broadcast %jit3A_1081 : i32 to vector<16xi32>
      %select_n3A_1083 = arith.select %gt3A_1073, %broadcast_in_dim3A_1082, %select_n3A_1062 : vector<16xi1>, vector<16xi32>
      %select_n3A_1084 = arith.select %gt3A_1073, %get3A_1072, %select_n3A_1063 : vector<16xi1>, vector<16xf32>
      %sub3A_1085 = arith.subf %select_n3A_1080, %select_n3A_1084 : vector<16xf32>
      %exp3A_1086 = math.exp %sub3A_1085 : vector<16xf32>
      %add3A_1087 = arith.constant 1.000000e+00 : f32
      %add3A_1088 = vector.broadcast %add3A_1087 : f32 to vector<16xf32>
      %add3A_1089 = arith.addf %add3A_1088, %exp3A_1086 : vector<16xf32>
      %div3A_1090 = arith.constant 1.000000e+00 : f32
      %div3A_1091 = vector.broadcast %div3A_1090 : f32 to vector<16xf32>
      %div3A_1092 = arith.divf %div3A_1091, %add3A_1089 : vector<16xf32>
      %mul3A_1093 = arith.mulf %exp3A_1086, %div3A_1092 : vector<16xf32>
      %eq3A_1094 = arith.constant 0 : i32
      %eq3A_1095 = vector.broadcast %eq3A_1094 : i32 to vector<16xi32>
      %eq3A_1096 = arith.cmpi eq, %select_n3A_1083, %eq3A_1095 : vector<16xi32>
      %jit3A_1097 = arith.constant 0.000000e+00 : f32
      %broadcast_in_dim3A_1098 = vector.broadcast %jit3A_1097 : f32 to vector<16xf32>
      %select_n3A_1099 = arith.select %eq3A_1096, %div3A_1092, %broadcast_in_dim3A_1098 : vector<16xi1>, vector<16xf32>
      %eq3A_1100 = arith.constant 0 : i32
      %eq3A_1101 = vector.broadcast %eq3A_1100 : i32 to vector<16xi32>
      %eq3A_1102 = arith.cmpi eq, %select_n3A_1078, %eq3A_1101 : vector<16xi32>
      %jit3A_1103 = arith.constant 0.000000e+00 : f32
      %broadcast_in_dim3A_1104 = vector.broadcast %jit3A_1103 : f32 to vector<16xf32>
      %select_n3A_1105 = arith.select %eq3A_1102, %mul3A_1093, %broadcast_in_dim3A_1104 : vector<16xi1>, vector<16xf32>
      %add3A_1106 = arith.addf %select_n3A_1099, %select_n3A_1105 : vector<16xf32>
      %swap3A_1107 = arith.constant 0 : i32
      %swap3A_1108 = arith.constant 0 : i32
      %swap3A_1109 = arith.constant 0 : i32
      %swap3A_1110 = tpu.memref_slice %run_scoped3A_8[%rem3A_156, %swap3A_1108, %swap3A_1109] : memref<2x8x128xf32, #tpu.memory_space<vmem>> -> memref<1x8x128xf32, #tpu.memory_space<vmem>>
      %swap3A_1111 = tpu.memref_squeeze %swap3A_1110 : memref<1x8x128xf32, #tpu.memory_space<vmem>> -> memref<8x128xf32, #tpu.memory_space<vmem>>
      %swap3A_1112 = arith.index_cast %swap3A_1107 : i32 to index
      %swap3A_1113 = arith.constant 32 : index
      %swap3A_1114 = tpu.vector_load %swap3A_1111[%swap3A_1112, %swap3A_1113] {strides = array<i32>} : memref<8x128xf32, #tpu.memory_space<vmem>>, vector<1x16xf32>,
      %swap3A_1115 = vector.shape_cast %swap3A_1114 : vector<1x16xf32> to vector<16xf32>
      %swap3A_1116 = vector.shape_cast %add3A_1106 : vector<16xf32> to vector<1x16xf32>
      tpu.vector_store %swap3A_1111[%swap3A_1112, %swap3A_1113], %swap3A_1116 {strides = array<i32>} : memref<8x128xf32, #tpu.memory_space<vmem>>, vector<1x16xf32>,
      %eq3A_1117 = arith.constant 1 : i32
      %eq3A_1118 = vector.broadcast %eq3A_1117 : i32 to vector<16xi32>
      %eq3A_1119 = arith.cmpi eq, %select_n3A_1083, %eq3A_1118 : vector<16xi32>
      %jit3A_1120 = arith.constant 0.000000e+00 : f32
      %broadcast_in_dim3A_1121 = vector.broadcast %jit3A_1120 : f32 to vector<16xf32>
      %select_n3A_1122 = arith.select %eq3A_1119, %div3A_1092, %broadcast_in_dim3A_1121 : vector<16xi1>, vector<16xf32>
      %eq3A_1123 = arith.constant 1 : i32
      %eq3A_1124 = vector.broadcast %eq3A_1123 : i32 to vector<16xi32>
      %eq3A_1125 = arith.cmpi eq, %select_n3A_1078, %eq3A_1124 : vector<16xi32>
      %jit3A_1126 = arith.constant 0.000000e+00 : f32
      %broadcast_in_dim3A_1127 = vector.broadcast %jit3A_1126 : f32 to vector<16xf32>
      %select_n3A_1128 = arith.select %eq3A_1125, %mul3A_1093, %broadcast_in_dim3A_1127 : vector<16xi1>, vector<16xf32>
      %add3A_1129 = arith.addf %select_n3A_1122, %select_n3A_1128 : vector<16xf32>
      %swap3A_1130 = arith.constant 1 : i32
      %swap3A_1131 = arith.constant 0 : i32
      %swap3A_1132 = arith.constant 0 : i32
      %swap3A_1133 = tpu.memref_slice %run_scoped3A_8[%rem3A_156, %swap3A_1131, %swap3A_1132] : memref<2x8x128xf32, #tpu.memory_space<vmem>> -> memref<1x8x128xf32, #tpu.memory_space<vmem>>
      %swap3A_1134 = tpu.memref_squeeze %swap3A_1133 : memref<1x8x128xf32, #tpu.memory_space<vmem>> -> memref<8x128xf32, #tpu.memory_space<vmem>>
      %swap3A_1135 = arith.index_cast %swap3A_1130 : i32 to index
      %swap3A_1136 = arith.constant 32 : index
      %swap3A_1137 = tpu.vector_load %swap3A_1134[%swap3A_1135, %swap3A_1136] {strides = array<i32>} : memref<8x128xf32, #tpu.memory_space<vmem>>, vector<1x16xf32>,
      %swap3A_1138 = vector.shape_cast %swap3A_1137 : vector<1x16xf32> to vector<16xf32>
      %swap3A_1139 = vector.shape_cast %add3A_1129 : vector<16xf32> to vector<1x16xf32>
      tpu.vector_store %swap3A_1134[%swap3A_1135, %swap3A_1136], %swap3A_1139 {strides = array<i32>} : memref<8x128xf32, #tpu.memory_space<vmem>>, vector<1x16xf32>,
      %eq3A_1140 = arith.constant 2 : i32
      %eq3A_1141 = vector.broadcast %eq3A_1140 : i32 to vector<16xi32>
      %eq3A_1142 = arith.cmpi eq, %select_n3A_1083, %eq3A_1141 : vector<16xi32>
      %jit3A_1143 = arith.constant 0.000000e+00 : f32
      %broadcast_in_dim3A_1144 = vector.broadcast %jit3A_1143 : f32 to vector<16xf32>
      %select_n3A_1145 = arith.select %eq3A_1142, %div3A_1092, %broadcast_in_dim3A_1144 : vector<16xi1>, vector<16xf32>
      %eq3A_1146 = arith.constant 2 : i32
      %eq3A_1147 = vector.broadcast %eq3A_1146 : i32 to vector<16xi32>
      %eq3A_1148 = arith.cmpi eq, %select_n3A_1078, %eq3A_1147 : vector<16xi32>
      %jit3A_1149 = arith.constant 0.000000e+00 : f32
      %broadcast_in_dim3A_1150 = vector.broadcast %jit3A_1149 : f32 to vector<16xf32>
      %select_n3A_1151 = arith.select %eq3A_1148, %mul3A_1093, %broadcast_in_dim3A_1150 : vector<16xi1>, vector<16xf32>
      %add3A_1152 = arith.addf %select_n3A_1145, %select_n3A_1151 : vector<16xf32>
      %swap3A_1153 = arith.constant 2 : i32
      %swap3A_1154 = arith.constant 0 : i32
      %swap3A_1155 = arith.constant 0 : i32
      %swap3A_1156 = tpu.memref_slice %run_scoped3A_8[%rem3A_156, %swap3A_1154, %swap3A_1155] : memref<2x8x128xf32, #tpu.memory_space<vmem>> -> memref<1x8x128xf32, #tpu.memory_space<vmem>>
      %swap3A_1157 = tpu.memref_squeeze %swap3A_1156 : memref<1x8x128xf32, #tpu.memory_space<vmem>> -> memref<8x128xf32, #tpu.memory_space<vmem>>
      %swap3A_1158 = arith.index_cast %swap3A_1153 : i32 to index
      %swap3A_1159 = arith.constant 32 : index
      %swap3A_1160 = tpu.vector_load %swap3A_1157[%swap3A_1158, %swap3A_1159] {strides = array<i32>} : memref<8x128xf32, #tpu.memory_space<vmem>>, vector<1x16xf32>,
      %swap3A_1161 = vector.shape_cast %swap3A_1160 : vector<1x16xf32> to vector<16xf32>
      %swap3A_1162 = vector.shape_cast %add3A_1152 : vector<16xf32> to vector<1x16xf32>
      tpu.vector_store %swap3A_1157[%swap3A_1158, %swap3A_1159], %swap3A_1162 {strides = array<i32>} : memref<8x128xf32, #tpu.memory_space<vmem>>, vector<1x16xf32>,
      %eq3A_1163 = arith.constant 3 : i32
      %eq3A_1164 = vector.broadcast %eq3A_1163 : i32 to vector<16xi32>
      %eq3A_1165 = arith.cmpi eq, %select_n3A_1083, %eq3A_1164 : vector<16xi32>
      %jit3A_1166 = arith.constant 0.000000e+00 : f32
      %broadcast_in_dim3A_1167 = vector.broadcast %jit3A_1166 : f32 to vector<16xf32>
      %select_n3A_1168 = arith.select %eq3A_1165, %div3A_1092, %broadcast_in_dim3A_1167 : vector<16xi1>, vector<16xf32>
      %eq3A_1169 = arith.constant 3 : i32
      %eq3A_1170 = vector.broadcast %eq3A_1169 : i32 to vector<16xi32>
      %eq3A_1171 = arith.cmpi eq, %select_n3A_1078, %eq3A_1170 : vector<16xi32>
      %jit3A_1172 = arith.constant 0.000000e+00 : f32
      %broadcast_in_dim3A_1173 = vector.broadcast %jit3A_1172 : f32 to vector<16xf32>
      %select_n3A_1174 = arith.select %eq3A_1171, %mul3A_1093, %broadcast_in_dim3A_1173 : vector<16xi1>, vector<16xf32>
      %add3A_1175 = arith.addf %select_n3A_1168, %select_n3A_1174 : vector<16xf32>
      %swap3A_1176 = arith.constant 3 : i32
      %swap3A_1177 = arith.constant 0 : i32
      %swap3A_1178 = arith.constant 0 : i32
      %swap3A_1179 = tpu.memref_slice %run_scoped3A_8[%rem3A_156, %swap3A_1177, %swap3A_1178] : memref<2x8x128xf32, #tpu.memory_space<vmem>> -> memref<1x8x128xf32, #tpu.memory_space<vmem>>
      %swap3A_1180 = tpu.memref_squeeze %swap3A_1179 : memref<1x8x128xf32, #tpu.memory_space<vmem>> -> memref<8x128xf32, #tpu.memory_space<vmem>>
      %swap3A_1181 = arith.index_cast %swap3A_1176 : i32 to index
      %swap3A_1182 = arith.constant 32 : index
      %swap3A_1183 = tpu.vector_load %swap3A_1180[%swap3A_1181, %swap3A_1182] {strides = array<i32>} : memref<8x128xf32, #tpu.memory_space<vmem>>, vector<1x16xf32>,
      %swap3A_1184 = vector.shape_cast %swap3A_1183 : vector<1x16xf32> to vector<16xf32>
      %swap3A_1185 = vector.shape_cast %add3A_1175 : vector<16xf32> to vector<1x16xf32>
      tpu.vector_store %swap3A_1180[%swap3A_1181, %swap3A_1182], %swap3A_1185 {strides = array<i32>} : memref<8x128xf32, #tpu.memory_space<vmem>>, vector<1x16xf32>,
      %eq3A_1186 = arith.constant 4 : i32
      %eq3A_1187 = vector.broadcast %eq3A_1186 : i32 to vector<16xi32>
      %eq3A_1188 = arith.cmpi eq, %select_n3A_1083, %eq3A_1187 : vector<16xi32>
      %jit3A_1189 = arith.constant 0.000000e+00 : f32
      %broadcast_in_dim3A_1190 = vector.broadcast %jit3A_1189 : f32 to vector<16xf32>
      %select_n3A_1191 = arith.select %eq3A_1188, %div3A_1092, %broadcast_in_dim3A_1190 : vector<16xi1>, vector<16xf32>
      %eq3A_1192 = arith.constant 4 : i32
      %eq3A_1193 = vector.broadcast %eq3A_1192 : i32 to vector<16xi32>
      %eq3A_1194 = arith.cmpi eq, %select_n3A_1078, %eq3A_1193 : vector<16xi32>
      %jit3A_1195 = arith.constant 0.000000e+00 : f32
      %broadcast_in_dim3A_1196 = vector.broadcast %jit3A_1195 : f32 to vector<16xf32>
      %select_n3A_1197 = arith.select %eq3A_1194, %mul3A_1093, %broadcast_in_dim3A_1196 : vector<16xi1>, vector<16xf32>
      %add3A_1198 = arith.addf %select_n3A_1191, %select_n3A_1197 : vector<16xf32>
      %swap3A_1199 = arith.constant 4 : i32
      %swap3A_1200 = arith.constant 0 : i32
      %swap3A_1201 = arith.constant 0 : i32
      %swap3A_1202 = tpu.memref_slice %run_scoped3A_8[%rem3A_156, %swap3A_1200, %swap3A_1201] : memref<2x8x128xf32, #tpu.memory_space<vmem>> -> memref<1x8x128xf32, #tpu.memory_space<vmem>>
      %swap3A_1203 = tpu.memref_squeeze %swap3A_1202 : memref<1x8x128xf32, #tpu.memory_space<vmem>> -> memref<8x128xf32, #tpu.memory_space<vmem>>
      %swap3A_1204 = arith.index_cast %swap3A_1199 : i32 to index
      %swap3A_1205 = arith.constant 32 : index
      %swap3A_1206 = tpu.vector_load %swap3A_1203[%swap3A_1204, %swap3A_1205] {strides = array<i32>} : memref<8x128xf32, #tpu.memory_space<vmem>>, vector<1x16xf32>,
      %swap3A_1207 = vector.shape_cast %swap3A_1206 : vector<1x16xf32> to vector<16xf32>
      %swap3A_1208 = vector.shape_cast %add3A_1198 : vector<16xf32> to vector<1x16xf32>
      tpu.vector_store %swap3A_1203[%swap3A_1204, %swap3A_1205], %swap3A_1208 {strides = array<i32>} : memref<8x128xf32, #tpu.memory_space<vmem>>, vector<1x16xf32>,
      %eq3A_1209 = arith.constant 5 : i32
      %eq3A_1210 = vector.broadcast %eq3A_1209 : i32 to vector<16xi32>
      %eq3A_1211 = arith.cmpi eq, %select_n3A_1083, %eq3A_1210 : vector<16xi32>
      %jit3A_1212 = arith.constant 0.000000e+00 : f32
      %broadcast_in_dim3A_1213 = vector.broadcast %jit3A_1212 : f32 to vector<16xf32>
      %select_n3A_1214 = arith.select %eq3A_1211, %div3A_1092, %broadcast_in_dim3A_1213 : vector<16xi1>, vector<16xf32>
      %eq3A_1215 = arith.constant 5 : i32
      %eq3A_1216 = vector.broadcast %eq3A_1215 : i32 to vector<16xi32>
      %eq3A_1217 = arith.cmpi eq, %select_n3A_1078, %eq3A_1216 : vector<16xi32>
      %jit3A_1218 = arith.constant 0.000000e+00 : f32
      %broadcast_in_dim3A_1219 = vector.broadcast %jit3A_1218 : f32 to vector<16xf32>
      %select_n3A_1220 = arith.select %eq3A_1217, %mul3A_1093, %broadcast_in_dim3A_1219 : vector<16xi1>, vector<16xf32>
      %add3A_1221 = arith.addf %select_n3A_1214, %select_n3A_1220 : vector<16xf32>
      %swap3A_1222 = arith.constant 5 : i32
      %swap3A_1223 = arith.constant 0 : i32
      %swap3A_1224 = arith.constant 0 : i32
      %swap3A_1225 = tpu.memref_slice %run_scoped3A_8[%rem3A_156, %swap3A_1223, %swap3A_1224] : memref<2x8x128xf32, #tpu.memory_space<vmem>> -> memref<1x8x128xf32, #tpu.memory_space<vmem>>
      %swap3A_1226 = tpu.memref_squeeze %swap3A_1225 : memref<1x8x128xf32, #tpu.memory_space<vmem>> -> memref<8x128xf32, #tpu.memory_space<vmem>>
      %swap3A_1227 = arith.index_cast %swap3A_1222 : i32 to index
      %swap3A_1228 = arith.constant 32 : index
      %swap3A_1229 = tpu.vector_load %swap3A_1226[%swap3A_1227, %swap3A_1228] {strides = array<i32>} : memref<8x128xf32, #tpu.memory_space<vmem>>, vector<1x16xf32>,
      %swap3A_1230 = vector.shape_cast %swap3A_1229 : vector<1x16xf32> to vector<16xf32>
      %swap3A_1231 = vector.shape_cast %add3A_1221 : vector<16xf32> to vector<1x16xf32>
      tpu.vector_store %swap3A_1226[%swap3A_1227, %swap3A_1228], %swap3A_1231 {strides = array<i32>} : memref<8x128xf32, #tpu.memory_space<vmem>>, vector<1x16xf32>,
      %eq3A_1232 = arith.constant 6 : i32
      %eq3A_1233 = vector.broadcast %eq3A_1232 : i32 to vector<16xi32>
      %eq3A_1234 = arith.cmpi eq, %select_n3A_1083, %eq3A_1233 : vector<16xi32>
      %jit3A_1235 = arith.constant 0.000000e+00 : f32
      %broadcast_in_dim3A_1236 = vector.broadcast %jit3A_1235 : f32 to vector<16xf32>
      %select_n3A_1237 = arith.select %eq3A_1234, %div3A_1092, %broadcast_in_dim3A_1236 : vector<16xi1>, vector<16xf32>
      %eq3A_1238 = arith.constant 6 : i32
      %eq3A_1239 = vector.broadcast %eq3A_1238 : i32 to vector<16xi32>
      %eq3A_1240 = arith.cmpi eq, %select_n3A_1078, %eq3A_1239 : vector<16xi32>
      %jit3A_1241 = arith.constant 0.000000e+00 : f32
      %broadcast_in_dim3A_1242 = vector.broadcast %jit3A_1241 : f32 to vector<16xf32>
      %select_n3A_1243 = arith.select %eq3A_1240, %mul3A_1093, %broadcast_in_dim3A_1242 : vector<16xi1>, vector<16xf32>
      %add3A_1244 = arith.addf %select_n3A_1237, %select_n3A_1243 : vector<16xf32>
      %swap3A_1245 = arith.constant 6 : i32
      %swap3A_1246 = arith.constant 0 : i32
      %swap3A_1247 = arith.constant 0 : i32
      %swap3A_1248 = tpu.memref_slice %run_scoped3A_8[%rem3A_156, %swap3A_1246, %swap3A_1247] : memref<2x8x128xf32, #tpu.memory_space<vmem>> -> memref<1x8x128xf32, #tpu.memory_space<vmem>>
      %swap3A_1249 = tpu.memref_squeeze %swap3A_1248 : memref<1x8x128xf32, #tpu.memory_space<vmem>> -> memref<8x128xf32, #tpu.memory_space<vmem>>
      %swap3A_1250 = arith.index_cast %swap3A_1245 : i32 to index
      %swap3A_1251 = arith.constant 32 : index
      %swap3A_1252 = tpu.vector_load %swap3A_1249[%swap3A_1250, %swap3A_1251] {strides = array<i32>} : memref<8x128xf32, #tpu.memory_space<vmem>>, vector<1x16xf32>,
      %swap3A_1253 = vector.shape_cast %swap3A_1252 : vector<1x16xf32> to vector<16xf32>
      %swap3A_1254 = vector.shape_cast %add3A_1244 : vector<16xf32> to vector<1x16xf32>
      tpu.vector_store %swap3A_1249[%swap3A_1250, %swap3A_1251], %swap3A_1254 {strides = array<i32>} : memref<8x128xf32, #tpu.memory_space<vmem>>, vector<1x16xf32>,
      %eq3A_1255 = arith.constant 7 : i32
      %eq3A_1256 = vector.broadcast %eq3A_1255 : i32 to vector<16xi32>
      %eq3A_1257 = arith.cmpi eq, %select_n3A_1083, %eq3A_1256 : vector<16xi32>
      %jit3A_1258 = arith.constant 0.000000e+00 : f32
      %broadcast_in_dim3A_1259 = vector.broadcast %jit3A_1258 : f32 to vector<16xf32>
      %select_n3A_1260 = arith.select %eq3A_1257, %div3A_1092, %broadcast_in_dim3A_1259 : vector<16xi1>, vector<16xf32>
      %eq3A_1261 = arith.constant 7 : i32
      %eq3A_1262 = vector.broadcast %eq3A_1261 : i32 to vector<16xi32>
      %eq3A_1263 = arith.cmpi eq, %select_n3A_1078, %eq3A_1262 : vector<16xi32>
      %jit3A_1264 = arith.constant 0.000000e+00 : f32
      %broadcast_in_dim3A_1265 = vector.broadcast %jit3A_1264 : f32 to vector<16xf32>
      %select_n3A_1266 = arith.select %eq3A_1263, %mul3A_1093, %broadcast_in_dim3A_1265 : vector<16xi1>, vector<16xf32>
      %add3A_1267 = arith.addf %select_n3A_1260, %select_n3A_1266 : vector<16xf32>
      %swap3A_1268 = arith.constant 7 : i32
      %swap3A_1269 = arith.constant 0 : i32
      %swap3A_1270 = arith.constant 0 : i32
      %swap3A_1271 = tpu.memref_slice %run_scoped3A_8[%rem3A_156, %swap3A_1269, %swap3A_1270] : memref<2x8x128xf32, #tpu.memory_space<vmem>> -> memref<1x8x128xf32, #tpu.memory_space<vmem>>
      %swap3A_1272 = tpu.memref_squeeze %swap3A_1271 : memref<1x8x128xf32, #tpu.memory_space<vmem>> -> memref<8x128xf32, #tpu.memory_space<vmem>>
      %swap3A_1273 = arith.index_cast %swap3A_1268 : i32 to index
      %swap3A_1274 = arith.constant 32 : index
      %swap3A_1275 = tpu.vector_load %swap3A_1272[%swap3A_1273, %swap3A_1274] {strides = array<i32>} : memref<8x128xf32, #tpu.memory_space<vmem>>, vector<1x16xf32>,
      %swap3A_1276 = vector.shape_cast %swap3A_1275 : vector<1x16xf32> to vector<16xf32>
      %swap3A_1277 = vector.shape_cast %add3A_1267 : vector<16xf32> to vector<1x16xf32>
      tpu.vector_store %swap3A_1272[%swap3A_1273, %swap3A_1274], %swap3A_1277 {strides = array<i32>} : memref<8x128xf32, #tpu.memory_space<vmem>>, vector<1x16xf32>,
      %swap3A_1278 = arith.constant 0 : i32
      %swap3A_1279 = arith.constant 0 : i32
      %swap3A_1280 = arith.constant 0 : i32
      %swap3A_1281 = tpu.memref_slice %run_scoped3A_10[%rem3A_158, %swap3A_1279, %swap3A_1280] : memref<2x8x128xf32, #tpu.memory_space<vmem>> -> memref<1x8x128xf32, #tpu.memory_space<vmem>>
      %swap3A_1282 = tpu.memref_squeeze %swap3A_1281 : memref<1x8x128xf32, #tpu.memory_space<vmem>> -> memref<8x128xf32, #tpu.memory_space<vmem>>
      %swap3A_1283 = arith.index_cast %swap3A_1278 : i32 to index
      %swap3A_1284 = arith.constant 32 : index
      %swap3A_1285 = tpu.vector_load %swap3A_1282[%swap3A_1283, %swap3A_1284] {strides = array<i32>} : memref<8x128xf32, #tpu.memory_space<vmem>>, vector<1x16xf32>,
      %swap3A_1286 = vector.shape_cast %swap3A_1285 : vector<1x16xf32> to vector<16xf32>
      %swap3A_1287 = vector.shape_cast %sub3A_1085 : vector<16xf32> to vector<1x16xf32>
      tpu.vector_store %swap3A_1282[%swap3A_1283, %swap3A_1284], %swap3A_1287 {strides = array<i32>} : memref<8x128xf32, #tpu.memory_space<vmem>>, vector<1x16xf32>,
      %broadcast_in_dim3A_1288 = arith.constant -1.000000e+30 : f32
      %broadcast_in_dim3A_1289 = vector.broadcast %broadcast_in_dim3A_1288 : f32 to vector<16xf32>
      %broadcast_in_dim3A_1290 = arith.constant -1.000000e+30 : f32
      %broadcast_in_dim3A_1291 = vector.broadcast %broadcast_in_dim3A_1290 : f32 to vector<16xf32>
      %broadcast_in_dim3A_1292 = arith.constant 0 : i32
      %broadcast_in_dim3A_1293 = vector.broadcast %broadcast_in_dim3A_1292 : i32 to vector<16xi32>
      %broadcast_in_dim3A_1294 = arith.constant 0 : i32
      %broadcast_in_dim3A_1295 = vector.broadcast %broadcast_in_dim3A_1294 : i32 to vector<16xi32>
      %get3A_1296 = arith.constant 0 : i32
      %get3A_1297 = arith.constant 0 : i32
      %get3A_1298 = arith.constant 0 : i32
      %get3A_1299 = tpu.memref_slice %run_scoped3A[%rem3A_154, %get3A_1297, %get3A_1298] : memref<2x8x128xf32, #tpu.memory_space<vmem>> -> memref<1x8x128xf32, #tpu.memory_space<vmem>>
      %get3A_1300 = tpu.memref_squeeze %get3A_1299 : memref<1x8x128xf32, #tpu.memory_space<vmem>> -> memref<8x128xf32, #tpu.memory_space<vmem>>
      %get3A_1301 = arith.index_cast %get3A_1296 : i32 to index
      %get3A_1302 = arith.constant 48 : index
      %get3A_1303 = tpu.vector_load %get3A_1300[%get3A_1301, %get3A_1302] {strides = array<i32>} : memref<8x128xf32, #tpu.memory_space<vmem>>, vector<1x16xf32>,
      %get3A_1304 = vector.shape_cast %get3A_1303 : vector<1x16xf32> to vector<16xf32>
      %gt3A_1305 = arith.cmpf ogt, %get3A_1304, %broadcast_in_dim3A_1289 : vector<16xf32>
      %gt3A_1306 = arith.cmpf ogt, %get3A_1304, %broadcast_in_dim3A_1291 : vector<16xf32>
      %jit3A_1307 = arith.constant 0 : i32
      %broadcast_in_dim3A_1308 = vector.broadcast %jit3A_1307 : i32 to vector<16xi32>
      %select_n3A_1309 = arith.select %gt3A_1306, %broadcast_in_dim3A_1308, %broadcast_in_dim3A_1295 : vector<16xi1>, vector<16xi32>
      %select_n3A_1310 = arith.select %gt3A_1305, %broadcast_in_dim3A_1293, %select_n3A_1309 : vector<16xi1>, vector<16xi32>
      %select_n3A_1311 = arith.select %gt3A_1306, %get3A_1304, %broadcast_in_dim3A_1291 : vector<16xi1>, vector<16xf32>
      %select_n3A_1312 = arith.select %gt3A_1305, %broadcast_in_dim3A_1289, %select_n3A_1311 : vector<16xi1>, vector<16xf32>
      %jit3A_1313 = arith.constant 0 : i32
      %broadcast_in_dim3A_1314 = vector.broadcast %jit3A_1313 : i32 to vector<16xi32>
      %select_n3A_1315 = arith.select %gt3A_1305, %broadcast_in_dim3A_1314, %broadcast_in_dim3A_1293 : vector<16xi1>, vector<16xi32>
      %select_n3A_1316 = arith.select %gt3A_1305, %get3A_1304, %broadcast_in_dim3A_1289 : vector<16xi1>, vector<16xf32>
      %get3A_1317 = arith.constant 1 : i32
      %get3A_1318 = arith.constant 0 : i32
      %get3A_1319 = arith.constant 0 : i32
      %get3A_1320 = tpu.memref_slice %run_scoped3A[%rem3A_154, %get3A_1318, %get3A_1319] : memref<2x8x128xf32, #tpu.memory_space<vmem>> -> memref<1x8x128xf32, #tpu.memory_space<vmem>>
      %get3A_1321 = tpu.memref_squeeze %get3A_1320 : memref<1x8x128xf32, #tpu.memory_space<vmem>> -> memref<8x128xf32, #tpu.memory_space<vmem>>
      %get3A_1322 = arith.index_cast %get3A_1317 : i32 to index
      %get3A_1323 = arith.constant 48 : index
      %get3A_1324 = tpu.vector_load %get3A_1321[%get3A_1322, %get3A_1323] {strides = array<i32>} : memref<8x128xf32, #tpu.memory_space<vmem>>, vector<1x16xf32>,
      %get3A_1325 = vector.shape_cast %get3A_1324 : vector<1x16xf32> to vector<16xf32>
      %gt3A_1326 = arith.cmpf ogt, %get3A_1325, %select_n3A_1316 : vector<16xf32>
      %gt3A_1327 = arith.cmpf ogt, %get3A_1325, %select_n3A_1312 : vector<16xf32>
      %jit3A_1328 = arith.constant 1 : i32
      %broadcast_in_dim3A_1329 = vector.broadcast %jit3A_1328 : i32 to vector<16xi32>
      %select_n3A_1330 = arith.select %gt3A_1327, %broadcast_in_dim3A_1329, %select_n3A_1310 : vector<16xi1>, vector<16xi32>
      %select_n3A_1331 = arith.select %gt3A_1326, %select_n3A_1315, %select_n3A_1330 : vector<16xi1>, vector<16xi32>
      %select_n3A_1332 = arith.select %gt3A_1327, %get3A_1325, %select_n3A_1312 : vector<16xi1>, vector<16xf32>
      %select_n3A_1333 = arith.select %gt3A_1326, %select_n3A_1316, %select_n3A_1332 : vector<16xi1>, vector<16xf32>
      %jit3A_1334 = arith.constant 1 : i32
      %broadcast_in_dim3A_1335 = vector.broadcast %jit3A_1334 : i32 to vector<16xi32>
      %select_n3A_1336 = arith.select %gt3A_1326, %broadcast_in_dim3A_1335, %select_n3A_1315 : vector<16xi1>, vector<16xi32>
      %select_n3A_1337 = arith.select %gt3A_1326, %get3A_1325, %select_n3A_1316 : vector<16xi1>, vector<16xf32>
      %get3A_1338 = arith.constant 2 : i32
      %get3A_1339 = arith.constant 0 : i32
      %get3A_1340 = arith.constant 0 : i32
      %get3A_1341 = tpu.memref_slice %run_scoped3A[%rem3A_154, %get3A_1339, %get3A_1340] : memref<2x8x128xf32, #tpu.memory_space<vmem>> -> memref<1x8x128xf32, #tpu.memory_space<vmem>>
      %get3A_1342 = tpu.memref_squeeze %get3A_1341 : memref<1x8x128xf32, #tpu.memory_space<vmem>> -> memref<8x128xf32, #tpu.memory_space<vmem>>
      %get3A_1343 = arith.index_cast %get3A_1338 : i32 to index
      %get3A_1344 = arith.constant 48 : index
      %get3A_1345 = tpu.vector_load %get3A_1342[%get3A_1343, %get3A_1344] {strides = array<i32>} : memref<8x128xf32, #tpu.memory_space<vmem>>, vector<1x16xf32>,
      %get3A_1346 = vector.shape_cast %get3A_1345 : vector<1x16xf32> to vector<16xf32>
      %gt3A_1347 = arith.cmpf ogt, %get3A_1346, %select_n3A_1337 : vector<16xf32>
      %gt3A_1348 = arith.cmpf ogt, %get3A_1346, %select_n3A_1333 : vector<16xf32>
      %jit3A_1349 = arith.constant 2 : i32
      %broadcast_in_dim3A_1350 = vector.broadcast %jit3A_1349 : i32 to vector<16xi32>
      %select_n3A_1351 = arith.select %gt3A_1348, %broadcast_in_dim3A_1350, %select_n3A_1331 : vector<16xi1>, vector<16xi32>
      %select_n3A_1352 = arith.select %gt3A_1347, %select_n3A_1336, %select_n3A_1351 : vector<16xi1>, vector<16xi32>
      %select_n3A_1353 = arith.select %gt3A_1348, %get3A_1346, %select_n3A_1333 : vector<16xi1>, vector<16xf32>
      %select_n3A_1354 = arith.select %gt3A_1347, %select_n3A_1337, %select_n3A_1353 : vector<16xi1>, vector<16xf32>
      %jit3A_1355 = arith.constant 2 : i32
      %broadcast_in_dim3A_1356 = vector.broadcast %jit3A_1355 : i32 to vector<16xi32>
      %select_n3A_1357 = arith.select %gt3A_1347, %broadcast_in_dim3A_1356, %select_n3A_1336 : vector<16xi1>, vector<16xi32>
      %select_n3A_1358 = arith.select %gt3A_1347, %get3A_1346, %select_n3A_1337 : vector<16xi1>, vector<16xf32>
      %get3A_1359 = arith.constant 3 : i32
      %get3A_1360 = arith.constant 0 : i32
      %get3A_1361 = arith.constant 0 : i32
      %get3A_1362 = tpu.memref_slice %run_scoped3A[%rem3A_154, %get3A_1360, %get3A_1361] : memref<2x8x128xf32, #tpu.memory_space<vmem>> -> memref<1x8x128xf32, #tpu.memory_space<vmem>>
      %get3A_1363 = tpu.memref_squeeze %get3A_1362 : memref<1x8x128xf32, #tpu.memory_space<vmem>> -> memref<8x128xf32, #tpu.memory_space<vmem>>
      %get3A_1364 = arith.index_cast %get3A_1359 : i32 to index
      %get3A_1365 = arith.constant 48 : index
      %get3A_1366 = tpu.vector_load %get3A_1363[%get3A_1364, %get3A_1365] {strides = array<i32>} : memref<8x128xf32, #tpu.memory_space<vmem>>, vector<1x16xf32>,
      %get3A_1367 = vector.shape_cast %get3A_1366 : vector<1x16xf32> to vector<16xf32>
      %gt3A_1368 = arith.cmpf ogt, %get3A_1367, %select_n3A_1358 : vector<16xf32>
      %gt3A_1369 = arith.cmpf ogt, %get3A_1367, %select_n3A_1354 : vector<16xf32>
      %jit3A_1370 = arith.constant 3 : i32
      %broadcast_in_dim3A_1371 = vector.broadcast %jit3A_1370 : i32 to vector<16xi32>
      %select_n3A_1372 = arith.select %gt3A_1369, %broadcast_in_dim3A_1371, %select_n3A_1352 : vector<16xi1>, vector<16xi32>
      %select_n3A_1373 = arith.select %gt3A_1368, %select_n3A_1357, %select_n3A_1372 : vector<16xi1>, vector<16xi32>
      %select_n3A_1374 = arith.select %gt3A_1369, %get3A_1367, %select_n3A_1354 : vector<16xi1>, vector<16xf32>
      %select_n3A_1375 = arith.select %gt3A_1368, %select_n3A_1358, %select_n3A_1374 : vector<16xi1>, vector<16xf32>
      %jit3A_1376 = arith.constant 3 : i32
      %broadcast_in_dim3A_1377 = vector.broadcast %jit3A_1376 : i32 to vector<16xi32>
      %select_n3A_1378 = arith.select %gt3A_1368, %broadcast_in_dim3A_1377, %select_n3A_1357 : vector<16xi1>, vector<16xi32>
      %select_n3A_1379 = arith.select %gt3A_1368, %get3A_1367, %select_n3A_1358 : vector<16xi1>, vector<16xf32>
      %get3A_1380 = arith.constant 4 : i32
      %get3A_1381 = arith.constant 0 : i32
      %get3A_1382 = arith.constant 0 : i32
      %get3A_1383 = tpu.memref_slice %run_scoped3A[%rem3A_154, %get3A_1381, %get3A_1382] : memref<2x8x128xf32, #tpu.memory_space<vmem>> -> memref<1x8x128xf32, #tpu.memory_space<vmem>>
      %get3A_1384 = tpu.memref_squeeze %get3A_1383 : memref<1x8x128xf32, #tpu.memory_space<vmem>> -> memref<8x128xf32, #tpu.memory_space<vmem>>
      %get3A_1385 = arith.index_cast %get3A_1380 : i32 to index
      %get3A_1386 = arith.constant 48 : index
      %get3A_1387 = tpu.vector_load %get3A_1384[%get3A_1385, %get3A_1386] {strides = array<i32>} : memref<8x128xf32, #tpu.memory_space<vmem>>, vector<1x16xf32>,
      %get3A_1388 = vector.shape_cast %get3A_1387 : vector<1x16xf32> to vector<16xf32>
      %gt3A_1389 = arith.cmpf ogt, %get3A_1388, %select_n3A_1379 : vector<16xf32>
      %gt3A_1390 = arith.cmpf ogt, %get3A_1388, %select_n3A_1375 : vector<16xf32>
      %jit3A_1391 = arith.constant 4 : i32
      %broadcast_in_dim3A_1392 = vector.broadcast %jit3A_1391 : i32 to vector<16xi32>
      %select_n3A_1393 = arith.select %gt3A_1390, %broadcast_in_dim3A_1392, %select_n3A_1373 : vector<16xi1>, vector<16xi32>
      %select_n3A_1394 = arith.select %gt3A_1389, %select_n3A_1378, %select_n3A_1393 : vector<16xi1>, vector<16xi32>
      %select_n3A_1395 = arith.select %gt3A_1390, %get3A_1388, %select_n3A_1375 : vector<16xi1>, vector<16xf32>
      %select_n3A_1396 = arith.select %gt3A_1389, %select_n3A_1379, %select_n3A_1395 : vector<16xi1>, vector<16xf32>
      %jit3A_1397 = arith.constant 4 : i32
      %broadcast_in_dim3A_1398 = vector.broadcast %jit3A_1397 : i32 to vector<16xi32>
      %select_n3A_1399 = arith.select %gt3A_1389, %broadcast_in_dim3A_1398, %select_n3A_1378 : vector<16xi1>, vector<16xi32>
      %select_n3A_1400 = arith.select %gt3A_1389, %get3A_1388, %select_n3A_1379 : vector<16xi1>, vector<16xf32>
      %get3A_1401 = arith.constant 5 : i32
      %get3A_1402 = arith.constant 0 : i32
      %get3A_1403 = arith.constant 0 : i32
      %get3A_1404 = tpu.memref_slice %run_scoped3A[%rem3A_154, %get3A_1402, %get3A_1403] : memref<2x8x128xf32, #tpu.memory_space<vmem>> -> memref<1x8x128xf32, #tpu.memory_space<vmem>>
      %get3A_1405 = tpu.memref_squeeze %get3A_1404 : memref<1x8x128xf32, #tpu.memory_space<vmem>> -> memref<8x128xf32, #tpu.memory_space<vmem>>
      %get3A_1406 = arith.index_cast %get3A_1401 : i32 to index
      %get3A_1407 = arith.constant 48 : index
      %get3A_1408 = tpu.vector_load %get3A_1405[%get3A_1406, %get3A_1407] {strides = array<i32>} : memref<8x128xf32, #tpu.memory_space<vmem>>, vector<1x16xf32>,
      %get3A_1409 = vector.shape_cast %get3A_1408 : vector<1x16xf32> to vector<16xf32>
      %gt3A_1410 = arith.cmpf ogt, %get3A_1409, %select_n3A_1400 : vector<16xf32>
      %gt3A_1411 = arith.cmpf ogt, %get3A_1409, %select_n3A_1396 : vector<16xf32>
      %jit3A_1412 = arith.constant 5 : i32
      %broadcast_in_dim3A_1413 = vector.broadcast %jit3A_1412 : i32 to vector<16xi32>
      %select_n3A_1414 = arith.select %gt3A_1411, %broadcast_in_dim3A_1413, %select_n3A_1394 : vector<16xi1>, vector<16xi32>
      %select_n3A_1415 = arith.select %gt3A_1410, %select_n3A_1399, %select_n3A_1414 : vector<16xi1>, vector<16xi32>
      %select_n3A_1416 = arith.select %gt3A_1411, %get3A_1409, %select_n3A_1396 : vector<16xi1>, vector<16xf32>
      %select_n3A_1417 = arith.select %gt3A_1410, %select_n3A_1400, %select_n3A_1416 : vector<16xi1>, vector<16xf32>
      %jit3A_1418 = arith.constant 5 : i32
      %broadcast_in_dim3A_1419 = vector.broadcast %jit3A_1418 : i32 to vector<16xi32>
      %select_n3A_1420 = arith.select %gt3A_1410, %broadcast_in_dim3A_1419, %select_n3A_1399 : vector<16xi1>, vector<16xi32>
      %select_n3A_1421 = arith.select %gt3A_1410, %get3A_1409, %select_n3A_1400 : vector<16xi1>, vector<16xf32>
      %get3A_1422 = arith.constant 6 : i32
      %get3A_1423 = arith.constant 0 : i32
      %get3A_1424 = arith.constant 0 : i32
      %get3A_1425 = tpu.memref_slice %run_scoped3A[%rem3A_154, %get3A_1423, %get3A_1424] : memref<2x8x128xf32, #tpu.memory_space<vmem>> -> memref<1x8x128xf32, #tpu.memory_space<vmem>>
      %get3A_1426 = tpu.memref_squeeze %get3A_1425 : memref<1x8x128xf32, #tpu.memory_space<vmem>> -> memref<8x128xf32, #tpu.memory_space<vmem>>
      %get3A_1427 = arith.index_cast %get3A_1422 : i32 to index
      %get3A_1428 = arith.constant 48 : index
      %get3A_1429 = tpu.vector_load %get3A_1426[%get3A_1427, %get3A_1428] {strides = array<i32>} : memref<8x128xf32, #tpu.memory_space<vmem>>, vector<1x16xf32>,
      %get3A_1430 = vector.shape_cast %get3A_1429 : vector<1x16xf32> to vector<16xf32>
      %gt3A_1431 = arith.cmpf ogt, %get3A_1430, %select_n3A_1421 : vector<16xf32>
      %gt3A_1432 = arith.cmpf ogt, %get3A_1430, %select_n3A_1417 : vector<16xf32>
      %jit3A_1433 = arith.constant 6 : i32
      %broadcast_in_dim3A_1434 = vector.broadcast %jit3A_1433 : i32 to vector<16xi32>
      %select_n3A_1435 = arith.select %gt3A_1432, %broadcast_in_dim3A_1434, %select_n3A_1415 : vector<16xi1>, vector<16xi32>
      %select_n3A_1436 = arith.select %gt3A_1431, %select_n3A_1420, %select_n3A_1435 : vector<16xi1>, vector<16xi32>
      %select_n3A_1437 = arith.select %gt3A_1432, %get3A_1430, %select_n3A_1417 : vector<16xi1>, vector<16xf32>
      %select_n3A_1438 = arith.select %gt3A_1431, %select_n3A_1421, %select_n3A_1437 : vector<16xi1>, vector<16xf32>
      %jit3A_1439 = arith.constant 6 : i32
      %broadcast_in_dim3A_1440 = vector.broadcast %jit3A_1439 : i32 to vector<16xi32>
      %select_n3A_1441 = arith.select %gt3A_1431, %broadcast_in_dim3A_1440, %select_n3A_1420 : vector<16xi1>, vector<16xi32>
      %select_n3A_1442 = arith.select %gt3A_1431, %get3A_1430, %select_n3A_1421 : vector<16xi1>, vector<16xf32>
      %get3A_1443 = arith.constant 7 : i32
      %get3A_1444 = arith.constant 0 : i32
      %get3A_1445 = arith.constant 0 : i32
      %get3A_1446 = tpu.memref_slice %run_scoped3A[%rem3A_154, %get3A_1444, %get3A_1445] : memref<2x8x128xf32, #tpu.memory_space<vmem>> -> memref<1x8x128xf32, #tpu.memory_space<vmem>>
      %get3A_1447 = tpu.memref_squeeze %get3A_1446 : memref<1x8x128xf32, #tpu.memory_space<vmem>> -> memref<8x128xf32, #tpu.memory_space<vmem>>
      %get3A_1448 = arith.index_cast %get3A_1443 : i32 to index
      %get3A_1449 = arith.constant 48 : index
      %get3A_1450 = tpu.vector_load %get3A_1447[%get3A_1448, %get3A_1449] {strides = array<i32>} : memref<8x128xf32, #tpu.memory_space<vmem>>, vector<1x16xf32>,
      %get3A_1451 = vector.shape_cast %get3A_1450 : vector<1x16xf32> to vector<16xf32>
      %gt3A_1452 = arith.cmpf ogt, %get3A_1451, %select_n3A_1442 : vector<16xf32>
      %gt3A_1453 = arith.cmpf ogt, %get3A_1451, %select_n3A_1438 : vector<16xf32>
      %jit3A_1454 = arith.constant 7 : i32
      %broadcast_in_dim3A_1455 = vector.broadcast %jit3A_1454 : i32 to vector<16xi32>
      %select_n3A_1456 = arith.select %gt3A_1453, %broadcast_in_dim3A_1455, %select_n3A_1436 : vector<16xi1>, vector<16xi32>
      %select_n3A_1457 = arith.select %gt3A_1452, %select_n3A_1441, %select_n3A_1456 : vector<16xi1>, vector<16xi32>
      %select_n3A_1458 = arith.select %gt3A_1453, %get3A_1451, %select_n3A_1438 : vector<16xi1>, vector<16xf32>
      %select_n3A_1459 = arith.select %gt3A_1452, %select_n3A_1442, %select_n3A_1458 : vector<16xi1>, vector<16xf32>
      %jit3A_1460 = arith.constant 7 : i32
      %broadcast_in_dim3A_1461 = vector.broadcast %jit3A_1460 : i32 to vector<16xi32>
      %select_n3A_1462 = arith.select %gt3A_1452, %broadcast_in_dim3A_1461, %select_n3A_1441 : vector<16xi1>, vector<16xi32>
      %select_n3A_1463 = arith.select %gt3A_1452, %get3A_1451, %select_n3A_1442 : vector<16xi1>, vector<16xf32>
      %sub3A_1464 = arith.subf %select_n3A_1459, %select_n3A_1463 : vector<16xf32>
      %exp3A_1465 = math.exp %sub3A_1464 : vector<16xf32>
      %add3A_1466 = arith.constant 1.000000e+00 : f32
      %add3A_1467 = vector.broadcast %add3A_1466 : f32 to vector<16xf32>
      %add3A_1468 = arith.addf %add3A_1467, %exp3A_1465 : vector<16xf32>
      %div3A_1469 = arith.constant 1.000000e+00 : f32
      %div3A_1470 = vector.broadcast %div3A_1469 : f32 to vector<16xf32>
      %div3A_1471 = arith.divf %div3A_1470, %add3A_1468 : vector<16xf32>
      %mul3A_1472 = arith.mulf %exp3A_1465, %div3A_1471 : vector<16xf32>
      %eq3A_1473 = arith.constant 0 : i32
      %eq3A_1474 = vector.broadcast %eq3A_1473 : i32 to vector<16xi32>
      %eq3A_1475 = arith.cmpi eq, %select_n3A_1462, %eq3A_1474 : vector<16xi32>
      %jit3A_1476 = arith.constant 0.000000e+00 : f32
      %broadcast_in_dim3A_1477 = vector.broadcast %jit3A_1476 : f32 to vector<16xf32>
      %select_n3A_1478 = arith.select %eq3A_1475, %div3A_1471, %broadcast_in_dim3A_1477 : vector<16xi1>, vector<16xf32>
      %eq3A_1479 = arith.constant 0 : i32
      %eq3A_1480 = vector.broadcast %eq3A_1479 : i32 to vector<16xi32>
      %eq3A_1481 = arith.cmpi eq, %select_n3A_1457, %eq3A_1480 : vector<16xi32>
      %jit3A_1482 = arith.constant 0.000000e+00 : f32
      %broadcast_in_dim3A_1483 = vector.broadcast %jit3A_1482 : f32 to vector<16xf32>
      %select_n3A_1484 = arith.select %eq3A_1481, %mul3A_1472, %broadcast_in_dim3A_1483 : vector<16xi1>, vector<16xf32>
      %add3A_1485 = arith.addf %select_n3A_1478, %select_n3A_1484 : vector<16xf32>
      %swap3A_1486 = arith.constant 0 : i32
      %swap3A_1487 = arith.constant 0 : i32
      %swap3A_1488 = arith.constant 0 : i32
      %swap3A_1489 = tpu.memref_slice %run_scoped3A_8[%rem3A_156, %swap3A_1487, %swap3A_1488] : memref<2x8x128xf32, #tpu.memory_space<vmem>> -> memref<1x8x128xf32, #tpu.memory_space<vmem>>
      %swap3A_1490 = tpu.memref_squeeze %swap3A_1489 : memref<1x8x128xf32, #tpu.memory_space<vmem>> -> memref<8x128xf32, #tpu.memory_space<vmem>>
      %swap3A_1491 = arith.index_cast %swap3A_1486 : i32 to index
      %swap3A_1492 = arith.constant 48 : index
      %swap3A_1493 = tpu.vector_load %swap3A_1490[%swap3A_1491, %swap3A_1492] {strides = array<i32>} : memref<8x128xf32, #tpu.memory_space<vmem>>, vector<1x16xf32>,
      %swap3A_1494 = vector.shape_cast %swap3A_1493 : vector<1x16xf32> to vector<16xf32>
      %swap3A_1495 = vector.shape_cast %add3A_1485 : vector<16xf32> to vector<1x16xf32>
      tpu.vector_store %swap3A_1490[%swap3A_1491, %swap3A_1492], %swap3A_1495 {strides = array<i32>} : memref<8x128xf32, #tpu.memory_space<vmem>>, vector<1x16xf32>,
      %eq3A_1496 = arith.constant 1 : i32
      %eq3A_1497 = vector.broadcast %eq3A_1496 : i32 to vector<16xi32>
      %eq3A_1498 = arith.cmpi eq, %select_n3A_1462, %eq3A_1497 : vector<16xi32>
      %jit3A_1499 = arith.constant 0.000000e+00 : f32
      %broadcast_in_dim3A_1500 = vector.broadcast %jit3A_1499 : f32 to vector<16xf32>
      %select_n3A_1501 = arith.select %eq3A_1498, %div3A_1471, %broadcast_in_dim3A_1500 : vector<16xi1>, vector<16xf32>
      %eq3A_1502 = arith.constant 1 : i32
      %eq3A_1503 = vector.broadcast %eq3A_1502 : i32 to vector<16xi32>
      %eq3A_1504 = arith.cmpi eq, %select_n3A_1457, %eq3A_1503 : vector<16xi32>
      %jit3A_1505 = arith.constant 0.000000e+00 : f32
      %broadcast_in_dim3A_1506 = vector.broadcast %jit3A_1505 : f32 to vector<16xf32>
      %select_n3A_1507 = arith.select %eq3A_1504, %mul3A_1472, %broadcast_in_dim3A_1506 : vector<16xi1>, vector<16xf32>
      %add3A_1508 = arith.addf %select_n3A_1501, %select_n3A_1507 : vector<16xf32>
      %swap3A_1509 = arith.constant 1 : i32
      %swap3A_1510 = arith.constant 0 : i32
      %swap3A_1511 = arith.constant 0 : i32
      %swap3A_1512 = tpu.memref_slice %run_scoped3A_8[%rem3A_156, %swap3A_1510, %swap3A_1511] : memref<2x8x128xf32, #tpu.memory_space<vmem>> -> memref<1x8x128xf32, #tpu.memory_space<vmem>>
      %swap3A_1513 = tpu.memref_squeeze %swap3A_1512 : memref<1x8x128xf32, #tpu.memory_space<vmem>> -> memref<8x128xf32, #tpu.memory_space<vmem>>
      %swap3A_1514 = arith.index_cast %swap3A_1509 : i32 to index
      %swap3A_1515 = arith.constant 48 : index
      %swap3A_1516 = tpu.vector_load %swap3A_1513[%swap3A_1514, %swap3A_1515] {strides = array<i32>} : memref<8x128xf32, #tpu.memory_space<vmem>>, vector<1x16xf32>,
      %swap3A_1517 = vector.shape_cast %swap3A_1516 : vector<1x16xf32> to vector<16xf32>
      %swap3A_1518 = vector.shape_cast %add3A_1508 : vector<16xf32> to vector<1x16xf32>
      tpu.vector_store %swap3A_1513[%swap3A_1514, %swap3A_1515], %swap3A_1518 {strides = array<i32>} : memref<8x128xf32, #tpu.memory_space<vmem>>, vector<1x16xf32>,
      %eq3A_1519 = arith.constant 2 : i32
      %eq3A_1520 = vector.broadcast %eq3A_1519 : i32 to vector<16xi32>
      %eq3A_1521 = arith.cmpi eq, %select_n3A_1462, %eq3A_1520 : vector<16xi32>
      %jit3A_1522 = arith.constant 0.000000e+00 : f32
      %broadcast_in_dim3A_1523 = vector.broadcast %jit3A_1522 : f32 to vector<16xf32>
      %select_n3A_1524 = arith.select %eq3A_1521, %div3A_1471, %broadcast_in_dim3A_1523 : vector<16xi1>, vector<16xf32>
      %eq3A_1525 = arith.constant 2 : i32
      %eq3A_1526 = vector.broadcast %eq3A_1525 : i32 to vector<16xi32>
      %eq3A_1527 = arith.cmpi eq, %select_n3A_1457, %eq3A_1526 : vector<16xi32>
      %jit3A_1528 = arith.constant 0.000000e+00 : f32
      %broadcast_in_dim3A_1529 = vector.broadcast %jit3A_1528 : f32 to vector<16xf32>
      %select_n3A_1530 = arith.select %eq3A_1527, %mul3A_1472, %broadcast_in_dim3A_1529 : vector<16xi1>, vector<16xf32>
      %add3A_1531 = arith.addf %select_n3A_1524, %select_n3A_1530 : vector<16xf32>
      %swap3A_1532 = arith.constant 2 : i32
      %swap3A_1533 = arith.constant 0 : i32
      %swap3A_1534 = arith.constant 0 : i32
      %swap3A_1535 = tpu.memref_slice %run_scoped3A_8[%rem3A_156, %swap3A_1533, %swap3A_1534] : memref<2x8x128xf32, #tpu.memory_space<vmem>> -> memref<1x8x128xf32, #tpu.memory_space<vmem>>
      %swap3A_1536 = tpu.memref_squeeze %swap3A_1535 : memref<1x8x128xf32, #tpu.memory_space<vmem>> -> memref<8x128xf32, #tpu.memory_space<vmem>>
      %swap3A_1537 = arith.index_cast %swap3A_1532 : i32 to index
      %swap3A_1538 = arith.constant 48 : index
      %swap3A_1539 = tpu.vector_load %swap3A_1536[%swap3A_1537, %swap3A_1538] {strides = array<i32>} : memref<8x128xf32, #tpu.memory_space<vmem>>, vector<1x16xf32>,
      %swap3A_1540 = vector.shape_cast %swap3A_1539 : vector<1x16xf32> to vector<16xf32>
      %swap3A_1541 = vector.shape_cast %add3A_1531 : vector<16xf32> to vector<1x16xf32>
      tpu.vector_store %swap3A_1536[%swap3A_1537, %swap3A_1538], %swap3A_1541 {strides = array<i32>} : memref<8x128xf32, #tpu.memory_space<vmem>>, vector<1x16xf32>,
      %eq3A_1542 = arith.constant 3 : i32
      %eq3A_1543 = vector.broadcast %eq3A_1542 : i32 to vector<16xi32>
      %eq3A_1544 = arith.cmpi eq, %select_n3A_1462, %eq3A_1543 : vector<16xi32>
      %jit3A_1545 = arith.constant 0.000000e+00 : f32
      %broadcast_in_dim3A_1546 = vector.broadcast %jit3A_1545 : f32 to vector<16xf32>
      %select_n3A_1547 = arith.select %eq3A_1544, %div3A_1471, %broadcast_in_dim3A_1546 : vector<16xi1>, vector<16xf32>
      %eq3A_1548 = arith.constant 3 : i32
      %eq3A_1549 = vector.broadcast %eq3A_1548 : i32 to vector<16xi32>
      %eq3A_1550 = arith.cmpi eq, %select_n3A_1457, %eq3A_1549 : vector<16xi32>
      %jit3A_1551 = arith.constant 0.000000e+00 : f32
      %broadcast_in_dim3A_1552 = vector.broadcast %jit3A_1551 : f32 to vector<16xf32>
      %select_n3A_1553 = arith.select %eq3A_1550, %mul3A_1472, %broadcast_in_dim3A_1552 : vector<16xi1>, vector<16xf32>
      %add3A_1554 = arith.addf %select_n3A_1547, %select_n3A_1553 : vector<16xf32>
      %swap3A_1555 = arith.constant 3 : i32
      %swap3A_1556 = arith.constant 0 : i32
      %swap3A_1557 = arith.constant 0 : i32
      %swap3A_1558 = tpu.memref_slice %run_scoped3A_8[%rem3A_156, %swap3A_1556, %swap3A_1557] : memref<2x8x128xf32, #tpu.memory_space<vmem>> -> memref<1x8x128xf32, #tpu.memory_space<vmem>>
      %swap3A_1559 = tpu.memref_squeeze %swap3A_1558 : memref<1x8x128xf32, #tpu.memory_space<vmem>> -> memref<8x128xf32, #tpu.memory_space<vmem>>
      %swap3A_1560 = arith.index_cast %swap3A_1555 : i32 to index
      %swap3A_1561 = arith.constant 48 : index
      %swap3A_1562 = tpu.vector_load %swap3A_1559[%swap3A_1560, %swap3A_1561] {strides = array<i32>} : memref<8x128xf32, #tpu.memory_space<vmem>>, vector<1x16xf32>,
      %swap3A_1563 = vector.shape_cast %swap3A_1562 : vector<1x16xf32> to vector<16xf32>
      %swap3A_1564 = vector.shape_cast %add3A_1554 : vector<16xf32> to vector<1x16xf32>
      tpu.vector_store %swap3A_1559[%swap3A_1560, %swap3A_1561], %swap3A_1564 {strides = array<i32>} : memref<8x128xf32, #tpu.memory_space<vmem>>, vector<1x16xf32>,
      %eq3A_1565 = arith.constant 4 : i32
      %eq3A_1566 = vector.broadcast %eq3A_1565 : i32 to vector<16xi32>
      %eq3A_1567 = arith.cmpi eq, %select_n3A_1462, %eq3A_1566 : vector<16xi32>
      %jit3A_1568 = arith.constant 0.000000e+00 : f32
      %broadcast_in_dim3A_1569 = vector.broadcast %jit3A_1568 : f32 to vector<16xf32>
      %select_n3A_1570 = arith.select %eq3A_1567, %div3A_1471, %broadcast_in_dim3A_1569 : vector<16xi1>, vector<16xf32>
      %eq3A_1571 = arith.constant 4 : i32
      %eq3A_1572 = vector.broadcast %eq3A_1571 : i32 to vector<16xi32>
      %eq3A_1573 = arith.cmpi eq, %select_n3A_1457, %eq3A_1572 : vector<16xi32>
      %jit3A_1574 = arith.constant 0.000000e+00 : f32
      %broadcast_in_dim3A_1575 = vector.broadcast %jit3A_1574 : f32 to vector<16xf32>
      %select_n3A_1576 = arith.select %eq3A_1573, %mul3A_1472, %broadcast_in_dim3A_1575 : vector<16xi1>, vector<16xf32>
      %add3A_1577 = arith.addf %select_n3A_1570, %select_n3A_1576 : vector<16xf32>
      %swap3A_1578 = arith.constant 4 : i32
      %swap3A_1579 = arith.constant 0 : i32
      %swap3A_1580 = arith.constant 0 : i32
      %swap3A_1581 = tpu.memref_slice %run_scoped3A_8[%rem3A_156, %swap3A_1579, %swap3A_1580] : memref<2x8x128xf32, #tpu.memory_space<vmem>> -> memref<1x8x128xf32, #tpu.memory_space<vmem>>
      %swap3A_1582 = tpu.memref_squeeze %swap3A_1581 : memref<1x8x128xf32, #tpu.memory_space<vmem>> -> memref<8x128xf32, #tpu.memory_space<vmem>>
      %swap3A_1583 = arith.index_cast %swap3A_1578 : i32 to index
      %swap3A_1584 = arith.constant 48 : index
      %swap3A_1585 = tpu.vector_load %swap3A_1582[%swap3A_1583, %swap3A_1584] {strides = array<i32>} : memref<8x128xf32, #tpu.memory_space<vmem>>, vector<1x16xf32>,
      %swap3A_1586 = vector.shape_cast %swap3A_1585 : vector<1x16xf32> to vector<16xf32>
      %swap3A_1587 = vector.shape_cast %add3A_1577 : vector<16xf32> to vector<1x16xf32>
      tpu.vector_store %swap3A_1582[%swap3A_1583, %swap3A_1584], %swap3A_1587 {strides = array<i32>} : memref<8x128xf32, #tpu.memory_space<vmem>>, vector<1x16xf32>,
      %eq3A_1588 = arith.constant 5 : i32
      %eq3A_1589 = vector.broadcast %eq3A_1588 : i32 to vector<16xi32>
      %eq3A_1590 = arith.cmpi eq, %select_n3A_1462, %eq3A_1589 : vector<16xi32>
      %jit3A_1591 = arith.constant 0.000000e+00 : f32
      %broadcast_in_dim3A_1592 = vector.broadcast %jit3A_1591 : f32 to vector<16xf32>
      %select_n3A_1593 = arith.select %eq3A_1590, %div3A_1471, %broadcast_in_dim3A_1592 : vector<16xi1>, vector<16xf32>
      %eq3A_1594 = arith.constant 5 : i32
      %eq3A_1595 = vector.broadcast %eq3A_1594 : i32 to vector<16xi32>
      %eq3A_1596 = arith.cmpi eq, %select_n3A_1457, %eq3A_1595 : vector<16xi32>
      %jit3A_1597 = arith.constant 0.000000e+00 : f32
      %broadcast_in_dim3A_1598 = vector.broadcast %jit3A_1597 : f32 to vector<16xf32>
      %select_n3A_1599 = arith.select %eq3A_1596, %mul3A_1472, %broadcast_in_dim3A_1598 : vector<16xi1>, vector<16xf32>
      %add3A_1600 = arith.addf %select_n3A_1593, %select_n3A_1599 : vector<16xf32>
      %swap3A_1601 = arith.constant 5 : i32
      %swap3A_1602 = arith.constant 0 : i32
      %swap3A_1603 = arith.constant 0 : i32
      %swap3A_1604 = tpu.memref_slice %run_scoped3A_8[%rem3A_156, %swap3A_1602, %swap3A_1603] : memref<2x8x128xf32, #tpu.memory_space<vmem>> -> memref<1x8x128xf32, #tpu.memory_space<vmem>>
      %swap3A_1605 = tpu.memref_squeeze %swap3A_1604 : memref<1x8x128xf32, #tpu.memory_space<vmem>> -> memref<8x128xf32, #tpu.memory_space<vmem>>
      %swap3A_1606 = arith.index_cast %swap3A_1601 : i32 to index
      %swap3A_1607 = arith.constant 48 : index
      %swap3A_1608 = tpu.vector_load %swap3A_1605[%swap3A_1606, %swap3A_1607] {strides = array<i32>} : memref<8x128xf32, #tpu.memory_space<vmem>>, vector<1x16xf32>,
      %swap3A_1609 = vector.shape_cast %swap3A_1608 : vector<1x16xf32> to vector<16xf32>
      %swap3A_1610 = vector.shape_cast %add3A_1600 : vector<16xf32> to vector<1x16xf32>
      tpu.vector_store %swap3A_1605[%swap3A_1606, %swap3A_1607], %swap3A_1610 {strides = array<i32>} : memref<8x128xf32, #tpu.memory_space<vmem>>, vector<1x16xf32>,
      %eq3A_1611 = arith.constant 6 : i32
      %eq3A_1612 = vector.broadcast %eq3A_1611 : i32 to vector<16xi32>
      %eq3A_1613 = arith.cmpi eq, %select_n3A_1462, %eq3A_1612 : vector<16xi32>
      %jit3A_1614 = arith.constant 0.000000e+00 : f32
      %broadcast_in_dim3A_1615 = vector.broadcast %jit3A_1614 : f32 to vector<16xf32>
      %select_n3A_1616 = arith.select %eq3A_1613, %div3A_1471, %broadcast_in_dim3A_1615 : vector<16xi1>, vector<16xf32>
      %eq3A_1617 = arith.constant 6 : i32
      %eq3A_1618 = vector.broadcast %eq3A_1617 : i32 to vector<16xi32>
      %eq3A_1619 = arith.cmpi eq, %select_n3A_1457, %eq3A_1618 : vector<16xi32>
      %jit3A_1620 = arith.constant 0.000000e+00 : f32
      %broadcast_in_dim3A_1621 = vector.broadcast %jit3A_1620 : f32 to vector<16xf32>
      %select_n3A_1622 = arith.select %eq3A_1619, %mul3A_1472, %broadcast_in_dim3A_1621 : vector<16xi1>, vector<16xf32>
      %add3A_1623 = arith.addf %select_n3A_1616, %select_n3A_1622 : vector<16xf32>
      %swap3A_1624 = arith.constant 6 : i32
      %swap3A_1625 = arith.constant 0 : i32
      %swap3A_1626 = arith.constant 0 : i32
      %swap3A_1627 = tpu.memref_slice %run_scoped3A_8[%rem3A_156, %swap3A_1625, %swap3A_1626] : memref<2x8x128xf32, #tpu.memory_space<vmem>> -> memref<1x8x128xf32, #tpu.memory_space<vmem>>
      %swap3A_1628 = tpu.memref_squeeze %swap3A_1627 : memref<1x8x128xf32, #tpu.memory_space<vmem>> -> memref<8x128xf32, #tpu.memory_space<vmem>>
      %swap3A_1629 = arith.index_cast %swap3A_1624 : i32 to index
      %swap3A_1630 = arith.constant 48 : index
      %swap3A_1631 = tpu.vector_load %swap3A_1628[%swap3A_1629, %swap3A_1630] {strides = array<i32>} : memref<8x128xf32, #tpu.memory_space<vmem>>, vector<1x16xf32>,
      %swap3A_1632 = vector.shape_cast %swap3A_1631 : vector<1x16xf32> to vector<16xf32>
      %swap3A_1633 = vector.shape_cast %add3A_1623 : vector<16xf32> to vector<1x16xf32>
      tpu.vector_store %swap3A_1628[%swap3A_1629, %swap3A_1630], %swap3A_1633 {strides = array<i32>} : memref<8x128xf32, #tpu.memory_space<vmem>>, vector<1x16xf32>,
      %eq3A_1634 = arith.constant 7 : i32
      %eq3A_1635 = vector.broadcast %eq3A_1634 : i32 to vector<16xi32>
      %eq3A_1636 = arith.cmpi eq, %select_n3A_1462, %eq3A_1635 : vector<16xi32>
      %jit3A_1637 = arith.constant 0.000000e+00 : f32
      %broadcast_in_dim3A_1638 = vector.broadcast %jit3A_1637 : f32 to vector<16xf32>
      %select_n3A_1639 = arith.select %eq3A_1636, %div3A_1471, %broadcast_in_dim3A_1638 : vector<16xi1>, vector<16xf32>
      %eq3A_1640 = arith.constant 7 : i32
      %eq3A_1641 = vector.broadcast %eq3A_1640 : i32 to vector<16xi32>
      %eq3A_1642 = arith.cmpi eq, %select_n3A_1457, %eq3A_1641 : vector<16xi32>
      %jit3A_1643 = arith.constant 0.000000e+00 : f32
      %broadcast_in_dim3A_1644 = vector.broadcast %jit3A_1643 : f32 to vector<16xf32>
      %select_n3A_1645 = arith.select %eq3A_1642, %mul3A_1472, %broadcast_in_dim3A_1644 : vector<16xi1>, vector<16xf32>
      %add3A_1646 = arith.addf %select_n3A_1639, %select_n3A_1645 : vector<16xf32>
      %swap3A_1647 = arith.constant 7 : i32
      %swap3A_1648 = arith.constant 0 : i32
      %swap3A_1649 = arith.constant 0 : i32
      %swap3A_1650 = tpu.memref_slice %run_scoped3A_8[%rem3A_156, %swap3A_1648, %swap3A_1649] : memref<2x8x128xf32, #tpu.memory_space<vmem>> -> memref<1x8x128xf32, #tpu.memory_space<vmem>>
      %swap3A_1651 = tpu.memref_squeeze %swap3A_1650 : memref<1x8x128xf32, #tpu.memory_space<vmem>> -> memref<8x128xf32, #tpu.memory_space<vmem>>
      %swap3A_1652 = arith.index_cast %swap3A_1647 : i32 to index
      %swap3A_1653 = arith.constant 48 : index
      %swap3A_1654 = tpu.vector_load %swap3A_1651[%swap3A_1652, %swap3A_1653] {strides = array<i32>} : memref<8x128xf32, #tpu.memory_space<vmem>>, vector<1x16xf32>,
      %swap3A_1655 = vector.shape_cast %swap3A_1654 : vector<1x16xf32> to vector<16xf32>
      %swap3A_1656 = vector.shape_cast %add3A_1646 : vector<16xf32> to vector<1x16xf32>
      tpu.vector_store %swap3A_1651[%swap3A_1652, %swap3A_1653], %swap3A_1656 {strides = array<i32>} : memref<8x128xf32, #tpu.memory_space<vmem>>, vector<1x16xf32>,
      %swap3A_1657 = arith.constant 0 : i32
      %swap3A_1658 = arith.constant 0 : i32
      %swap3A_1659 = arith.constant 0 : i32
      %swap3A_1660 = tpu.memref_slice %run_scoped3A_10[%rem3A_158, %swap3A_1658, %swap3A_1659] : memref<2x8x128xf32, #tpu.memory_space<vmem>> -> memref<1x8x128xf32, #tpu.memory_space<vmem>>
      %swap3A_1661 = tpu.memref_squeeze %swap3A_1660 : memref<1x8x128xf32, #tpu.memory_space<vmem>> -> memref<8x128xf32, #tpu.memory_space<vmem>>
      %swap3A_1662 = arith.index_cast %swap3A_1657 : i32 to index
      %swap3A_1663 = arith.constant 48 : index
      %swap3A_1664 = tpu.vector_load %swap3A_1661[%swap3A_1662, %swap3A_1663] {strides = array<i32>} : memref<8x128xf32, #tpu.memory_space<vmem>>, vector<1x16xf32>,
      %swap3A_1665 = vector.shape_cast %swap3A_1664 : vector<1x16xf32> to vector<16xf32>
      %swap3A_1666 = vector.shape_cast %sub3A_1464 : vector<16xf32> to vector<1x16xf32>
      tpu.vector_store %swap3A_1661[%swap3A_1662, %swap3A_1663], %swap3A_1666 {strides = array<i32>} : memref<8x128xf32, #tpu.memory_space<vmem>>, vector<1x16xf32>,
      %broadcast_in_dim3A_1667 = arith.constant -1.000000e+30 : f32
      %broadcast_in_dim3A_1668 = vector.broadcast %broadcast_in_dim3A_1667 : f32 to vector<16xf32>
      %broadcast_in_dim3A_1669 = arith.constant -1.000000e+30 : f32
      %broadcast_in_dim3A_1670 = vector.broadcast %broadcast_in_dim3A_1669 : f32 to vector<16xf32>
      %broadcast_in_dim3A_1671 = arith.constant 0 : i32
      %broadcast_in_dim3A_1672 = vector.broadcast %broadcast_in_dim3A_1671 : i32 to vector<16xi32>
      %broadcast_in_dim3A_1673 = arith.constant 0 : i32
      %broadcast_in_dim3A_1674 = vector.broadcast %broadcast_in_dim3A_1673 : i32 to vector<16xi32>
      %get3A_1675 = arith.constant 0 : i32
      %get3A_1676 = arith.constant 0 : i32
      %get3A_1677 = arith.constant 0 : i32
      %get3A_1678 = tpu.memref_slice %run_scoped3A[%rem3A_154, %get3A_1676, %get3A_1677] : memref<2x8x128xf32, #tpu.memory_space<vmem>> -> memref<1x8x128xf32, #tpu.memory_space<vmem>>
      %get3A_1679 = tpu.memref_squeeze %get3A_1678 : memref<1x8x128xf32, #tpu.memory_space<vmem>> -> memref<8x128xf32, #tpu.memory_space<vmem>>
      %get3A_1680 = arith.index_cast %get3A_1675 : i32 to index
      %get3A_1681 = arith.constant 64 : index
      %get3A_1682 = tpu.vector_load %get3A_1679[%get3A_1680, %get3A_1681] {strides = array<i32>} : memref<8x128xf32, #tpu.memory_space<vmem>>, vector<1x16xf32>,
      %get3A_1683 = vector.shape_cast %get3A_1682 : vector<1x16xf32> to vector<16xf32>
      %gt3A_1684 = arith.cmpf ogt, %get3A_1683, %broadcast_in_dim3A_1668 : vector<16xf32>
      %gt3A_1685 = arith.cmpf ogt, %get3A_1683, %broadcast_in_dim3A_1670 : vector<16xf32>
      %jit3A_1686 = arith.constant 0 : i32
      %broadcast_in_dim3A_1687 = vector.broadcast %jit3A_1686 : i32 to vector<16xi32>
      %select_n3A_1688 = arith.select %gt3A_1685, %broadcast_in_dim3A_1687, %broadcast_in_dim3A_1674 : vector<16xi1>, vector<16xi32>
      %select_n3A_1689 = arith.select %gt3A_1684, %broadcast_in_dim3A_1672, %select_n3A_1688 : vector<16xi1>, vector<16xi32>
      %select_n3A_1690 = arith.select %gt3A_1685, %get3A_1683, %broadcast_in_dim3A_1670 : vector<16xi1>, vector<16xf32>
      %select_n3A_1691 = arith.select %gt3A_1684, %broadcast_in_dim3A_1668, %select_n3A_1690 : vector<16xi1>, vector<16xf32>
      %jit3A_1692 = arith.constant 0 : i32
      %broadcast_in_dim3A_1693 = vector.broadcast %jit3A_1692 : i32 to vector<16xi32>
      %select_n3A_1694 = arith.select %gt3A_1684, %broadcast_in_dim3A_1693, %broadcast_in_dim3A_1672 : vector<16xi1>, vector<16xi32>
      %select_n3A_1695 = arith.select %gt3A_1684, %get3A_1683, %broadcast_in_dim3A_1668 : vector<16xi1>, vector<16xf32>
      %get3A_1696 = arith.constant 1 : i32
      %get3A_1697 = arith.constant 0 : i32
      %get3A_1698 = arith.constant 0 : i32
      %get3A_1699 = tpu.memref_slice %run_scoped3A[%rem3A_154, %get3A_1697, %get3A_1698] : memref<2x8x128xf32, #tpu.memory_space<vmem>> -> memref<1x8x128xf32, #tpu.memory_space<vmem>>
      %get3A_1700 = tpu.memref_squeeze %get3A_1699 : memref<1x8x128xf32, #tpu.memory_space<vmem>> -> memref<8x128xf32, #tpu.memory_space<vmem>>
      %get3A_1701 = arith.index_cast %get3A_1696 : i32 to index
      %get3A_1702 = arith.constant 64 : index
      %get3A_1703 = tpu.vector_load %get3A_1700[%get3A_1701, %get3A_1702] {strides = array<i32>} : memref<8x128xf32, #tpu.memory_space<vmem>>, vector<1x16xf32>,
      %get3A_1704 = vector.shape_cast %get3A_1703 : vector<1x16xf32> to vector<16xf32>
      %gt3A_1705 = arith.cmpf ogt, %get3A_1704, %select_n3A_1695 : vector<16xf32>
      %gt3A_1706 = arith.cmpf ogt, %get3A_1704, %select_n3A_1691 : vector<16xf32>
      %jit3A_1707 = arith.constant 1 : i32
      %broadcast_in_dim3A_1708 = vector.broadcast %jit3A_1707 : i32 to vector<16xi32>
      %select_n3A_1709 = arith.select %gt3A_1706, %broadcast_in_dim3A_1708, %select_n3A_1689 : vector<16xi1>, vector<16xi32>
      %select_n3A_1710 = arith.select %gt3A_1705, %select_n3A_1694, %select_n3A_1709 : vector<16xi1>, vector<16xi32>
      %select_n3A_1711 = arith.select %gt3A_1706, %get3A_1704, %select_n3A_1691 : vector<16xi1>, vector<16xf32>
      %select_n3A_1712 = arith.select %gt3A_1705, %select_n3A_1695, %select_n3A_1711 : vector<16xi1>, vector<16xf32>
      %jit3A_1713 = arith.constant 1 : i32
      %broadcast_in_dim3A_1714 = vector.broadcast %jit3A_1713 : i32 to vector<16xi32>
      %select_n3A_1715 = arith.select %gt3A_1705, %broadcast_in_dim3A_1714, %select_n3A_1694 : vector<16xi1>, vector<16xi32>
      %select_n3A_1716 = arith.select %gt3A_1705, %get3A_1704, %select_n3A_1695 : vector<16xi1>, vector<16xf32>
      %get3A_1717 = arith.constant 2 : i32
      %get3A_1718 = arith.constant 0 : i32
      %get3A_1719 = arith.constant 0 : i32
      %get3A_1720 = tpu.memref_slice %run_scoped3A[%rem3A_154, %get3A_1718, %get3A_1719] : memref<2x8x128xf32, #tpu.memory_space<vmem>> -> memref<1x8x128xf32, #tpu.memory_space<vmem>>
      %get3A_1721 = tpu.memref_squeeze %get3A_1720 : memref<1x8x128xf32, #tpu.memory_space<vmem>> -> memref<8x128xf32, #tpu.memory_space<vmem>>
      %get3A_1722 = arith.index_cast %get3A_1717 : i32 to index
      %get3A_1723 = arith.constant 64 : index
      %get3A_1724 = tpu.vector_load %get3A_1721[%get3A_1722, %get3A_1723] {strides = array<i32>} : memref<8x128xf32, #tpu.memory_space<vmem>>, vector<1x16xf32>,
      %get3A_1725 = vector.shape_cast %get3A_1724 : vector<1x16xf32> to vector<16xf32>
      %gt3A_1726 = arith.cmpf ogt, %get3A_1725, %select_n3A_1716 : vector<16xf32>
      %gt3A_1727 = arith.cmpf ogt, %get3A_1725, %select_n3A_1712 : vector<16xf32>
      %jit3A_1728 = arith.constant 2 : i32
      %broadcast_in_dim3A_1729 = vector.broadcast %jit3A_1728 : i32 to vector<16xi32>
      %select_n3A_1730 = arith.select %gt3A_1727, %broadcast_in_dim3A_1729, %select_n3A_1710 : vector<16xi1>, vector<16xi32>
      %select_n3A_1731 = arith.select %gt3A_1726, %select_n3A_1715, %select_n3A_1730 : vector<16xi1>, vector<16xi32>
      %select_n3A_1732 = arith.select %gt3A_1727, %get3A_1725, %select_n3A_1712 : vector<16xi1>, vector<16xf32>
      %select_n3A_1733 = arith.select %gt3A_1726, %select_n3A_1716, %select_n3A_1732 : vector<16xi1>, vector<16xf32>
      %jit3A_1734 = arith.constant 2 : i32
      %broadcast_in_dim3A_1735 = vector.broadcast %jit3A_1734 : i32 to vector<16xi32>
      %select_n3A_1736 = arith.select %gt3A_1726, %broadcast_in_dim3A_1735, %select_n3A_1715 : vector<16xi1>, vector<16xi32>
      %select_n3A_1737 = arith.select %gt3A_1726, %get3A_1725, %select_n3A_1716 : vector<16xi1>, vector<16xf32>
      %get3A_1738 = arith.constant 3 : i32
      %get3A_1739 = arith.constant 0 : i32
      %get3A_1740 = arith.constant 0 : i32
      %get3A_1741 = tpu.memref_slice %run_scoped3A[%rem3A_154, %get3A_1739, %get3A_1740] : memref<2x8x128xf32, #tpu.memory_space<vmem>> -> memref<1x8x128xf32, #tpu.memory_space<vmem>>
      %get3A_1742 = tpu.memref_squeeze %get3A_1741 : memref<1x8x128xf32, #tpu.memory_space<vmem>> -> memref<8x128xf32, #tpu.memory_space<vmem>>
      %get3A_1743 = arith.index_cast %get3A_1738 : i32 to index
      %get3A_1744 = arith.constant 64 : index
      %get3A_1745 = tpu.vector_load %get3A_1742[%get3A_1743, %get3A_1744] {strides = array<i32>} : memref<8x128xf32, #tpu.memory_space<vmem>>, vector<1x16xf32>,
      %get3A_1746 = vector.shape_cast %get3A_1745 : vector<1x16xf32> to vector<16xf32>
      %gt3A_1747 = arith.cmpf ogt, %get3A_1746, %select_n3A_1737 : vector<16xf32>
      %gt3A_1748 = arith.cmpf ogt, %get3A_1746, %select_n3A_1733 : vector<16xf32>
      %jit3A_1749 = arith.constant 3 : i32
      %broadcast_in_dim3A_1750 = vector.broadcast %jit3A_1749 : i32 to vector<16xi32>
      %select_n3A_1751 = arith.select %gt3A_1748, %broadcast_in_dim3A_1750, %select_n3A_1731 : vector<16xi1>, vector<16xi32>
      %select_n3A_1752 = arith.select %gt3A_1747, %select_n3A_1736, %select_n3A_1751 : vector<16xi1>, vector<16xi32>
      %select_n3A_1753 = arith.select %gt3A_1748, %get3A_1746, %select_n3A_1733 : vector<16xi1>, vector<16xf32>
      %select_n3A_1754 = arith.select %gt3A_1747, %select_n3A_1737, %select_n3A_1753 : vector<16xi1>, vector<16xf32>
      %jit3A_1755 = arith.constant 3 : i32
      %broadcast_in_dim3A_1756 = vector.broadcast %jit3A_1755 : i32 to vector<16xi32>
      %select_n3A_1757 = arith.select %gt3A_1747, %broadcast_in_dim3A_1756, %select_n3A_1736 : vector<16xi1>, vector<16xi32>
      %select_n3A_1758 = arith.select %gt3A_1747, %get3A_1746, %select_n3A_1737 : vector<16xi1>, vector<16xf32>
      %get3A_1759 = arith.constant 4 : i32
      %get3A_1760 = arith.constant 0 : i32
      %get3A_1761 = arith.constant 0 : i32
      %get3A_1762 = tpu.memref_slice %run_scoped3A[%rem3A_154, %get3A_1760, %get3A_1761] : memref<2x8x128xf32, #tpu.memory_space<vmem>> -> memref<1x8x128xf32, #tpu.memory_space<vmem>>
      %get3A_1763 = tpu.memref_squeeze %get3A_1762 : memref<1x8x128xf32, #tpu.memory_space<vmem>> -> memref<8x128xf32, #tpu.memory_space<vmem>>
      %get3A_1764 = arith.index_cast %get3A_1759 : i32 to index
      %get3A_1765 = arith.constant 64 : index
      %get3A_1766 = tpu.vector_load %get3A_1763[%get3A_1764, %get3A_1765] {strides = array<i32>} : memref<8x128xf32, #tpu.memory_space<vmem>>, vector<1x16xf32>,
      %get3A_1767 = vector.shape_cast %get3A_1766 : vector<1x16xf32> to vector<16xf32>
      %gt3A_1768 = arith.cmpf ogt, %get3A_1767, %select_n3A_1758 : vector<16xf32>
      %gt3A_1769 = arith.cmpf ogt, %get3A_1767, %select_n3A_1754 : vector<16xf32>
      %jit3A_1770 = arith.constant 4 : i32
      %broadcast_in_dim3A_1771 = vector.broadcast %jit3A_1770 : i32 to vector<16xi32>
      %select_n3A_1772 = arith.select %gt3A_1769, %broadcast_in_dim3A_1771, %select_n3A_1752 : vector<16xi1>, vector<16xi32>
      %select_n3A_1773 = arith.select %gt3A_1768, %select_n3A_1757, %select_n3A_1772 : vector<16xi1>, vector<16xi32>
      %select_n3A_1774 = arith.select %gt3A_1769, %get3A_1767, %select_n3A_1754 : vector<16xi1>, vector<16xf32>
      %select_n3A_1775 = arith.select %gt3A_1768, %select_n3A_1758, %select_n3A_1774 : vector<16xi1>, vector<16xf32>
      %jit3A_1776 = arith.constant 4 : i32
      %broadcast_in_dim3A_1777 = vector.broadcast %jit3A_1776 : i32 to vector<16xi32>
      %select_n3A_1778 = arith.select %gt3A_1768, %broadcast_in_dim3A_1777, %select_n3A_1757 : vector<16xi1>, vector<16xi32>
      %select_n3A_1779 = arith.select %gt3A_1768, %get3A_1767, %select_n3A_1758 : vector<16xi1>, vector<16xf32>
      %get3A_1780 = arith.constant 5 : i32
      %get3A_1781 = arith.constant 0 : i32
      %get3A_1782 = arith.constant 0 : i32
      %get3A_1783 = tpu.memref_slice %run_scoped3A[%rem3A_154, %get3A_1781, %get3A_1782] : memref<2x8x128xf32, #tpu.memory_space<vmem>> -> memref<1x8x128xf32, #tpu.memory_space<vmem>>
      %get3A_1784 = tpu.memref_squeeze %get3A_1783 : memref<1x8x128xf32, #tpu.memory_space<vmem>> -> memref<8x128xf32, #tpu.memory_space<vmem>>
      %get3A_1785 = arith.index_cast %get3A_1780 : i32 to index
      %get3A_1786 = arith.constant 64 : index
      %get3A_1787 = tpu.vector_load %get3A_1784[%get3A_1785, %get3A_1786] {strides = array<i32>} : memref<8x128xf32, #tpu.memory_space<vmem>>, vector<1x16xf32>,
      %get3A_1788 = vector.shape_cast %get3A_1787 : vector<1x16xf32> to vector<16xf32>
      %gt3A_1789 = arith.cmpf ogt, %get3A_1788, %select_n3A_1779 : vector<16xf32>
      %gt3A_1790 = arith.cmpf ogt, %get3A_1788, %select_n3A_1775 : vector<16xf32>
      %jit3A_1791 = arith.constant 5 : i32
      %broadcast_in_dim3A_1792 = vector.broadcast %jit3A_1791 : i32 to vector<16xi32>
      %select_n3A_1793 = arith.select %gt3A_1790, %broadcast_in_dim3A_1792, %select_n3A_1773 : vector<16xi1>, vector<16xi32>
      %select_n3A_1794 = arith.select %gt3A_1789, %select_n3A_1778, %select_n3A_1793 : vector<16xi1>, vector<16xi32>
      %select_n3A_1795 = arith.select %gt3A_1790, %get3A_1788, %select_n3A_1775 : vector<16xi1>, vector<16xf32>
      %select_n3A_1796 = arith.select %gt3A_1789, %select_n3A_1779, %select_n3A_1795 : vector<16xi1>, vector<16xf32>
      %jit3A_1797 = arith.constant 5 : i32
      %broadcast_in_dim3A_1798 = vector.broadcast %jit3A_1797 : i32 to vector<16xi32>
      %select_n3A_1799 = arith.select %gt3A_1789, %broadcast_in_dim3A_1798, %select_n3A_1778 : vector<16xi1>, vector<16xi32>
      %select_n3A_1800 = arith.select %gt3A_1789, %get3A_1788, %select_n3A_1779 : vector<16xi1>, vector<16xf32>
      %get3A_1801 = arith.constant 6 : i32
      %get3A_1802 = arith.constant 0 : i32
      %get3A_1803 = arith.constant 0 : i32
      %get3A_1804 = tpu.memref_slice %run_scoped3A[%rem3A_154, %get3A_1802, %get3A_1803] : memref<2x8x128xf32, #tpu.memory_space<vmem>> -> memref<1x8x128xf32, #tpu.memory_space<vmem>>
      %get3A_1805 = tpu.memref_squeeze %get3A_1804 : memref<1x8x128xf32, #tpu.memory_space<vmem>> -> memref<8x128xf32, #tpu.memory_space<vmem>>
      %get3A_1806 = arith.index_cast %get3A_1801 : i32 to index
      %get3A_1807 = arith.constant 64 : index
      %get3A_1808 = tpu.vector_load %get3A_1805[%get3A_1806, %get3A_1807] {strides = array<i32>} : memref<8x128xf32, #tpu.memory_space<vmem>>, vector<1x16xf32>,
      %get3A_1809 = vector.shape_cast %get3A_1808 : vector<1x16xf32> to vector<16xf32>
      %gt3A_1810 = arith.cmpf ogt, %get3A_1809, %select_n3A_1800 : vector<16xf32>
      %gt3A_1811 = arith.cmpf ogt, %get3A_1809, %select_n3A_1796 : vector<16xf32>
      %jit3A_1812 = arith.constant 6 : i32
      %broadcast_in_dim3A_1813 = vector.broadcast %jit3A_1812 : i32 to vector<16xi32>
      %select_n3A_1814 = arith.select %gt3A_1811, %broadcast_in_dim3A_1813, %select_n3A_1794 : vector<16xi1>, vector<16xi32>
      %select_n3A_1815 = arith.select %gt3A_1810, %select_n3A_1799, %select_n3A_1814 : vector<16xi1>, vector<16xi32>
      %select_n3A_1816 = arith.select %gt3A_1811, %get3A_1809, %select_n3A_1796 : vector<16xi1>, vector<16xf32>
      %select_n3A_1817 = arith.select %gt3A_1810, %select_n3A_1800, %select_n3A_1816 : vector<16xi1>, vector<16xf32>
      %jit3A_1818 = arith.constant 6 : i32
      %broadcast_in_dim3A_1819 = vector.broadcast %jit3A_1818 : i32 to vector<16xi32>
      %select_n3A_1820 = arith.select %gt3A_1810, %broadcast_in_dim3A_1819, %select_n3A_1799 : vector<16xi1>, vector<16xi32>
      %select_n3A_1821 = arith.select %gt3A_1810, %get3A_1809, %select_n3A_1800 : vector<16xi1>, vector<16xf32>
      %get3A_1822 = arith.constant 7 : i32
      %get3A_1823 = arith.constant 0 : i32
      %get3A_1824 = arith.constant 0 : i32
      %get3A_1825 = tpu.memref_slice %run_scoped3A[%rem3A_154, %get3A_1823, %get3A_1824] : memref<2x8x128xf32, #tpu.memory_space<vmem>> -> memref<1x8x128xf32, #tpu.memory_space<vmem>>
      %get3A_1826 = tpu.memref_squeeze %get3A_1825 : memref<1x8x128xf32, #tpu.memory_space<vmem>> -> memref<8x128xf32, #tpu.memory_space<vmem>>
      %get3A_1827 = arith.index_cast %get3A_1822 : i32 to index
      %get3A_1828 = arith.constant 64 : index
      %get3A_1829 = tpu.vector_load %get3A_1826[%get3A_1827, %get3A_1828] {strides = array<i32>} : memref<8x128xf32, #tpu.memory_space<vmem>>, vector<1x16xf32>,
      %get3A_1830 = vector.shape_cast %get3A_1829 : vector<1x16xf32> to vector<16xf32>
      %gt3A_1831 = arith.cmpf ogt, %get3A_1830, %select_n3A_1821 : vector<16xf32>
      %gt3A_1832 = arith.cmpf ogt, %get3A_1830, %select_n3A_1817 : vector<16xf32>
      %jit3A_1833 = arith.constant 7 : i32
      %broadcast_in_dim3A_1834 = vector.broadcast %jit3A_1833 : i32 to vector<16xi32>
      %select_n3A_1835 = arith.select %gt3A_1832, %broadcast_in_dim3A_1834, %select_n3A_1815 : vector<16xi1>, vector<16xi32>
      %select_n3A_1836 = arith.select %gt3A_1831, %select_n3A_1820, %select_n3A_1835 : vector<16xi1>, vector<16xi32>
      %select_n3A_1837 = arith.select %gt3A_1832, %get3A_1830, %select_n3A_1817 : vector<16xi1>, vector<16xf32>
      %select_n3A_1838 = arith.select %gt3A_1831, %select_n3A_1821, %select_n3A_1837 : vector<16xi1>, vector<16xf32>
      %jit3A_1839 = arith.constant 7 : i32
      %broadcast_in_dim3A_1840 = vector.broadcast %jit3A_1839 : i32 to vector<16xi32>
      %select_n3A_1841 = arith.select %gt3A_1831, %broadcast_in_dim3A_1840, %select_n3A_1820 : vector<16xi1>, vector<16xi32>
      %select_n3A_1842 = arith.select %gt3A_1831, %get3A_1830, %select_n3A_1821 : vector<16xi1>, vector<16xf32>
      %sub3A_1843 = arith.subf %select_n3A_1838, %select_n3A_1842 : vector<16xf32>
      %exp3A_1844 = math.exp %sub3A_1843 : vector<16xf32>
      %add3A_1845 = arith.constant 1.000000e+00 : f32
      %add3A_1846 = vector.broadcast %add3A_1845 : f32 to vector<16xf32>
      %add3A_1847 = arith.addf %add3A_1846, %exp3A_1844 : vector<16xf32>
      %div3A_1848 = arith.constant 1.000000e+00 : f32
      %div3A_1849 = vector.broadcast %div3A_1848 : f32 to vector<16xf32>
      %div3A_1850 = arith.divf %div3A_1849, %add3A_1847 : vector<16xf32>
      %mul3A_1851 = arith.mulf %exp3A_1844, %div3A_1850 : vector<16xf32>
      %eq3A_1852 = arith.constant 0 : i32
      %eq3A_1853 = vector.broadcast %eq3A_1852 : i32 to vector<16xi32>
      %eq3A_1854 = arith.cmpi eq, %select_n3A_1841, %eq3A_1853 : vector<16xi32>
      %jit3A_1855 = arith.constant 0.000000e+00 : f32
      %broadcast_in_dim3A_1856 = vector.broadcast %jit3A_1855 : f32 to vector<16xf32>
      %select_n3A_1857 = arith.select %eq3A_1854, %div3A_1850, %broadcast_in_dim3A_1856 : vector<16xi1>, vector<16xf32>
      %eq3A_1858 = arith.constant 0 : i32
      %eq3A_1859 = vector.broadcast %eq3A_1858 : i32 to vector<16xi32>
      %eq3A_1860 = arith.cmpi eq, %select_n3A_1836, %eq3A_1859 : vector<16xi32>
      %jit3A_1861 = arith.constant 0.000000e+00 : f32
      %broadcast_in_dim3A_1862 = vector.broadcast %jit3A_1861 : f32 to vector<16xf32>
      %select_n3A_1863 = arith.select %eq3A_1860, %mul3A_1851, %broadcast_in_dim3A_1862 : vector<16xi1>, vector<16xf32>
      %add3A_1864 = arith.addf %select_n3A_1857, %select_n3A_1863 : vector<16xf32>
      %swap3A_1865 = arith.constant 0 : i32
      %swap3A_1866 = arith.constant 0 : i32
      %swap3A_1867 = arith.constant 0 : i32
      %swap3A_1868 = tpu.memref_slice %run_scoped3A_8[%rem3A_156, %swap3A_1866, %swap3A_1867] : memref<2x8x128xf32, #tpu.memory_space<vmem>> -> memref<1x8x128xf32, #tpu.memory_space<vmem>>
      %swap3A_1869 = tpu.memref_squeeze %swap3A_1868 : memref<1x8x128xf32, #tpu.memory_space<vmem>> -> memref<8x128xf32, #tpu.memory_space<vmem>>
      %swap3A_1870 = arith.index_cast %swap3A_1865 : i32 to index
      %swap3A_1871 = arith.constant 64 : index
      %swap3A_1872 = tpu.vector_load %swap3A_1869[%swap3A_1870, %swap3A_1871] {strides = array<i32>} : memref<8x128xf32, #tpu.memory_space<vmem>>, vector<1x16xf32>,
      %swap3A_1873 = vector.shape_cast %swap3A_1872 : vector<1x16xf32> to vector<16xf32>
      %swap3A_1874 = vector.shape_cast %add3A_1864 : vector<16xf32> to vector<1x16xf32>
      tpu.vector_store %swap3A_1869[%swap3A_1870, %swap3A_1871], %swap3A_1874 {strides = array<i32>} : memref<8x128xf32, #tpu.memory_space<vmem>>, vector<1x16xf32>,
      %eq3A_1875 = arith.constant 1 : i32
      %eq3A_1876 = vector.broadcast %eq3A_1875 : i32 to vector<16xi32>
      %eq3A_1877 = arith.cmpi eq, %select_n3A_1841, %eq3A_1876 : vector<16xi32>
      %jit3A_1878 = arith.constant 0.000000e+00 : f32
      %broadcast_in_dim3A_1879 = vector.broadcast %jit3A_1878 : f32 to vector<16xf32>
      %select_n3A_1880 = arith.select %eq3A_1877, %div3A_1850, %broadcast_in_dim3A_1879 : vector<16xi1>, vector<16xf32>
      %eq3A_1881 = arith.constant 1 : i32
      %eq3A_1882 = vector.broadcast %eq3A_1881 : i32 to vector<16xi32>
      %eq3A_1883 = arith.cmpi eq, %select_n3A_1836, %eq3A_1882 : vector<16xi32>
      %jit3A_1884 = arith.constant 0.000000e+00 : f32
      %broadcast_in_dim3A_1885 = vector.broadcast %jit3A_1884 : f32 to vector<16xf32>
      %select_n3A_1886 = arith.select %eq3A_1883, %mul3A_1851, %broadcast_in_dim3A_1885 : vector<16xi1>, vector<16xf32>
      %add3A_1887 = arith.addf %select_n3A_1880, %select_n3A_1886 : vector<16xf32>
      %swap3A_1888 = arith.constant 1 : i32
      %swap3A_1889 = arith.constant 0 : i32
      %swap3A_1890 = arith.constant 0 : i32
      %swap3A_1891 = tpu.memref_slice %run_scoped3A_8[%rem3A_156, %swap3A_1889, %swap3A_1890] : memref<2x8x128xf32, #tpu.memory_space<vmem>> -> memref<1x8x128xf32, #tpu.memory_space<vmem>>
      %swap3A_1892 = tpu.memref_squeeze %swap3A_1891 : memref<1x8x128xf32, #tpu.memory_space<vmem>> -> memref<8x128xf32, #tpu.memory_space<vmem>>
      %swap3A_1893 = arith.index_cast %swap3A_1888 : i32 to index
      %swap3A_1894 = arith.constant 64 : index
      %swap3A_1895 = tpu.vector_load %swap3A_1892[%swap3A_1893, %swap3A_1894] {strides = array<i32>} : memref<8x128xf32, #tpu.memory_space<vmem>>, vector<1x16xf32>,
      %swap3A_1896 = vector.shape_cast %swap3A_1895 : vector<1x16xf32> to vector<16xf32>
      %swap3A_1897 = vector.shape_cast %add3A_1887 : vector<16xf32> to vector<1x16xf32>
      tpu.vector_store %swap3A_1892[%swap3A_1893, %swap3A_1894], %swap3A_1897 {strides = array<i32>} : memref<8x128xf32, #tpu.memory_space<vmem>>, vector<1x16xf32>,
      %eq3A_1898 = arith.constant 2 : i32
      %eq3A_1899 = vector.broadcast %eq3A_1898 : i32 to vector<16xi32>
      %eq3A_1900 = arith.cmpi eq, %select_n3A_1841, %eq3A_1899 : vector<16xi32>
      %jit3A_1901 = arith.constant 0.000000e+00 : f32
      %broadcast_in_dim3A_1902 = vector.broadcast %jit3A_1901 : f32 to vector<16xf32>
      %select_n3A_1903 = arith.select %eq3A_1900, %div3A_1850, %broadcast_in_dim3A_1902 : vector<16xi1>, vector<16xf32>
      %eq3A_1904 = arith.constant 2 : i32
      %eq3A_1905 = vector.broadcast %eq3A_1904 : i32 to vector<16xi32>
      %eq3A_1906 = arith.cmpi eq, %select_n3A_1836, %eq3A_1905 : vector<16xi32>
      %jit3A_1907 = arith.constant 0.000000e+00 : f32
      %broadcast_in_dim3A_1908 = vector.broadcast %jit3A_1907 : f32 to vector<16xf32>
      %select_n3A_1909 = arith.select %eq3A_1906, %mul3A_1851, %broadcast_in_dim3A_1908 : vector<16xi1>, vector<16xf32>
      %add3A_1910 = arith.addf %select_n3A_1903, %select_n3A_1909 : vector<16xf32>
      %swap3A_1911 = arith.constant 2 : i32
      %swap3A_1912 = arith.constant 0 : i32
      %swap3A_1913 = arith.constant 0 : i32
      %swap3A_1914 = tpu.memref_slice %run_scoped3A_8[%rem3A_156, %swap3A_1912, %swap3A_1913] : memref<2x8x128xf32, #tpu.memory_space<vmem>> -> memref<1x8x128xf32, #tpu.memory_space<vmem>>
      %swap3A_1915 = tpu.memref_squeeze %swap3A_1914 : memref<1x8x128xf32, #tpu.memory_space<vmem>> -> memref<8x128xf32, #tpu.memory_space<vmem>>
      %swap3A_1916 = arith.index_cast %swap3A_1911 : i32 to index
      %swap3A_1917 = arith.constant 64 : index
      %swap3A_1918 = tpu.vector_load %swap3A_1915[%swap3A_1916, %swap3A_1917] {strides = array<i32>} : memref<8x128xf32, #tpu.memory_space<vmem>>, vector<1x16xf32>,
      %swap3A_1919 = vector.shape_cast %swap3A_1918 : vector<1x16xf32> to vector<16xf32>
      %swap3A_1920 = vector.shape_cast %add3A_1910 : vector<16xf32> to vector<1x16xf32>
      tpu.vector_store %swap3A_1915[%swap3A_1916, %swap3A_1917], %swap3A_1920 {strides = array<i32>} : memref<8x128xf32, #tpu.memory_space<vmem>>, vector<1x16xf32>,
      %eq3A_1921 = arith.constant 3 : i32
      %eq3A_1922 = vector.broadcast %eq3A_1921 : i32 to vector<16xi32>
      %eq3A_1923 = arith.cmpi eq, %select_n3A_1841, %eq3A_1922 : vector<16xi32>
      %jit3A_1924 = arith.constant 0.000000e+00 : f32
      %broadcast_in_dim3A_1925 = vector.broadcast %jit3A_1924 : f32 to vector<16xf32>
      %select_n3A_1926 = arith.select %eq3A_1923, %div3A_1850, %broadcast_in_dim3A_1925 : vector<16xi1>, vector<16xf32>
      %eq3A_1927 = arith.constant 3 : i32
      %eq3A_1928 = vector.broadcast %eq3A_1927 : i32 to vector<16xi32>
      %eq3A_1929 = arith.cmpi eq, %select_n3A_1836, %eq3A_1928 : vector<16xi32>
      %jit3A_1930 = arith.constant 0.000000e+00 : f32
      %broadcast_in_dim3A_1931 = vector.broadcast %jit3A_1930 : f32 to vector<16xf32>
      %select_n3A_1932 = arith.select %eq3A_1929, %mul3A_1851, %broadcast_in_dim3A_1931 : vector<16xi1>, vector<16xf32>
      %add3A_1933 = arith.addf %select_n3A_1926, %select_n3A_1932 : vector<16xf32>
      %swap3A_1934 = arith.constant 3 : i32
      %swap3A_1935 = arith.constant 0 : i32
      %swap3A_1936 = arith.constant 0 : i32
      %swap3A_1937 = tpu.memref_slice %run_scoped3A_8[%rem3A_156, %swap3A_1935, %swap3A_1936] : memref<2x8x128xf32, #tpu.memory_space<vmem>> -> memref<1x8x128xf32, #tpu.memory_space<vmem>>
      %swap3A_1938 = tpu.memref_squeeze %swap3A_1937 : memref<1x8x128xf32, #tpu.memory_space<vmem>> -> memref<8x128xf32, #tpu.memory_space<vmem>>
      %swap3A_1939 = arith.index_cast %swap3A_1934 : i32 to index
      %swap3A_1940 = arith.constant 64 : index
      %swap3A_1941 = tpu.vector_load %swap3A_1938[%swap3A_1939, %swap3A_1940] {strides = array<i32>} : memref<8x128xf32, #tpu.memory_space<vmem>>, vector<1x16xf32>,
      %swap3A_1942 = vector.shape_cast %swap3A_1941 : vector<1x16xf32> to vector<16xf32>
      %swap3A_1943 = vector.shape_cast %add3A_1933 : vector<16xf32> to vector<1x16xf32>
      tpu.vector_store %swap3A_1938[%swap3A_1939, %swap3A_1940], %swap3A_1943 {strides = array<i32>} : memref<8x128xf32, #tpu.memory_space<vmem>>, vector<1x16xf32>,
      %eq3A_1944 = arith.constant 4 : i32
      %eq3A_1945 = vector.broadcast %eq3A_1944 : i32 to vector<16xi32>
      %eq3A_1946 = arith.cmpi eq, %select_n3A_1841, %eq3A_1945 : vector<16xi32>
      %jit3A_1947 = arith.constant 0.000000e+00 : f32
      %broadcast_in_dim3A_1948 = vector.broadcast %jit3A_1947 : f32 to vector<16xf32>
      %select_n3A_1949 = arith.select %eq3A_1946, %div3A_1850, %broadcast_in_dim3A_1948 : vector<16xi1>, vector<16xf32>
      %eq3A_1950 = arith.constant 4 : i32
      %eq3A_1951 = vector.broadcast %eq3A_1950 : i32 to vector<16xi32>
      %eq3A_1952 = arith.cmpi eq, %select_n3A_1836, %eq3A_1951 : vector<16xi32>
      %jit3A_1953 = arith.constant 0.000000e+00 : f32
      %broadcast_in_dim3A_1954 = vector.broadcast %jit3A_1953 : f32 to vector<16xf32>
      %select_n3A_1955 = arith.select %eq3A_1952, %mul3A_1851, %broadcast_in_dim3A_1954 : vector<16xi1>, vector<16xf32>
      %add3A_1956 = arith.addf %select_n3A_1949, %select_n3A_1955 : vector<16xf32>
      %swap3A_1957 = arith.constant 4 : i32
      %swap3A_1958 = arith.constant 0 : i32
      %swap3A_1959 = arith.constant 0 : i32
      %swap3A_1960 = tpu.memref_slice %run_scoped3A_8[%rem3A_156, %swap3A_1958, %swap3A_1959] : memref<2x8x128xf32, #tpu.memory_space<vmem>> -> memref<1x8x128xf32, #tpu.memory_space<vmem>>
      %swap3A_1961 = tpu.memref_squeeze %swap3A_1960 : memref<1x8x128xf32, #tpu.memory_space<vmem>> -> memref<8x128xf32, #tpu.memory_space<vmem>>
      %swap3A_1962 = arith.index_cast %swap3A_1957 : i32 to index
      %swap3A_1963 = arith.constant 64 : index
      %swap3A_1964 = tpu.vector_load %swap3A_1961[%swap3A_1962, %swap3A_1963] {strides = array<i32>} : memref<8x128xf32, #tpu.memory_space<vmem>>, vector<1x16xf32>,
      %swap3A_1965 = vector.shape_cast %swap3A_1964 : vector<1x16xf32> to vector<16xf32>
      %swap3A_1966 = vector.shape_cast %add3A_1956 : vector<16xf32> to vector<1x16xf32>
      tpu.vector_store %swap3A_1961[%swap3A_1962, %swap3A_1963], %swap3A_1966 {strides = array<i32>} : memref<8x128xf32, #tpu.memory_space<vmem>>, vector<1x16xf32>,
      %eq3A_1967 = arith.constant 5 : i32
      %eq3A_1968 = vector.broadcast %eq3A_1967 : i32 to vector<16xi32>
      %eq3A_1969 = arith.cmpi eq, %select_n3A_1841, %eq3A_1968 : vector<16xi32>
      %jit3A_1970 = arith.constant 0.000000e+00 : f32
      %broadcast_in_dim3A_1971 = vector.broadcast %jit3A_1970 : f32 to vector<16xf32>
      %select_n3A_1972 = arith.select %eq3A_1969, %div3A_1850, %broadcast_in_dim3A_1971 : vector<16xi1>, vector<16xf32>
      %eq3A_1973 = arith.constant 5 : i32
      %eq3A_1974 = vector.broadcast %eq3A_1973 : i32 to vector<16xi32>
      %eq3A_1975 = arith.cmpi eq, %select_n3A_1836, %eq3A_1974 : vector<16xi32>
      %jit3A_1976 = arith.constant 0.000000e+00 : f32
      %broadcast_in_dim3A_1977 = vector.broadcast %jit3A_1976 : f32 to vector<16xf32>
      %select_n3A_1978 = arith.select %eq3A_1975, %mul3A_1851, %broadcast_in_dim3A_1977 : vector<16xi1>, vector<16xf32>
      %add3A_1979 = arith.addf %select_n3A_1972, %select_n3A_1978 : vector<16xf32>
      %swap3A_1980 = arith.constant 5 : i32
      %swap3A_1981 = arith.constant 0 : i32
      %swap3A_1982 = arith.constant 0 : i32
      %swap3A_1983 = tpu.memref_slice %run_scoped3A_8[%rem3A_156, %swap3A_1981, %swap3A_1982] : memref<2x8x128xf32, #tpu.memory_space<vmem>> -> memref<1x8x128xf32, #tpu.memory_space<vmem>>
      %swap3A_1984 = tpu.memref_squeeze %swap3A_1983 : memref<1x8x128xf32, #tpu.memory_space<vmem>> -> memref<8x128xf32, #tpu.memory_space<vmem>>
      %swap3A_1985 = arith.index_cast %swap3A_1980 : i32 to index
      %swap3A_1986 = arith.constant 64 : index
      %swap3A_1987 = tpu.vector_load %swap3A_1984[%swap3A_1985, %swap3A_1986] {strides = array<i32>} : memref<8x128xf32, #tpu.memory_space<vmem>>, vector<1x16xf32>,
      %swap3A_1988 = vector.shape_cast %swap3A_1987 : vector<1x16xf32> to vector<16xf32>
      %swap3A_1989 = vector.shape_cast %add3A_1979 : vector<16xf32> to vector<1x16xf32>
      tpu.vector_store %swap3A_1984[%swap3A_1985, %swap3A_1986], %swap3A_1989 {strides = array<i32>} : memref<8x128xf32, #tpu.memory_space<vmem>>, vector<1x16xf32>,
      %eq3A_1990 = arith.constant 6 : i32
      %eq3A_1991 = vector.broadcast %eq3A_1990 : i32 to vector<16xi32>
      %eq3A_1992 = arith.cmpi eq, %select_n3A_1841, %eq3A_1991 : vector<16xi32>
      %jit3A_1993 = arith.constant 0.000000e+00 : f32
      %broadcast_in_dim3A_1994 = vector.broadcast %jit3A_1993 : f32 to vector<16xf32>
      %select_n3A_1995 = arith.select %eq3A_1992, %div3A_1850, %broadcast_in_dim3A_1994 : vector<16xi1>, vector<16xf32>
      %eq3A_1996 = arith.constant 6 : i32
      %eq3A_1997 = vector.broadcast %eq3A_1996 : i32 to vector<16xi32>
      %eq3A_1998 = arith.cmpi eq, %select_n3A_1836, %eq3A_1997 : vector<16xi32>
      %jit3A_1999 = arith.constant 0.000000e+00 : f32
      %broadcast_in_dim3A_2000 = vector.broadcast %jit3A_1999 : f32 to vector<16xf32>
      %select_n3A_2001 = arith.select %eq3A_1998, %mul3A_1851, %broadcast_in_dim3A_2000 : vector<16xi1>, vector<16xf32>
      %add3A_2002 = arith.addf %select_n3A_1995, %select_n3A_2001 : vector<16xf32>
      %swap3A_2003 = arith.constant 6 : i32
      %swap3A_2004 = arith.constant 0 : i32
      %swap3A_2005 = arith.constant 0 : i32
      %swap3A_2006 = tpu.memref_slice %run_scoped3A_8[%rem3A_156, %swap3A_2004, %swap3A_2005] : memref<2x8x128xf32, #tpu.memory_space<vmem>> -> memref<1x8x128xf32, #tpu.memory_space<vmem>>
      %swap3A_2007 = tpu.memref_squeeze %swap3A_2006 : memref<1x8x128xf32, #tpu.memory_space<vmem>> -> memref<8x128xf32, #tpu.memory_space<vmem>>
      %swap3A_2008 = arith.index_cast %swap3A_2003 : i32 to index
      %swap3A_2009 = arith.constant 64 : index
      %swap3A_2010 = tpu.vector_load %swap3A_2007[%swap3A_2008, %swap3A_2009] {strides = array<i32>} : memref<8x128xf32, #tpu.memory_space<vmem>>, vector<1x16xf32>,
      %swap3A_2011 = vector.shape_cast %swap3A_2010 : vector<1x16xf32> to vector<16xf32>
      %swap3A_2012 = vector.shape_cast %add3A_2002 : vector<16xf32> to vector<1x16xf32>
      tpu.vector_store %swap3A_2007[%swap3A_2008, %swap3A_2009], %swap3A_2012 {strides = array<i32>} : memref<8x128xf32, #tpu.memory_space<vmem>>, vector<1x16xf32>,
      %eq3A_2013 = arith.constant 7 : i32
      %eq3A_2014 = vector.broadcast %eq3A_2013 : i32 to vector<16xi32>
      %eq3A_2015 = arith.cmpi eq, %select_n3A_1841, %eq3A_2014 : vector<16xi32>
      %jit3A_2016 = arith.constant 0.000000e+00 : f32
      %broadcast_in_dim3A_2017 = vector.broadcast %jit3A_2016 : f32 to vector<16xf32>
      %select_n3A_2018 = arith.select %eq3A_2015, %div3A_1850, %broadcast_in_dim3A_2017 : vector<16xi1>, vector<16xf32>
      %eq3A_2019 = arith.constant 7 : i32
      %eq3A_2020 = vector.broadcast %eq3A_2019 : i32 to vector<16xi32>
      %eq3A_2021 = arith.cmpi eq, %select_n3A_1836, %eq3A_2020 : vector<16xi32>
      %jit3A_2022 = arith.constant 0.000000e+00 : f32
      %broadcast_in_dim3A_2023 = vector.broadcast %jit3A_2022 : f32 to vector<16xf32>
      %select_n3A_2024 = arith.select %eq3A_2021, %mul3A_1851, %broadcast_in_dim3A_2023 : vector<16xi1>, vector<16xf32>
      %add3A_2025 = arith.addf %select_n3A_2018, %select_n3A_2024 : vector<16xf32>
      %swap3A_2026 = arith.constant 7 : i32
      %swap3A_2027 = arith.constant 0 : i32
      %swap3A_2028 = arith.constant 0 : i32
      %swap3A_2029 = tpu.memref_slice %run_scoped3A_8[%rem3A_156, %swap3A_2027, %swap3A_2028] : memref<2x8x128xf32, #tpu.memory_space<vmem>> -> memref<1x8x128xf32, #tpu.memory_space<vmem>>
      %swap3A_2030 = tpu.memref_squeeze %swap3A_2029 : memref<1x8x128xf32, #tpu.memory_space<vmem>> -> memref<8x128xf32, #tpu.memory_space<vmem>>
      %swap3A_2031 = arith.index_cast %swap3A_2026 : i32 to index
      %swap3A_2032 = arith.constant 64 : index
      %swap3A_2033 = tpu.vector_load %swap3A_2030[%swap3A_2031, %swap3A_2032] {strides = array<i32>} : memref<8x128xf32, #tpu.memory_space<vmem>>, vector<1x16xf32>,
      %swap3A_2034 = vector.shape_cast %swap3A_2033 : vector<1x16xf32> to vector<16xf32>
      %swap3A_2035 = vector.shape_cast %add3A_2025 : vector<16xf32> to vector<1x16xf32>
      tpu.vector_store %swap3A_2030[%swap3A_2031, %swap3A_2032], %swap3A_2035 {strides = array<i32>} : memref<8x128xf32, #tpu.memory_space<vmem>>, vector<1x16xf32>,
      %swap3A_2036 = arith.constant 0 : i32
      %swap3A_2037 = arith.constant 0 : i32
      %swap3A_2038 = arith.constant 0 : i32
      %swap3A_2039 = tpu.memref_slice %run_scoped3A_10[%rem3A_158, %swap3A_2037, %swap3A_2038] : memref<2x8x128xf32, #tpu.memory_space<vmem>> -> memref<1x8x128xf32, #tpu.memory_space<vmem>>
      %swap3A_2040 = tpu.memref_squeeze %swap3A_2039 : memref<1x8x128xf32, #tpu.memory_space<vmem>> -> memref<8x128xf32, #tpu.memory_space<vmem>>
      %swap3A_2041 = arith.index_cast %swap3A_2036 : i32 to index
      %swap3A_2042 = arith.constant 64 : index
      %swap3A_2043 = tpu.vector_load %swap3A_2040[%swap3A_2041, %swap3A_2042] {strides = array<i32>} : memref<8x128xf32, #tpu.memory_space<vmem>>, vector<1x16xf32>,
      %swap3A_2044 = vector.shape_cast %swap3A_2043 : vector<1x16xf32> to vector<16xf32>
      %swap3A_2045 = vector.shape_cast %sub3A_1843 : vector<16xf32> to vector<1x16xf32>
      tpu.vector_store %swap3A_2040[%swap3A_2041, %swap3A_2042], %swap3A_2045 {strides = array<i32>} : memref<8x128xf32, #tpu.memory_space<vmem>>, vector<1x16xf32>,
      %broadcast_in_dim3A_2046 = arith.constant -1.000000e+30 : f32
      %broadcast_in_dim3A_2047 = vector.broadcast %broadcast_in_dim3A_2046 : f32 to vector<16xf32>
      %broadcast_in_dim3A_2048 = arith.constant -1.000000e+30 : f32
      %broadcast_in_dim3A_2049 = vector.broadcast %broadcast_in_dim3A_2048 : f32 to vector<16xf32>
      %broadcast_in_dim3A_2050 = arith.constant 0 : i32
      %broadcast_in_dim3A_2051 = vector.broadcast %broadcast_in_dim3A_2050 : i32 to vector<16xi32>
      %broadcast_in_dim3A_2052 = arith.constant 0 : i32
      %broadcast_in_dim3A_2053 = vector.broadcast %broadcast_in_dim3A_2052 : i32 to vector<16xi32>
      %get3A_2054 = arith.constant 0 : i32
      %get3A_2055 = arith.constant 0 : i32
      %get3A_2056 = arith.constant 0 : i32
      %get3A_2057 = tpu.memref_slice %run_scoped3A[%rem3A_154, %get3A_2055, %get3A_2056] : memref<2x8x128xf32, #tpu.memory_space<vmem>> -> memref<1x8x128xf32, #tpu.memory_space<vmem>>
      %get3A_2058 = tpu.memref_squeeze %get3A_2057 : memref<1x8x128xf32, #tpu.memory_space<vmem>> -> memref<8x128xf32, #tpu.memory_space<vmem>>
      %get3A_2059 = arith.index_cast %get3A_2054 : i32 to index
      %get3A_2060 = arith.constant 80 : index
      %get3A_2061 = tpu.vector_load %get3A_2058[%get3A_2059, %get3A_2060] {strides = array<i32>} : memref<8x128xf32, #tpu.memory_space<vmem>>, vector<1x16xf32>,
      %get3A_2062 = vector.shape_cast %get3A_2061 : vector<1x16xf32> to vector<16xf32>
      %gt3A_2063 = arith.cmpf ogt, %get3A_2062, %broadcast_in_dim3A_2047 : vector<16xf32>
      %gt3A_2064 = arith.cmpf ogt, %get3A_2062, %broadcast_in_dim3A_2049 : vector<16xf32>
      %jit3A_2065 = arith.constant 0 : i32
      %broadcast_in_dim3A_2066 = vector.broadcast %jit3A_2065 : i32 to vector<16xi32>
      %select_n3A_2067 = arith.select %gt3A_2064, %broadcast_in_dim3A_2066, %broadcast_in_dim3A_2053 : vector<16xi1>, vector<16xi32>
      %select_n3A_2068 = arith.select %gt3A_2063, %broadcast_in_dim3A_2051, %select_n3A_2067 : vector<16xi1>, vector<16xi32>
      %select_n3A_2069 = arith.select %gt3A_2064, %get3A_2062, %broadcast_in_dim3A_2049 : vector<16xi1>, vector<16xf32>
      %select_n3A_2070 = arith.select %gt3A_2063, %broadcast_in_dim3A_2047, %select_n3A_2069 : vector<16xi1>, vector<16xf32>
      %jit3A_2071 = arith.constant 0 : i32
      %broadcast_in_dim3A_2072 = vector.broadcast %jit3A_2071 : i32 to vector<16xi32>
      %select_n3A_2073 = arith.select %gt3A_2063, %broadcast_in_dim3A_2072, %broadcast_in_dim3A_2051 : vector<16xi1>, vector<16xi32>
      %select_n3A_2074 = arith.select %gt3A_2063, %get3A_2062, %broadcast_in_dim3A_2047 : vector<16xi1>, vector<16xf32>
      %get3A_2075 = arith.constant 1 : i32
      %get3A_2076 = arith.constant 0 : i32
      %get3A_2077 = arith.constant 0 : i32
      %get3A_2078 = tpu.memref_slice %run_scoped3A[%rem3A_154, %get3A_2076, %get3A_2077] : memref<2x8x128xf32, #tpu.memory_space<vmem>> -> memref<1x8x128xf32, #tpu.memory_space<vmem>>
      %get3A_2079 = tpu.memref_squeeze %get3A_2078 : memref<1x8x128xf32, #tpu.memory_space<vmem>> -> memref<8x128xf32, #tpu.memory_space<vmem>>
      %get3A_2080 = arith.index_cast %get3A_2075 : i32 to index
      %get3A_2081 = arith.constant 80 : index
      %get3A_2082 = tpu.vector_load %get3A_2079[%get3A_2080, %get3A_2081] {strides = array<i32>} : memref<8x128xf32, #tpu.memory_space<vmem>>, vector<1x16xf32>,
      %get3A_2083 = vector.shape_cast %get3A_2082 : vector<1x16xf32> to vector<16xf32>
      %gt3A_2084 = arith.cmpf ogt, %get3A_2083, %select_n3A_2074 : vector<16xf32>
      %gt3A_2085 = arith.cmpf ogt, %get3A_2083, %select_n3A_2070 : vector<16xf32>
      %jit3A_2086 = arith.constant 1 : i32
      %broadcast_in_dim3A_2087 = vector.broadcast %jit3A_2086 : i32 to vector<16xi32>
      %select_n3A_2088 = arith.select %gt3A_2085, %broadcast_in_dim3A_2087, %select_n3A_2068 : vector<16xi1>, vector<16xi32>
      %select_n3A_2089 = arith.select %gt3A_2084, %select_n3A_2073, %select_n3A_2088 : vector<16xi1>, vector<16xi32>
      %select_n3A_2090 = arith.select %gt3A_2085, %get3A_2083, %select_n3A_2070 : vector<16xi1>, vector<16xf32>
      %select_n3A_2091 = arith.select %gt3A_2084, %select_n3A_2074, %select_n3A_2090 : vector<16xi1>, vector<16xf32>
      %jit3A_2092 = arith.constant 1 : i32
      %broadcast_in_dim3A_2093 = vector.broadcast %jit3A_2092 : i32 to vector<16xi32>
      %select_n3A_2094 = arith.select %gt3A_2084, %broadcast_in_dim3A_2093, %select_n3A_2073 : vector<16xi1>, vector<16xi32>
      %select_n3A_2095 = arith.select %gt3A_2084, %get3A_2083, %select_n3A_2074 : vector<16xi1>, vector<16xf32>
      %get3A_2096 = arith.constant 2 : i32
      %get3A_2097 = arith.constant 0 : i32
      %get3A_2098 = arith.constant 0 : i32
      %get3A_2099 = tpu.memref_slice %run_scoped3A[%rem3A_154, %get3A_2097, %get3A_2098] : memref<2x8x128xf32, #tpu.memory_space<vmem>> -> memref<1x8x128xf32, #tpu.memory_space<vmem>>
      %get3A_2100 = tpu.memref_squeeze %get3A_2099 : memref<1x8x128xf32, #tpu.memory_space<vmem>> -> memref<8x128xf32, #tpu.memory_space<vmem>>
      %get3A_2101 = arith.index_cast %get3A_2096 : i32 to index
      %get3A_2102 = arith.constant 80 : index
      %get3A_2103 = tpu.vector_load %get3A_2100[%get3A_2101, %get3A_2102] {strides = array<i32>} : memref<8x128xf32, #tpu.memory_space<vmem>>, vector<1x16xf32>,
      %get3A_2104 = vector.shape_cast %get3A_2103 : vector<1x16xf32> to vector<16xf32>
      %gt3A_2105 = arith.cmpf ogt, %get3A_2104, %select_n3A_2095 : vector<16xf32>
      %gt3A_2106 = arith.cmpf ogt, %get3A_2104, %select_n3A_2091 : vector<16xf32>
      %jit3A_2107 = arith.constant 2 : i32
      %broadcast_in_dim3A_2108 = vector.broadcast %jit3A_2107 : i32 to vector<16xi32>
      %select_n3A_2109 = arith.select %gt3A_2106, %broadcast_in_dim3A_2108, %select_n3A_2089 : vector<16xi1>, vector<16xi32>
      %select_n3A_2110 = arith.select %gt3A_2105, %select_n3A_2094, %select_n3A_2109 : vector<16xi1>, vector<16xi32>
      %select_n3A_2111 = arith.select %gt3A_2106, %get3A_2104, %select_n3A_2091 : vector<16xi1>, vector<16xf32>
      %select_n3A_2112 = arith.select %gt3A_2105, %select_n3A_2095, %select_n3A_2111 : vector<16xi1>, vector<16xf32>
      %jit3A_2113 = arith.constant 2 : i32
      %broadcast_in_dim3A_2114 = vector.broadcast %jit3A_2113 : i32 to vector<16xi32>
      %select_n3A_2115 = arith.select %gt3A_2105, %broadcast_in_dim3A_2114, %select_n3A_2094 : vector<16xi1>, vector<16xi32>
      %select_n3A_2116 = arith.select %gt3A_2105, %get3A_2104, %select_n3A_2095 : vector<16xi1>, vector<16xf32>
      %get3A_2117 = arith.constant 3 : i32
      %get3A_2118 = arith.constant 0 : i32
      %get3A_2119 = arith.constant 0 : i32
      %get3A_2120 = tpu.memref_slice %run_scoped3A[%rem3A_154, %get3A_2118, %get3A_2119] : memref<2x8x128xf32, #tpu.memory_space<vmem>> -> memref<1x8x128xf32, #tpu.memory_space<vmem>>
      %get3A_2121 = tpu.memref_squeeze %get3A_2120 : memref<1x8x128xf32, #tpu.memory_space<vmem>> -> memref<8x128xf32, #tpu.memory_space<vmem>>
      %get3A_2122 = arith.index_cast %get3A_2117 : i32 to index
      %get3A_2123 = arith.constant 80 : index
      %get3A_2124 = tpu.vector_load %get3A_2121[%get3A_2122, %get3A_2123] {strides = array<i32>} : memref<8x128xf32, #tpu.memory_space<vmem>>, vector<1x16xf32>,
      %get3A_2125 = vector.shape_cast %get3A_2124 : vector<1x16xf32> to vector<16xf32>
      %gt3A_2126 = arith.cmpf ogt, %get3A_2125, %select_n3A_2116 : vector<16xf32>
      %gt3A_2127 = arith.cmpf ogt, %get3A_2125, %select_n3A_2112 : vector<16xf32>
      %jit3A_2128 = arith.constant 3 : i32
      %broadcast_in_dim3A_2129 = vector.broadcast %jit3A_2128 : i32 to vector<16xi32>
      %select_n3A_2130 = arith.select %gt3A_2127, %broadcast_in_dim3A_2129, %select_n3A_2110 : vector<16xi1>, vector<16xi32>
      %select_n3A_2131 = arith.select %gt3A_2126, %select_n3A_2115, %select_n3A_2130 : vector<16xi1>, vector<16xi32>
      %select_n3A_2132 = arith.select %gt3A_2127, %get3A_2125, %select_n3A_2112 : vector<16xi1>, vector<16xf32>
      %select_n3A_2133 = arith.select %gt3A_2126, %select_n3A_2116, %select_n3A_2132 : vector<16xi1>, vector<16xf32>
      %jit3A_2134 = arith.constant 3 : i32
      %broadcast_in_dim3A_2135 = vector.broadcast %jit3A_2134 : i32 to vector<16xi32>
      %select_n3A_2136 = arith.select %gt3A_2126, %broadcast_in_dim3A_2135, %select_n3A_2115 : vector<16xi1>, vector<16xi32>
      %select_n3A_2137 = arith.select %gt3A_2126, %get3A_2125, %select_n3A_2116 : vector<16xi1>, vector<16xf32>
      %get3A_2138 = arith.constant 4 : i32
      %get3A_2139 = arith.constant 0 : i32
      %get3A_2140 = arith.constant 0 : i32
      %get3A_2141 = tpu.memref_slice %run_scoped3A[%rem3A_154, %get3A_2139, %get3A_2140] : memref<2x8x128xf32, #tpu.memory_space<vmem>> -> memref<1x8x128xf32, #tpu.memory_space<vmem>>
      %get3A_2142 = tpu.memref_squeeze %get3A_2141 : memref<1x8x128xf32, #tpu.memory_space<vmem>> -> memref<8x128xf32, #tpu.memory_space<vmem>>
      %get3A_2143 = arith.index_cast %get3A_2138 : i32 to index
      %get3A_2144 = arith.constant 80 : index
      %get3A_2145 = tpu.vector_load %get3A_2142[%get3A_2143, %get3A_2144] {strides = array<i32>} : memref<8x128xf32, #tpu.memory_space<vmem>>, vector<1x16xf32>,
      %get3A_2146 = vector.shape_cast %get3A_2145 : vector<1x16xf32> to vector<16xf32>
      %gt3A_2147 = arith.cmpf ogt, %get3A_2146, %select_n3A_2137 : vector<16xf32>
      %gt3A_2148 = arith.cmpf ogt, %get3A_2146, %select_n3A_2133 : vector<16xf32>
      %jit3A_2149 = arith.constant 4 : i32
      %broadcast_in_dim3A_2150 = vector.broadcast %jit3A_2149 : i32 to vector<16xi32>
      %select_n3A_2151 = arith.select %gt3A_2148, %broadcast_in_dim3A_2150, %select_n3A_2131 : vector<16xi1>, vector<16xi32>
      %select_n3A_2152 = arith.select %gt3A_2147, %select_n3A_2136, %select_n3A_2151 : vector<16xi1>, vector<16xi32>
      %select_n3A_2153 = arith.select %gt3A_2148, %get3A_2146, %select_n3A_2133 : vector<16xi1>, vector<16xf32>
      %select_n3A_2154 = arith.select %gt3A_2147, %select_n3A_2137, %select_n3A_2153 : vector<16xi1>, vector<16xf32>
      %jit3A_2155 = arith.constant 4 : i32
      %broadcast_in_dim3A_2156 = vector.broadcast %jit3A_2155 : i32 to vector<16xi32>
      %select_n3A_2157 = arith.select %gt3A_2147, %broadcast_in_dim3A_2156, %select_n3A_2136 : vector<16xi1>, vector<16xi32>
      %select_n3A_2158 = arith.select %gt3A_2147, %get3A_2146, %select_n3A_2137 : vector<16xi1>, vector<16xf32>
      %get3A_2159 = arith.constant 5 : i32
      %get3A_2160 = arith.constant 0 : i32
      %get3A_2161 = arith.constant 0 : i32
      %get3A_2162 = tpu.memref_slice %run_scoped3A[%rem3A_154, %get3A_2160, %get3A_2161] : memref<2x8x128xf32, #tpu.memory_space<vmem>> -> memref<1x8x128xf32, #tpu.memory_space<vmem>>
      %get3A_2163 = tpu.memref_squeeze %get3A_2162 : memref<1x8x128xf32, #tpu.memory_space<vmem>> -> memref<8x128xf32, #tpu.memory_space<vmem>>
      %get3A_2164 = arith.index_cast %get3A_2159 : i32 to index
      %get3A_2165 = arith.constant 80 : index
      %get3A_2166 = tpu.vector_load %get3A_2163[%get3A_2164, %get3A_2165] {strides = array<i32>} : memref<8x128xf32, #tpu.memory_space<vmem>>, vector<1x16xf32>,
      %get3A_2167 = vector.shape_cast %get3A_2166 : vector<1x16xf32> to vector<16xf32>
      %gt3A_2168 = arith.cmpf ogt, %get3A_2167, %select_n3A_2158 : vector<16xf32>
      %gt3A_2169 = arith.cmpf ogt, %get3A_2167, %select_n3A_2154 : vector<16xf32>
      %jit3A_2170 = arith.constant 5 : i32
      %broadcast_in_dim3A_2171 = vector.broadcast %jit3A_2170 : i32 to vector<16xi32>
      %select_n3A_2172 = arith.select %gt3A_2169, %broadcast_in_dim3A_2171, %select_n3A_2152 : vector<16xi1>, vector<16xi32>
      %select_n3A_2173 = arith.select %gt3A_2168, %select_n3A_2157, %select_n3A_2172 : vector<16xi1>, vector<16xi32>
      %select_n3A_2174 = arith.select %gt3A_2169, %get3A_2167, %select_n3A_2154 : vector<16xi1>, vector<16xf32>
      %select_n3A_2175 = arith.select %gt3A_2168, %select_n3A_2158, %select_n3A_2174 : vector<16xi1>, vector<16xf32>
      %jit3A_2176 = arith.constant 5 : i32
      %broadcast_in_dim3A_2177 = vector.broadcast %jit3A_2176 : i32 to vector<16xi32>
      %select_n3A_2178 = arith.select %gt3A_2168, %broadcast_in_dim3A_2177, %select_n3A_2157 : vector<16xi1>, vector<16xi32>
      %select_n3A_2179 = arith.select %gt3A_2168, %get3A_2167, %select_n3A_2158 : vector<16xi1>, vector<16xf32>
      %get3A_2180 = arith.constant 6 : i32
      %get3A_2181 = arith.constant 0 : i32
      %get3A_2182 = arith.constant 0 : i32
      %get3A_2183 = tpu.memref_slice %run_scoped3A[%rem3A_154, %get3A_2181, %get3A_2182] : memref<2x8x128xf32, #tpu.memory_space<vmem>> -> memref<1x8x128xf32, #tpu.memory_space<vmem>>
      %get3A_2184 = tpu.memref_squeeze %get3A_2183 : memref<1x8x128xf32, #tpu.memory_space<vmem>> -> memref<8x128xf32, #tpu.memory_space<vmem>>
      %get3A_2185 = arith.index_cast %get3A_2180 : i32 to index
      %get3A_2186 = arith.constant 80 : index
      %get3A_2187 = tpu.vector_load %get3A_2184[%get3A_2185, %get3A_2186] {strides = array<i32>} : memref<8x128xf32, #tpu.memory_space<vmem>>, vector<1x16xf32>,
      %get3A_2188 = vector.shape_cast %get3A_2187 : vector<1x16xf32> to vector<16xf32>
      %gt3A_2189 = arith.cmpf ogt, %get3A_2188, %select_n3A_2179 : vector<16xf32>
      %gt3A_2190 = arith.cmpf ogt, %get3A_2188, %select_n3A_2175 : vector<16xf32>
      %jit3A_2191 = arith.constant 6 : i32
      %broadcast_in_dim3A_2192 = vector.broadcast %jit3A_2191 : i32 to vector<16xi32>
      %select_n3A_2193 = arith.select %gt3A_2190, %broadcast_in_dim3A_2192, %select_n3A_2173 : vector<16xi1>, vector<16xi32>
      %select_n3A_2194 = arith.select %gt3A_2189, %select_n3A_2178, %select_n3A_2193 : vector<16xi1>, vector<16xi32>
      %select_n3A_2195 = arith.select %gt3A_2190, %get3A_2188, %select_n3A_2175 : vector<16xi1>, vector<16xf32>
      %select_n3A_2196 = arith.select %gt3A_2189, %select_n3A_2179, %select_n3A_2195 : vector<16xi1>, vector<16xf32>
      %jit3A_2197 = arith.constant 6 : i32
      %broadcast_in_dim3A_2198 = vector.broadcast %jit3A_2197 : i32 to vector<16xi32>
      %select_n3A_2199 = arith.select %gt3A_2189, %broadcast_in_dim3A_2198, %select_n3A_2178 : vector<16xi1>, vector<16xi32>
      %select_n3A_2200 = arith.select %gt3A_2189, %get3A_2188, %select_n3A_2179 : vector<16xi1>, vector<16xf32>
      %get3A_2201 = arith.constant 7 : i32
      %get3A_2202 = arith.constant 0 : i32
      %get3A_2203 = arith.constant 0 : i32
      %get3A_2204 = tpu.memref_slice %run_scoped3A[%rem3A_154, %get3A_2202, %get3A_2203] : memref<2x8x128xf32, #tpu.memory_space<vmem>> -> memref<1x8x128xf32, #tpu.memory_space<vmem>>
      %get3A_2205 = tpu.memref_squeeze %get3A_2204 : memref<1x8x128xf32, #tpu.memory_space<vmem>> -> memref<8x128xf32, #tpu.memory_space<vmem>>
      %get3A_2206 = arith.index_cast %get3A_2201 : i32 to index
      %get3A_2207 = arith.constant 80 : index
      %get3A_2208 = tpu.vector_load %get3A_2205[%get3A_2206, %get3A_2207] {strides = array<i32>} : memref<8x128xf32, #tpu.memory_space<vmem>>, vector<1x16xf32>,
      %get3A_2209 = vector.shape_cast %get3A_2208 : vector<1x16xf32> to vector<16xf32>
      %gt3A_2210 = arith.cmpf ogt, %get3A_2209, %select_n3A_2200 : vector<16xf32>
      %gt3A_2211 = arith.cmpf ogt, %get3A_2209, %select_n3A_2196 : vector<16xf32>
      %jit3A_2212 = arith.constant 7 : i32
      %broadcast_in_dim3A_2213 = vector.broadcast %jit3A_2212 : i32 to vector<16xi32>
      %select_n3A_2214 = arith.select %gt3A_2211, %broadcast_in_dim3A_2213, %select_n3A_2194 : vector<16xi1>, vector<16xi32>
      %select_n3A_2215 = arith.select %gt3A_2210, %select_n3A_2199, %select_n3A_2214 : vector<16xi1>, vector<16xi32>
      %select_n3A_2216 = arith.select %gt3A_2211, %get3A_2209, %select_n3A_2196 : vector<16xi1>, vector<16xf32>
      %select_n3A_2217 = arith.select %gt3A_2210, %select_n3A_2200, %select_n3A_2216 : vector<16xi1>, vector<16xf32>
      %jit3A_2218 = arith.constant 7 : i32
      %broadcast_in_dim3A_2219 = vector.broadcast %jit3A_2218 : i32 to vector<16xi32>
      %select_n3A_2220 = arith.select %gt3A_2210, %broadcast_in_dim3A_2219, %select_n3A_2199 : vector<16xi1>, vector<16xi32>
      %select_n3A_2221 = arith.select %gt3A_2210, %get3A_2209, %select_n3A_2200 : vector<16xi1>, vector<16xf32>
      %sub3A_2222 = arith.subf %select_n3A_2217, %select_n3A_2221 : vector<16xf32>
      %exp3A_2223 = math.exp %sub3A_2222 : vector<16xf32>
      %add3A_2224 = arith.constant 1.000000e+00 : f32
      %add3A_2225 = vector.broadcast %add3A_2224 : f32 to vector<16xf32>
      %add3A_2226 = arith.addf %add3A_2225, %exp3A_2223 : vector<16xf32>
      %div3A_2227 = arith.constant 1.000000e+00 : f32
      %div3A_2228 = vector.broadcast %div3A_2227 : f32 to vector<16xf32>
      %div3A_2229 = arith.divf %div3A_2228, %add3A_2226 : vector<16xf32>
      %mul3A_2230 = arith.mulf %exp3A_2223, %div3A_2229 : vector<16xf32>
      %eq3A_2231 = arith.constant 0 : i32
      %eq3A_2232 = vector.broadcast %eq3A_2231 : i32 to vector<16xi32>
      %eq3A_2233 = arith.cmpi eq, %select_n3A_2220, %eq3A_2232 : vector<16xi32>
      %jit3A_2234 = arith.constant 0.000000e+00 : f32
      %broadcast_in_dim3A_2235 = vector.broadcast %jit3A_2234 : f32 to vector<16xf32>
      %select_n3A_2236 = arith.select %eq3A_2233, %div3A_2229, %broadcast_in_dim3A_2235 : vector<16xi1>, vector<16xf32>
      %eq3A_2237 = arith.constant 0 : i32
      %eq3A_2238 = vector.broadcast %eq3A_2237 : i32 to vector<16xi32>
      %eq3A_2239 = arith.cmpi eq, %select_n3A_2215, %eq3A_2238 : vector<16xi32>
      %jit3A_2240 = arith.constant 0.000000e+00 : f32
      %broadcast_in_dim3A_2241 = vector.broadcast %jit3A_2240 : f32 to vector<16xf32>
      %select_n3A_2242 = arith.select %eq3A_2239, %mul3A_2230, %broadcast_in_dim3A_2241 : vector<16xi1>, vector<16xf32>
      %add3A_2243 = arith.addf %select_n3A_2236, %select_n3A_2242 : vector<16xf32>
      %swap3A_2244 = arith.constant 0 : i32
      %swap3A_2245 = arith.constant 0 : i32
      %swap3A_2246 = arith.constant 0 : i32
      %swap3A_2247 = tpu.memref_slice %run_scoped3A_8[%rem3A_156, %swap3A_2245, %swap3A_2246] : memref<2x8x128xf32, #tpu.memory_space<vmem>> -> memref<1x8x128xf32, #tpu.memory_space<vmem>>
      %swap3A_2248 = tpu.memref_squeeze %swap3A_2247 : memref<1x8x128xf32, #tpu.memory_space<vmem>> -> memref<8x128xf32, #tpu.memory_space<vmem>>
      %swap3A_2249 = arith.index_cast %swap3A_2244 : i32 to index
      %swap3A_2250 = arith.constant 80 : index
      %swap3A_2251 = tpu.vector_load %swap3A_2248[%swap3A_2249, %swap3A_2250] {strides = array<i32>} : memref<8x128xf32, #tpu.memory_space<vmem>>, vector<1x16xf32>,
      %swap3A_2252 = vector.shape_cast %swap3A_2251 : vector<1x16xf32> to vector<16xf32>
      %swap3A_2253 = vector.shape_cast %add3A_2243 : vector<16xf32> to vector<1x16xf32>
      tpu.vector_store %swap3A_2248[%swap3A_2249, %swap3A_2250], %swap3A_2253 {strides = array<i32>} : memref<8x128xf32, #tpu.memory_space<vmem>>, vector<1x16xf32>,
      %eq3A_2254 = arith.constant 1 : i32
      %eq3A_2255 = vector.broadcast %eq3A_2254 : i32 to vector<16xi32>
      %eq3A_2256 = arith.cmpi eq, %select_n3A_2220, %eq3A_2255 : vector<16xi32>
      %jit3A_2257 = arith.constant 0.000000e+00 : f32
      %broadcast_in_dim3A_2258 = vector.broadcast %jit3A_2257 : f32 to vector<16xf32>
      %select_n3A_2259 = arith.select %eq3A_2256, %div3A_2229, %broadcast_in_dim3A_2258 : vector<16xi1>, vector<16xf32>
      %eq3A_2260 = arith.constant 1 : i32
      %eq3A_2261 = vector.broadcast %eq3A_2260 : i32 to vector<16xi32>
      %eq3A_2262 = arith.cmpi eq, %select_n3A_2215, %eq3A_2261 : vector<16xi32>
      %jit3A_2263 = arith.constant 0.000000e+00 : f32
      %broadcast_in_dim3A_2264 = vector.broadcast %jit3A_2263 : f32 to vector<16xf32>
      %select_n3A_2265 = arith.select %eq3A_2262, %mul3A_2230, %broadcast_in_dim3A_2264 : vector<16xi1>, vector<16xf32>
      %add3A_2266 = arith.addf %select_n3A_2259, %select_n3A_2265 : vector<16xf32>
      %swap3A_2267 = arith.constant 1 : i32
      %swap3A_2268 = arith.constant 0 : i32
      %swap3A_2269 = arith.constant 0 : i32
      %swap3A_2270 = tpu.memref_slice %run_scoped3A_8[%rem3A_156, %swap3A_2268, %swap3A_2269] : memref<2x8x128xf32, #tpu.memory_space<vmem>> -> memref<1x8x128xf32, #tpu.memory_space<vmem>>
      %swap3A_2271 = tpu.memref_squeeze %swap3A_2270 : memref<1x8x128xf32, #tpu.memory_space<vmem>> -> memref<8x128xf32, #tpu.memory_space<vmem>>
      %swap3A_2272 = arith.index_cast %swap3A_2267 : i32 to index
      %swap3A_2273 = arith.constant 80 : index
      %swap3A_2274 = tpu.vector_load %swap3A_2271[%swap3A_2272, %swap3A_2273] {strides = array<i32>} : memref<8x128xf32, #tpu.memory_space<vmem>>, vector<1x16xf32>,
      %swap3A_2275 = vector.shape_cast %swap3A_2274 : vector<1x16xf32> to vector<16xf32>
      %swap3A_2276 = vector.shape_cast %add3A_2266 : vector<16xf32> to vector<1x16xf32>
      tpu.vector_store %swap3A_2271[%swap3A_2272, %swap3A_2273], %swap3A_2276 {strides = array<i32>} : memref<8x128xf32, #tpu.memory_space<vmem>>, vector<1x16xf32>,
      %eq3A_2277 = arith.constant 2 : i32
      %eq3A_2278 = vector.broadcast %eq3A_2277 : i32 to vector<16xi32>
      %eq3A_2279 = arith.cmpi eq, %select_n3A_2220, %eq3A_2278 : vector<16xi32>
      %jit3A_2280 = arith.constant 0.000000e+00 : f32
      %broadcast_in_dim3A_2281 = vector.broadcast %jit3A_2280 : f32 to vector<16xf32>
      %select_n3A_2282 = arith.select %eq3A_2279, %div3A_2229, %broadcast_in_dim3A_2281 : vector<16xi1>, vector<16xf32>
      %eq3A_2283 = arith.constant 2 : i32
      %eq3A_2284 = vector.broadcast %eq3A_2283 : i32 to vector<16xi32>
      %eq3A_2285 = arith.cmpi eq, %select_n3A_2215, %eq3A_2284 : vector<16xi32>
      %jit3A_2286 = arith.constant 0.000000e+00 : f32
      %broadcast_in_dim3A_2287 = vector.broadcast %jit3A_2286 : f32 to vector<16xf32>
      %select_n3A_2288 = arith.select %eq3A_2285, %mul3A_2230, %broadcast_in_dim3A_2287 : vector<16xi1>, vector<16xf32>
      %add3A_2289 = arith.addf %select_n3A_2282, %select_n3A_2288 : vector<16xf32>
      %swap3A_2290 = arith.constant 2 : i32
      %swap3A_2291 = arith.constant 0 : i32
      %swap3A_2292 = arith.constant 0 : i32
      %swap3A_2293 = tpu.memref_slice %run_scoped3A_8[%rem3A_156, %swap3A_2291, %swap3A_2292] : memref<2x8x128xf32, #tpu.memory_space<vmem>> -> memref<1x8x128xf32, #tpu.memory_space<vmem>>
      %swap3A_2294 = tpu.memref_squeeze %swap3A_2293 : memref<1x8x128xf32, #tpu.memory_space<vmem>> -> memref<8x128xf32, #tpu.memory_space<vmem>>
      %swap3A_2295 = arith.index_cast %swap3A_2290 : i32 to index
      %swap3A_2296 = arith.constant 80 : index
      %swap3A_2297 = tpu.vector_load %swap3A_2294[%swap3A_2295, %swap3A_2296] {strides = array<i32>} : memref<8x128xf32, #tpu.memory_space<vmem>>, vector<1x16xf32>,
      %swap3A_2298 = vector.shape_cast %swap3A_2297 : vector<1x16xf32> to vector<16xf32>
      %swap3A_2299 = vector.shape_cast %add3A_2289 : vector<16xf32> to vector<1x16xf32>
      tpu.vector_store %swap3A_2294[%swap3A_2295, %swap3A_2296], %swap3A_2299 {strides = array<i32>} : memref<8x128xf32, #tpu.memory_space<vmem>>, vector<1x16xf32>,
      %eq3A_2300 = arith.constant 3 : i32
      %eq3A_2301 = vector.broadcast %eq3A_2300 : i32 to vector<16xi32>
      %eq3A_2302 = arith.cmpi eq, %select_n3A_2220, %eq3A_2301 : vector<16xi32>
      %jit3A_2303 = arith.constant 0.000000e+00 : f32
      %broadcast_in_dim3A_2304 = vector.broadcast %jit3A_2303 : f32 to vector<16xf32>
      %select_n3A_2305 = arith.select %eq3A_2302, %div3A_2229, %broadcast_in_dim3A_2304 : vector<16xi1>, vector<16xf32>
      %eq3A_2306 = arith.constant 3 : i32
      %eq3A_2307 = vector.broadcast %eq3A_2306 : i32 to vector<16xi32>
      %eq3A_2308 = arith.cmpi eq, %select_n3A_2215, %eq3A_2307 : vector<16xi32>
      %jit3A_2309 = arith.constant 0.000000e+00 : f32
      %broadcast_in_dim3A_2310 = vector.broadcast %jit3A_2309 : f32 to vector<16xf32>
      %select_n3A_2311 = arith.select %eq3A_2308, %mul3A_2230, %broadcast_in_dim3A_2310 : vector<16xi1>, vector<16xf32>
      %add3A_2312 = arith.addf %select_n3A_2305, %select_n3A_2311 : vector<16xf32>
      %swap3A_2313 = arith.constant 3 : i32
      %swap3A_2314 = arith.constant 0 : i32
      %swap3A_2315 = arith.constant 0 : i32
      %swap3A_2316 = tpu.memref_slice %run_scoped3A_8[%rem3A_156, %swap3A_2314, %swap3A_2315] : memref<2x8x128xf32, #tpu.memory_space<vmem>> -> memref<1x8x128xf32, #tpu.memory_space<vmem>>
      %swap3A_2317 = tpu.memref_squeeze %swap3A_2316 : memref<1x8x128xf32, #tpu.memory_space<vmem>> -> memref<8x128xf32, #tpu.memory_space<vmem>>
      %swap3A_2318 = arith.index_cast %swap3A_2313 : i32 to index
      %swap3A_2319 = arith.constant 80 : index
      %swap3A_2320 = tpu.vector_load %swap3A_2317[%swap3A_2318, %swap3A_2319] {strides = array<i32>} : memref<8x128xf32, #tpu.memory_space<vmem>>, vector<1x16xf32>,
      %swap3A_2321 = vector.shape_cast %swap3A_2320 : vector<1x16xf32> to vector<16xf32>
      %swap3A_2322 = vector.shape_cast %add3A_2312 : vector<16xf32> to vector<1x16xf32>
      tpu.vector_store %swap3A_2317[%swap3A_2318, %swap3A_2319], %swap3A_2322 {strides = array<i32>} : memref<8x128xf32, #tpu.memory_space<vmem>>, vector<1x16xf32>,
      %eq3A_2323 = arith.constant 4 : i32
      %eq3A_2324 = vector.broadcast %eq3A_2323 : i32 to vector<16xi32>
      %eq3A_2325 = arith.cmpi eq, %select_n3A_2220, %eq3A_2324 : vector<16xi32>
      %jit3A_2326 = arith.constant 0.000000e+00 : f32
      %broadcast_in_dim3A_2327 = vector.broadcast %jit3A_2326 : f32 to vector<16xf32>
      %select_n3A_2328 = arith.select %eq3A_2325, %div3A_2229, %broadcast_in_dim3A_2327 : vector<16xi1>, vector<16xf32>
      %eq3A_2329 = arith.constant 4 : i32
      %eq3A_2330 = vector.broadcast %eq3A_2329 : i32 to vector<16xi32>
      %eq3A_2331 = arith.cmpi eq, %select_n3A_2215, %eq3A_2330 : vector<16xi32>
      %jit3A_2332 = arith.constant 0.000000e+00 : f32
      %broadcast_in_dim3A_2333 = vector.broadcast %jit3A_2332 : f32 to vector<16xf32>
      %select_n3A_2334 = arith.select %eq3A_2331, %mul3A_2230, %broadcast_in_dim3A_2333 : vector<16xi1>, vector<16xf32>
      %add3A_2335 = arith.addf %select_n3A_2328, %select_n3A_2334 : vector<16xf32>
      %swap3A_2336 = arith.constant 4 : i32
      %swap3A_2337 = arith.constant 0 : i32
      %swap3A_2338 = arith.constant 0 : i32
      %swap3A_2339 = tpu.memref_slice %run_scoped3A_8[%rem3A_156, %swap3A_2337, %swap3A_2338] : memref<2x8x128xf32, #tpu.memory_space<vmem>> -> memref<1x8x128xf32, #tpu.memory_space<vmem>>
      %swap3A_2340 = tpu.memref_squeeze %swap3A_2339 : memref<1x8x128xf32, #tpu.memory_space<vmem>> -> memref<8x128xf32, #tpu.memory_space<vmem>>
      %swap3A_2341 = arith.index_cast %swap3A_2336 : i32 to index
      %swap3A_2342 = arith.constant 80 : index
      %swap3A_2343 = tpu.vector_load %swap3A_2340[%swap3A_2341, %swap3A_2342] {strides = array<i32>} : memref<8x128xf32, #tpu.memory_space<vmem>>, vector<1x16xf32>,
      %swap3A_2344 = vector.shape_cast %swap3A_2343 : vector<1x16xf32> to vector<16xf32>
      %swap3A_2345 = vector.shape_cast %add3A_2335 : vector<16xf32> to vector<1x16xf32>
      tpu.vector_store %swap3A_2340[%swap3A_2341, %swap3A_2342], %swap3A_2345 {strides = array<i32>} : memref<8x128xf32, #tpu.memory_space<vmem>>, vector<1x16xf32>,
      %eq3A_2346 = arith.constant 5 : i32
      %eq3A_2347 = vector.broadcast %eq3A_2346 : i32 to vector<16xi32>
      %eq3A_2348 = arith.cmpi eq, %select_n3A_2220, %eq3A_2347 : vector<16xi32>
      %jit3A_2349 = arith.constant 0.000000e+00 : f32
      %broadcast_in_dim3A_2350 = vector.broadcast %jit3A_2349 : f32 to vector<16xf32>
      %select_n3A_2351 = arith.select %eq3A_2348, %div3A_2229, %broadcast_in_dim3A_2350 : vector<16xi1>, vector<16xf32>
      %eq3A_2352 = arith.constant 5 : i32
      %eq3A_2353 = vector.broadcast %eq3A_2352 : i32 to vector<16xi32>
      %eq3A_2354 = arith.cmpi eq, %select_n3A_2215, %eq3A_2353 : vector<16xi32>
      %jit3A_2355 = arith.constant 0.000000e+00 : f32
      %broadcast_in_dim3A_2356 = vector.broadcast %jit3A_2355 : f32 to vector<16xf32>
      %select_n3A_2357 = arith.select %eq3A_2354, %mul3A_2230, %broadcast_in_dim3A_2356 : vector<16xi1>, vector<16xf32>
      %add3A_2358 = arith.addf %select_n3A_2351, %select_n3A_2357 : vector<16xf32>
      %swap3A_2359 = arith.constant 5 : i32
      %swap3A_2360 = arith.constant 0 : i32
      %swap3A_2361 = arith.constant 0 : i32
      %swap3A_2362 = tpu.memref_slice %run_scoped3A_8[%rem3A_156, %swap3A_2360, %swap3A_2361] : memref<2x8x128xf32, #tpu.memory_space<vmem>> -> memref<1x8x128xf32, #tpu.memory_space<vmem>>
      %swap3A_2363 = tpu.memref_squeeze %swap3A_2362 : memref<1x8x128xf32, #tpu.memory_space<vmem>> -> memref<8x128xf32, #tpu.memory_space<vmem>>
      %swap3A_2364 = arith.index_cast %swap3A_2359 : i32 to index
      %swap3A_2365 = arith.constant 80 : index
      %swap3A_2366 = tpu.vector_load %swap3A_2363[%swap3A_2364, %swap3A_2365] {strides = array<i32>} : memref<8x128xf32, #tpu.memory_space<vmem>>, vector<1x16xf32>,
      %swap3A_2367 = vector.shape_cast %swap3A_2366 : vector<1x16xf32> to vector<16xf32>
      %swap3A_2368 = vector.shape_cast %add3A_2358 : vector<16xf32> to vector<1x16xf32>
      tpu.vector_store %swap3A_2363[%swap3A_2364, %swap3A_2365], %swap3A_2368 {strides = array<i32>} : memref<8x128xf32, #tpu.memory_space<vmem>>, vector<1x16xf32>,
      %eq3A_2369 = arith.constant 6 : i32
      %eq3A_2370 = vector.broadcast %eq3A_2369 : i32 to vector<16xi32>
      %eq3A_2371 = arith.cmpi eq, %select_n3A_2220, %eq3A_2370 : vector<16xi32>
      %jit3A_2372 = arith.constant 0.000000e+00 : f32
      %broadcast_in_dim3A_2373 = vector.broadcast %jit3A_2372 : f32 to vector<16xf32>
      %select_n3A_2374 = arith.select %eq3A_2371, %div3A_2229, %broadcast_in_dim3A_2373 : vector<16xi1>, vector<16xf32>
      %eq3A_2375 = arith.constant 6 : i32
      %eq3A_2376 = vector.broadcast %eq3A_2375 : i32 to vector<16xi32>
      %eq3A_2377 = arith.cmpi eq, %select_n3A_2215, %eq3A_2376 : vector<16xi32>
      %jit3A_2378 = arith.constant 0.000000e+00 : f32
      %broadcast_in_dim3A_2379 = vector.broadcast %jit3A_2378 : f32 to vector<16xf32>
      %select_n3A_2380 = arith.select %eq3A_2377, %mul3A_2230, %broadcast_in_dim3A_2379 : vector<16xi1>, vector<16xf32>
      %add3A_2381 = arith.addf %select_n3A_2374, %select_n3A_2380 : vector<16xf32>
      %swap3A_2382 = arith.constant 6 : i32
      %swap3A_2383 = arith.constant 0 : i32
      %swap3A_2384 = arith.constant 0 : i32
      %swap3A_2385 = tpu.memref_slice %run_scoped3A_8[%rem3A_156, %swap3A_2383, %swap3A_2384] : memref<2x8x128xf32, #tpu.memory_space<vmem>> -> memref<1x8x128xf32, #tpu.memory_space<vmem>>
      %swap3A_2386 = tpu.memref_squeeze %swap3A_2385 : memref<1x8x128xf32, #tpu.memory_space<vmem>> -> memref<8x128xf32, #tpu.memory_space<vmem>>
      %swap3A_2387 = arith.index_cast %swap3A_2382 : i32 to index
      %swap3A_2388 = arith.constant 80 : index
      %swap3A_2389 = tpu.vector_load %swap3A_2386[%swap3A_2387, %swap3A_2388] {strides = array<i32>} : memref<8x128xf32, #tpu.memory_space<vmem>>, vector<1x16xf32>,
      %swap3A_2390 = vector.shape_cast %swap3A_2389 : vector<1x16xf32> to vector<16xf32>
      %swap3A_2391 = vector.shape_cast %add3A_2381 : vector<16xf32> to vector<1x16xf32>
      tpu.vector_store %swap3A_2386[%swap3A_2387, %swap3A_2388], %swap3A_2391 {strides = array<i32>} : memref<8x128xf32, #tpu.memory_space<vmem>>, vector<1x16xf32>,
      %eq3A_2392 = arith.constant 7 : i32
      %eq3A_2393 = vector.broadcast %eq3A_2392 : i32 to vector<16xi32>
      %eq3A_2394 = arith.cmpi eq, %select_n3A_2220, %eq3A_2393 : vector<16xi32>
      %jit3A_2395 = arith.constant 0.000000e+00 : f32
      %broadcast_in_dim3A_2396 = vector.broadcast %jit3A_2395 : f32 to vector<16xf32>
      %select_n3A_2397 = arith.select %eq3A_2394, %div3A_2229, %broadcast_in_dim3A_2396 : vector<16xi1>, vector<16xf32>
      %eq3A_2398 = arith.constant 7 : i32
      %eq3A_2399 = vector.broadcast %eq3A_2398 : i32 to vector<16xi32>
      %eq3A_2400 = arith.cmpi eq, %select_n3A_2215, %eq3A_2399 : vector<16xi32>
      %jit3A_2401 = arith.constant 0.000000e+00 : f32
      %broadcast_in_dim3A_2402 = vector.broadcast %jit3A_2401 : f32 to vector<16xf32>
      %select_n3A_2403 = arith.select %eq3A_2400, %mul3A_2230, %broadcast_in_dim3A_2402 : vector<16xi1>, vector<16xf32>
      %add3A_2404 = arith.addf %select_n3A_2397, %select_n3A_2403 : vector<16xf32>
      %swap3A_2405 = arith.constant 7 : i32
      %swap3A_2406 = arith.constant 0 : i32
      %swap3A_2407 = arith.constant 0 : i32
      %swap3A_2408 = tpu.memref_slice %run_scoped3A_8[%rem3A_156, %swap3A_2406, %swap3A_2407] : memref<2x8x128xf32, #tpu.memory_space<vmem>> -> memref<1x8x128xf32, #tpu.memory_space<vmem>>
      %swap3A_2409 = tpu.memref_squeeze %swap3A_2408 : memref<1x8x128xf32, #tpu.memory_space<vmem>> -> memref<8x128xf32, #tpu.memory_space<vmem>>
      %swap3A_2410 = arith.index_cast %swap3A_2405 : i32 to index
      %swap3A_2411 = arith.constant 80 : index
      %swap3A_2412 = tpu.vector_load %swap3A_2409[%swap3A_2410, %swap3A_2411] {strides = array<i32>} : memref<8x128xf32, #tpu.memory_space<vmem>>, vector<1x16xf32>,
      %swap3A_2413 = vector.shape_cast %swap3A_2412 : vector<1x16xf32> to vector<16xf32>
      %swap3A_2414 = vector.shape_cast %add3A_2404 : vector<16xf32> to vector<1x16xf32>
      tpu.vector_store %swap3A_2409[%swap3A_2410, %swap3A_2411], %swap3A_2414 {strides = array<i32>} : memref<8x128xf32, #tpu.memory_space<vmem>>, vector<1x16xf32>,
      %swap3A_2415 = arith.constant 0 : i32
      %swap3A_2416 = arith.constant 0 : i32
      %swap3A_2417 = arith.constant 0 : i32
      %swap3A_2418 = tpu.memref_slice %run_scoped3A_10[%rem3A_158, %swap3A_2416, %swap3A_2417] : memref<2x8x128xf32, #tpu.memory_space<vmem>> -> memref<1x8x128xf32, #tpu.memory_space<vmem>>
      %swap3A_2419 = tpu.memref_squeeze %swap3A_2418 : memref<1x8x128xf32, #tpu.memory_space<vmem>> -> memref<8x128xf32, #tpu.memory_space<vmem>>
      %swap3A_2420 = arith.index_cast %swap3A_2415 : i32 to index
      %swap3A_2421 = arith.constant 80 : index
      %swap3A_2422 = tpu.vector_load %swap3A_2419[%swap3A_2420, %swap3A_2421] {strides = array<i32>} : memref<8x128xf32, #tpu.memory_space<vmem>>, vector<1x16xf32>,
      %swap3A_2423 = vector.shape_cast %swap3A_2422 : vector<1x16xf32> to vector<16xf32>
      %swap3A_2424 = vector.shape_cast %sub3A_2222 : vector<16xf32> to vector<1x16xf32>
      tpu.vector_store %swap3A_2419[%swap3A_2420, %swap3A_2421], %swap3A_2424 {strides = array<i32>} : memref<8x128xf32, #tpu.memory_space<vmem>>, vector<1x16xf32>,
      %broadcast_in_dim3A_2425 = arith.constant -1.000000e+30 : f32
      %broadcast_in_dim3A_2426 = vector.broadcast %broadcast_in_dim3A_2425 : f32 to vector<16xf32>
      %broadcast_in_dim3A_2427 = arith.constant -1.000000e+30 : f32
      %broadcast_in_dim3A_2428 = vector.broadcast %broadcast_in_dim3A_2427 : f32 to vector<16xf32>
      %broadcast_in_dim3A_2429 = arith.constant 0 : i32
      %broadcast_in_dim3A_2430 = vector.broadcast %broadcast_in_dim3A_2429 : i32 to vector<16xi32>
      %broadcast_in_dim3A_2431 = arith.constant 0 : i32
      %broadcast_in_dim3A_2432 = vector.broadcast %broadcast_in_dim3A_2431 : i32 to vector<16xi32>
      %get3A_2433 = arith.constant 0 : i32
      %get3A_2434 = arith.constant 0 : i32
      %get3A_2435 = arith.constant 0 : i32
      %get3A_2436 = tpu.memref_slice %run_scoped3A[%rem3A_154, %get3A_2434, %get3A_2435] : memref<2x8x128xf32, #tpu.memory_space<vmem>> -> memref<1x8x128xf32, #tpu.memory_space<vmem>>
      %get3A_2437 = tpu.memref_squeeze %get3A_2436 : memref<1x8x128xf32, #tpu.memory_space<vmem>> -> memref<8x128xf32, #tpu.memory_space<vmem>>
      %get3A_2438 = arith.index_cast %get3A_2433 : i32 to index
      %get3A_2439 = arith.constant 96 : index
      %get3A_2440 = tpu.vector_load %get3A_2437[%get3A_2438, %get3A_2439] {strides = array<i32>} : memref<8x128xf32, #tpu.memory_space<vmem>>, vector<1x16xf32>,
      %get3A_2441 = vector.shape_cast %get3A_2440 : vector<1x16xf32> to vector<16xf32>
      %gt3A_2442 = arith.cmpf ogt, %get3A_2441, %broadcast_in_dim3A_2426 : vector<16xf32>
      %gt3A_2443 = arith.cmpf ogt, %get3A_2441, %broadcast_in_dim3A_2428 : vector<16xf32>
      %jit3A_2444 = arith.constant 0 : i32
      %broadcast_in_dim3A_2445 = vector.broadcast %jit3A_2444 : i32 to vector<16xi32>
      %select_n3A_2446 = arith.select %gt3A_2443, %broadcast_in_dim3A_2445, %broadcast_in_dim3A_2432 : vector<16xi1>, vector<16xi32>
      %select_n3A_2447 = arith.select %gt3A_2442, %broadcast_in_dim3A_2430, %select_n3A_2446 : vector<16xi1>, vector<16xi32>
      %select_n3A_2448 = arith.select %gt3A_2443, %get3A_2441, %broadcast_in_dim3A_2428 : vector<16xi1>, vector<16xf32>
      %select_n3A_2449 = arith.select %gt3A_2442, %broadcast_in_dim3A_2426, %select_n3A_2448 : vector<16xi1>, vector<16xf32>
      %jit3A_2450 = arith.constant 0 : i32
      %broadcast_in_dim3A_2451 = vector.broadcast %jit3A_2450 : i32 to vector<16xi32>
      %select_n3A_2452 = arith.select %gt3A_2442, %broadcast_in_dim3A_2451, %broadcast_in_dim3A_2430 : vector<16xi1>, vector<16xi32>
      %select_n3A_2453 = arith.select %gt3A_2442, %get3A_2441, %broadcast_in_dim3A_2426 : vector<16xi1>, vector<16xf32>
      %get3A_2454 = arith.constant 1 : i32
      %get3A_2455 = arith.constant 0 : i32
      %get3A_2456 = arith.constant 0 : i32
      %get3A_2457 = tpu.memref_slice %run_scoped3A[%rem3A_154, %get3A_2455, %get3A_2456] : memref<2x8x128xf32, #tpu.memory_space<vmem>> -> memref<1x8x128xf32, #tpu.memory_space<vmem>>
      %get3A_2458 = tpu.memref_squeeze %get3A_2457 : memref<1x8x128xf32, #tpu.memory_space<vmem>> -> memref<8x128xf32, #tpu.memory_space<vmem>>
      %get3A_2459 = arith.index_cast %get3A_2454 : i32 to index
      %get3A_2460 = arith.constant 96 : index
      %get3A_2461 = tpu.vector_load %get3A_2458[%get3A_2459, %get3A_2460] {strides = array<i32>} : memref<8x128xf32, #tpu.memory_space<vmem>>, vector<1x16xf32>,
      %get3A_2462 = vector.shape_cast %get3A_2461 : vector<1x16xf32> to vector<16xf32>
      %gt3A_2463 = arith.cmpf ogt, %get3A_2462, %select_n3A_2453 : vector<16xf32>
      %gt3A_2464 = arith.cmpf ogt, %get3A_2462, %select_n3A_2449 : vector<16xf32>
      %jit3A_2465 = arith.constant 1 : i32
      %broadcast_in_dim3A_2466 = vector.broadcast %jit3A_2465 : i32 to vector<16xi32>
      %select_n3A_2467 = arith.select %gt3A_2464, %broadcast_in_dim3A_2466, %select_n3A_2447 : vector<16xi1>, vector<16xi32>
      %select_n3A_2468 = arith.select %gt3A_2463, %select_n3A_2452, %select_n3A_2467 : vector<16xi1>, vector<16xi32>
      %select_n3A_2469 = arith.select %gt3A_2464, %get3A_2462, %select_n3A_2449 : vector<16xi1>, vector<16xf32>
      %select_n3A_2470 = arith.select %gt3A_2463, %select_n3A_2453, %select_n3A_2469 : vector<16xi1>, vector<16xf32>
      %jit3A_2471 = arith.constant 1 : i32
      %broadcast_in_dim3A_2472 = vector.broadcast %jit3A_2471 : i32 to vector<16xi32>
      %select_n3A_2473 = arith.select %gt3A_2463, %broadcast_in_dim3A_2472, %select_n3A_2452 : vector<16xi1>, vector<16xi32>
      %select_n3A_2474 = arith.select %gt3A_2463, %get3A_2462, %select_n3A_2453 : vector<16xi1>, vector<16xf32>
      %get3A_2475 = arith.constant 2 : i32
      %get3A_2476 = arith.constant 0 : i32
      %get3A_2477 = arith.constant 0 : i32
      %get3A_2478 = tpu.memref_slice %run_scoped3A[%rem3A_154, %get3A_2476, %get3A_2477] : memref<2x8x128xf32, #tpu.memory_space<vmem>> -> memref<1x8x128xf32, #tpu.memory_space<vmem>>
      %get3A_2479 = tpu.memref_squeeze %get3A_2478 : memref<1x8x128xf32, #tpu.memory_space<vmem>> -> memref<8x128xf32, #tpu.memory_space<vmem>>
      %get3A_2480 = arith.index_cast %get3A_2475 : i32 to index
      %get3A_2481 = arith.constant 96 : index
      %get3A_2482 = tpu.vector_load %get3A_2479[%get3A_2480, %get3A_2481] {strides = array<i32>} : memref<8x128xf32, #tpu.memory_space<vmem>>, vector<1x16xf32>,
      %get3A_2483 = vector.shape_cast %get3A_2482 : vector<1x16xf32> to vector<16xf32>
      %gt3A_2484 = arith.cmpf ogt, %get3A_2483, %select_n3A_2474 : vector<16xf32>
      %gt3A_2485 = arith.cmpf ogt, %get3A_2483, %select_n3A_2470 : vector<16xf32>
      %jit3A_2486 = arith.constant 2 : i32
      %broadcast_in_dim3A_2487 = vector.broadcast %jit3A_2486 : i32 to vector<16xi32>
      %select_n3A_2488 = arith.select %gt3A_2485, %broadcast_in_dim3A_2487, %select_n3A_2468 : vector<16xi1>, vector<16xi32>
      %select_n3A_2489 = arith.select %gt3A_2484, %select_n3A_2473, %select_n3A_2488 : vector<16xi1>, vector<16xi32>
      %select_n3A_2490 = arith.select %gt3A_2485, %get3A_2483, %select_n3A_2470 : vector<16xi1>, vector<16xf32>
      %select_n3A_2491 = arith.select %gt3A_2484, %select_n3A_2474, %select_n3A_2490 : vector<16xi1>, vector<16xf32>
      %jit3A_2492 = arith.constant 2 : i32
      %broadcast_in_dim3A_2493 = vector.broadcast %jit3A_2492 : i32 to vector<16xi32>
      %select_n3A_2494 = arith.select %gt3A_2484, %broadcast_in_dim3A_2493, %select_n3A_2473 : vector<16xi1>, vector<16xi32>
      %select_n3A_2495 = arith.select %gt3A_2484, %get3A_2483, %select_n3A_2474 : vector<16xi1>, vector<16xf32>
      %get3A_2496 = arith.constant 3 : i32
      %get3A_2497 = arith.constant 0 : i32
      %get3A_2498 = arith.constant 0 : i32
      %get3A_2499 = tpu.memref_slice %run_scoped3A[%rem3A_154, %get3A_2497, %get3A_2498] : memref<2x8x128xf32, #tpu.memory_space<vmem>> -> memref<1x8x128xf32, #tpu.memory_space<vmem>>
      %get3A_2500 = tpu.memref_squeeze %get3A_2499 : memref<1x8x128xf32, #tpu.memory_space<vmem>> -> memref<8x128xf32, #tpu.memory_space<vmem>>
      %get3A_2501 = arith.index_cast %get3A_2496 : i32 to index
      %get3A_2502 = arith.constant 96 : index
      %get3A_2503 = tpu.vector_load %get3A_2500[%get3A_2501, %get3A_2502] {strides = array<i32>} : memref<8x128xf32, #tpu.memory_space<vmem>>, vector<1x16xf32>,
      %get3A_2504 = vector.shape_cast %get3A_2503 : vector<1x16xf32> to vector<16xf32>
      %gt3A_2505 = arith.cmpf ogt, %get3A_2504, %select_n3A_2495 : vector<16xf32>
      %gt3A_2506 = arith.cmpf ogt, %get3A_2504, %select_n3A_2491 : vector<16xf32>
      %jit3A_2507 = arith.constant 3 : i32
      %broadcast_in_dim3A_2508 = vector.broadcast %jit3A_2507 : i32 to vector<16xi32>
      %select_n3A_2509 = arith.select %gt3A_2506, %broadcast_in_dim3A_2508, %select_n3A_2489 : vector<16xi1>, vector<16xi32>
      %select_n3A_2510 = arith.select %gt3A_2505, %select_n3A_2494, %select_n3A_2509 : vector<16xi1>, vector<16xi32>
      %select_n3A_2511 = arith.select %gt3A_2506, %get3A_2504, %select_n3A_2491 : vector<16xi1>, vector<16xf32>
      %select_n3A_2512 = arith.select %gt3A_2505, %select_n3A_2495, %select_n3A_2511 : vector<16xi1>, vector<16xf32>
      %jit3A_2513 = arith.constant 3 : i32
      %broadcast_in_dim3A_2514 = vector.broadcast %jit3A_2513 : i32 to vector<16xi32>
      %select_n3A_2515 = arith.select %gt3A_2505, %broadcast_in_dim3A_2514, %select_n3A_2494 : vector<16xi1>, vector<16xi32>
      %select_n3A_2516 = arith.select %gt3A_2505, %get3A_2504, %select_n3A_2495 : vector<16xi1>, vector<16xf32>
      %get3A_2517 = arith.constant 4 : i32
      %get3A_2518 = arith.constant 0 : i32
      %get3A_2519 = arith.constant 0 : i32
      %get3A_2520 = tpu.memref_slice %run_scoped3A[%rem3A_154, %get3A_2518, %get3A_2519] : memref<2x8x128xf32, #tpu.memory_space<vmem>> -> memref<1x8x128xf32, #tpu.memory_space<vmem>>
      %get3A_2521 = tpu.memref_squeeze %get3A_2520 : memref<1x8x128xf32, #tpu.memory_space<vmem>> -> memref<8x128xf32, #tpu.memory_space<vmem>>
      %get3A_2522 = arith.index_cast %get3A_2517 : i32 to index
      %get3A_2523 = arith.constant 96 : index
      %get3A_2524 = tpu.vector_load %get3A_2521[%get3A_2522, %get3A_2523] {strides = array<i32>} : memref<8x128xf32, #tpu.memory_space<vmem>>, vector<1x16xf32>,
      %get3A_2525 = vector.shape_cast %get3A_2524 : vector<1x16xf32> to vector<16xf32>
      %gt3A_2526 = arith.cmpf ogt, %get3A_2525, %select_n3A_2516 : vector<16xf32>
      %gt3A_2527 = arith.cmpf ogt, %get3A_2525, %select_n3A_2512 : vector<16xf32>
      %jit3A_2528 = arith.constant 4 : i32
      %broadcast_in_dim3A_2529 = vector.broadcast %jit3A_2528 : i32 to vector<16xi32>
      %select_n3A_2530 = arith.select %gt3A_2527, %broadcast_in_dim3A_2529, %select_n3A_2510 : vector<16xi1>, vector<16xi32>
      %select_n3A_2531 = arith.select %gt3A_2526, %select_n3A_2515, %select_n3A_2530 : vector<16xi1>, vector<16xi32>
      %select_n3A_2532 = arith.select %gt3A_2527, %get3A_2525, %select_n3A_2512 : vector<16xi1>, vector<16xf32>
      %select_n3A_2533 = arith.select %gt3A_2526, %select_n3A_2516, %select_n3A_2532 : vector<16xi1>, vector<16xf32>
      %jit3A_2534 = arith.constant 4 : i32
      %broadcast_in_dim3A_2535 = vector.broadcast %jit3A_2534 : i32 to vector<16xi32>
      %select_n3A_2536 = arith.select %gt3A_2526, %broadcast_in_dim3A_2535, %select_n3A_2515 : vector<16xi1>, vector<16xi32>
      %select_n3A_2537 = arith.select %gt3A_2526, %get3A_2525, %select_n3A_2516 : vector<16xi1>, vector<16xf32>
      %get3A_2538 = arith.constant 5 : i32
      %get3A_2539 = arith.constant 0 : i32
      %get3A_2540 = arith.constant 0 : i32
      %get3A_2541 = tpu.memref_slice %run_scoped3A[%rem3A_154, %get3A_2539, %get3A_2540] : memref<2x8x128xf32, #tpu.memory_space<vmem>> -> memref<1x8x128xf32, #tpu.memory_space<vmem>>
      %get3A_2542 = tpu.memref_squeeze %get3A_2541 : memref<1x8x128xf32, #tpu.memory_space<vmem>> -> memref<8x128xf32, #tpu.memory_space<vmem>>
      %get3A_2543 = arith.index_cast %get3A_2538 : i32 to index
      %get3A_2544 = arith.constant 96 : index
      %get3A_2545 = tpu.vector_load %get3A_2542[%get3A_2543, %get3A_2544] {strides = array<i32>} : memref<8x128xf32, #tpu.memory_space<vmem>>, vector<1x16xf32>,
      %get3A_2546 = vector.shape_cast %get3A_2545 : vector<1x16xf32> to vector<16xf32>
      %gt3A_2547 = arith.cmpf ogt, %get3A_2546, %select_n3A_2537 : vector<16xf32>
      %gt3A_2548 = arith.cmpf ogt, %get3A_2546, %select_n3A_2533 : vector<16xf32>
      %jit3A_2549 = arith.constant 5 : i32
      %broadcast_in_dim3A_2550 = vector.broadcast %jit3A_2549 : i32 to vector<16xi32>
      %select_n3A_2551 = arith.select %gt3A_2548, %broadcast_in_dim3A_2550, %select_n3A_2531 : vector<16xi1>, vector<16xi32>
      %select_n3A_2552 = arith.select %gt3A_2547, %select_n3A_2536, %select_n3A_2551 : vector<16xi1>, vector<16xi32>
      %select_n3A_2553 = arith.select %gt3A_2548, %get3A_2546, %select_n3A_2533 : vector<16xi1>, vector<16xf32>
      %select_n3A_2554 = arith.select %gt3A_2547, %select_n3A_2537, %select_n3A_2553 : vector<16xi1>, vector<16xf32>
      %jit3A_2555 = arith.constant 5 : i32
      %broadcast_in_dim3A_2556 = vector.broadcast %jit3A_2555 : i32 to vector<16xi32>
      %select_n3A_2557 = arith.select %gt3A_2547, %broadcast_in_dim3A_2556, %select_n3A_2536 : vector<16xi1>, vector<16xi32>
      %select_n3A_2558 = arith.select %gt3A_2547, %get3A_2546, %select_n3A_2537 : vector<16xi1>, vector<16xf32>
      %get3A_2559 = arith.constant 6 : i32
      %get3A_2560 = arith.constant 0 : i32
      %get3A_2561 = arith.constant 0 : i32
      %get3A_2562 = tpu.memref_slice %run_scoped3A[%rem3A_154, %get3A_2560, %get3A_2561] : memref<2x8x128xf32, #tpu.memory_space<vmem>> -> memref<1x8x128xf32, #tpu.memory_space<vmem>>
      %get3A_2563 = tpu.memref_squeeze %get3A_2562 : memref<1x8x128xf32, #tpu.memory_space<vmem>> -> memref<8x128xf32, #tpu.memory_space<vmem>>
      %get3A_2564 = arith.index_cast %get3A_2559 : i32 to index
      %get3A_2565 = arith.constant 96 : index
      %get3A_2566 = tpu.vector_load %get3A_2563[%get3A_2564, %get3A_2565] {strides = array<i32>} : memref<8x128xf32, #tpu.memory_space<vmem>>, vector<1x16xf32>,
      %get3A_2567 = vector.shape_cast %get3A_2566 : vector<1x16xf32> to vector<16xf32>
      %gt3A_2568 = arith.cmpf ogt, %get3A_2567, %select_n3A_2558 : vector<16xf32>
      %gt3A_2569 = arith.cmpf ogt, %get3A_2567, %select_n3A_2554 : vector<16xf32>
      %jit3A_2570 = arith.constant 6 : i32
      %broadcast_in_dim3A_2571 = vector.broadcast %jit3A_2570 : i32 to vector<16xi32>
      %select_n3A_2572 = arith.select %gt3A_2569, %broadcast_in_dim3A_2571, %select_n3A_2552 : vector<16xi1>, vector<16xi32>
      %select_n3A_2573 = arith.select %gt3A_2568, %select_n3A_2557, %select_n3A_2572 : vector<16xi1>, vector<16xi32>
      %select_n3A_2574 = arith.select %gt3A_2569, %get3A_2567, %select_n3A_2554 : vector<16xi1>, vector<16xf32>
      %select_n3A_2575 = arith.select %gt3A_2568, %select_n3A_2558, %select_n3A_2574 : vector<16xi1>, vector<16xf32>
      %jit3A_2576 = arith.constant 6 : i32
      %broadcast_in_dim3A_2577 = vector.broadcast %jit3A_2576 : i32 to vector<16xi32>
      %select_n3A_2578 = arith.select %gt3A_2568, %broadcast_in_dim3A_2577, %select_n3A_2557 : vector<16xi1>, vector<16xi32>
      %select_n3A_2579 = arith.select %gt3A_2568, %get3A_2567, %select_n3A_2558 : vector<16xi1>, vector<16xf32>
      %get3A_2580 = arith.constant 7 : i32
      %get3A_2581 = arith.constant 0 : i32
      %get3A_2582 = arith.constant 0 : i32
      %get3A_2583 = tpu.memref_slice %run_scoped3A[%rem3A_154, %get3A_2581, %get3A_2582] : memref<2x8x128xf32, #tpu.memory_space<vmem>> -> memref<1x8x128xf32, #tpu.memory_space<vmem>>
      %get3A_2584 = tpu.memref_squeeze %get3A_2583 : memref<1x8x128xf32, #tpu.memory_space<vmem>> -> memref<8x128xf32, #tpu.memory_space<vmem>>
      %get3A_2585 = arith.index_cast %get3A_2580 : i32 to index
      %get3A_2586 = arith.constant 96 : index
      %get3A_2587 = tpu.vector_load %get3A_2584[%get3A_2585, %get3A_2586] {strides = array<i32>} : memref<8x128xf32, #tpu.memory_space<vmem>>, vector<1x16xf32>,
      %get3A_2588 = vector.shape_cast %get3A_2587 : vector<1x16xf32> to vector<16xf32>
      %gt3A_2589 = arith.cmpf ogt, %get3A_2588, %select_n3A_2579 : vector<16xf32>
      %gt3A_2590 = arith.cmpf ogt, %get3A_2588, %select_n3A_2575 : vector<16xf32>
      %jit3A_2591 = arith.constant 7 : i32
      %broadcast_in_dim3A_2592 = vector.broadcast %jit3A_2591 : i32 to vector<16xi32>
      %select_n3A_2593 = arith.select %gt3A_2590, %broadcast_in_dim3A_2592, %select_n3A_2573 : vector<16xi1>, vector<16xi32>
      %select_n3A_2594 = arith.select %gt3A_2589, %select_n3A_2578, %select_n3A_2593 : vector<16xi1>, vector<16xi32>
      %select_n3A_2595 = arith.select %gt3A_2590, %get3A_2588, %select_n3A_2575 : vector<16xi1>, vector<16xf32>
      %select_n3A_2596 = arith.select %gt3A_2589, %select_n3A_2579, %select_n3A_2595 : vector<16xi1>, vector<16xf32>
      %jit3A_2597 = arith.constant 7 : i32
      %broadcast_in_dim3A_2598 = vector.broadcast %jit3A_2597 : i32 to vector<16xi32>
      %select_n3A_2599 = arith.select %gt3A_2589, %broadcast_in_dim3A_2598, %select_n3A_2578 : vector<16xi1>, vector<16xi32>
      %select_n3A_2600 = arith.select %gt3A_2589, %get3A_2588, %select_n3A_2579 : vector<16xi1>, vector<16xf32>
      %sub3A_2601 = arith.subf %select_n3A_2596, %select_n3A_2600 : vector<16xf32>
      %exp3A_2602 = math.exp %sub3A_2601 : vector<16xf32>
      %add3A_2603 = arith.constant 1.000000e+00 : f32
      %add3A_2604 = vector.broadcast %add3A_2603 : f32 to vector<16xf32>
      %add3A_2605 = arith.addf %add3A_2604, %exp3A_2602 : vector<16xf32>
      %div3A_2606 = arith.constant 1.000000e+00 : f32
      %div3A_2607 = vector.broadcast %div3A_2606 : f32 to vector<16xf32>
      %div3A_2608 = arith.divf %div3A_2607, %add3A_2605 : vector<16xf32>
      %mul3A_2609 = arith.mulf %exp3A_2602, %div3A_2608 : vector<16xf32>
      %eq3A_2610 = arith.constant 0 : i32
      %eq3A_2611 = vector.broadcast %eq3A_2610 : i32 to vector<16xi32>
      %eq3A_2612 = arith.cmpi eq, %select_n3A_2599, %eq3A_2611 : vector<16xi32>
      %jit3A_2613 = arith.constant 0.000000e+00 : f32
      %broadcast_in_dim3A_2614 = vector.broadcast %jit3A_2613 : f32 to vector<16xf32>
      %select_n3A_2615 = arith.select %eq3A_2612, %div3A_2608, %broadcast_in_dim3A_2614 : vector<16xi1>, vector<16xf32>
      %eq3A_2616 = arith.constant 0 : i32
      %eq3A_2617 = vector.broadcast %eq3A_2616 : i32 to vector<16xi32>
      %eq3A_2618 = arith.cmpi eq, %select_n3A_2594, %eq3A_2617 : vector<16xi32>
      %jit3A_2619 = arith.constant 0.000000e+00 : f32
      %broadcast_in_dim3A_2620 = vector.broadcast %jit3A_2619 : f32 to vector<16xf32>
      %select_n3A_2621 = arith.select %eq3A_2618, %mul3A_2609, %broadcast_in_dim3A_2620 : vector<16xi1>, vector<16xf32>
      %add3A_2622 = arith.addf %select_n3A_2615, %select_n3A_2621 : vector<16xf32>
      %swap3A_2623 = arith.constant 0 : i32
      %swap3A_2624 = arith.constant 0 : i32
      %swap3A_2625 = arith.constant 0 : i32
      %swap3A_2626 = tpu.memref_slice %run_scoped3A_8[%rem3A_156, %swap3A_2624, %swap3A_2625] : memref<2x8x128xf32, #tpu.memory_space<vmem>> -> memref<1x8x128xf32, #tpu.memory_space<vmem>>
      %swap3A_2627 = tpu.memref_squeeze %swap3A_2626 : memref<1x8x128xf32, #tpu.memory_space<vmem>> -> memref<8x128xf32, #tpu.memory_space<vmem>>
      %swap3A_2628 = arith.index_cast %swap3A_2623 : i32 to index
      %swap3A_2629 = arith.constant 96 : index
      %swap3A_2630 = tpu.vector_load %swap3A_2627[%swap3A_2628, %swap3A_2629] {strides = array<i32>} : memref<8x128xf32, #tpu.memory_space<vmem>>, vector<1x16xf32>,
      %swap3A_2631 = vector.shape_cast %swap3A_2630 : vector<1x16xf32> to vector<16xf32>
      %swap3A_2632 = vector.shape_cast %add3A_2622 : vector<16xf32> to vector<1x16xf32>
      tpu.vector_store %swap3A_2627[%swap3A_2628, %swap3A_2629], %swap3A_2632 {strides = array<i32>} : memref<8x128xf32, #tpu.memory_space<vmem>>, vector<1x16xf32>,
      %eq3A_2633 = arith.constant 1 : i32
      %eq3A_2634 = vector.broadcast %eq3A_2633 : i32 to vector<16xi32>
      %eq3A_2635 = arith.cmpi eq, %select_n3A_2599, %eq3A_2634 : vector<16xi32>
      %jit3A_2636 = arith.constant 0.000000e+00 : f32
      %broadcast_in_dim3A_2637 = vector.broadcast %jit3A_2636 : f32 to vector<16xf32>
      %select_n3A_2638 = arith.select %eq3A_2635, %div3A_2608, %broadcast_in_dim3A_2637 : vector<16xi1>, vector<16xf32>
      %eq3A_2639 = arith.constant 1 : i32
      %eq3A_2640 = vector.broadcast %eq3A_2639 : i32 to vector<16xi32>
      %eq3A_2641 = arith.cmpi eq, %select_n3A_2594, %eq3A_2640 : vector<16xi32>
      %jit3A_2642 = arith.constant 0.000000e+00 : f32
      %broadcast_in_dim3A_2643 = vector.broadcast %jit3A_2642 : f32 to vector<16xf32>
      %select_n3A_2644 = arith.select %eq3A_2641, %mul3A_2609, %broadcast_in_dim3A_2643 : vector<16xi1>, vector<16xf32>
      %add3A_2645 = arith.addf %select_n3A_2638, %select_n3A_2644 : vector<16xf32>
      %swap3A_2646 = arith.constant 1 : i32
      %swap3A_2647 = arith.constant 0 : i32
      %swap3A_2648 = arith.constant 0 : i32
      %swap3A_2649 = tpu.memref_slice %run_scoped3A_8[%rem3A_156, %swap3A_2647, %swap3A_2648] : memref<2x8x128xf32, #tpu.memory_space<vmem>> -> memref<1x8x128xf32, #tpu.memory_space<vmem>>
      %swap3A_2650 = tpu.memref_squeeze %swap3A_2649 : memref<1x8x128xf32, #tpu.memory_space<vmem>> -> memref<8x128xf32, #tpu.memory_space<vmem>>
      %swap3A_2651 = arith.index_cast %swap3A_2646 : i32 to index
      %swap3A_2652 = arith.constant 96 : index
      %swap3A_2653 = tpu.vector_load %swap3A_2650[%swap3A_2651, %swap3A_2652] {strides = array<i32>} : memref<8x128xf32, #tpu.memory_space<vmem>>, vector<1x16xf32>,
      %swap3A_2654 = vector.shape_cast %swap3A_2653 : vector<1x16xf32> to vector<16xf32>
      %swap3A_2655 = vector.shape_cast %add3A_2645 : vector<16xf32> to vector<1x16xf32>
      tpu.vector_store %swap3A_2650[%swap3A_2651, %swap3A_2652], %swap3A_2655 {strides = array<i32>} : memref<8x128xf32, #tpu.memory_space<vmem>>, vector<1x16xf32>,
      %eq3A_2656 = arith.constant 2 : i32
      %eq3A_2657 = vector.broadcast %eq3A_2656 : i32 to vector<16xi32>
      %eq3A_2658 = arith.cmpi eq, %select_n3A_2599, %eq3A_2657 : vector<16xi32>
      %jit3A_2659 = arith.constant 0.000000e+00 : f32
      %broadcast_in_dim3A_2660 = vector.broadcast %jit3A_2659 : f32 to vector<16xf32>
      %select_n3A_2661 = arith.select %eq3A_2658, %div3A_2608, %broadcast_in_dim3A_2660 : vector<16xi1>, vector<16xf32>
      %eq3A_2662 = arith.constant 2 : i32
      %eq3A_2663 = vector.broadcast %eq3A_2662 : i32 to vector<16xi32>
      %eq3A_2664 = arith.cmpi eq, %select_n3A_2594, %eq3A_2663 : vector<16xi32>
      %jit3A_2665 = arith.constant 0.000000e+00 : f32
      %broadcast_in_dim3A_2666 = vector.broadcast %jit3A_2665 : f32 to vector<16xf32>
      %select_n3A_2667 = arith.select %eq3A_2664, %mul3A_2609, %broadcast_in_dim3A_2666 : vector<16xi1>, vector<16xf32>
      %add3A_2668 = arith.addf %select_n3A_2661, %select_n3A_2667 : vector<16xf32>
      %swap3A_2669 = arith.constant 2 : i32
      %swap3A_2670 = arith.constant 0 : i32
      %swap3A_2671 = arith.constant 0 : i32
      %swap3A_2672 = tpu.memref_slice %run_scoped3A_8[%rem3A_156, %swap3A_2670, %swap3A_2671] : memref<2x8x128xf32, #tpu.memory_space<vmem>> -> memref<1x8x128xf32, #tpu.memory_space<vmem>>
      %swap3A_2673 = tpu.memref_squeeze %swap3A_2672 : memref<1x8x128xf32, #tpu.memory_space<vmem>> -> memref<8x128xf32, #tpu.memory_space<vmem>>
      %swap3A_2674 = arith.index_cast %swap3A_2669 : i32 to index
      %swap3A_2675 = arith.constant 96 : index
      %swap3A_2676 = tpu.vector_load %swap3A_2673[%swap3A_2674, %swap3A_2675] {strides = array<i32>} : memref<8x128xf32, #tpu.memory_space<vmem>>, vector<1x16xf32>,
      %swap3A_2677 = vector.shape_cast %swap3A_2676 : vector<1x16xf32> to vector<16xf32>
      %swap3A_2678 = vector.shape_cast %add3A_2668 : vector<16xf32> to vector<1x16xf32>
      tpu.vector_store %swap3A_2673[%swap3A_2674, %swap3A_2675], %swap3A_2678 {strides = array<i32>} : memref<8x128xf32, #tpu.memory_space<vmem>>, vector<1x16xf32>,
      %eq3A_2679 = arith.constant 3 : i32
      %eq3A_2680 = vector.broadcast %eq3A_2679 : i32 to vector<16xi32>
      %eq3A_2681 = arith.cmpi eq, %select_n3A_2599, %eq3A_2680 : vector<16xi32>
      %jit3A_2682 = arith.constant 0.000000e+00 : f32
      %broadcast_in_dim3A_2683 = vector.broadcast %jit3A_2682 : f32 to vector<16xf32>
      %select_n3A_2684 = arith.select %eq3A_2681, %div3A_2608, %broadcast_in_dim3A_2683 : vector<16xi1>, vector<16xf32>
      %eq3A_2685 = arith.constant 3 : i32
      %eq3A_2686 = vector.broadcast %eq3A_2685 : i32 to vector<16xi32>
      %eq3A_2687 = arith.cmpi eq, %select_n3A_2594, %eq3A_2686 : vector<16xi32>
      %jit3A_2688 = arith.constant 0.000000e+00 : f32
      %broadcast_in_dim3A_2689 = vector.broadcast %jit3A_2688 : f32 to vector<16xf32>
      %select_n3A_2690 = arith.select %eq3A_2687, %mul3A_2609, %broadcast_in_dim3A_2689 : vector<16xi1>, vector<16xf32>
      %add3A_2691 = arith.addf %select_n3A_2684, %select_n3A_2690 : vector<16xf32>
      %swap3A_2692 = arith.constant 3 : i32
      %swap3A_2693 = arith.constant 0 : i32
      %swap3A_2694 = arith.constant 0 : i32
      %swap3A_2695 = tpu.memref_slice %run_scoped3A_8[%rem3A_156, %swap3A_2693, %swap3A_2694] : memref<2x8x128xf32, #tpu.memory_space<vmem>> -> memref<1x8x128xf32, #tpu.memory_space<vmem>>
      %swap3A_2696 = tpu.memref_squeeze %swap3A_2695 : memref<1x8x128xf32, #tpu.memory_space<vmem>> -> memref<8x128xf32, #tpu.memory_space<vmem>>
      %swap3A_2697 = arith.index_cast %swap3A_2692 : i32 to index
      %swap3A_2698 = arith.constant 96 : index
      %swap3A_2699 = tpu.vector_load %swap3A_2696[%swap3A_2697, %swap3A_2698] {strides = array<i32>} : memref<8x128xf32, #tpu.memory_space<vmem>>, vector<1x16xf32>,
      %swap3A_2700 = vector.shape_cast %swap3A_2699 : vector<1x16xf32> to vector<16xf32>
      %swap3A_2701 = vector.shape_cast %add3A_2691 : vector<16xf32> to vector<1x16xf32>
      tpu.vector_store %swap3A_2696[%swap3A_2697, %swap3A_2698], %swap3A_2701 {strides = array<i32>} : memref<8x128xf32, #tpu.memory_space<vmem>>, vector<1x16xf32>,
      %eq3A_2702 = arith.constant 4 : i32
      %eq3A_2703 = vector.broadcast %eq3A_2702 : i32 to vector<16xi32>
      %eq3A_2704 = arith.cmpi eq, %select_n3A_2599, %eq3A_2703 : vector<16xi32>
      %jit3A_2705 = arith.constant 0.000000e+00 : f32
      %broadcast_in_dim3A_2706 = vector.broadcast %jit3A_2705 : f32 to vector<16xf32>
      %select_n3A_2707 = arith.select %eq3A_2704, %div3A_2608, %broadcast_in_dim3A_2706 : vector<16xi1>, vector<16xf32>
      %eq3A_2708 = arith.constant 4 : i32
      %eq3A_2709 = vector.broadcast %eq3A_2708 : i32 to vector<16xi32>
      %eq3A_2710 = arith.cmpi eq, %select_n3A_2594, %eq3A_2709 : vector<16xi32>
      %jit3A_2711 = arith.constant 0.000000e+00 : f32
      %broadcast_in_dim3A_2712 = vector.broadcast %jit3A_2711 : f32 to vector<16xf32>
      %select_n3A_2713 = arith.select %eq3A_2710, %mul3A_2609, %broadcast_in_dim3A_2712 : vector<16xi1>, vector<16xf32>
      %add3A_2714 = arith.addf %select_n3A_2707, %select_n3A_2713 : vector<16xf32>
      %swap3A_2715 = arith.constant 4 : i32
      %swap3A_2716 = arith.constant 0 : i32
      %swap3A_2717 = arith.constant 0 : i32
      %swap3A_2718 = tpu.memref_slice %run_scoped3A_8[%rem3A_156, %swap3A_2716, %swap3A_2717] : memref<2x8x128xf32, #tpu.memory_space<vmem>> -> memref<1x8x128xf32, #tpu.memory_space<vmem>>
      %swap3A_2719 = tpu.memref_squeeze %swap3A_2718 : memref<1x8x128xf32, #tpu.memory_space<vmem>> -> memref<8x128xf32, #tpu.memory_space<vmem>>
      %swap3A_2720 = arith.index_cast %swap3A_2715 : i32 to index
      %swap3A_2721 = arith.constant 96 : index
      %swap3A_2722 = tpu.vector_load %swap3A_2719[%swap3A_2720, %swap3A_2721] {strides = array<i32>} : memref<8x128xf32, #tpu.memory_space<vmem>>, vector<1x16xf32>,
      %swap3A_2723 = vector.shape_cast %swap3A_2722 : vector<1x16xf32> to vector<16xf32>
      %swap3A_2724 = vector.shape_cast %add3A_2714 : vector<16xf32> to vector<1x16xf32>
      tpu.vector_store %swap3A_2719[%swap3A_2720, %swap3A_2721], %swap3A_2724 {strides = array<i32>} : memref<8x128xf32, #tpu.memory_space<vmem>>, vector<1x16xf32>,
      %eq3A_2725 = arith.constant 5 : i32
      %eq3A_2726 = vector.broadcast %eq3A_2725 : i32 to vector<16xi32>
      %eq3A_2727 = arith.cmpi eq, %select_n3A_2599, %eq3A_2726 : vector<16xi32>
      %jit3A_2728 = arith.constant 0.000000e+00 : f32
      %broadcast_in_dim3A_2729 = vector.broadcast %jit3A_2728 : f32 to vector<16xf32>
      %select_n3A_2730 = arith.select %eq3A_2727, %div3A_2608, %broadcast_in_dim3A_2729 : vector<16xi1>, vector<16xf32>
      %eq3A_2731 = arith.constant 5 : i32
      %eq3A_2732 = vector.broadcast %eq3A_2731 : i32 to vector<16xi32>
      %eq3A_2733 = arith.cmpi eq, %select_n3A_2594, %eq3A_2732 : vector<16xi32>
      %jit3A_2734 = arith.constant 0.000000e+00 : f32
      %broadcast_in_dim3A_2735 = vector.broadcast %jit3A_2734 : f32 to vector<16xf32>
      %select_n3A_2736 = arith.select %eq3A_2733, %mul3A_2609, %broadcast_in_dim3A_2735 : vector<16xi1>, vector<16xf32>
      %add3A_2737 = arith.addf %select_n3A_2730, %select_n3A_2736 : vector<16xf32>
      %swap3A_2738 = arith.constant 5 : i32
      %swap3A_2739 = arith.constant 0 : i32
      %swap3A_2740 = arith.constant 0 : i32
      %swap3A_2741 = tpu.memref_slice %run_scoped3A_8[%rem3A_156, %swap3A_2739, %swap3A_2740] : memref<2x8x128xf32, #tpu.memory_space<vmem>> -> memref<1x8x128xf32, #tpu.memory_space<vmem>>
      %swap3A_2742 = tpu.memref_squeeze %swap3A_2741 : memref<1x8x128xf32, #tpu.memory_space<vmem>> -> memref<8x128xf32, #tpu.memory_space<vmem>>
      %swap3A_2743 = arith.index_cast %swap3A_2738 : i32 to index
      %swap3A_2744 = arith.constant 96 : index
      %swap3A_2745 = tpu.vector_load %swap3A_2742[%swap3A_2743, %swap3A_2744] {strides = array<i32>} : memref<8x128xf32, #tpu.memory_space<vmem>>, vector<1x16xf32>,
      %swap3A_2746 = vector.shape_cast %swap3A_2745 : vector<1x16xf32> to vector<16xf32>
      %swap3A_2747 = vector.shape_cast %add3A_2737 : vector<16xf32> to vector<1x16xf32>
      tpu.vector_store %swap3A_2742[%swap3A_2743, %swap3A_2744], %swap3A_2747 {strides = array<i32>} : memref<8x128xf32, #tpu.memory_space<vmem>>, vector<1x16xf32>,
      %eq3A_2748 = arith.constant 6 : i32
      %eq3A_2749 = vector.broadcast %eq3A_2748 : i32 to vector<16xi32>
      %eq3A_2750 = arith.cmpi eq, %select_n3A_2599, %eq3A_2749 : vector<16xi32>
      %jit3A_2751 = arith.constant 0.000000e+00 : f32
      %broadcast_in_dim3A_2752 = vector.broadcast %jit3A_2751 : f32 to vector<16xf32>
      %select_n3A_2753 = arith.select %eq3A_2750, %div3A_2608, %broadcast_in_dim3A_2752 : vector<16xi1>, vector<16xf32>
      %eq3A_2754 = arith.constant 6 : i32
      %eq3A_2755 = vector.broadcast %eq3A_2754 : i32 to vector<16xi32>
      %eq3A_2756 = arith.cmpi eq, %select_n3A_2594, %eq3A_2755 : vector<16xi32>
      %jit3A_2757 = arith.constant 0.000000e+00 : f32
      %broadcast_in_dim3A_2758 = vector.broadcast %jit3A_2757 : f32 to vector<16xf32>
      %select_n3A_2759 = arith.select %eq3A_2756, %mul3A_2609, %broadcast_in_dim3A_2758 : vector<16xi1>, vector<16xf32>
      %add3A_2760 = arith.addf %select_n3A_2753, %select_n3A_2759 : vector<16xf32>
      %swap3A_2761 = arith.constant 6 : i32
      %swap3A_2762 = arith.constant 0 : i32
      %swap3A_2763 = arith.constant 0 : i32
      %swap3A_2764 = tpu.memref_slice %run_scoped3A_8[%rem3A_156, %swap3A_2762, %swap3A_2763] : memref<2x8x128xf32, #tpu.memory_space<vmem>> -> memref<1x8x128xf32, #tpu.memory_space<vmem>>
      %swap3A_2765 = tpu.memref_squeeze %swap3A_2764 : memref<1x8x128xf32, #tpu.memory_space<vmem>> -> memref<8x128xf32, #tpu.memory_space<vmem>>
      %swap3A_2766 = arith.index_cast %swap3A_2761 : i32 to index
      %swap3A_2767 = arith.constant 96 : index
      %swap3A_2768 = tpu.vector_load %swap3A_2765[%swap3A_2766, %swap3A_2767] {strides = array<i32>} : memref<8x128xf32, #tpu.memory_space<vmem>>, vector<1x16xf32>,
      %swap3A_2769 = vector.shape_cast %swap3A_2768 : vector<1x16xf32> to vector<16xf32>
      %swap3A_2770 = vector.shape_cast %add3A_2760 : vector<16xf32> to vector<1x16xf32>
      tpu.vector_store %swap3A_2765[%swap3A_2766, %swap3A_2767], %swap3A_2770 {strides = array<i32>} : memref<8x128xf32, #tpu.memory_space<vmem>>, vector<1x16xf32>,
      %eq3A_2771 = arith.constant 7 : i32
      %eq3A_2772 = vector.broadcast %eq3A_2771 : i32 to vector<16xi32>
      %eq3A_2773 = arith.cmpi eq, %select_n3A_2599, %eq3A_2772 : vector<16xi32>
      %jit3A_2774 = arith.constant 0.000000e+00 : f32
      %broadcast_in_dim3A_2775 = vector.broadcast %jit3A_2774 : f32 to vector<16xf32>
      %select_n3A_2776 = arith.select %eq3A_2773, %div3A_2608, %broadcast_in_dim3A_2775 : vector<16xi1>, vector<16xf32>
      %eq3A_2777 = arith.constant 7 : i32
      %eq3A_2778 = vector.broadcast %eq3A_2777 : i32 to vector<16xi32>
      %eq3A_2779 = arith.cmpi eq, %select_n3A_2594, %eq3A_2778 : vector<16xi32>
      %jit3A_2780 = arith.constant 0.000000e+00 : f32
      %broadcast_in_dim3A_2781 = vector.broadcast %jit3A_2780 : f32 to vector<16xf32>
      %select_n3A_2782 = arith.select %eq3A_2779, %mul3A_2609, %broadcast_in_dim3A_2781 : vector<16xi1>, vector<16xf32>
      %add3A_2783 = arith.addf %select_n3A_2776, %select_n3A_2782 : vector<16xf32>
      %swap3A_2784 = arith.constant 7 : i32
      %swap3A_2785 = arith.constant 0 : i32
      %swap3A_2786 = arith.constant 0 : i32
      %swap3A_2787 = tpu.memref_slice %run_scoped3A_8[%rem3A_156, %swap3A_2785, %swap3A_2786] : memref<2x8x128xf32, #tpu.memory_space<vmem>> -> memref<1x8x128xf32, #tpu.memory_space<vmem>>
      %swap3A_2788 = tpu.memref_squeeze %swap3A_2787 : memref<1x8x128xf32, #tpu.memory_space<vmem>> -> memref<8x128xf32, #tpu.memory_space<vmem>>
      %swap3A_2789 = arith.index_cast %swap3A_2784 : i32 to index
      %swap3A_2790 = arith.constant 96 : index
      %swap3A_2791 = tpu.vector_load %swap3A_2788[%swap3A_2789, %swap3A_2790] {strides = array<i32>} : memref<8x128xf32, #tpu.memory_space<vmem>>, vector<1x16xf32>,
      %swap3A_2792 = vector.shape_cast %swap3A_2791 : vector<1x16xf32> to vector<16xf32>
      %swap3A_2793 = vector.shape_cast %add3A_2783 : vector<16xf32> to vector<1x16xf32>
      tpu.vector_store %swap3A_2788[%swap3A_2789, %swap3A_2790], %swap3A_2793 {strides = array<i32>} : memref<8x128xf32, #tpu.memory_space<vmem>>, vector<1x16xf32>,
      %swap3A_2794 = arith.constant 0 : i32
      %swap3A_2795 = arith.constant 0 : i32
      %swap3A_2796 = arith.constant 0 : i32
      %swap3A_2797 = tpu.memref_slice %run_scoped3A_10[%rem3A_158, %swap3A_2795, %swap3A_2796] : memref<2x8x128xf32, #tpu.memory_space<vmem>> -> memref<1x8x128xf32, #tpu.memory_space<vmem>>
      %swap3A_2798 = tpu.memref_squeeze %swap3A_2797 : memref<1x8x128xf32, #tpu.memory_space<vmem>> -> memref<8x128xf32, #tpu.memory_space<vmem>>
      %swap3A_2799 = arith.index_cast %swap3A_2794 : i32 to index
      %swap3A_2800 = arith.constant 96 : index
      %swap3A_2801 = tpu.vector_load %swap3A_2798[%swap3A_2799, %swap3A_2800] {strides = array<i32>} : memref<8x128xf32, #tpu.memory_space<vmem>>, vector<1x16xf32>,
      %swap3A_2802 = vector.shape_cast %swap3A_2801 : vector<1x16xf32> to vector<16xf32>
      %swap3A_2803 = vector.shape_cast %sub3A_2601 : vector<16xf32> to vector<1x16xf32>
      tpu.vector_store %swap3A_2798[%swap3A_2799, %swap3A_2800], %swap3A_2803 {strides = array<i32>} : memref<8x128xf32, #tpu.memory_space<vmem>>, vector<1x16xf32>,
      %broadcast_in_dim3A_2804 = arith.constant -1.000000e+30 : f32
      %broadcast_in_dim3A_2805 = vector.broadcast %broadcast_in_dim3A_2804 : f32 to vector<16xf32>
      %broadcast_in_dim3A_2806 = arith.constant -1.000000e+30 : f32
      %broadcast_in_dim3A_2807 = vector.broadcast %broadcast_in_dim3A_2806 : f32 to vector<16xf32>
      %broadcast_in_dim3A_2808 = arith.constant 0 : i32
      %broadcast_in_dim3A_2809 = vector.broadcast %broadcast_in_dim3A_2808 : i32 to vector<16xi32>
      %broadcast_in_dim3A_2810 = arith.constant 0 : i32
      %broadcast_in_dim3A_2811 = vector.broadcast %broadcast_in_dim3A_2810 : i32 to vector<16xi32>
      %get3A_2812 = arith.constant 0 : i32
      %get3A_2813 = arith.constant 0 : i32
      %get3A_2814 = arith.constant 0 : i32
      %get3A_2815 = tpu.memref_slice %run_scoped3A[%rem3A_154, %get3A_2813, %get3A_2814] : memref<2x8x128xf32, #tpu.memory_space<vmem>> -> memref<1x8x128xf32, #tpu.memory_space<vmem>>
      %get3A_2816 = tpu.memref_squeeze %get3A_2815 : memref<1x8x128xf32, #tpu.memory_space<vmem>> -> memref<8x128xf32, #tpu.memory_space<vmem>>
      %get3A_2817 = arith.index_cast %get3A_2812 : i32 to index
      %get3A_2818 = arith.constant 112 : index
      %get3A_2819 = tpu.vector_load %get3A_2816[%get3A_2817, %get3A_2818] {strides = array<i32>} : memref<8x128xf32, #tpu.memory_space<vmem>>, vector<1x16xf32>,
      %get3A_2820 = vector.shape_cast %get3A_2819 : vector<1x16xf32> to vector<16xf32>
      %gt3A_2821 = arith.cmpf ogt, %get3A_2820, %broadcast_in_dim3A_2805 : vector<16xf32>
      %gt3A_2822 = arith.cmpf ogt, %get3A_2820, %broadcast_in_dim3A_2807 : vector<16xf32>
      %jit3A_2823 = arith.constant 0 : i32
      %broadcast_in_dim3A_2824 = vector.broadcast %jit3A_2823 : i32 to vector<16xi32>
      %select_n3A_2825 = arith.select %gt3A_2822, %broadcast_in_dim3A_2824, %broadcast_in_dim3A_2811 : vector<16xi1>, vector<16xi32>
      %select_n3A_2826 = arith.select %gt3A_2821, %broadcast_in_dim3A_2809, %select_n3A_2825 : vector<16xi1>, vector<16xi32>
      %select_n3A_2827 = arith.select %gt3A_2822, %get3A_2820, %broadcast_in_dim3A_2807 : vector<16xi1>, vector<16xf32>
      %select_n3A_2828 = arith.select %gt3A_2821, %broadcast_in_dim3A_2805, %select_n3A_2827 : vector<16xi1>, vector<16xf32>
      %jit3A_2829 = arith.constant 0 : i32
      %broadcast_in_dim3A_2830 = vector.broadcast %jit3A_2829 : i32 to vector<16xi32>
      %select_n3A_2831 = arith.select %gt3A_2821, %broadcast_in_dim3A_2830, %broadcast_in_dim3A_2809 : vector<16xi1>, vector<16xi32>
      %select_n3A_2832 = arith.select %gt3A_2821, %get3A_2820, %broadcast_in_dim3A_2805 : vector<16xi1>, vector<16xf32>
      %get3A_2833 = arith.constant 1 : i32
      %get3A_2834 = arith.constant 0 : i32
      %get3A_2835 = arith.constant 0 : i32
      %get3A_2836 = tpu.memref_slice %run_scoped3A[%rem3A_154, %get3A_2834, %get3A_2835] : memref<2x8x128xf32, #tpu.memory_space<vmem>> -> memref<1x8x128xf32, #tpu.memory_space<vmem>>
      %get3A_2837 = tpu.memref_squeeze %get3A_2836 : memref<1x8x128xf32, #tpu.memory_space<vmem>> -> memref<8x128xf32, #tpu.memory_space<vmem>>
      %get3A_2838 = arith.index_cast %get3A_2833 : i32 to index
      %get3A_2839 = arith.constant 112 : index
      %get3A_2840 = tpu.vector_load %get3A_2837[%get3A_2838, %get3A_2839] {strides = array<i32>} : memref<8x128xf32, #tpu.memory_space<vmem>>, vector<1x16xf32>,
      %get3A_2841 = vector.shape_cast %get3A_2840 : vector<1x16xf32> to vector<16xf32>
      %gt3A_2842 = arith.cmpf ogt, %get3A_2841, %select_n3A_2832 : vector<16xf32>
      %gt3A_2843 = arith.cmpf ogt, %get3A_2841, %select_n3A_2828 : vector<16xf32>
      %jit3A_2844 = arith.constant 1 : i32
      %broadcast_in_dim3A_2845 = vector.broadcast %jit3A_2844 : i32 to vector<16xi32>
      %select_n3A_2846 = arith.select %gt3A_2843, %broadcast_in_dim3A_2845, %select_n3A_2826 : vector<16xi1>, vector<16xi32>
      %select_n3A_2847 = arith.select %gt3A_2842, %select_n3A_2831, %select_n3A_2846 : vector<16xi1>, vector<16xi32>
      %select_n3A_2848 = arith.select %gt3A_2843, %get3A_2841, %select_n3A_2828 : vector<16xi1>, vector<16xf32>
      %select_n3A_2849 = arith.select %gt3A_2842, %select_n3A_2832, %select_n3A_2848 : vector<16xi1>, vector<16xf32>
      %jit3A_2850 = arith.constant 1 : i32
      %broadcast_in_dim3A_2851 = vector.broadcast %jit3A_2850 : i32 to vector<16xi32>
      %select_n3A_2852 = arith.select %gt3A_2842, %broadcast_in_dim3A_2851, %select_n3A_2831 : vector<16xi1>, vector<16xi32>
      %select_n3A_2853 = arith.select %gt3A_2842, %get3A_2841, %select_n3A_2832 : vector<16xi1>, vector<16xf32>
      %get3A_2854 = arith.constant 2 : i32
      %get3A_2855 = arith.constant 0 : i32
      %get3A_2856 = arith.constant 0 : i32
      %get3A_2857 = tpu.memref_slice %run_scoped3A[%rem3A_154, %get3A_2855, %get3A_2856] : memref<2x8x128xf32, #tpu.memory_space<vmem>> -> memref<1x8x128xf32, #tpu.memory_space<vmem>>
      %get3A_2858 = tpu.memref_squeeze %get3A_2857 : memref<1x8x128xf32, #tpu.memory_space<vmem>> -> memref<8x128xf32, #tpu.memory_space<vmem>>
      %get3A_2859 = arith.index_cast %get3A_2854 : i32 to index
      %get3A_2860 = arith.constant 112 : index
      %get3A_2861 = tpu.vector_load %get3A_2858[%get3A_2859, %get3A_2860] {strides = array<i32>} : memref<8x128xf32, #tpu.memory_space<vmem>>, vector<1x16xf32>,
      %get3A_2862 = vector.shape_cast %get3A_2861 : vector<1x16xf32> to vector<16xf32>
      %gt3A_2863 = arith.cmpf ogt, %get3A_2862, %select_n3A_2853 : vector<16xf32>
      %gt3A_2864 = arith.cmpf ogt, %get3A_2862, %select_n3A_2849 : vector<16xf32>
      %jit3A_2865 = arith.constant 2 : i32
      %broadcast_in_dim3A_2866 = vector.broadcast %jit3A_2865 : i32 to vector<16xi32>
      %select_n3A_2867 = arith.select %gt3A_2864, %broadcast_in_dim3A_2866, %select_n3A_2847 : vector<16xi1>, vector<16xi32>
      %select_n3A_2868 = arith.select %gt3A_2863, %select_n3A_2852, %select_n3A_2867 : vector<16xi1>, vector<16xi32>
      %select_n3A_2869 = arith.select %gt3A_2864, %get3A_2862, %select_n3A_2849 : vector<16xi1>, vector<16xf32>
      %select_n3A_2870 = arith.select %gt3A_2863, %select_n3A_2853, %select_n3A_2869 : vector<16xi1>, vector<16xf32>
      %jit3A_2871 = arith.constant 2 : i32
      %broadcast_in_dim3A_2872 = vector.broadcast %jit3A_2871 : i32 to vector<16xi32>
      %select_n3A_2873 = arith.select %gt3A_2863, %broadcast_in_dim3A_2872, %select_n3A_2852 : vector<16xi1>, vector<16xi32>
      %select_n3A_2874 = arith.select %gt3A_2863, %get3A_2862, %select_n3A_2853 : vector<16xi1>, vector<16xf32>
      %get3A_2875 = arith.constant 3 : i32
      %get3A_2876 = arith.constant 0 : i32
      %get3A_2877 = arith.constant 0 : i32
      %get3A_2878 = tpu.memref_slice %run_scoped3A[%rem3A_154, %get3A_2876, %get3A_2877] : memref<2x8x128xf32, #tpu.memory_space<vmem>> -> memref<1x8x128xf32, #tpu.memory_space<vmem>>
      %get3A_2879 = tpu.memref_squeeze %get3A_2878 : memref<1x8x128xf32, #tpu.memory_space<vmem>> -> memref<8x128xf32, #tpu.memory_space<vmem>>
      %get3A_2880 = arith.index_cast %get3A_2875 : i32 to index
      %get3A_2881 = arith.constant 112 : index
      %get3A_2882 = tpu.vector_load %get3A_2879[%get3A_2880, %get3A_2881] {strides = array<i32>} : memref<8x128xf32, #tpu.memory_space<vmem>>, vector<1x16xf32>,
      %get3A_2883 = vector.shape_cast %get3A_2882 : vector<1x16xf32> to vector<16xf32>
      %gt3A_2884 = arith.cmpf ogt, %get3A_2883, %select_n3A_2874 : vector<16xf32>
      %gt3A_2885 = arith.cmpf ogt, %get3A_2883, %select_n3A_2870 : vector<16xf32>
      %jit3A_2886 = arith.constant 3 : i32
      %broadcast_in_dim3A_2887 = vector.broadcast %jit3A_2886 : i32 to vector<16xi32>
      %select_n3A_2888 = arith.select %gt3A_2885, %broadcast_in_dim3A_2887, %select_n3A_2868 : vector<16xi1>, vector<16xi32>
      %select_n3A_2889 = arith.select %gt3A_2884, %select_n3A_2873, %select_n3A_2888 : vector<16xi1>, vector<16xi32>
      %select_n3A_2890 = arith.select %gt3A_2885, %get3A_2883, %select_n3A_2870 : vector<16xi1>, vector<16xf32>
      %select_n3A_2891 = arith.select %gt3A_2884, %select_n3A_2874, %select_n3A_2890 : vector<16xi1>, vector<16xf32>
      %jit3A_2892 = arith.constant 3 : i32
      %broadcast_in_dim3A_2893 = vector.broadcast %jit3A_2892 : i32 to vector<16xi32>
      %select_n3A_2894 = arith.select %gt3A_2884, %broadcast_in_dim3A_2893, %select_n3A_2873 : vector<16xi1>, vector<16xi32>
      %select_n3A_2895 = arith.select %gt3A_2884, %get3A_2883, %select_n3A_2874 : vector<16xi1>, vector<16xf32>
      %get3A_2896 = arith.constant 4 : i32
      %get3A_2897 = arith.constant 0 : i32
      %get3A_2898 = arith.constant 0 : i32
      %get3A_2899 = tpu.memref_slice %run_scoped3A[%rem3A_154, %get3A_2897, %get3A_2898] : memref<2x8x128xf32, #tpu.memory_space<vmem>> -> memref<1x8x128xf32, #tpu.memory_space<vmem>>
      %get3A_2900 = tpu.memref_squeeze %get3A_2899 : memref<1x8x128xf32, #tpu.memory_space<vmem>> -> memref<8x128xf32, #tpu.memory_space<vmem>>
      %get3A_2901 = arith.index_cast %get3A_2896 : i32 to index
      %get3A_2902 = arith.constant 112 : index
      %get3A_2903 = tpu.vector_load %get3A_2900[%get3A_2901, %get3A_2902] {strides = array<i32>} : memref<8x128xf32, #tpu.memory_space<vmem>>, vector<1x16xf32>,
      %get3A_2904 = vector.shape_cast %get3A_2903 : vector<1x16xf32> to vector<16xf32>
      %gt3A_2905 = arith.cmpf ogt, %get3A_2904, %select_n3A_2895 : vector<16xf32>
      %gt3A_2906 = arith.cmpf ogt, %get3A_2904, %select_n3A_2891 : vector<16xf32>
      %jit3A_2907 = arith.constant 4 : i32
      %broadcast_in_dim3A_2908 = vector.broadcast %jit3A_2907 : i32 to vector<16xi32>
      %select_n3A_2909 = arith.select %gt3A_2906, %broadcast_in_dim3A_2908, %select_n3A_2889 : vector<16xi1>, vector<16xi32>
      %select_n3A_2910 = arith.select %gt3A_2905, %select_n3A_2894, %select_n3A_2909 : vector<16xi1>, vector<16xi32>
      %select_n3A_2911 = arith.select %gt3A_2906, %get3A_2904, %select_n3A_2891 : vector<16xi1>, vector<16xf32>
      %select_n3A_2912 = arith.select %gt3A_2905, %select_n3A_2895, %select_n3A_2911 : vector<16xi1>, vector<16xf32>
      %jit3A_2913 = arith.constant 4 : i32
      %broadcast_in_dim3A_2914 = vector.broadcast %jit3A_2913 : i32 to vector<16xi32>
      %select_n3A_2915 = arith.select %gt3A_2905, %broadcast_in_dim3A_2914, %select_n3A_2894 : vector<16xi1>, vector<16xi32>
      %select_n3A_2916 = arith.select %gt3A_2905, %get3A_2904, %select_n3A_2895 : vector<16xi1>, vector<16xf32>
      %get3A_2917 = arith.constant 5 : i32
      %get3A_2918 = arith.constant 0 : i32
      %get3A_2919 = arith.constant 0 : i32
      %get3A_2920 = tpu.memref_slice %run_scoped3A[%rem3A_154, %get3A_2918, %get3A_2919] : memref<2x8x128xf32, #tpu.memory_space<vmem>> -> memref<1x8x128xf32, #tpu.memory_space<vmem>>
      %get3A_2921 = tpu.memref_squeeze %get3A_2920 : memref<1x8x128xf32, #tpu.memory_space<vmem>> -> memref<8x128xf32, #tpu.memory_space<vmem>>
      %get3A_2922 = arith.index_cast %get3A_2917 : i32 to index
      %get3A_2923 = arith.constant 112 : index
      %get3A_2924 = tpu.vector_load %get3A_2921[%get3A_2922, %get3A_2923] {strides = array<i32>} : memref<8x128xf32, #tpu.memory_space<vmem>>, vector<1x16xf32>,
      %get3A_2925 = vector.shape_cast %get3A_2924 : vector<1x16xf32> to vector<16xf32>
      %gt3A_2926 = arith.cmpf ogt, %get3A_2925, %select_n3A_2916 : vector<16xf32>
      %gt3A_2927 = arith.cmpf ogt, %get3A_2925, %select_n3A_2912 : vector<16xf32>
      %jit3A_2928 = arith.constant 5 : i32
      %broadcast_in_dim3A_2929 = vector.broadcast %jit3A_2928 : i32 to vector<16xi32>
      %select_n3A_2930 = arith.select %gt3A_2927, %broadcast_in_dim3A_2929, %select_n3A_2910 : vector<16xi1>, vector<16xi32>
      %select_n3A_2931 = arith.select %gt3A_2926, %select_n3A_2915, %select_n3A_2930 : vector<16xi1>, vector<16xi32>
      %select_n3A_2932 = arith.select %gt3A_2927, %get3A_2925, %select_n3A_2912 : vector<16xi1>, vector<16xf32>
      %select_n3A_2933 = arith.select %gt3A_2926, %select_n3A_2916, %select_n3A_2932 : vector<16xi1>, vector<16xf32>
      %jit3A_2934 = arith.constant 5 : i32
      %broadcast_in_dim3A_2935 = vector.broadcast %jit3A_2934 : i32 to vector<16xi32>
      %select_n3A_2936 = arith.select %gt3A_2926, %broadcast_in_dim3A_2935, %select_n3A_2915 : vector<16xi1>, vector<16xi32>
      %select_n3A_2937 = arith.select %gt3A_2926, %get3A_2925, %select_n3A_2916 : vector<16xi1>, vector<16xf32>
      %get3A_2938 = arith.constant 6 : i32
      %get3A_2939 = arith.constant 0 : i32
      %get3A_2940 = arith.constant 0 : i32
      %get3A_2941 = tpu.memref_slice %run_scoped3A[%rem3A_154, %get3A_2939, %get3A_2940] : memref<2x8x128xf32, #tpu.memory_space<vmem>> -> memref<1x8x128xf32, #tpu.memory_space<vmem>>
      %get3A_2942 = tpu.memref_squeeze %get3A_2941 : memref<1x8x128xf32, #tpu.memory_space<vmem>> -> memref<8x128xf32, #tpu.memory_space<vmem>>
      %get3A_2943 = arith.index_cast %get3A_2938 : i32 to index
      %get3A_2944 = arith.constant 112 : index
      %get3A_2945 = tpu.vector_load %get3A_2942[%get3A_2943, %get3A_2944] {strides = array<i32>} : memref<8x128xf32, #tpu.memory_space<vmem>>, vector<1x16xf32>,
      %get3A_2946 = vector.shape_cast %get3A_2945 : vector<1x16xf32> to vector<16xf32>
      %gt3A_2947 = arith.cmpf ogt, %get3A_2946, %select_n3A_2937 : vector<16xf32>
      %gt3A_2948 = arith.cmpf ogt, %get3A_2946, %select_n3A_2933 : vector<16xf32>
      %jit3A_2949 = arith.constant 6 : i32
      %broadcast_in_dim3A_2950 = vector.broadcast %jit3A_2949 : i32 to vector<16xi32>
      %select_n3A_2951 = arith.select %gt3A_2948, %broadcast_in_dim3A_2950, %select_n3A_2931 : vector<16xi1>, vector<16xi32>
      %select_n3A_2952 = arith.select %gt3A_2947, %select_n3A_2936, %select_n3A_2951 : vector<16xi1>, vector<16xi32>
      %select_n3A_2953 = arith.select %gt3A_2948, %get3A_2946, %select_n3A_2933 : vector<16xi1>, vector<16xf32>
      %select_n3A_2954 = arith.select %gt3A_2947, %select_n3A_2937, %select_n3A_2953 : vector<16xi1>, vector<16xf32>
      %jit3A_2955 = arith.constant 6 : i32
      %broadcast_in_dim3A_2956 = vector.broadcast %jit3A_2955 : i32 to vector<16xi32>
      %select_n3A_2957 = arith.select %gt3A_2947, %broadcast_in_dim3A_2956, %select_n3A_2936 : vector<16xi1>, vector<16xi32>
      %select_n3A_2958 = arith.select %gt3A_2947, %get3A_2946, %select_n3A_2937 : vector<16xi1>, vector<16xf32>
      %get3A_2959 = arith.constant 7 : i32
      %get3A_2960 = arith.constant 0 : i32
      %get3A_2961 = arith.constant 0 : i32
      %get3A_2962 = tpu.memref_slice %run_scoped3A[%rem3A_154, %get3A_2960, %get3A_2961] : memref<2x8x128xf32, #tpu.memory_space<vmem>> -> memref<1x8x128xf32, #tpu.memory_space<vmem>>
      %get3A_2963 = tpu.memref_squeeze %get3A_2962 : memref<1x8x128xf32, #tpu.memory_space<vmem>> -> memref<8x128xf32, #tpu.memory_space<vmem>>
      %get3A_2964 = arith.index_cast %get3A_2959 : i32 to index
      %get3A_2965 = arith.constant 112 : index
      %get3A_2966 = tpu.vector_load %get3A_2963[%get3A_2964, %get3A_2965] {strides = array<i32>} : memref<8x128xf32, #tpu.memory_space<vmem>>, vector<1x16xf32>,
      %get3A_2967 = vector.shape_cast %get3A_2966 : vector<1x16xf32> to vector<16xf32>
      %gt3A_2968 = arith.cmpf ogt, %get3A_2967, %select_n3A_2958 : vector<16xf32>
      %gt3A_2969 = arith.cmpf ogt, %get3A_2967, %select_n3A_2954 : vector<16xf32>
      %jit3A_2970 = arith.constant 7 : i32
      %broadcast_in_dim3A_2971 = vector.broadcast %jit3A_2970 : i32 to vector<16xi32>
      %select_n3A_2972 = arith.select %gt3A_2969, %broadcast_in_dim3A_2971, %select_n3A_2952 : vector<16xi1>, vector<16xi32>
      %select_n3A_2973 = arith.select %gt3A_2968, %select_n3A_2957, %select_n3A_2972 : vector<16xi1>, vector<16xi32>
      %select_n3A_2974 = arith.select %gt3A_2969, %get3A_2967, %select_n3A_2954 : vector<16xi1>, vector<16xf32>
      %select_n3A_2975 = arith.select %gt3A_2968, %select_n3A_2958, %select_n3A_2974 : vector<16xi1>, vector<16xf32>
      %jit3A_2976 = arith.constant 7 : i32
      %broadcast_in_dim3A_2977 = vector.broadcast %jit3A_2976 : i32 to vector<16xi32>
      %select_n3A_2978 = arith.select %gt3A_2968, %broadcast_in_dim3A_2977, %select_n3A_2957 : vector<16xi1>, vector<16xi32>
      %select_n3A_2979 = arith.select %gt3A_2968, %get3A_2967, %select_n3A_2958 : vector<16xi1>, vector<16xf32>
      %sub3A_2980 = arith.subf %select_n3A_2975, %select_n3A_2979 : vector<16xf32>
      %exp3A_2981 = math.exp %sub3A_2980 : vector<16xf32>
      %add3A_2982 = arith.constant 1.000000e+00 : f32
      %add3A_2983 = vector.broadcast %add3A_2982 : f32 to vector<16xf32>
      %add3A_2984 = arith.addf %add3A_2983, %exp3A_2981 : vector<16xf32>
      %div3A_2985 = arith.constant 1.000000e+00 : f32
      %div3A_2986 = vector.broadcast %div3A_2985 : f32 to vector<16xf32>
      %div3A_2987 = arith.divf %div3A_2986, %add3A_2984 : vector<16xf32>
      %mul3A_2988 = arith.mulf %exp3A_2981, %div3A_2987 : vector<16xf32>
      %eq3A_2989 = arith.constant 0 : i32
      %eq3A_2990 = vector.broadcast %eq3A_2989 : i32 to vector<16xi32>
      %eq3A_2991 = arith.cmpi eq, %select_n3A_2978, %eq3A_2990 : vector<16xi32>
      %jit3A_2992 = arith.constant 0.000000e+00 : f32
      %broadcast_in_dim3A_2993 = vector.broadcast %jit3A_2992 : f32 to vector<16xf32>
      %select_n3A_2994 = arith.select %eq3A_2991, %div3A_2987, %broadcast_in_dim3A_2993 : vector<16xi1>, vector<16xf32>
      %eq3A_2995 = arith.constant 0 : i32
      %eq3A_2996 = vector.broadcast %eq3A_2995 : i32 to vector<16xi32>
      %eq3A_2997 = arith.cmpi eq, %select_n3A_2973, %eq3A_2996 : vector<16xi32>
      %jit3A_2998 = arith.constant 0.000000e+00 : f32
      %broadcast_in_dim3A_2999 = vector.broadcast %jit3A_2998 : f32 to vector<16xf32>
      %select_n3A_3000 = arith.select %eq3A_2997, %mul3A_2988, %broadcast_in_dim3A_2999 : vector<16xi1>, vector<16xf32>
      %add3A_3001 = arith.addf %select_n3A_2994, %select_n3A_3000 : vector<16xf32>
      %swap3A_3002 = arith.constant 0 : i32
      %swap3A_3003 = arith.constant 0 : i32
      %swap3A_3004 = arith.constant 0 : i32
      %swap3A_3005 = tpu.memref_slice %run_scoped3A_8[%rem3A_156, %swap3A_3003, %swap3A_3004] : memref<2x8x128xf32, #tpu.memory_space<vmem>> -> memref<1x8x128xf32, #tpu.memory_space<vmem>>
      %swap3A_3006 = tpu.memref_squeeze %swap3A_3005 : memref<1x8x128xf32, #tpu.memory_space<vmem>> -> memref<8x128xf32, #tpu.memory_space<vmem>>
      %swap3A_3007 = arith.index_cast %swap3A_3002 : i32 to index
      %swap3A_3008 = arith.constant 112 : index
      %swap3A_3009 = tpu.vector_load %swap3A_3006[%swap3A_3007, %swap3A_3008] {strides = array<i32>} : memref<8x128xf32, #tpu.memory_space<vmem>>, vector<1x16xf32>,
      %swap3A_3010 = vector.shape_cast %swap3A_3009 : vector<1x16xf32> to vector<16xf32>
      %swap3A_3011 = vector.shape_cast %add3A_3001 : vector<16xf32> to vector<1x16xf32>
      tpu.vector_store %swap3A_3006[%swap3A_3007, %swap3A_3008], %swap3A_3011 {strides = array<i32>} : memref<8x128xf32, #tpu.memory_space<vmem>>, vector<1x16xf32>,
      %eq3A_3012 = arith.constant 1 : i32
      %eq3A_3013 = vector.broadcast %eq3A_3012 : i32 to vector<16xi32>
      %eq3A_3014 = arith.cmpi eq, %select_n3A_2978, %eq3A_3013 : vector<16xi32>
      %jit3A_3015 = arith.constant 0.000000e+00 : f32
      %broadcast_in_dim3A_3016 = vector.broadcast %jit3A_3015 : f32 to vector<16xf32>
      %select_n3A_3017 = arith.select %eq3A_3014, %div3A_2987, %broadcast_in_dim3A_3016 : vector<16xi1>, vector<16xf32>
      %eq3A_3018 = arith.constant 1 : i32
      %eq3A_3019 = vector.broadcast %eq3A_3018 : i32 to vector<16xi32>
      %eq3A_3020 = arith.cmpi eq, %select_n3A_2973, %eq3A_3019 : vector<16xi32>
      %jit3A_3021 = arith.constant 0.000000e+00 : f32
      %broadcast_in_dim3A_3022 = vector.broadcast %jit3A_3021 : f32 to vector<16xf32>
      %select_n3A_3023 = arith.select %eq3A_3020, %mul3A_2988, %broadcast_in_dim3A_3022 : vector<16xi1>, vector<16xf32>
      %add3A_3024 = arith.addf %select_n3A_3017, %select_n3A_3023 : vector<16xf32>
      %swap3A_3025 = arith.constant 1 : i32
      %swap3A_3026 = arith.constant 0 : i32
      %swap3A_3027 = arith.constant 0 : i32
      %swap3A_3028 = tpu.memref_slice %run_scoped3A_8[%rem3A_156, %swap3A_3026, %swap3A_3027] : memref<2x8x128xf32, #tpu.memory_space<vmem>> -> memref<1x8x128xf32, #tpu.memory_space<vmem>>
      %swap3A_3029 = tpu.memref_squeeze %swap3A_3028 : memref<1x8x128xf32, #tpu.memory_space<vmem>> -> memref<8x128xf32, #tpu.memory_space<vmem>>
      %swap3A_3030 = arith.index_cast %swap3A_3025 : i32 to index
      %swap3A_3031 = arith.constant 112 : index
      %swap3A_3032 = tpu.vector_load %swap3A_3029[%swap3A_3030, %swap3A_3031] {strides = array<i32>} : memref<8x128xf32, #tpu.memory_space<vmem>>, vector<1x16xf32>,
      %swap3A_3033 = vector.shape_cast %swap3A_3032 : vector<1x16xf32> to vector<16xf32>
      %swap3A_3034 = vector.shape_cast %add3A_3024 : vector<16xf32> to vector<1x16xf32>
      tpu.vector_store %swap3A_3029[%swap3A_3030, %swap3A_3031], %swap3A_3034 {strides = array<i32>} : memref<8x128xf32, #tpu.memory_space<vmem>>, vector<1x16xf32>,
      %eq3A_3035 = arith.constant 2 : i32
      %eq3A_3036 = vector.broadcast %eq3A_3035 : i32 to vector<16xi32>
      %eq3A_3037 = arith.cmpi eq, %select_n3A_2978, %eq3A_3036 : vector<16xi32>
      %jit3A_3038 = arith.constant 0.000000e+00 : f32
      %broadcast_in_dim3A_3039 = vector.broadcast %jit3A_3038 : f32 to vector<16xf32>
      %select_n3A_3040 = arith.select %eq3A_3037, %div3A_2987, %broadcast_in_dim3A_3039 : vector<16xi1>, vector<16xf32>
      %eq3A_3041 = arith.constant 2 : i32
      %eq3A_3042 = vector.broadcast %eq3A_3041 : i32 to vector<16xi32>
      %eq3A_3043 = arith.cmpi eq, %select_n3A_2973, %eq3A_3042 : vector<16xi32>
      %jit3A_3044 = arith.constant 0.000000e+00 : f32
      %broadcast_in_dim3A_3045 = vector.broadcast %jit3A_3044 : f32 to vector<16xf32>
      %select_n3A_3046 = arith.select %eq3A_3043, %mul3A_2988, %broadcast_in_dim3A_3045 : vector<16xi1>, vector<16xf32>
      %add3A_3047 = arith.addf %select_n3A_3040, %select_n3A_3046 : vector<16xf32>
      %swap3A_3048 = arith.constant 2 : i32
      %swap3A_3049 = arith.constant 0 : i32
      %swap3A_3050 = arith.constant 0 : i32
      %swap3A_3051 = tpu.memref_slice %run_scoped3A_8[%rem3A_156, %swap3A_3049, %swap3A_3050] : memref<2x8x128xf32, #tpu.memory_space<vmem>> -> memref<1x8x128xf32, #tpu.memory_space<vmem>>
      %swap3A_3052 = tpu.memref_squeeze %swap3A_3051 : memref<1x8x128xf32, #tpu.memory_space<vmem>> -> memref<8x128xf32, #tpu.memory_space<vmem>>
      %swap3A_3053 = arith.index_cast %swap3A_3048 : i32 to index
      %swap3A_3054 = arith.constant 112 : index
      %swap3A_3055 = tpu.vector_load %swap3A_3052[%swap3A_3053, %swap3A_3054] {strides = array<i32>} : memref<8x128xf32, #tpu.memory_space<vmem>>, vector<1x16xf32>,
      %swap3A_3056 = vector.shape_cast %swap3A_3055 : vector<1x16xf32> to vector<16xf32>
      %swap3A_3057 = vector.shape_cast %add3A_3047 : vector<16xf32> to vector<1x16xf32>
      tpu.vector_store %swap3A_3052[%swap3A_3053, %swap3A_3054], %swap3A_3057 {strides = array<i32>} : memref<8x128xf32, #tpu.memory_space<vmem>>, vector<1x16xf32>,
      %eq3A_3058 = arith.constant 3 : i32
      %eq3A_3059 = vector.broadcast %eq3A_3058 : i32 to vector<16xi32>
      %eq3A_3060 = arith.cmpi eq, %select_n3A_2978, %eq3A_3059 : vector<16xi32>
      %jit3A_3061 = arith.constant 0.000000e+00 : f32
      %broadcast_in_dim3A_3062 = vector.broadcast %jit3A_3061 : f32 to vector<16xf32>
      %select_n3A_3063 = arith.select %eq3A_3060, %div3A_2987, %broadcast_in_dim3A_3062 : vector<16xi1>, vector<16xf32>
      %eq3A_3064 = arith.constant 3 : i32
      %eq3A_3065 = vector.broadcast %eq3A_3064 : i32 to vector<16xi32>
      %eq3A_3066 = arith.cmpi eq, %select_n3A_2973, %eq3A_3065 : vector<16xi32>
      %jit3A_3067 = arith.constant 0.000000e+00 : f32
      %broadcast_in_dim3A_3068 = vector.broadcast %jit3A_3067 : f32 to vector<16xf32>
      %select_n3A_3069 = arith.select %eq3A_3066, %mul3A_2988, %broadcast_in_dim3A_3068 : vector<16xi1>, vector<16xf32>
      %add3A_3070 = arith.addf %select_n3A_3063, %select_n3A_3069 : vector<16xf32>
      %swap3A_3071 = arith.constant 3 : i32
      %swap3A_3072 = arith.constant 0 : i32
      %swap3A_3073 = arith.constant 0 : i32
      %swap3A_3074 = tpu.memref_slice %run_scoped3A_8[%rem3A_156, %swap3A_3072, %swap3A_3073] : memref<2x8x128xf32, #tpu.memory_space<vmem>> -> memref<1x8x128xf32, #tpu.memory_space<vmem>>
      %swap3A_3075 = tpu.memref_squeeze %swap3A_3074 : memref<1x8x128xf32, #tpu.memory_space<vmem>> -> memref<8x128xf32, #tpu.memory_space<vmem>>
      %swap3A_3076 = arith.index_cast %swap3A_3071 : i32 to index
      %swap3A_3077 = arith.constant 112 : index
      %swap3A_3078 = tpu.vector_load %swap3A_3075[%swap3A_3076, %swap3A_3077] {strides = array<i32>} : memref<8x128xf32, #tpu.memory_space<vmem>>, vector<1x16xf32>,
      %swap3A_3079 = vector.shape_cast %swap3A_3078 : vector<1x16xf32> to vector<16xf32>
      %swap3A_3080 = vector.shape_cast %add3A_3070 : vector<16xf32> to vector<1x16xf32>
      tpu.vector_store %swap3A_3075[%swap3A_3076, %swap3A_3077], %swap3A_3080 {strides = array<i32>} : memref<8x128xf32, #tpu.memory_space<vmem>>, vector<1x16xf32>,
      %eq3A_3081 = arith.constant 4 : i32
      %eq3A_3082 = vector.broadcast %eq3A_3081 : i32 to vector<16xi32>
      %eq3A_3083 = arith.cmpi eq, %select_n3A_2978, %eq3A_3082 : vector<16xi32>
      %jit3A_3084 = arith.constant 0.000000e+00 : f32
      %broadcast_in_dim3A_3085 = vector.broadcast %jit3A_3084 : f32 to vector<16xf32>
      %select_n3A_3086 = arith.select %eq3A_3083, %div3A_2987, %broadcast_in_dim3A_3085 : vector<16xi1>, vector<16xf32>
      %eq3A_3087 = arith.constant 4 : i32
      %eq3A_3088 = vector.broadcast %eq3A_3087 : i32 to vector<16xi32>
      %eq3A_3089 = arith.cmpi eq, %select_n3A_2973, %eq3A_3088 : vector<16xi32>
      %jit3A_3090 = arith.constant 0.000000e+00 : f32
      %broadcast_in_dim3A_3091 = vector.broadcast %jit3A_3090 : f32 to vector<16xf32>
      %select_n3A_3092 = arith.select %eq3A_3089, %mul3A_2988, %broadcast_in_dim3A_3091 : vector<16xi1>, vector<16xf32>
      %add3A_3093 = arith.addf %select_n3A_3086, %select_n3A_3092 : vector<16xf32>
      %swap3A_3094 = arith.constant 4 : i32
      %swap3A_3095 = arith.constant 0 : i32
      %swap3A_3096 = arith.constant 0 : i32
      %swap3A_3097 = tpu.memref_slice %run_scoped3A_8[%rem3A_156, %swap3A_3095, %swap3A_3096] : memref<2x8x128xf32, #tpu.memory_space<vmem>> -> memref<1x8x128xf32, #tpu.memory_space<vmem>>
      %swap3A_3098 = tpu.memref_squeeze %swap3A_3097 : memref<1x8x128xf32, #tpu.memory_space<vmem>> -> memref<8x128xf32, #tpu.memory_space<vmem>>
      %swap3A_3099 = arith.index_cast %swap3A_3094 : i32 to index
      %swap3A_3100 = arith.constant 112 : index
      %swap3A_3101 = tpu.vector_load %swap3A_3098[%swap3A_3099, %swap3A_3100] {strides = array<i32>} : memref<8x128xf32, #tpu.memory_space<vmem>>, vector<1x16xf32>,
      %swap3A_3102 = vector.shape_cast %swap3A_3101 : vector<1x16xf32> to vector<16xf32>
      %swap3A_3103 = vector.shape_cast %add3A_3093 : vector<16xf32> to vector<1x16xf32>
      tpu.vector_store %swap3A_3098[%swap3A_3099, %swap3A_3100], %swap3A_3103 {strides = array<i32>} : memref<8x128xf32, #tpu.memory_space<vmem>>, vector<1x16xf32>,
      %eq3A_3104 = arith.constant 5 : i32
      %eq3A_3105 = vector.broadcast %eq3A_3104 : i32 to vector<16xi32>
      %eq3A_3106 = arith.cmpi eq, %select_n3A_2978, %eq3A_3105 : vector<16xi32>
      %jit3A_3107 = arith.constant 0.000000e+00 : f32
      %broadcast_in_dim3A_3108 = vector.broadcast %jit3A_3107 : f32 to vector<16xf32>
      %select_n3A_3109 = arith.select %eq3A_3106, %div3A_2987, %broadcast_in_dim3A_3108 : vector<16xi1>, vector<16xf32>
      %eq3A_3110 = arith.constant 5 : i32
      %eq3A_3111 = vector.broadcast %eq3A_3110 : i32 to vector<16xi32>
      %eq3A_3112 = arith.cmpi eq, %select_n3A_2973, %eq3A_3111 : vector<16xi32>
      %jit3A_3113 = arith.constant 0.000000e+00 : f32
      %broadcast_in_dim3A_3114 = vector.broadcast %jit3A_3113 : f32 to vector<16xf32>
      %select_n3A_3115 = arith.select %eq3A_3112, %mul3A_2988, %broadcast_in_dim3A_3114 : vector<16xi1>, vector<16xf32>
      %add3A_3116 = arith.addf %select_n3A_3109, %select_n3A_3115 : vector<16xf32>
      %swap3A_3117 = arith.constant 5 : i32
      %swap3A_3118 = arith.constant 0 : i32
      %swap3A_3119 = arith.constant 0 : i32
      %swap3A_3120 = tpu.memref_slice %run_scoped3A_8[%rem3A_156, %swap3A_3118, %swap3A_3119] : memref<2x8x128xf32, #tpu.memory_space<vmem>> -> memref<1x8x128xf32, #tpu.memory_space<vmem>>
      %swap3A_3121 = tpu.memref_squeeze %swap3A_3120 : memref<1x8x128xf32, #tpu.memory_space<vmem>> -> memref<8x128xf32, #tpu.memory_space<vmem>>
      %swap3A_3122 = arith.index_cast %swap3A_3117 : i32 to index
      %swap3A_3123 = arith.constant 112 : index
      %swap3A_3124 = tpu.vector_load %swap3A_3121[%swap3A_3122, %swap3A_3123] {strides = array<i32>} : memref<8x128xf32, #tpu.memory_space<vmem>>, vector<1x16xf32>,
      %swap3A_3125 = vector.shape_cast %swap3A_3124 : vector<1x16xf32> to vector<16xf32>
      %swap3A_3126 = vector.shape_cast %add3A_3116 : vector<16xf32> to vector<1x16xf32>
      tpu.vector_store %swap3A_3121[%swap3A_3122, %swap3A_3123], %swap3A_3126 {strides = array<i32>} : memref<8x128xf32, #tpu.memory_space<vmem>>, vector<1x16xf32>,
      %eq3A_3127 = arith.constant 6 : i32
      %eq3A_3128 = vector.broadcast %eq3A_3127 : i32 to vector<16xi32>
      %eq3A_3129 = arith.cmpi eq, %select_n3A_2978, %eq3A_3128 : vector<16xi32>
      %jit3A_3130 = arith.constant 0.000000e+00 : f32
      %broadcast_in_dim3A_3131 = vector.broadcast %jit3A_3130 : f32 to vector<16xf32>
      %select_n3A_3132 = arith.select %eq3A_3129, %div3A_2987, %broadcast_in_dim3A_3131 : vector<16xi1>, vector<16xf32>
      %eq3A_3133 = arith.constant 6 : i32
      %eq3A_3134 = vector.broadcast %eq3A_3133 : i32 to vector<16xi32>
      %eq3A_3135 = arith.cmpi eq, %select_n3A_2973, %eq3A_3134 : vector<16xi32>
      %jit3A_3136 = arith.constant 0.000000e+00 : f32
      %broadcast_in_dim3A_3137 = vector.broadcast %jit3A_3136 : f32 to vector<16xf32>
      %select_n3A_3138 = arith.select %eq3A_3135, %mul3A_2988, %broadcast_in_dim3A_3137 : vector<16xi1>, vector<16xf32>
      %add3A_3139 = arith.addf %select_n3A_3132, %select_n3A_3138 : vector<16xf32>
      %swap3A_3140 = arith.constant 6 : i32
      %swap3A_3141 = arith.constant 0 : i32
      %swap3A_3142 = arith.constant 0 : i32
      %swap3A_3143 = tpu.memref_slice %run_scoped3A_8[%rem3A_156, %swap3A_3141, %swap3A_3142] : memref<2x8x128xf32, #tpu.memory_space<vmem>> -> memref<1x8x128xf32, #tpu.memory_space<vmem>>
      %swap3A_3144 = tpu.memref_squeeze %swap3A_3143 : memref<1x8x128xf32, #tpu.memory_space<vmem>> -> memref<8x128xf32, #tpu.memory_space<vmem>>
      %swap3A_3145 = arith.index_cast %swap3A_3140 : i32 to index
      %swap3A_3146 = arith.constant 112 : index
      %swap3A_3147 = tpu.vector_load %swap3A_3144[%swap3A_3145, %swap3A_3146] {strides = array<i32>} : memref<8x128xf32, #tpu.memory_space<vmem>>, vector<1x16xf32>,
      %swap3A_3148 = vector.shape_cast %swap3A_3147 : vector<1x16xf32> to vector<16xf32>
      %swap3A_3149 = vector.shape_cast %add3A_3139 : vector<16xf32> to vector<1x16xf32>
      tpu.vector_store %swap3A_3144[%swap3A_3145, %swap3A_3146], %swap3A_3149 {strides = array<i32>} : memref<8x128xf32, #tpu.memory_space<vmem>>, vector<1x16xf32>,
      %eq3A_3150 = arith.constant 7 : i32
      %eq3A_3151 = vector.broadcast %eq3A_3150 : i32 to vector<16xi32>
      %eq3A_3152 = arith.cmpi eq, %select_n3A_2978, %eq3A_3151 : vector<16xi32>
      %jit3A_3153 = arith.constant 0.000000e+00 : f32
      %broadcast_in_dim3A_3154 = vector.broadcast %jit3A_3153 : f32 to vector<16xf32>
      %select_n3A_3155 = arith.select %eq3A_3152, %div3A_2987, %broadcast_in_dim3A_3154 : vector<16xi1>, vector<16xf32>
      %eq3A_3156 = arith.constant 7 : i32
      %eq3A_3157 = vector.broadcast %eq3A_3156 : i32 to vector<16xi32>
      %eq3A_3158 = arith.cmpi eq, %select_n3A_2973, %eq3A_3157 : vector<16xi32>
      %jit3A_3159 = arith.constant 0.000000e+00 : f32
      %broadcast_in_dim3A_3160 = vector.broadcast %jit3A_3159 : f32 to vector<16xf32>
      %select_n3A_3161 = arith.select %eq3A_3158, %mul3A_2988, %broadcast_in_dim3A_3160 : vector<16xi1>, vector<16xf32>
      %add3A_3162 = arith.addf %select_n3A_3155, %select_n3A_3161 : vector<16xf32>
      %swap3A_3163 = arith.constant 7 : i32
      %swap3A_3164 = arith.constant 0 : i32
      %swap3A_3165 = arith.constant 0 : i32
      %swap3A_3166 = tpu.memref_slice %run_scoped3A_8[%rem3A_156, %swap3A_3164, %swap3A_3165] : memref<2x8x128xf32, #tpu.memory_space<vmem>> -> memref<1x8x128xf32, #tpu.memory_space<vmem>>
      %swap3A_3167 = tpu.memref_squeeze %swap3A_3166 : memref<1x8x128xf32, #tpu.memory_space<vmem>> -> memref<8x128xf32, #tpu.memory_space<vmem>>
      %swap3A_3168 = arith.index_cast %swap3A_3163 : i32 to index
      %swap3A_3169 = arith.constant 112 : index
      %swap3A_3170 = tpu.vector_load %swap3A_3167[%swap3A_3168, %swap3A_3169] {strides = array<i32>} : memref<8x128xf32, #tpu.memory_space<vmem>>, vector<1x16xf32>,
      %swap3A_3171 = vector.shape_cast %swap3A_3170 : vector<1x16xf32> to vector<16xf32>
      %swap3A_3172 = vector.shape_cast %add3A_3162 : vector<16xf32> to vector<1x16xf32>
      tpu.vector_store %swap3A_3167[%swap3A_3168, %swap3A_3169], %swap3A_3172 {strides = array<i32>} : memref<8x128xf32, #tpu.memory_space<vmem>>, vector<1x16xf32>,
      %swap3A_3173 = arith.constant 0 : i32
      %swap3A_3174 = arith.constant 0 : i32
      %swap3A_3175 = arith.constant 0 : i32
      %swap3A_3176 = tpu.memref_slice %run_scoped3A_10[%rem3A_158, %swap3A_3174, %swap3A_3175] : memref<2x8x128xf32, #tpu.memory_space<vmem>> -> memref<1x8x128xf32, #tpu.memory_space<vmem>>
      %swap3A_3177 = tpu.memref_squeeze %swap3A_3176 : memref<1x8x128xf32, #tpu.memory_space<vmem>> -> memref<8x128xf32, #tpu.memory_space<vmem>>
      %swap3A_3178 = arith.index_cast %swap3A_3173 : i32 to index
      %swap3A_3179 = arith.constant 112 : index
      %swap3A_3180 = tpu.vector_load %swap3A_3177[%swap3A_3178, %swap3A_3179] {strides = array<i32>} : memref<8x128xf32, #tpu.memory_space<vmem>>, vector<1x16xf32>,
      %swap3A_3181 = vector.shape_cast %swap3A_3180 : vector<1x16xf32> to vector<16xf32>
      %swap3A_3182 = vector.shape_cast %sub3A_2980 : vector<16xf32> to vector<1x16xf32>
      tpu.vector_store %swap3A_3177[%swap3A_3178, %swap3A_3179], %swap3A_3182 {strides = array<i32>} : memref<8x128xf32, #tpu.memory_space<vmem>>, vector<1x16xf32>,
      "tpu.trace_stop"() : () -> ()
      %ne3A_3183 = arith.cmpi ne, %add3A_76, %add3A_96 : i32
      %or3A_3184 = arith.constant false
      %or3A_3185 = arith.ori %or3A_3184, %ne3A_3183 : i1
      %or3A_3186 = arith.ori %or3A_3185, %eq3A_74 : i1
      %convert_element_type3A_3187 = arith.extui %or3A_3186 : i1 to i32
      %cond3A_3188 = arith.constant 0 : i32
      %cond3A_3189 = arith.cmpi ne, %convert_element_type3A_3187, %cond3A_3188 : i32
      scf.if %cond3A_3189 {
      } else {
      }
      %and3A_3190 = arith.constant false
      %and3A_3191 = arith.andi %or3A_3186, %and3A_3190 : i1
      %ne3A_3192 = arith.cmpi ne, %add3A_76, %add3A_96 : i32
      %or3A_3193 = arith.constant false
      %or3A_3194 = arith.ori %or3A_3193, %ne3A_3192 : i1
      %or3A_3195 = arith.ori %or3A_3194, %eq3A_74 : i1
      %convert_element_type3A_3196 = arith.extui %or3A_3195 : i1 to i32
      %cond3A_3197 = arith.constant 0 : i32
      %cond3A_3198 = arith.cmpi ne, %convert_element_type3A_3196, %cond3A_3197 : i32
      scf.if %cond3A_3198 {
        "tpu.trace_start"() <{level = 10 : i32, message = "ep_copy_out"}> : () -> ()
        %rem3A_3347 = arith.constant 2 : i32
        %rem3A_3348 = arith.remui %scan3A_65, %rem3A_3347 : i32
        %mul3A_3349 = arith.constant 128 : i32
        %mul3A_3350 = arith.muli %mul3A_3349, %add3A_76 : i32
        %dma_start3A_3351 = arith.constant 0 : i32
        %dma_start3A_3352 = arith.constant 0 : i32
        %dma_start3A_3353 = tpu.memref_slice %run_scoped3A_8[%rem3A_3348, %dma_start3A_3351, %dma_start3A_3352] : memref<2x8x128xf32, #tpu.memory_space<vmem>> -> memref<1x8x128xf32, #tpu.memory_space<vmem>>
        %dma_start3A_3354 = tpu.memref_squeeze %dma_start3A_3353 : memref<1x8x128xf32, #tpu.memory_space<vmem>> -> memref<8x128xf32, #tpu.memory_space<vmem>>
        %dma_start3A_3355 = arith.constant 0 : i32
        %dma_start3A_3356 = tpu.memref_slice %arg3[%dma_start3A_3355, %mul3A_3350] : memref<8x4096xf32, #tpu.memory_space<hbm>> -> memref<8x128xf32, #tpu.memory_space<hbm>>
        %dma_start3A_3357 = tpu.memref_slice %run_scoped3A_9[%rem3A_3348] : memref<2x!tpu.dma_semaphore, #tpu.memory_space<semaphore_mem>> -> memref<1x!tpu.dma_semaphore, #tpu.memory_space<semaphore_mem>>
        %dma_start3A_3358 = tpu.memref_squeeze %dma_start3A_3357 : memref<1x!tpu.dma_semaphore, #tpu.memory_space<semaphore_mem>> -> memref<!tpu.dma_semaphore, #tpu.memory_space<semaphore_mem>>
        %dma_start3A_3359 = arith.constant 0 : i32
        %dma_start3A_3360 = tpu.memref_slice %arg3[%dma_start3A_3359, %mul3A_3350] : memref<8x4096xf32, #tpu.memory_space<hbm>> -> memref<8x128xf32, #tpu.memory_space<hbm>>
        %dma_start3A_3361 = arith.constant 0 : i32
        %dma_start3A_3362 = arith.constant 0 : i32
        %dma_start3A_3363 = tpu.memref_slice %run_scoped3A_8[%rem3A_3348, %dma_start3A_3361, %dma_start3A_3362] : memref<2x8x128xf32, #tpu.memory_space<vmem>> -> memref<1x8x128xf32, #tpu.memory_space<vmem>>
        %dma_start3A_3364 = tpu.memref_squeeze %dma_start3A_3363 : memref<1x8x128xf32, #tpu.memory_space<vmem>> -> memref<8x128xf32, #tpu.memory_space<vmem>>
        tpu.enqueue_dma source(%dma_start3A_3364 : memref<8x128xf32, #tpu.memory_space<vmem>>) target(%dma_start3A_3360 : memref<8x128xf32, #tpu.memory_space<hbm>>) target_semaphore(%dma_start3A_3358 : memref<!tpu.dma_semaphore, #tpu.memory_space<semaphore_mem>>)
        "tpu.trace_stop"() : () -> ()
      } else {
      }
      %and3A_3199 = arith.constant true
      %and3A_3200 = arith.andi %or3A_3195, %and3A_3199 : i1
      %add3A_3201 = arith.constant 1 : i32
      %add3A_3202 = arith.addi %scan3A_65, %add3A_3201 : i32
      %select_n3A_3203 = arith.select %and3A_3200, %add3A_3202, %scan3A_65 : i32
      %ne3A_3204 = arith.cmpi ne, %add3A_76, %add3A_96 : i32
      %or3A_3205 = arith.constant false
      %or3A_3206 = arith.ori %or3A_3205, %ne3A_3204 : i1
      %or3A_3207 = arith.ori %or3A_3206, %eq3A_74 : i1
      %convert_element_type3A_3208 = arith.extui %or3A_3207 : i1 to i32
      %cond3A_3209 = arith.constant 0 : i32
      %cond3A_3210 = arith.cmpi ne, %convert_element_type3A_3208, %cond3A_3209 : i32
      scf.if %cond3A_3210 {
        "tpu.trace_start"() <{level = 10 : i32, message = "ep_copy_out"}> : () -> ()
        %rem3A_3347 = arith.constant 2 : i32
        %rem3A_3348 = arith.remui %scan3A_67, %rem3A_3347 : i32
        %mul3A_3349 = arith.constant 128 : i32
        %mul3A_3350 = arith.muli %mul3A_3349, %add3A_76 : i32
        %dma_start3A_3351 = arith.constant 0 : i32
        %dma_start3A_3352 = arith.constant 0 : i32
        %dma_start3A_3353 = tpu.memref_slice %run_scoped3A_10[%rem3A_3348, %dma_start3A_3351, %dma_start3A_3352] : memref<2x8x128xf32, #tpu.memory_space<vmem>> -> memref<1x8x128xf32, #tpu.memory_space<vmem>>
        %dma_start3A_3354 = tpu.memref_squeeze %dma_start3A_3353 : memref<1x8x128xf32, #tpu.memory_space<vmem>> -> memref<8x128xf32, #tpu.memory_space<vmem>>
        %dma_start3A_3355 = arith.constant 0 : i32
        %dma_start3A_3356 = tpu.memref_slice %arg4[%dma_start3A_3355, %mul3A_3350] : memref<8x4096xf32, #tpu.memory_space<hbm>> -> memref<8x128xf32, #tpu.memory_space<hbm>>
        %dma_start3A_3357 = tpu.memref_slice %run_scoped3A_11[%rem3A_3348] : memref<2x!tpu.dma_semaphore, #tpu.memory_space<semaphore_mem>> -> memref<1x!tpu.dma_semaphore, #tpu.memory_space<semaphore_mem>>
        %dma_start3A_3358 = tpu.memref_squeeze %dma_start3A_3357 : memref<1x!tpu.dma_semaphore, #tpu.memory_space<semaphore_mem>> -> memref<!tpu.dma_semaphore, #tpu.memory_space<semaphore_mem>>
        %dma_start3A_3359 = arith.constant 0 : i32
        %dma_start3A_3360 = tpu.memref_slice %arg4[%dma_start3A_3359, %mul3A_3350] : memref<8x4096xf32, #tpu.memory_space<hbm>> -> memref<8x128xf32, #tpu.memory_space<hbm>>
        %dma_start3A_3361 = arith.constant 0 : i32
        %dma_start3A_3362 = arith.constant 0 : i32
        %dma_start3A_3363 = tpu.memref_slice %run_scoped3A_10[%rem3A_3348, %dma_start3A_3361, %dma_start3A_3362] : memref<2x8x128xf32, #tpu.memory_space<vmem>> -> memref<1x8x128xf32, #tpu.memory_space<vmem>>
        %dma_start3A_3364 = tpu.memref_squeeze %dma_start3A_3363 : memref<1x8x128xf32, #tpu.memory_space<vmem>> -> memref<8x128xf32, #tpu.memory_space<vmem>>
        tpu.enqueue_dma source(%dma_start3A_3364 : memref<8x128xf32, #tpu.memory_space<vmem>>) target(%dma_start3A_3360 : memref<8x128xf32, #tpu.memory_space<hbm>>) target_semaphore(%dma_start3A_3358 : memref<!tpu.dma_semaphore, #tpu.memory_space<semaphore_mem>>)
        "tpu.trace_stop"() : () -> ()
      } else {
      }
      %and3A_3211 = arith.constant true
      %and3A_3212 = arith.andi %or3A_3207, %and3A_3211 : i1
      %add3A_3213 = arith.constant 1 : i32
      %add3A_3214 = arith.addi %scan3A_67, %add3A_3213 : i32
      %select_n3A_3215 = arith.select %and3A_3212, %add3A_3214, %scan3A_67 : i32
      %ne3A_3216 = arith.cmpi ne, %add3A_76, %add3A_86 : i32
      %or3A_3217 = arith.constant false
      %or3A_3218 = arith.ori %or3A_3217, %ne3A_3216 : i1
      %not3A_3219 = arith.constant true
      %not3A_3220 = arith.xori %eq3A_72, %not3A_3219 : i1
      %and3A_3221 = arith.andi %or3A_3218, %not3A_3220 : i1
      %convert_element_type3A_3222 = arith.extui %and3A_3221 : i1 to i32
      %cond3A_3223 = arith.constant 0 : i32
      %cond3A_3224 = arith.cmpi ne, %convert_element_type3A_3222, %cond3A_3223 : i32
      scf.if %cond3A_3224 {
      } else {
      }
      %and3A_3225 = arith.constant false
      %and3A_3226 = arith.andi %and3A_3221, %and3A_3225 : i1
      %ne3A_3227 = arith.cmpi ne, %add3A_76, %add3A_86 : i32
      %or3A_3228 = arith.constant false
      %or3A_3229 = arith.ori %or3A_3228, %ne3A_3227 : i1
      %not3A_3230 = arith.constant true
      %not3A_3231 = arith.xori %eq3A_72, %not3A_3230 : i1
      %and3A_3232 = arith.andi %or3A_3229, %not3A_3231 : i1
      %convert_element_type3A_3233 = arith.extui %and3A_3232 : i1 to i32
      %cond3A_3234 = arith.constant 0 : i32
      %cond3A_3235 = arith.cmpi ne, %convert_element_type3A_3233, %cond3A_3234 : i32
      scf.if %cond3A_3235 {
        "tpu.trace_start"() <{level = 10 : i32, message = "ep_wait_out"}> : () -> ()
        %rem3A_3347 = arith.constant 2 : i32
        %rem3A_3348 = arith.remui %scan3A_66, %rem3A_3347 : i32
        %mul3A_3349 = arith.constant 128 : i32
        %mul3A_3350 = arith.muli %mul3A_3349, %add3A_86 : i32
        %dma_wait3A_3351 = arith.constant 0 : i32
        %dma_wait3A_3352 = arith.constant 0 : i32
        %dma_wait3A_3353 = tpu.memref_slice %run_scoped3A_8[%rem3A_3348, %dma_wait3A_3351, %dma_wait3A_3352] : memref<2x8x128xf32, #tpu.memory_space<vmem>> -> memref<1x8x128xf32, #tpu.memory_space<vmem>>
        %dma_wait3A_3354 = tpu.memref_squeeze %dma_wait3A_3353 : memref<1x8x128xf32, #tpu.memory_space<vmem>> -> memref<8x128xf32, #tpu.memory_space<vmem>>
        %dma_wait3A_3355 = arith.constant 0 : i32
        %dma_wait3A_3356 = tpu.memref_slice %arg3[%dma_wait3A_3355, %mul3A_3350] : memref<8x4096xf32, #tpu.memory_space<hbm>> -> memref<8x128xf32, #tpu.memory_space<hbm>>
        %dma_wait3A_3357 = tpu.memref_slice %run_scoped3A_9[%rem3A_3348] : memref<2x!tpu.dma_semaphore, #tpu.memory_space<semaphore_mem>> -> memref<1x!tpu.dma_semaphore, #tpu.memory_space<semaphore_mem>>
        %dma_wait3A_3358 = tpu.memref_squeeze %dma_wait3A_3357 : memref<1x!tpu.dma_semaphore, #tpu.memory_space<semaphore_mem>> -> memref<!tpu.dma_semaphore, #tpu.memory_space<semaphore_mem>>
        %dma_wait3A_3359 = arith.constant 0 : i32
        %dma_wait3A_3360 = tpu.memref_slice %arg3[%dma_wait3A_3359, %mul3A_3350] : memref<8x4096xf32, #tpu.memory_space<hbm>> -> memref<8x128xf32, #tpu.memory_space<hbm>>
        %dma_wait3A_3361 = arith.constant 0 : i32
        %dma_wait3A_3362 = arith.constant 0 : i32
        %dma_wait3A_3363 = tpu.memref_slice %run_scoped3A_8[%rem3A_3348, %dma_wait3A_3361, %dma_wait3A_3362] : memref<2x8x128xf32, #tpu.memory_space<vmem>> -> memref<1x8x128xf32, #tpu.memory_space<vmem>>
        %dma_wait3A_3364 = tpu.memref_squeeze %dma_wait3A_3363 : memref<1x8x128xf32, #tpu.memory_space<vmem>> -> memref<8x128xf32, #tpu.memory_space<vmem>>
        tpu.wait_dma2 semaphore(%dma_wait3A_3358 : memref<!tpu.dma_semaphore, #tpu.memory_space<semaphore_mem>>) src(%dma_wait3A_3364 : memref<8x128xf32, #tpu.memory_space<vmem>>) dst(%dma_wait3A_3360 : memref<8x128xf32, #tpu.memory_space<hbm>>)
        "tpu.trace_stop"() : () -> ()
      } else {
      }
      %and3A_3236 = arith.constant true
      %and3A_3237 = arith.andi %and3A_3232, %and3A_3236 : i1
      %add3A_3238 = arith.constant 1 : i32
      %add3A_3239 = arith.addi %scan3A_66, %add3A_3238 : i32
      %select_n3A_3240 = arith.select %and3A_3237, %add3A_3239, %scan3A_66 : i32
      %ne3A_3241 = arith.cmpi ne, %add3A_76, %add3A_86 : i32
      %or3A_3242 = arith.constant false
      %or3A_3243 = arith.ori %or3A_3242, %ne3A_3241 : i1
      %not3A_3244 = arith.constant true
      %not3A_3245 = arith.xori %eq3A_72, %not3A_3244 : i1
      %and3A_3246 = arith.andi %or3A_3243, %not3A_3245 : i1
      %convert_element_type3A_3247 = arith.extui %and3A_3246 : i1 to i32
      %cond3A_3248 = arith.constant 0 : i32
      %cond3A_3249 = arith.cmpi ne, %convert_element_type3A_3247, %cond3A_3248 : i32
      scf.if %cond3A_3249 {
        "tpu.trace_start"() <{level = 10 : i32, message = "ep_wait_out"}> : () -> ()
        %rem3A_3347 = arith.constant 2 : i32
        %rem3A_3348 = arith.remui %scan3A_68, %rem3A_3347 : i32
        %mul3A_3349 = arith.constant 128 : i32
        %mul3A_3350 = arith.muli %mul3A_3349, %add3A_86 : i32
        %dma_wait3A_3351 = arith.constant 0 : i32
        %dma_wait3A_3352 = arith.constant 0 : i32
        %dma_wait3A_3353 = tpu.memref_slice %run_scoped3A_10[%rem3A_3348, %dma_wait3A_3351, %dma_wait3A_3352] : memref<2x8x128xf32, #tpu.memory_space<vmem>> -> memref<1x8x128xf32, #tpu.memory_space<vmem>>
        %dma_wait3A_3354 = tpu.memref_squeeze %dma_wait3A_3353 : memref<1x8x128xf32, #tpu.memory_space<vmem>> -> memref<8x128xf32, #tpu.memory_space<vmem>>
        %dma_wait3A_3355 = arith.constant 0 : i32
        %dma_wait3A_3356 = tpu.memref_slice %arg4[%dma_wait3A_3355, %mul3A_3350] : memref<8x4096xf32, #tpu.memory_space<hbm>> -> memref<8x128xf32, #tpu.memory_space<hbm>>
        %dma_wait3A_3357 = tpu.memref_slice %run_scoped3A_11[%rem3A_3348] : memref<2x!tpu.dma_semaphore, #tpu.memory_space<semaphore_mem>> -> memref<1x!tpu.dma_semaphore, #tpu.memory_space<semaphore_mem>>
        %dma_wait3A_3358 = tpu.memref_squeeze %dma_wait3A_3357 : memref<1x!tpu.dma_semaphore, #tpu.memory_space<semaphore_mem>> -> memref<!tpu.dma_semaphore, #tpu.memory_space<semaphore_mem>>
        %dma_wait3A_3359 = arith.constant 0 : i32
        %dma_wait3A_3360 = tpu.memref_slice %arg4[%dma_wait3A_3359, %mul3A_3350] : memref<8x4096xf32, #tpu.memory_space<hbm>> -> memref<8x128xf32, #tpu.memory_space<hbm>>
        %dma_wait3A_3361 = arith.constant 0 : i32
        %dma_wait3A_3362 = arith.constant 0 : i32
        %dma_wait3A_3363 = tpu.memref_slice %run_scoped3A_10[%rem3A_3348, %dma_wait3A_3361, %dma_wait3A_3362] : memref<2x8x128xf32, #tpu.memory_space<vmem>> -> memref<1x8x128xf32, #tpu.memory_space<vmem>>
        %dma_wait3A_3364 = tpu.memref_squeeze %dma_wait3A_3363 : memref<1x8x128xf32, #tpu.memory_space<vmem>> -> memref<8x128xf32, #tpu.memory_space<vmem>>
        tpu.wait_dma2 semaphore(%dma_wait3A_3358 : memref<!tpu.dma_semaphore, #tpu.memory_space<semaphore_mem>>) src(%dma_wait3A_3364 : memref<8x128xf32, #tpu.memory_space<vmem>>) dst(%dma_wait3A_3360 : memref<8x128xf32, #tpu.memory_space<hbm>>)
        "tpu.trace_stop"() : () -> ()
      } else {
      }
      %and3A_3250 = arith.constant true
      %and3A_3251 = arith.andi %and3A_3246, %and3A_3250 : i1
      %add3A_3252 = arith.constant 1 : i32
      %add3A_3253 = arith.addi %scan3A_68, %add3A_3252 : i32
      %select_n3A_3254 = arith.select %and3A_3251, %add3A_3253, %scan3A_68 : i32
      %ne3A_3255 = arith.cmpi ne, %add3A_76, %add3A_96 : i32
      %or3A_3256 = arith.constant false
      %or3A_3257 = arith.ori %or3A_3256, %ne3A_3255 : i1
      %or3A_3258 = arith.ori %or3A_3257, %eq3A_74 : i1
      %add3A_3259 = arith.constant 1 : i32
      %add3A_3260 = arith.addi %scan3A, %add3A_3259 : i32
      %select_n3A_3261 = arith.select %or3A_3258, %add3A_3260, %scan3A : i32
      %select_n3A_3262 = arith.constant true
      %select_n3A_3263 = arith.constant 0 : i32
      %select_n3A_3264 = arith.constant 1 : i32
      %select_n3A_3265 = arith.select %select_n3A_3262, %select_n3A_3264, %select_n3A_3263 : i32
      %eq3A_3266 = arith.constant 1 : i32
      %eq3A_3267 = arith.cmpi eq, %select_n3A_3265, %eq3A_3266 : i32
      %select_n3A_3268 = arith.constant 0 : i32
      %select_n3A_3269 = arith.select %eq3A_3267, %select_n3A_3268, %select_n3A_3265 : i32
      %scan3A_3270 = arith.constant 0 : i32
      %scan3A_3271 = arith.constant 1 : i32
      %sub3A_3272 = arith.constant 1 : i32
      %sub3A_3273 = arith.subi %scan3A_3270, %sub3A_3272 : i32
      %select_n3A_3274 = arith.constant true
      %select_n3A_3275 = arith.select %select_n3A_3274, %sub3A_3273, %scan3A_3270 : i32
      %eq3A_3276 = arith.constant -1 : i32
      %eq3A_3277 = arith.cmpi eq, %select_n3A_3275, %eq3A_3276 : i32
      %select_n3A_3278 = arith.constant 0 : i32
      %select_n3A_3279 = arith.select %eq3A_3277, %select_n3A_3278, %select_n3A_3275 : i32
      %add3A_3280 = arith.constant 0 : i32
      %add3A_3281 = arith.addi %add3A_3280, %mul3A_6 : i32
      %select_n3A_3282 = arith.constant true
      %select_n3A_3283 = arith.constant 0 : i32
      %select_n3A_3284 = arith.constant -1 : i32
      %select_n3A_3285 = arith.select %select_n3A_3282, %select_n3A_3284, %select_n3A_3283 : i32
      %eq3A_3286 = arith.constant -1 : i32
      %eq3A_3287 = arith.cmpi eq, %select_n3A_3285, %eq3A_3286 : i32
      %select_n3A_3288 = arith.constant 0 : i32
      %select_n3A_3289 = arith.select %eq3A_3287, %select_n3A_3288, %select_n3A_3285 : i32
      %add3A_3290 = arith.constant 0 : i32
      %add3A_3291 = arith.addi %add3A_3290, %mul3A_6 : i32
      %select_n3A_3292 = arith.constant true
      %select_n3A_3293 = arith.constant 0 : i32
      %select_n3A_3294 = arith.constant 1 : i32
      %select_n3A_3295 = arith.select %select_n3A_3292, %select_n3A_3294, %select_n3A_3293 : i32
      %eq3A_3296 = arith.constant 1 : i32
      %eq3A_3297 = arith.cmpi eq, %select_n3A_3295, %eq3A_3296 : i32
      %select_n3A_3298 = arith.constant 0 : i32
      %select_n3A_3299 = arith.select %eq3A_3297, %select_n3A_3298, %select_n3A_3295 : i32
      %add3A_3300 = arith.constant 0 : i32
      %add3A_3301 = arith.addi %add3A_3300, %mul3A_6 : i32
      %select_n3A_3302 = arith.constant true
      %select_n3A_3303 = arith.constant 0 : i32
      %select_n3A_3304 = arith.constant 1 : i32
      %select_n3A_3305 = arith.select %select_n3A_3302, %select_n3A_3304, %select_n3A_3303 : i32
      %eq3A_3306 = arith.constant 1 : i32
      %eq3A_3307 = arith.cmpi eq, %select_n3A_3305, %eq3A_3306 : i32
      %select_n3A_3308 = arith.constant 0 : i32
      %select_n3A_3309 = arith.select %eq3A_3307, %select_n3A_3308, %select_n3A_3305 : i32
      %add3A_3310 = arith.constant 0 : i32
      %add3A_3311 = arith.addi %add3A_3310, %mul3A_6 : i32
      "tpu.trace_start"() <{level = 10 : i32, message = "ep_finalize"}> : () -> ()
      %rem3A_3312 = arith.constant 2 : i32
      %rem3A_3313 = arith.remui %select_n3A_3240, %rem3A_3312 : i32
      %mul3A_3314 = arith.constant 128 : i32
      %mul3A_3315 = arith.muli %mul3A_3314, %add3A_3281 : i32
      %dma_wait3A = arith.constant 0 : i32
      %dma_wait3A_3316 = arith.constant 0 : i32
      %dma_wait3A_3317 = tpu.memref_slice %run_scoped3A_8[%rem3A_3313, %dma_wait3A, %dma_wait3A_3316] : memref<2x8x128xf32, #tpu.memory_space<vmem>> -> memref<1x8x128xf32, #tpu.memory_space<vmem>>
      %dma_wait3A_3318 = tpu.memref_squeeze %dma_wait3A_3317 : memref<1x8x128xf32, #tpu.memory_space<vmem>> -> memref<8x128xf32, #tpu.memory_space<vmem>>
      %dma_wait3A_3319 = arith.constant 0 : i32
      %dma_wait3A_3320 = tpu.memref_slice %arg3[%dma_wait3A_3319, %mul3A_3315] : memref<8x4096xf32, #tpu.memory_space<hbm>> -> memref<8x128xf32, #tpu.memory_space<hbm>>
      %dma_wait3A_3321 = tpu.memref_slice %run_scoped3A_9[%rem3A_3313] : memref<2x!tpu.dma_semaphore, #tpu.memory_space<semaphore_mem>> -> memref<1x!tpu.dma_semaphore, #tpu.memory_space<semaphore_mem>>
      %dma_wait3A_3322 = tpu.memref_squeeze %dma_wait3A_3321 : memref<1x!tpu.dma_semaphore, #tpu.memory_space<semaphore_mem>> -> memref<!tpu.dma_semaphore, #tpu.memory_space<semaphore_mem>>
      %dma_wait3A_3323 = arith.constant 0 : i32
      %dma_wait3A_3324 = tpu.memref_slice %arg3[%dma_wait3A_3323, %mul3A_3315] : memref<8x4096xf32, #tpu.memory_space<hbm>> -> memref<8x128xf32, #tpu.memory_space<hbm>>
      %dma_wait3A_3325 = arith.constant 0 : i32
      %dma_wait3A_3326 = arith.constant 0 : i32
      %dma_wait3A_3327 = tpu.memref_slice %run_scoped3A_8[%rem3A_3313, %dma_wait3A_3325, %dma_wait3A_3326] : memref<2x8x128xf32, #tpu.memory_space<vmem>> -> memref<1x8x128xf32, #tpu.memory_space<vmem>>
      %dma_wait3A_3328 = tpu.memref_squeeze %dma_wait3A_3327 : memref<1x8x128xf32, #tpu.memory_space<vmem>> -> memref<8x128xf32, #tpu.memory_space<vmem>>
      tpu.wait_dma2 semaphore(%dma_wait3A_3322 : memref<!tpu.dma_semaphore, #tpu.memory_space<semaphore_mem>>) src(%dma_wait3A_3328 : memref<8x128xf32, #tpu.memory_space<vmem>>) dst(%dma_wait3A_3324 : memref<8x128xf32, #tpu.memory_space<hbm>>)
      %rem3A_3329 = arith.constant 2 : i32
      %rem3A_3330 = arith.remui %select_n3A_3254, %rem3A_3329 : i32
      %mul3A_3331 = arith.constant 128 : i32
      %mul3A_3332 = arith.muli %mul3A_3331, %add3A_3281 : i32
      %dma_wait3A_3333 = arith.constant 0 : i32
      %dma_wait3A_3334 = arith.constant 0 : i32
      %dma_wait3A_3335 = tpu.memref_slice %run_scoped3A_10[%rem3A_3330, %dma_wait3A_3333, %dma_wait3A_3334] : memref<2x8x128xf32, #tpu.memory_space<vmem>> -> memref<1x8x128xf32, #tpu.memory_space<vmem>>
      %dma_wait3A_3336 = tpu.memref_squeeze %dma_wait3A_3335 : memref<1x8x128xf32, #tpu.memory_space<vmem>> -> memref<8x128xf32, #tpu.memory_space<vmem>>
      %dma_wait3A_3337 = arith.constant 0 : i32
      %dma_wait3A_3338 = tpu.memref_slice %arg4[%dma_wait3A_3337, %mul3A_3332] : memref<8x4096xf32, #tpu.memory_space<hbm>> -> memref<8x128xf32, #tpu.memory_space<hbm>>
      %dma_wait3A_3339 = tpu.memref_slice %run_scoped3A_11[%rem3A_3330] : memref<2x!tpu.dma_semaphore, #tpu.memory_space<semaphore_mem>> -> memref<1x!tpu.dma_semaphore, #tpu.memory_space<semaphore_mem>>
      %dma_wait3A_3340 = tpu.memref_squeeze %dma_wait3A_3339 : memref<1x!tpu.dma_semaphore, #tpu.memory_space<semaphore_mem>> -> memref<!tpu.dma_semaphore, #tpu.memory_space<semaphore_mem>>
      %dma_wait3A_3341 = arith.constant 0 : i32
      %dma_wait3A_3342 = tpu.memref_slice %arg4[%dma_wait3A_3341, %mul3A_3332] : memref<8x4096xf32, #tpu.memory_space<hbm>> -> memref<8x128xf32, #tpu.memory_space<hbm>>
      %dma_wait3A_3343 = arith.constant 0 : i32
      %dma_wait3A_3344 = arith.constant 0 : i32
      %dma_wait3A_3345 = tpu.memref_slice %run_scoped3A_10[%rem3A_3330, %dma_wait3A_3343, %dma_wait3A_3344] : memref<2x8x128xf32, #tpu.memory_space<vmem>> -> memref<1x8x128xf32, #tpu.memory_space<vmem>>
      %dma_wait3A_3346 = tpu.memref_squeeze %dma_wait3A_3345 : memref<1x8x128xf32, #tpu.memory_space<vmem>> -> memref<8x128xf32, #tpu.memory_space<vmem>>
      tpu.wait_dma2 semaphore(%dma_wait3A_3340 : memref<!tpu.dma_semaphore, #tpu.memory_space<semaphore_mem>>) src(%dma_wait3A_3346 : memref<8x128xf32, #tpu.memory_space<vmem>>) dst(%dma_wait3A_3342 : memref<8x128xf32, #tpu.memory_space<hbm>>)
      "tpu.trace_stop"() : () -> ()
      tpu.yield
    }) : () -> ()
    return
  }
}

module attributes {stable_mosaic.version = 14 : i64} {
  func.func @_logits_kernel(%arg0: i32, %arg1: i32, %arg2: memref<1x256x1024xf32, #tpu.memory_space<vmem>>, %arg3: memref<1024x128xf32, #tpu.memory_space<vmem>>, %arg4: memref<8x256xf32, #tpu.memory_space<vmem>>) attributes {dimension_semantics = [#tpu.dimension_semantics<arbitrary>, #tpu.dimension_semantics<arbitrary>], iteration_bounds = array<i64: 2, 8>, scalar_prefetch = 0 : i64, scratch_operands = 0 : i64, tpu.core_type = #tpu.core_type<tc>, window_params = [{transform_indices = @transform_0, window_bounds = array<i64: 1, 256, 1024>}, {pipeline_mode = #tpu.pipeline_mode<synchronous>, transform_indices = @transform_1, window_bounds = array<i64: 1024, 128>}, {transform_indices = @transform_2, window_bounds = array<i64: 8, 256>}]} {
    %get3A = arith.constant 0 : index
    %get3A_0 = arith.constant 0 : index
    %get3A_1 = arith.constant 0 : index
    %get3A_2 = vector.load %arg2[%get3A, %get3A_0, %get3A_1] : memref<1x256x1024xf32, #tpu.memory_space<vmem>>, vector<1x256x1024xf32>
    %get3A_3 = vector.shape_cast %get3A_2 : vector<1x256x1024xf32> to vector<256x1024xf32>
    %get3A_4 = arith.constant 0 : index
    %get3A_5 = arith.constant 0 : index
    %get3A_6 = vector.load %arg3[%get3A_4, %get3A_5] : memref<1024x128xf32, #tpu.memory_space<vmem>>, vector<1024x128xf32>
    %dot_general3A = arith.constant dense<0.000000e+00> : vector<256x128xf32>
    %dot_general3A_7 = tpu.matmul %get3A_3, %get3A_6, %dot_general3A {dimension_numbers = #tpu.dot_dimension_numbers<[1], [0], [0], [1], [0, 0, 1, 1], [], []>, transpose_lhs_hint = false} : vector<256x1024xf32>, vector<1024x128xf32>, vector<256x128xf32> -> vector<256x128xf32>
    %transpose3A = tpu.transpose %dot_general3A_7, [1, 0] : vector<256x128xf32> -> vector<128x256xf32>
    %slice3A = vector.extract_strided_slice %transpose3A {offsets = [0, 0], sizes = [8, 256], strides = [1, 1]} : vector<128x256xf32> to vector<8x256xf32>
    %swap3A = arith.constant 0 : index
    %swap3A_8 = arith.constant 0 : index
    %swap3A_9 = vector.load %arg4[%swap3A, %swap3A_8] : memref<8x256xf32, #tpu.memory_space<vmem>>, vector<8x256xf32>
    tpu.vector_store %arg4[%swap3A, %swap3A_8], %slice3A {strides = array<i32>} : memref<8x256xf32, #tpu.memory_space<vmem>>, vector<8x256xf32>,
    return
  }
  func.func @transform_0(%arg0: i32, %arg1: i32) -> (i32, i32, i32) {
    %c0_i32 = arith.constant 0 : i32
    %c0_i32_0 = arith.constant 0 : i32
    return %arg0, %arg1, %c0_i32 : i32, i32, i32
  }
  func.func @transform_1(%arg0: i32, %arg1: i32) -> (i32, i32) {
    %c0_i32 = arith.constant 0 : i32
    %c0_i32_0 = arith.constant 0 : i32
    %c0_i32_1 = arith.constant 0 : i32
    return %c0_i32, %c0_i32_0 : i32, i32
  }
  func.func @transform_2(%arg0: i32, %arg1: i32) -> (i32, i32) {
    %mul3A = arith.constant 8 : i32
    %mul3A_0 = arith.muli %arg0, %mul3A : i32
    %add3A = arith.addi %mul3A_0, %arg1 : i32
    %c0_i32 = arith.constant 0 : i32
    %c0_i32_1 = arith.constant 0 : i32
    return %c0_i32, %add3A : i32, i32
  }
}

module attributes {stable_mosaic.version = 14 : i64} {
  func.func @_stats_kernel(%arg0: i32, %arg1: memref<8x4096xf32, #tpu.memory_space<vmem>>, %arg2: memref<8x4096xf32, #tpu.memory_space<vmem>>, %arg3: memref<8x128xf32, #tpu.memory_space<vmem>>, %arg4: memref<8x128xf32, #tpu.memory_space<vmem>>) attributes {dimension_semantics = [#tpu.dimension_semantics<arbitrary>], iteration_bounds = array<i64: 1>, scalar_prefetch = 0 : i64, scratch_operands = 0 : i64, tpu.core_type = #tpu.core_type<tc>, window_params = [{pipeline_mode = #tpu.pipeline_mode<synchronous>, transform_indices = @transform_0, window_bounds = array<i64: 8, 4096>}, {pipeline_mode = #tpu.pipeline_mode<synchronous>, transform_indices = @transform_1, window_bounds = array<i64: 8, 4096>}, {pipeline_mode = #tpu.pipeline_mode<synchronous>, transform_indices = @transform_2, window_bounds = array<i64: 8, 128>}, {pipeline_mode = #tpu.pipeline_mode<synchronous>, transform_indices = @transform_3, window_bounds = array<i64: 8, 128>}]} {
    %get3A = arith.constant 0 : index
    %get3A_0 = arith.constant 0 : index
    %get3A_1 = vector.load %arg1[%get3A, %get3A_0] : memref<8x4096xf32, #tpu.memory_space<vmem>>, vector<8x4096xf32>
    %reduce_sum3A = arith.constant dense<0.000000e+00> : vector<8xf32>
    %reduce_sum3A_2 = vector.multi_reduction <add>, %get3A_1, %reduce_sum3A [1] : vector<8x4096xf32> to vector<8xf32>
    %broadcast_in_dim3A = vector.shape_cast %reduce_sum3A_2 : vector<8xf32> to vector<8x1xf32>
    %broadcast_in_dim3A_3 = vector.shape_cast %broadcast_in_dim3A : vector<8x1xf32> to vector<8x1xf32>
    %broadcast_in_dim3A_4 = vector.broadcast %broadcast_in_dim3A_3 : vector<8x1xf32> to vector<8x128xf32>
    %swap3A = arith.constant 0 : index
    %swap3A_5 = arith.constant 0 : index
    %swap3A_6 = vector.load %arg3[%swap3A, %swap3A_5] : memref<8x128xf32, #tpu.memory_space<vmem>>, vector<8x128xf32>
    tpu.vector_store %arg3[%swap3A, %swap3A_5], %broadcast_in_dim3A_4 {strides = array<i32>} : memref<8x128xf32, #tpu.memory_space<vmem>>, vector<8x128xf32>,
    %get3A_7 = arith.constant 0 : index
    %get3A_8 = arith.constant 0 : index
    %get3A_9 = vector.load %arg2[%get3A_7, %get3A_8] : memref<8x4096xf32, #tpu.memory_space<vmem>>, vector<1x4096xf32>
    %exp3A = math.exp %get3A_9 : vector<1x4096xf32>
    %log1p3A = math.log1p %exp3A : vector<1x4096xf32>
    %add3A = arith.constant 1.000000e+00 : f32
    %add3A_10 = vector.broadcast %add3A : f32 to vector<1x4096xf32>
    %add3A_11 = arith.addf %add3A_10, %exp3A : vector<1x4096xf32>
    %div3A = arith.divf %exp3A, %add3A_11 : vector<1x4096xf32>
    %mul3A = arith.mulf %div3A, %get3A_9 : vector<1x4096xf32>
    %sub3A = arith.subf %log1p3A, %mul3A : vector<1x4096xf32>
    %reduce_sum3A_12 = arith.constant dense<0.000000e+00> : vector<1xf32>
    %reduce_sum3A_13 = vector.multi_reduction <add>, %sub3A, %reduce_sum3A_12 [1] : vector<1x4096xf32> to vector<1xf32>
    %broadcast_in_dim3A_14 = vector.shape_cast %reduce_sum3A_13 : vector<1xf32> to vector<1x1xf32>
    %broadcast_in_dim3A_15 = vector.shape_cast %broadcast_in_dim3A_14 : vector<1x1xf32> to vector<1x1xf32>
    %broadcast_in_dim3A_16 = vector.broadcast %broadcast_in_dim3A_15 : vector<1x1xf32> to vector<8x128xf32>
    %swap3A_17 = arith.constant 0 : index
    %swap3A_18 = arith.constant 0 : index
    %swap3A_19 = vector.load %arg4[%swap3A_17, %swap3A_18] : memref<8x128xf32, #tpu.memory_space<vmem>>, vector<8x128xf32>
    tpu.vector_store %arg4[%swap3A_17, %swap3A_18], %broadcast_in_dim3A_16 {strides = array<i32>} : memref<8x128xf32, #tpu.memory_space<vmem>>, vector<8x128xf32>,
    return
  }
  func.func @transform_0(%arg0: i32) -> (i32, i32) {
    %c0_i32 = arith.constant 0 : i32
    %c0_i32_0 = arith.constant 0 : i32
    %c0_i32_1 = arith.constant 0 : i32
    return %c0_i32, %c0_i32_0 : i32, i32
  }
  func.func @transform_1(%arg0: i32) -> (i32, i32) {
    %c0_i32 = arith.constant 0 : i32
    %c0_i32_0 = arith.constant 0 : i32
    %c0_i32_1 = arith.constant 0 : i32
    return %c0_i32, %c0_i32_0 : i32, i32
  }
  func.func @transform_2(%arg0: i32) -> (i32, i32) {
    %c0_i32 = arith.constant 0 : i32
    %c0_i32_0 = arith.constant 0 : i32
    %c0_i32_1 = arith.constant 0 : i32
    return %c0_i32, %c0_i32_0 : i32, i32
  }
  func.func @transform_3(%arg0: i32) -> (i32, i32) {
    %c0_i32 = arith.constant 0 : i32
    %c0_i32_0 = arith.constant 0 : i32
    %c0_i32_1 = arith.constant 0 : i32
    return %c0_i32, %c0_i32_0 : i32, i32
  }
}

module attributes {stable_mosaic.version = 14 : i64} {
  func.func @_moe_kernel(%arg0: i32, %arg1: i32, %arg2: i32, %arg3: memref<1x256x1024xbf16, #tpu.memory_space<vmem>>, %arg4: memref<1x1024x4096xbf16, #tpu.memory_space<vmem>>, %arg5: memref<1x8x2048xf32, #tpu.memory_space<vmem>>, %arg6: memref<1x1x2048xf32, #tpu.memory_space<vmem>>, %arg7: memref<1x2048x384xbf16, #tpu.memory_space<vmem>>, %arg8: memref<1x128x2048xbf16, #tpu.memory_space<vmem>>, %arg9: memref<1x1x2048xf32, #tpu.memory_space<vmem>>, %arg10: memref<1x16x2048xf32, #tpu.memory_space<vmem>>, %arg11: memref<1x1x2048xf32, #tpu.memory_space<vmem>>, %arg12: memref<1x2048x1024xbf16, #tpu.memory_space<vmem>>, %arg13: memref<1x8x256xf32, #tpu.memory_space<vmem>>, %arg14: memref<2x2048x1024xf32, #tpu.memory_space<vmem>>, %arg15: memref<264x2048xf32, #tpu.memory_space<vmem>>, %arg16: memref<264x2048xf32, #tpu.memory_space<vmem>>, %arg17: memref<264x2048xf32, #tpu.memory_space<vmem>>, %arg18: memref<264x16xf32, #tpu.memory_space<vmem>>, %arg19: memref<264x16xf32, #tpu.memory_space<vmem>>, %arg20: memref<256x2048xf32, #tpu.memory_space<vmem>>, %arg21: memref<16x2048xf32, #tpu.memory_space<vmem>>) attributes {dimension_semantics = [#tpu.dimension_semantics<arbitrary>, #tpu.dimension_semantics<arbitrary>, #tpu.dimension_semantics<arbitrary>], iteration_bounds = array<i64: 8, 2, 8>, scalar_prefetch = 0 : i64, scratch_operands = 7 : i64, tpu.core_type = #tpu.core_type<tc>, window_params = [{transform_indices = @transform_0, window_bounds = array<i64: 1, 256, 1024>}, {transform_indices = @transform_1, window_bounds = array<i64: 1, 1024, 4096>}, {transform_indices = @transform_2, window_bounds = array<i64: 1, 8, 2048>}, {transform_indices = @transform_3, window_bounds = array<i64: 1, 1, 2048>}, {transform_indices = @transform_4, window_bounds = array<i64: 1, 2048, 384>}, {transform_indices = @transform_5, window_bounds = array<i64: 1, 128, 2048>}, {transform_indices = @transform_6, window_bounds = array<i64: 1, 1, 2048>}, {transform_indices = @transform_7, window_bounds = array<i64: 1, 16, 2048>}, {transform_indices = @transform_8, window_bounds = array<i64: 1, 1, 2048>}, {transform_indices = @transform_9, window_bounds = array<i64: 1, 2048, 1024>}, {transform_indices = @transform_10, window_bounds = array<i64: 1, 8, 256>}, {pipeline_mode = #tpu.pipeline_mode<synchronous>, transform_indices = @transform_11, window_bounds = array<i64: 2, 2048, 1024>}]} {
    %get3A = arith.constant 0 : index
    %get3A_0 = arith.constant 0 : index
    %get3A_1 = arith.constant 0 : index
    %get3A_2 = vector.load %arg3[%get3A, %get3A_0, %get3A_1] : memref<1x256x1024xbf16, #tpu.memory_space<vmem>>, vector<1x256x1024xbf16>
    %get3A_3 = vector.shape_cast %get3A_2 : vector<1x256x1024xbf16> to vector<256x1024xbf16>
    %get3A_4 = arith.constant 0 : index
    %get3A_5 = arith.constant 0 : index
    %get3A_6 = arith.constant 0 : index
    %get3A_7 = vector.load %arg4[%get3A_4, %get3A_5, %get3A_6] : memref<1x1024x4096xbf16, #tpu.memory_space<vmem>>, vector<1x1024x4096xbf16>
    %get3A_8 = vector.shape_cast %get3A_7 : vector<1x1024x4096xbf16> to vector<1024x4096xbf16>
    %dot_general3A = arith.constant dense<0.000000e+00> : vector<256x4096xf32>
    %dot_general3A_9 = tpu.matmul %get3A_3, %get3A_8, %dot_general3A {dimension_numbers = #tpu.dot_dimension_numbers<[1], [0], [0], [1], [0, 0, 1, 1], [], []>, transpose_lhs_hint = false} : vector<256x1024xbf16>, vector<1024x4096xbf16>, vector<256x4096xf32> -> vector<256x4096xf32>
    %slice3A = vector.extract_strided_slice %dot_general3A_9 {offsets = [0, 0], sizes = [256, 2048], strides = [1, 1]} : vector<256x4096xf32> to vector<256x2048xf32>
    %slice3A_10 = vector.extract_strided_slice %dot_general3A_9 {offsets = [0, 2048], sizes = [256, 2048], strides = [1, 1]} : vector<256x4096xf32> to vector<256x2048xf32>
    %eq3A = arith.constant 0 : i32
    %eq3A_11 = arith.cmpi eq, %arg2, %eq3A : i32
    %convert_element_type3A = arith.extui %eq3A_11 : i1 to i32
    %cond3A = arith.constant 0 : i32
    %cond3A_12 = arith.cmpi ne, %convert_element_type3A, %cond3A : i32
    scf.if %cond3A_12 {
      %broadcast_in_dim3A_194 = arith.constant 0.000000e+00 : f32
      %broadcast_in_dim3A_195 = vector.broadcast %broadcast_in_dim3A_194 : f32 to vector<3x2048xf32>
      %swap3A_196 = arith.constant 5 : index
      %swap3A_197 = arith.constant 0 : index
      %swap3A_198 = vector.load %arg15[%swap3A_196, %swap3A_197] : memref<264x2048xf32, #tpu.memory_space<vmem>>, vector<3x2048xf32>
      tpu.vector_store %arg15[%swap3A_196, %swap3A_197], %broadcast_in_dim3A_195 {strides = array<i32>} : memref<264x2048xf32, #tpu.memory_space<vmem>>, vector<3x2048xf32>,
    } else {
    }
    %swap3A = arith.constant 8 : index
    %swap3A_13 = arith.constant 0 : index
    %swap3A_14 = vector.load %arg15[%swap3A, %swap3A_13] : memref<264x2048xf32, #tpu.memory_space<vmem>>, vector<256x2048xf32>
    tpu.vector_store %arg15[%swap3A, %swap3A_13], %slice3A {strides = array<i32>} : memref<264x2048xf32, #tpu.memory_space<vmem>>, vector<256x2048xf32>,
    %get3A_15 = arith.constant 0 : index
    %get3A_16 = arith.constant 0 : index
    %get3A_17 = arith.constant 0 : index
    %get3A_18 = vector.load %arg6[%get3A_15, %get3A_16, %get3A_17] : memref<1x1x2048xf32, #tpu.memory_space<vmem>>, vector<1x1x2048xf32>
    %get3A_19 = vector.shape_cast %get3A_18 : vector<1x1x2048xf32> to vector<1x2048xf32>
    %get3A_20 = arith.constant 5 : index
    %get3A_21 = arith.constant 0 : index
    %get3A_22 = vector.load %arg15[%get3A_20, %get3A_21] : memref<264x2048xf32, #tpu.memory_space<vmem>>, vector<256x2048xf32>
    %get3A_23 = arith.constant 0 : index
    %get3A_24 = arith.constant 0 : index
    %get3A_25 = arith.constant 0 : index
    %get3A_26 = vector.load %arg5[%get3A_23, %get3A_24, %get3A_25] : memref<1x8x2048xf32, #tpu.memory_space<vmem>>, vector<1x1x2048xf32>
    %get3A_27 = vector.shape_cast %get3A_26 : vector<1x1x2048xf32> to vector<1x2048xf32>
    %mul3A = vector.broadcast %get3A_27 : vector<1x2048xf32> to vector<256x2048xf32>
    %mul3A_28 = arith.mulf %get3A_22, %mul3A : vector<256x2048xf32>
    %add3A = vector.broadcast %get3A_19 : vector<1x2048xf32> to vector<256x2048xf32>
    %add3A_29 = arith.addf %add3A, %mul3A_28 : vector<256x2048xf32>
    %get3A_30 = arith.constant 6 : index
    %get3A_31 = arith.constant 0 : index
    %get3A_32 = vector.load %arg15[%get3A_30, %get3A_31] : memref<264x2048xf32, #tpu.memory_space<vmem>>, vector<256x2048xf32>
    %get3A_33 = arith.constant 0 : index
    %get3A_34 = arith.constant 1 : index
    %get3A_35 = arith.constant 0 : index
    %get3A_36 = vector.load %arg5[%get3A_33, %get3A_34, %get3A_35] : memref<1x8x2048xf32, #tpu.memory_space<vmem>>, vector<1x1x2048xf32>
    %get3A_37 = vector.shape_cast %get3A_36 : vector<1x1x2048xf32> to vector<1x2048xf32>
    %mul3A_38 = vector.broadcast %get3A_37 : vector<1x2048xf32> to vector<256x2048xf32>
    %mul3A_39 = arith.mulf %get3A_32, %mul3A_38 : vector<256x2048xf32>
    %add3A_40 = arith.addf %add3A_29, %mul3A_39 : vector<256x2048xf32>
    %get3A_41 = arith.constant 7 : index
    %get3A_42 = arith.constant 0 : index
    %get3A_43 = vector.load %arg15[%get3A_41, %get3A_42] : memref<264x2048xf32, #tpu.memory_space<vmem>>, vector<256x2048xf32>
    %get3A_44 = arith.constant 0 : index
    %get3A_45 = arith.constant 2 : index
    %get3A_46 = arith.constant 0 : index
    %get3A_47 = vector.load %arg5[%get3A_44, %get3A_45, %get3A_46] : memref<1x8x2048xf32, #tpu.memory_space<vmem>>, vector<1x1x2048xf32>
    %get3A_48 = vector.shape_cast %get3A_47 : vector<1x1x2048xf32> to vector<1x2048xf32>
    %mul3A_49 = vector.broadcast %get3A_48 : vector<1x2048xf32> to vector<256x2048xf32>
    %mul3A_50 = arith.mulf %get3A_43, %mul3A_49 : vector<256x2048xf32>
    %add3A_51 = arith.addf %add3A_40, %mul3A_50 : vector<256x2048xf32>
    %get3A_52 = arith.constant 8 : index
    %get3A_53 = arith.constant 0 : index
    %get3A_54 = vector.load %arg15[%get3A_52, %get3A_53] : memref<264x2048xf32, #tpu.memory_space<vmem>>, vector<256x2048xf32>
    %get3A_55 = arith.constant 0 : index
    %get3A_56 = arith.constant 3 : index
    %get3A_57 = arith.constant 0 : index
    %get3A_58 = vector.load %arg5[%get3A_55, %get3A_56, %get3A_57] : memref<1x8x2048xf32, #tpu.memory_space<vmem>>, vector<1x1x2048xf32>
    %get3A_59 = vector.shape_cast %get3A_58 : vector<1x1x2048xf32> to vector<1x2048xf32>
    %mul3A_60 = vector.broadcast %get3A_59 : vector<1x2048xf32> to vector<256x2048xf32>
    %mul3A_61 = arith.mulf %get3A_54, %mul3A_60 : vector<256x2048xf32>
    %add3A_62 = arith.addf %add3A_51, %mul3A_61 : vector<256x2048xf32>
    %slice3A_63 = vector.extract_strided_slice %slice3A {offsets = [253, 0], sizes = [3, 2048], strides = [1, 1]} : vector<256x2048xf32> to vector<3x2048xf32>
    %swap3A_64 = arith.constant 5 : index
    %swap3A_65 = arith.constant 0 : index
    %swap3A_66 = vector.load %arg15[%swap3A_64, %swap3A_65] : memref<264x2048xf32, #tpu.memory_space<vmem>>, vector<3x2048xf32>
    tpu.vector_store %arg15[%swap3A_64, %swap3A_65], %slice3A_63 {strides = array<i32>} : memref<264x2048xf32, #tpu.memory_space<vmem>>, vector<3x2048xf32>,
    %logistic3A = arith.negf %add3A_62 : vector<256x2048xf32>
    %logistic3A_67 = math.exp %logistic3A : vector<256x2048xf32>
    %logistic3A_68 = arith.constant 1.000000e+00 : f32
    %logistic3A_69 = vector.broadcast %logistic3A_68 : f32 to vector<256x2048xf32>
    %logistic3A_70 = arith.addf %logistic3A_69, %logistic3A_67 : vector<256x2048xf32>
    %logistic3A_71 = arith.divf %logistic3A_69, %logistic3A_70 : vector<256x2048xf32>
    %mul3A_72 = arith.mulf %add3A_62, %logistic3A_71 : vector<256x2048xf32>
    %convert_element_type3A_73 = arith.truncf %mul3A_72 : vector<256x2048xf32> to vector<256x2048xbf16>
    %get3A_74 = arith.constant 0 : index
    %get3A_75 = arith.constant 0 : index
    %get3A_76 = arith.constant 0 : index
    %get3A_77 = vector.load %arg7[%get3A_74, %get3A_75, %get3A_76] : memref<1x2048x384xbf16, #tpu.memory_space<vmem>>, vector<1x2048x384xbf16>
    %get3A_78 = vector.shape_cast %get3A_77 : vector<1x2048x384xbf16> to vector<2048x384xbf16>
    %dot_general3A_79 = arith.constant dense<0.000000e+00> : vector<256x384xf32>
    %dot_general3A_80 = tpu.matmul %convert_element_type3A_73, %get3A_78, %dot_general3A_79 {dimension_numbers = #tpu.dot_dimension_numbers<[1], [0], [0], [1], [0, 0, 1, 1], [], []>, transpose_lhs_hint = false} : vector<256x2048xbf16>, vector<2048x384xbf16>, vector<256x384xf32> -> vector<256x384xf32>
    %slice3A_81 = vector.extract_strided_slice %dot_general3A_80 {offsets = [0, 0], sizes = [256, 128], strides = [1, 1]} : vector<256x384xf32> to vector<256x128xf32>
    %convert_element_type3A_82 = arith.truncf %slice3A_81 : vector<256x128xf32> to vector<256x128xbf16>
    %get3A_83 = arith.constant 0 : index
    %get3A_84 = arith.constant 0 : index
    %get3A_85 = arith.constant 0 : index
    %get3A_86 = vector.load %arg8[%get3A_83, %get3A_84, %get3A_85] : memref<1x128x2048xbf16, #tpu.memory_space<vmem>>, vector<1x128x2048xbf16>
    %get3A_87 = vector.shape_cast %get3A_86 : vector<1x128x2048xbf16> to vector<128x2048xbf16>
    %dot_general3A_88 = arith.constant dense<0.000000e+00> : vector<256x2048xf32>
    %dot_general3A_89 = tpu.matmul %convert_element_type3A_82, %get3A_87, %dot_general3A_88 {dimension_numbers = #tpu.dot_dimension_numbers<[1], [0], [0], [1], [0, 0, 1, 1], [], []>, transpose_lhs_hint = false} : vector<256x128xbf16>, vector<128x2048xbf16>, vector<256x2048xf32> -> vector<256x2048xf32>
    %get3A_90 = arith.constant 0 : index
    %get3A_91 = arith.constant 0 : index
    %get3A_92 = arith.constant 0 : index
    %get3A_93 = vector.load %arg9[%get3A_90, %get3A_91, %get3A_92] : memref<1x1x2048xf32, #tpu.memory_space<vmem>>, vector<1x1x2048xf32>
    %get3A_94 = vector.shape_cast %get3A_93 : vector<1x1x2048xf32> to vector<1x2048xf32>
    %add3A_95 = vector.broadcast %get3A_94 : vector<1x2048xf32> to vector<256x2048xf32>
    %add3A_96 = arith.addf %dot_general3A_89, %add3A_95 : vector<256x2048xf32>
    %gt3A = arith.constant 2.000000e+01 : f32
    %gt3A_97 = vector.broadcast %gt3A : f32 to vector<256x2048xf32>
    %gt3A_98 = arith.cmpf ogt, %add3A_96, %gt3A_97 : vector<256x2048xf32>
    %min3A = arith.constant 2.000000e+01 : f32
    %min3A_99 = vector.broadcast %min3A : f32 to vector<256x2048xf32>
    %min3A_100 = arith.minimumf %add3A_96, %min3A_99 : vector<256x2048xf32>
    %exp3A = math.exp %min3A_100 : vector<256x2048xf32>
    %log1p3A = math.log1p %exp3A : vector<256x2048xf32>
    %select_n3A = arith.select %gt3A_98, %add3A_96, %log1p3A : vector<256x2048xi1>, vector<256x2048xf32>
    %swap3A_101 = arith.constant 0 : index
    %swap3A_102 = arith.constant 0 : index
    %swap3A_103 = vector.load %arg16[%swap3A_101, %swap3A_102] : memref<264x2048xf32, #tpu.memory_space<vmem>>, vector<256x2048xf32>
    tpu.vector_store %arg16[%swap3A_101, %swap3A_102], %select_n3A {strides = array<i32>} : memref<264x2048xf32, #tpu.memory_space<vmem>>, vector<256x2048xf32>,
    %mul3A_104 = arith.mulf %select_n3A, %mul3A_72 : vector<256x2048xf32>
    %swap3A_105 = arith.constant 0 : index
    %swap3A_106 = arith.constant 0 : index
    %swap3A_107 = vector.load %arg17[%swap3A_105, %swap3A_106] : memref<264x2048xf32, #tpu.memory_space<vmem>>, vector<256x2048xf32>
    tpu.vector_store %arg17[%swap3A_105, %swap3A_106], %mul3A_104 {strides = array<i32>} : memref<264x2048xf32, #tpu.memory_space<vmem>>, vector<256x2048xf32>,
    %broadcast_in_dim3A = arith.constant 0.000000e+00 : f32
    %broadcast_in_dim3A_108 = vector.broadcast %broadcast_in_dim3A : f32 to vector<8x2048xf32>
    %swap3A_109 = arith.constant 256 : index
    %swap3A_110 = arith.constant 0 : index
    %swap3A_111 = vector.load %arg16[%swap3A_109, %swap3A_110] : memref<264x2048xf32, #tpu.memory_space<vmem>>, vector<8x2048xf32>
    tpu.vector_store %arg16[%swap3A_109, %swap3A_110], %broadcast_in_dim3A_108 {strides = array<i32>} : memref<264x2048xf32, #tpu.memory_space<vmem>>, vector<8x2048xf32>,
    %broadcast_in_dim3A_112 = arith.constant 0.000000e+00 : f32
    %broadcast_in_dim3A_113 = vector.broadcast %broadcast_in_dim3A_112 : f32 to vector<8x2048xf32>
    %swap3A_114 = arith.constant 256 : index
    %swap3A_115 = arith.constant 0 : index
    %swap3A_116 = vector.load %arg17[%swap3A_114, %swap3A_115] : memref<264x2048xf32, #tpu.memory_space<vmem>>, vector<8x2048xf32>
    tpu.vector_store %arg17[%swap3A_114, %swap3A_115], %broadcast_in_dim3A_113 {strides = array<i32>} : memref<264x2048xf32, #tpu.memory_space<vmem>>, vector<8x2048xf32>,
    %slice3A_117 = vector.extract_strided_slice %dot_general3A_80 {offsets = [0, 128], sizes = [256, 16], strides = [1, 1]} : vector<256x384xf32> to vector<256x16xf32>
    %swap3A_118 = arith.constant 0 : index
    %swap3A_119 = arith.constant 0 : index
    %swap3A_120 = vector.load %arg18[%swap3A_118, %swap3A_119] : memref<264x16xf32, #tpu.memory_space<vmem>>, vector<256x16xf32>
    tpu.vector_store %arg18[%swap3A_118, %swap3A_119], %slice3A_117 {strides = array<i32>} : memref<264x16xf32, #tpu.memory_space<vmem>>, vector<256x16xf32>,
    %slice3A_121 = vector.extract_strided_slice %dot_general3A_80 {offsets = [0, 256], sizes = [256, 16], strides = [1, 1]} : vector<256x384xf32> to vector<256x16xf32>
    %swap3A_122 = arith.constant 0 : index
    %swap3A_123 = arith.constant 0 : index
    %swap3A_124 = vector.load %arg19[%swap3A_122, %swap3A_123] : memref<264x16xf32, #tpu.memory_space<vmem>>, vector<256x16xf32>
    tpu.vector_store %arg19[%swap3A_122, %swap3A_123], %slice3A_121 {strides = array<i32>} : memref<264x16xf32, #tpu.memory_space<vmem>>, vector<256x16xf32>,
    %eq3A_125 = arith.constant 0 : i32
    %eq3A_126 = arith.cmpi eq, %arg2, %eq3A_125 : i32
    %convert_element_type3A_127 = arith.extui %eq3A_126 : i1 to i32
    %cond3A_128 = arith.constant 0 : i32
    %cond3A_129 = arith.cmpi ne, %convert_element_type3A_127, %cond3A_128 : i32
    scf.if %cond3A_129 {
      %broadcast_in_dim3A_194 = arith.constant 0.000000e+00 : f32
      %broadcast_in_dim3A_195 = vector.broadcast %broadcast_in_dim3A_194 : f32 to vector<16x2048xf32>
      %swap3A_196 = arith.constant 0 : index
      %swap3A_197 = arith.constant 0 : index
      %swap3A_198 = vector.load %arg21[%swap3A_196, %swap3A_197] : memref<16x2048xf32, #tpu.memory_space<vmem>>, vector<16x2048xf32>
      tpu.vector_store %arg21[%swap3A_196, %swap3A_197], %broadcast_in_dim3A_195 {strides = array<i32>} : memref<16x2048xf32, #tpu.memory_space<vmem>>, vector<16x2048xf32>,
    } else {
    }
    %iota3A = tpu.iota {dimensions = array<i32: 0>} : vector<16x16xi32>
    %iota3A_130 = tpu.iota {dimensions = array<i32: 1>} : vector<16x16xi32>
    %eq3A_131 = arith.cmpi eq, %iota3A, %iota3A_130 : vector<16x16xi32>
    %get3A_132 = arith.constant 0 : index
    %get3A_133 = arith.constant 0 : index
    %get3A_134 = arith.constant 0 : index
    %get3A_135 = vector.load %arg10[%get3A_132, %get3A_133, %get3A_134] : memref<1x16x2048xf32, #tpu.memory_space<vmem>>, vector<1x16x2048xf32>
    %get3A_136 = vector.shape_cast %get3A_135 : vector<1x16x2048xf32> to vector<16x2048xf32>
    %get3A_137 = arith.constant 0 : index
    %get3A_138 = arith.constant 0 : index
    %get3A_139 = vector.load %arg21[%get3A_137, %get3A_138] : memref<16x2048xf32, #tpu.memory_space<vmem>>, vector<16x2048xf32>
    %scan3A = arith.constant 0 : i32
    %scan3A_140 = arith.constant 64 : i32
    %scan3A_141 = arith.addi %scan3A, %scan3A_140 : i32
    %scan3A_142 = arith.constant 1 : i32
    %scan3A_143 = scf.for %scan3A_194 = %scan3A to %scan3A_141 step %scan3A_142 iter_args(%scan3A_195 = %get3A_139) -> (vector<16x2048xf32>)  : i32 {
      %mul3A_196 = arith.constant 4 : i32
      %mul3A_197 = arith.muli %mul3A_196, %scan3A_194 : i32
      %add3A_198 = arith.constant 0 : i32
      %add3A_199 = arith.addi %mul3A_197, %add3A_198 : i32
      %get3A_200 = arith.index_cast %add3A_199 : i32 to index
      %get3A_201 = arith.constant 0 : index
      %get3A_202 = vector.load %arg16[%get3A_200, %get3A_201] : memref<264x2048xf32, #tpu.memory_space<vmem>>, vector<1x2048xf32>
      %mul3A_203 = vector.broadcast %get3A_202 : vector<1x2048xf32> to vector<16x2048xf32>
      %mul3A_204 = arith.mulf %get3A_136, %mul3A_203 : vector<16x2048xf32>
      %exp23A = math.exp2 %mul3A_204 : vector<16x2048xf32>
      %get3A_205 = arith.index_cast %add3A_199 : i32 to index
      %get3A_206 = arith.constant 0 : index
      %get3A_207 = vector.load %arg17[%get3A_205, %get3A_206] : memref<264x2048xf32, #tpu.memory_space<vmem>>, vector<1x2048xf32>
      %get3A_208 = arith.index_cast %add3A_199 : i32 to index
      %get3A_209 = arith.constant 0 : index
      %get3A_210 = vector.load %arg18[%get3A_208, %get3A_209] : memref<264x16xf32, #tpu.memory_space<vmem>>, vector<1x16xf32>
      %broadcast_in_dim3A_211 = vector.shape_cast %get3A_210 : vector<1x16xf32> to vector<1x16xf32>
      %broadcast_in_dim3A_212 = vector.broadcast %broadcast_in_dim3A_211 : vector<1x16xf32> to vector<16x16xf32>
      %jit3A = arith.constant 0.000000e+00 : f32
      %broadcast_in_dim3A_213 = vector.broadcast %jit3A : f32 to vector<16x16xf32>
      %select_n3A_214 = arith.select %eq3A_131, %broadcast_in_dim3A_212, %broadcast_in_dim3A_213 : vector<16x16xi1>, vector<16x16xf32>
      %reduce_sum3A = arith.constant dense<0.000000e+00> : vector<16xf32>
      %reduce_sum3A_215 = vector.multi_reduction <add>, %select_n3A_214, %reduce_sum3A [1] : vector<16x16xf32> to vector<16xf32>
      %broadcast_in_dim3A_216 = vector.shape_cast %reduce_sum3A_215 : vector<16xf32> to vector<16x1xf32>
      %get3A_217 = arith.index_cast %add3A_199 : i32 to index
      %get3A_218 = arith.constant 0 : index
      %get3A_219 = vector.load %arg19[%get3A_217, %get3A_218] : memref<264x16xf32, #tpu.memory_space<vmem>>, vector<1x16xf32>
      %broadcast_in_dim3A_220 = vector.shape_cast %get3A_219 : vector<1x16xf32> to vector<1x16xf32>
      %broadcast_in_dim3A_221 = vector.broadcast %broadcast_in_dim3A_220 : vector<1x16xf32> to vector<16x16xf32>
      %jit3A_222 = arith.constant 0.000000e+00 : f32
      %broadcast_in_dim3A_223 = vector.broadcast %jit3A_222 : f32 to vector<16x16xf32>
      %select_n3A_224 = arith.select %eq3A_131, %broadcast_in_dim3A_221, %broadcast_in_dim3A_223 : vector<16x16xi1>, vector<16x16xf32>
      %reduce_sum3A_225 = arith.constant dense<0.000000e+00> : vector<16xf32>
      %reduce_sum3A_226 = vector.multi_reduction <add>, %select_n3A_224, %reduce_sum3A_225 [1] : vector<16x16xf32> to vector<16xf32>
      %broadcast_in_dim3A_227 = vector.shape_cast %reduce_sum3A_226 : vector<16xf32> to vector<16x1xf32>
      %mul3A_228 = arith.mulf %exp23A, %scan3A_195 : vector<16x2048xf32>
      %mul3A_229 = vector.broadcast %get3A_207 : vector<1x2048xf32> to vector<16x2048xf32>
      %mul3A_230 = vector.broadcast %broadcast_in_dim3A_216 : vector<16x1xf32> to vector<16x2048xf32>
      %mul3A_231 = arith.mulf %mul3A_229, %mul3A_230 : vector<16x2048xf32>
      %add3A_232 = arith.addf %mul3A_228, %mul3A_231 : vector<16x2048xf32>
      %mul3A_233 = vector.broadcast %broadcast_in_dim3A_227 : vector<16x1xf32> to vector<16x2048xf32>
      %mul3A_234 = arith.mulf %add3A_232, %mul3A_233 : vector<16x2048xf32>
      %reduce_sum3A_235 = arith.constant dense<0.000000e+00> : vector<2048xf32>
      %reduce_sum3A_236 = vector.multi_reduction <add>, %mul3A_234, %reduce_sum3A_235 [0] : vector<16x2048xf32> to vector<2048xf32>
      %broadcast_in_dim3A_237 = vector.shape_cast %reduce_sum3A_236 : vector<2048xf32> to vector<1x2048xf32>
      %swap3A_238 = arith.index_cast %add3A_199 : i32 to index
      %swap3A_239 = arith.constant 0 : index
      %swap3A_240 = vector.load %arg20[%swap3A_238, %swap3A_239] : memref<256x2048xf32, #tpu.memory_space<vmem>>, vector<1x2048xf32>
      tpu.vector_store %arg20[%swap3A_238, %swap3A_239], %broadcast_in_dim3A_237 {strides = array<i32>} : memref<256x2048xf32, #tpu.memory_space<vmem>>, vector<1x2048xf32>,
      %mul3A_241 = arith.constant 4 : i32
      %mul3A_242 = arith.muli %mul3A_241, %scan3A_194 : i32
      %add3A_243 = arith.constant 1 : i32
      %add3A_244 = arith.addi %mul3A_242, %add3A_243 : i32
      %get3A_245 = arith.index_cast %add3A_244 : i32 to index
      %get3A_246 = arith.constant 0 : index
      %get3A_247 = vector.load %arg16[%get3A_245, %get3A_246] : memref<264x2048xf32, #tpu.memory_space<vmem>>, vector<1x2048xf32>
      %mul3A_248 = vector.broadcast %get3A_247 : vector<1x2048xf32> to vector<16x2048xf32>
      %mul3A_249 = arith.mulf %get3A_136, %mul3A_248 : vector<16x2048xf32>
      %exp23A_250 = math.exp2 %mul3A_249 : vector<16x2048xf32>
      %get3A_251 = arith.index_cast %add3A_244 : i32 to index
      %get3A_252 = arith.constant 0 : index
      %get3A_253 = vector.load %arg17[%get3A_251, %get3A_252] : memref<264x2048xf32, #tpu.memory_space<vmem>>, vector<1x2048xf32>
      %get3A_254 = arith.index_cast %add3A_244 : i32 to index
      %get3A_255 = arith.constant 0 : index
      %get3A_256 = vector.load %arg18[%get3A_254, %get3A_255] : memref<264x16xf32, #tpu.memory_space<vmem>>, vector<1x16xf32>
      %broadcast_in_dim3A_257 = vector.shape_cast %get3A_256 : vector<1x16xf32> to vector<1x16xf32>
      %broadcast_in_dim3A_258 = vector.broadcast %broadcast_in_dim3A_257 : vector<1x16xf32> to vector<16x16xf32>
      %jit3A_259 = arith.constant 0.000000e+00 : f32
      %broadcast_in_dim3A_260 = vector.broadcast %jit3A_259 : f32 to vector<16x16xf32>
      %select_n3A_261 = arith.select %eq3A_131, %broadcast_in_dim3A_258, %broadcast_in_dim3A_260 : vector<16x16xi1>, vector<16x16xf32>
      %reduce_sum3A_262 = arith.constant dense<0.000000e+00> : vector<16xf32>
      %reduce_sum3A_263 = vector.multi_reduction <add>, %select_n3A_261, %reduce_sum3A_262 [1] : vector<16x16xf32> to vector<16xf32>
      %broadcast_in_dim3A_264 = vector.shape_cast %reduce_sum3A_263 : vector<16xf32> to vector<16x1xf32>
      %get3A_265 = arith.index_cast %add3A_244 : i32 to index
      %get3A_266 = arith.constant 0 : index
      %get3A_267 = vector.load %arg19[%get3A_265, %get3A_266] : memref<264x16xf32, #tpu.memory_space<vmem>>, vector<1x16xf32>
      %broadcast_in_dim3A_268 = vector.shape_cast %get3A_267 : vector<1x16xf32> to vector<1x16xf32>
      %broadcast_in_dim3A_269 = vector.broadcast %broadcast_in_dim3A_268 : vector<1x16xf32> to vector<16x16xf32>
      %jit3A_270 = arith.constant 0.000000e+00 : f32
      %broadcast_in_dim3A_271 = vector.broadcast %jit3A_270 : f32 to vector<16x16xf32>
      %select_n3A_272 = arith.select %eq3A_131, %broadcast_in_dim3A_269, %broadcast_in_dim3A_271 : vector<16x16xi1>, vector<16x16xf32>
      %reduce_sum3A_273 = arith.constant dense<0.000000e+00> : vector<16xf32>
      %reduce_sum3A_274 = vector.multi_reduction <add>, %select_n3A_272, %reduce_sum3A_273 [1] : vector<16x16xf32> to vector<16xf32>
      %broadcast_in_dim3A_275 = vector.shape_cast %reduce_sum3A_274 : vector<16xf32> to vector<16x1xf32>
      %mul3A_276 = arith.mulf %exp23A_250, %add3A_232 : vector<16x2048xf32>
      %mul3A_277 = vector.broadcast %get3A_253 : vector<1x2048xf32> to vector<16x2048xf32>
      %mul3A_278 = vector.broadcast %broadcast_in_dim3A_264 : vector<16x1xf32> to vector<16x2048xf32>
      %mul3A_279 = arith.mulf %mul3A_277, %mul3A_278 : vector<16x2048xf32>
      %add3A_280 = arith.addf %mul3A_276, %mul3A_279 : vector<16x2048xf32>
      %mul3A_281 = vector.broadcast %broadcast_in_dim3A_275 : vector<16x1xf32> to vector<16x2048xf32>
      %mul3A_282 = arith.mulf %add3A_280, %mul3A_281 : vector<16x2048xf32>
      %reduce_sum3A_283 = arith.constant dense<0.000000e+00> : vector<2048xf32>
      %reduce_sum3A_284 = vector.multi_reduction <add>, %mul3A_282, %reduce_sum3A_283 [0] : vector<16x2048xf32> to vector<2048xf32>
      %broadcast_in_dim3A_285 = vector.shape_cast %reduce_sum3A_284 : vector<2048xf32> to vector<1x2048xf32>
      %swap3A_286 = arith.index_cast %add3A_244 : i32 to index
      %swap3A_287 = arith.constant 0 : index
      %swap3A_288 = vector.load %arg20[%swap3A_286, %swap3A_287] : memref<256x2048xf32, #tpu.memory_space<vmem>>, vector<1x2048xf32>
      tpu.vector_store %arg20[%swap3A_286, %swap3A_287], %broadcast_in_dim3A_285 {strides = array<i32>} : memref<256x2048xf32, #tpu.memory_space<vmem>>, vector<1x2048xf32>,
      %mul3A_289 = arith.constant 4 : i32
      %mul3A_290 = arith.muli %mul3A_289, %scan3A_194 : i32
      %add3A_291 = arith.constant 2 : i32
      %add3A_292 = arith.addi %mul3A_290, %add3A_291 : i32
      %get3A_293 = arith.index_cast %add3A_292 : i32 to index
      %get3A_294 = arith.constant 0 : index
      %get3A_295 = vector.load %arg16[%get3A_293, %get3A_294] : memref<264x2048xf32, #tpu.memory_space<vmem>>, vector<1x2048xf32>
      %mul3A_296 = vector.broadcast %get3A_295 : vector<1x2048xf32> to vector<16x2048xf32>
      %mul3A_297 = arith.mulf %get3A_136, %mul3A_296 : vector<16x2048xf32>
      %exp23A_298 = math.exp2 %mul3A_297 : vector<16x2048xf32>
      %get3A_299 = arith.index_cast %add3A_292 : i32 to index
      %get3A_300 = arith.constant 0 : index
      %get3A_301 = vector.load %arg17[%get3A_299, %get3A_300] : memref<264x2048xf32, #tpu.memory_space<vmem>>, vector<1x2048xf32>
      %get3A_302 = arith.index_cast %add3A_292 : i32 to index
      %get3A_303 = arith.constant 0 : index
      %get3A_304 = vector.load %arg18[%get3A_302, %get3A_303] : memref<264x16xf32, #tpu.memory_space<vmem>>, vector<1x16xf32>
      %broadcast_in_dim3A_305 = vector.shape_cast %get3A_304 : vector<1x16xf32> to vector<1x16xf32>
      %broadcast_in_dim3A_306 = vector.broadcast %broadcast_in_dim3A_305 : vector<1x16xf32> to vector<16x16xf32>
      %jit3A_307 = arith.constant 0.000000e+00 : f32
      %broadcast_in_dim3A_308 = vector.broadcast %jit3A_307 : f32 to vector<16x16xf32>
      %select_n3A_309 = arith.select %eq3A_131, %broadcast_in_dim3A_306, %broadcast_in_dim3A_308 : vector<16x16xi1>, vector<16x16xf32>
      %reduce_sum3A_310 = arith.constant dense<0.000000e+00> : vector<16xf32>
      %reduce_sum3A_311 = vector.multi_reduction <add>, %select_n3A_309, %reduce_sum3A_310 [1] : vector<16x16xf32> to vector<16xf32>
      %broadcast_in_dim3A_312 = vector.shape_cast %reduce_sum3A_311 : vector<16xf32> to vector<16x1xf32>
      %get3A_313 = arith.index_cast %add3A_292 : i32 to index
      %get3A_314 = arith.constant 0 : index
      %get3A_315 = vector.load %arg19[%get3A_313, %get3A_314] : memref<264x16xf32, #tpu.memory_space<vmem>>, vector<1x16xf32>
      %broadcast_in_dim3A_316 = vector.shape_cast %get3A_315 : vector<1x16xf32> to vector<1x16xf32>
      %broadcast_in_dim3A_317 = vector.broadcast %broadcast_in_dim3A_316 : vector<1x16xf32> to vector<16x16xf32>
      %jit3A_318 = arith.constant 0.000000e+00 : f32
      %broadcast_in_dim3A_319 = vector.broadcast %jit3A_318 : f32 to vector<16x16xf32>
      %select_n3A_320 = arith.select %eq3A_131, %broadcast_in_dim3A_317, %broadcast_in_dim3A_319 : vector<16x16xi1>, vector<16x16xf32>
      %reduce_sum3A_321 = arith.constant dense<0.000000e+00> : vector<16xf32>
      %reduce_sum3A_322 = vector.multi_reduction <add>, %select_n3A_320, %reduce_sum3A_321 [1] : vector<16x16xf32> to vector<16xf32>
      %broadcast_in_dim3A_323 = vector.shape_cast %reduce_sum3A_322 : vector<16xf32> to vector<16x1xf32>
      %mul3A_324 = arith.mulf %exp23A_298, %add3A_280 : vector<16x2048xf32>
      %mul3A_325 = vector.broadcast %get3A_301 : vector<1x2048xf32> to vector<16x2048xf32>
      %mul3A_326 = vector.broadcast %broadcast_in_dim3A_312 : vector<16x1xf32> to vector<16x2048xf32>
      %mul3A_327 = arith.mulf %mul3A_325, %mul3A_326 : vector<16x2048xf32>
      %add3A_328 = arith.addf %mul3A_324, %mul3A_327 : vector<16x2048xf32>
      %mul3A_329 = vector.broadcast %broadcast_in_dim3A_323 : vector<16x1xf32> to vector<16x2048xf32>
      %mul3A_330 = arith.mulf %add3A_328, %mul3A_329 : vector<16x2048xf32>
      %reduce_sum3A_331 = arith.constant dense<0.000000e+00> : vector<2048xf32>
      %reduce_sum3A_332 = vector.multi_reduction <add>, %mul3A_330, %reduce_sum3A_331 [0] : vector<16x2048xf32> to vector<2048xf32>
      %broadcast_in_dim3A_333 = vector.shape_cast %reduce_sum3A_332 : vector<2048xf32> to vector<1x2048xf32>
      %swap3A_334 = arith.index_cast %add3A_292 : i32 to index
      %swap3A_335 = arith.constant 0 : index
      %swap3A_336 = vector.load %arg20[%swap3A_334, %swap3A_335] : memref<256x2048xf32, #tpu.memory_space<vmem>>, vector<1x2048xf32>
      tpu.vector_store %arg20[%swap3A_334, %swap3A_335], %broadcast_in_dim3A_333 {strides = array<i32>} : memref<256x2048xf32, #tpu.memory_space<vmem>>, vector<1x2048xf32>,
      %mul3A_337 = arith.constant 4 : i32
      %mul3A_338 = arith.muli %mul3A_337, %scan3A_194 : i32
      %add3A_339 = arith.constant 3 : i32
      %add3A_340 = arith.addi %mul3A_338, %add3A_339 : i32
      %get3A_341 = arith.index_cast %add3A_340 : i32 to index
      %get3A_342 = arith.constant 0 : index
      %get3A_343 = vector.load %arg16[%get3A_341, %get3A_342] : memref<264x2048xf32, #tpu.memory_space<vmem>>, vector<1x2048xf32>
      %mul3A_344 = vector.broadcast %get3A_343 : vector<1x2048xf32> to vector<16x2048xf32>
      %mul3A_345 = arith.mulf %get3A_136, %mul3A_344 : vector<16x2048xf32>
      %exp23A_346 = math.exp2 %mul3A_345 : vector<16x2048xf32>
      %get3A_347 = arith.index_cast %add3A_340 : i32 to index
      %get3A_348 = arith.constant 0 : index
      %get3A_349 = vector.load %arg17[%get3A_347, %get3A_348] : memref<264x2048xf32, #tpu.memory_space<vmem>>, vector<1x2048xf32>
      %get3A_350 = arith.index_cast %add3A_340 : i32 to index
      %get3A_351 = arith.constant 0 : index
      %get3A_352 = vector.load %arg18[%get3A_350, %get3A_351] : memref<264x16xf32, #tpu.memory_space<vmem>>, vector<1x16xf32>
      %broadcast_in_dim3A_353 = vector.shape_cast %get3A_352 : vector<1x16xf32> to vector<1x16xf32>
      %broadcast_in_dim3A_354 = vector.broadcast %broadcast_in_dim3A_353 : vector<1x16xf32> to vector<16x16xf32>
      %jit3A_355 = arith.constant 0.000000e+00 : f32
      %broadcast_in_dim3A_356 = vector.broadcast %jit3A_355 : f32 to vector<16x16xf32>
      %select_n3A_357 = arith.select %eq3A_131, %broadcast_in_dim3A_354, %broadcast_in_dim3A_356 : vector<16x16xi1>, vector<16x16xf32>
      %reduce_sum3A_358 = arith.constant dense<0.000000e+00> : vector<16xf32>
      %reduce_sum3A_359 = vector.multi_reduction <add>, %select_n3A_357, %reduce_sum3A_358 [1] : vector<16x16xf32> to vector<16xf32>
      %broadcast_in_dim3A_360 = vector.shape_cast %reduce_sum3A_359 : vector<16xf32> to vector<16x1xf32>
      %get3A_361 = arith.index_cast %add3A_340 : i32 to index
      %get3A_362 = arith.constant 0 : index
      %get3A_363 = vector.load %arg19[%get3A_361, %get3A_362] : memref<264x16xf32, #tpu.memory_space<vmem>>, vector<1x16xf32>
      %broadcast_in_dim3A_364 = vector.shape_cast %get3A_363 : vector<1x16xf32> to vector<1x16xf32>
      %broadcast_in_dim3A_365 = vector.broadcast %broadcast_in_dim3A_364 : vector<1x16xf32> to vector<16x16xf32>
      %jit3A_366 = arith.constant 0.000000e+00 : f32
      %broadcast_in_dim3A_367 = vector.broadcast %jit3A_366 : f32 to vector<16x16xf32>
      %select_n3A_368 = arith.select %eq3A_131, %broadcast_in_dim3A_365, %broadcast_in_dim3A_367 : vector<16x16xi1>, vector<16x16xf32>
      %reduce_sum3A_369 = arith.constant dense<0.000000e+00> : vector<16xf32>
      %reduce_sum3A_370 = vector.multi_reduction <add>, %select_n3A_368, %reduce_sum3A_369 [1] : vector<16x16xf32> to vector<16xf32>
      %broadcast_in_dim3A_371 = vector.shape_cast %reduce_sum3A_370 : vector<16xf32> to vector<16x1xf32>
      %mul3A_372 = arith.mulf %exp23A_346, %add3A_328 : vector<16x2048xf32>
      %mul3A_373 = vector.broadcast %get3A_349 : vector<1x2048xf32> to vector<16x2048xf32>
      %mul3A_374 = vector.broadcast %broadcast_in_dim3A_360 : vector<16x1xf32> to vector<16x2048xf32>
      %mul3A_375 = arith.mulf %mul3A_373, %mul3A_374 : vector<16x2048xf32>
      %add3A_376 = arith.addf %mul3A_372, %mul3A_375 : vector<16x2048xf32>
      %mul3A_377 = vector.broadcast %broadcast_in_dim3A_371 : vector<16x1xf32> to vector<16x2048xf32>
      %mul3A_378 = arith.mulf %add3A_376, %mul3A_377 : vector<16x2048xf32>
      %reduce_sum3A_379 = arith.constant dense<0.000000e+00> : vector<2048xf32>
      %reduce_sum3A_380 = vector.multi_reduction <add>, %mul3A_378, %reduce_sum3A_379 [0] : vector<16x2048xf32> to vector<2048xf32>
      %broadcast_in_dim3A_381 = vector.shape_cast %reduce_sum3A_380 : vector<2048xf32> to vector<1x2048xf32>
      %swap3A_382 = arith.index_cast %add3A_340 : i32 to index
      %swap3A_383 = arith.constant 0 : index
      %swap3A_384 = vector.load %arg20[%swap3A_382, %swap3A_383] : memref<256x2048xf32, #tpu.memory_space<vmem>>, vector<1x2048xf32>
      tpu.vector_store %arg20[%swap3A_382, %swap3A_383], %broadcast_in_dim3A_381 {strides = array<i32>} : memref<256x2048xf32, #tpu.memory_space<vmem>>, vector<1x2048xf32>,
      scf.yield %add3A_376 : vector<16x2048xf32>
    }
    %scan3A_144 = arith.constant 64 : i32
    %swap3A_145 = arith.constant 0 : index
    %swap3A_146 = arith.constant 0 : index
    %swap3A_147 = vector.load %arg21[%swap3A_145, %swap3A_146] : memref<16x2048xf32, #tpu.memory_space<vmem>>, vector<16x2048xf32>
    tpu.vector_store %arg21[%swap3A_145, %swap3A_146], %scan3A_143 {strides = array<i32>} : memref<16x2048xf32, #tpu.memory_space<vmem>>, vector<16x2048xf32>,
    %get3A_148 = arith.constant 0 : index
    %get3A_149 = arith.constant 0 : index
    %get3A_150 = vector.load %arg20[%get3A_148, %get3A_149] : memref<256x2048xf32, #tpu.memory_space<vmem>>, vector<256x2048xf32>
    %get3A_151 = arith.constant 0 : index
    %get3A_152 = arith.constant 0 : index
    %get3A_153 = arith.constant 0 : index
    %get3A_154 = vector.load %arg11[%get3A_151, %get3A_152, %get3A_153] : memref<1x1x2048xf32, #tpu.memory_space<vmem>>, vector<1x1x2048xf32>
    %get3A_155 = vector.shape_cast %get3A_154 : vector<1x1x2048xf32> to vector<1x2048xf32>
    %mul3A_156 = vector.broadcast %get3A_155 : vector<1x2048xf32> to vector<256x2048xf32>
    %mul3A_157 = arith.mulf %mul3A_72, %mul3A_156 : vector<256x2048xf32>
    %add3A_158 = arith.addf %get3A_150, %mul3A_157 : vector<256x2048xf32>
    %logistic3A_159 = arith.negf %slice3A_10 : vector<256x2048xf32>
    %logistic3A_160 = math.exp %logistic3A_159 : vector<256x2048xf32>
    %logistic3A_161 = arith.constant 1.000000e+00 : f32
    %logistic3A_162 = vector.broadcast %logistic3A_161 : f32 to vector<256x2048xf32>
    %logistic3A_163 = arith.addf %logistic3A_162, %logistic3A_160 : vector<256x2048xf32>
    %logistic3A_164 = arith.divf %logistic3A_162, %logistic3A_163 : vector<256x2048xf32>
    %mul3A_165 = arith.mulf %slice3A_10, %logistic3A_164 : vector<256x2048xf32>
    %mul3A_166 = arith.mulf %add3A_158, %mul3A_165 : vector<256x2048xf32>
    %get3A_167 = arith.constant 0 : index
    %get3A_168 = arith.index_cast %arg0 : i32 to index
    %get3A_169 = arith.constant 0 : index
    %get3A_170 = vector.load %arg13[%get3A_167, %get3A_168, %get3A_169] : memref<1x8x256xf32, #tpu.memory_space<vmem>>, vector<1x1x256xf32>
    %get3A_171 = vector.shape_cast %get3A_170 : vector<1x1x256xf32> to vector<1x256xf32>
    %transpose3A = tpu.transpose %get3A_171, [1, 0] : vector<1x256xf32> -> vector<256x1xf32>
    %mul3A_172 = vector.broadcast %transpose3A : vector<256x1xf32> to vector<256x2048xf32>
    %mul3A_173 = arith.mulf %mul3A_166, %mul3A_172 : vector<256x2048xf32>
    %convert_element_type3A_174 = arith.truncf %mul3A_173 : vector<256x2048xf32> to vector<256x2048xbf16>
    %get3A_175 = arith.constant 0 : index
    %get3A_176 = arith.constant 0 : index
    %get3A_177 = arith.constant 0 : index
    %get3A_178 = vector.load %arg12[%get3A_175, %get3A_176, %get3A_177] : memref<1x2048x1024xbf16, #tpu.memory_space<vmem>>, vector<1x2048x1024xbf16>
    %get3A_179 = vector.shape_cast %get3A_178 : vector<1x2048x1024xbf16> to vector<2048x1024xbf16>
    %dot_general3A_180 = arith.constant dense<0.000000e+00> : vector<256x1024xf32>
    %dot_general3A_181 = tpu.matmul %convert_element_type3A_174, %get3A_179, %dot_general3A_180 {dimension_numbers = #tpu.dot_dimension_numbers<[1], [0], [0], [1], [0, 0, 1, 1], [], []>, transpose_lhs_hint = false} : vector<256x2048xbf16>, vector<2048x1024xbf16>, vector<256x1024xf32> -> vector<256x1024xf32>
    %mul3A_182 = arith.constant 256 : i32
    %mul3A_183 = arith.muli %arg2, %mul3A_182 : i32
    %eq3A_184 = arith.constant 0 : i32
    %eq3A_185 = arith.cmpi eq, %arg0, %eq3A_184 : i32
    %convert_element_type3A_186 = arith.extui %eq3A_185 : i1 to i32
    %cond3A_187 = arith.constant 0 : i32
    %cond3A_188 = arith.cmpi ne, %convert_element_type3A_186, %cond3A_187 : i32
    scf.if %cond3A_188 {
      %broadcast_in_dim3A_194 = vector.shape_cast %dot_general3A_181 : vector<256x1024xf32> to vector<1x256x1024xf32>
      %swap3A_195 = arith.index_cast %arg1 : i32 to index
      %swap3A_196 = arith.index_cast %mul3A_183 : i32 to index
      %swap3A_197 = arith.constant 0 : index
      %swap3A_198 = vector.load %arg14[%swap3A_195, %swap3A_196, %swap3A_197] : memref<2x2048x1024xf32, #tpu.memory_space<vmem>>, vector<1x256x1024xf32>
      tpu.vector_store %arg14[%swap3A_195, %swap3A_196, %swap3A_197], %broadcast_in_dim3A_194 {strides = array<i32>} : memref<2x2048x1024xf32, #tpu.memory_space<vmem>>, vector<1x256x1024xf32>,
    } else {
    }
    %gt3A_189 = arith.constant 0 : i32
    %gt3A_190 = arith.cmpi sgt, %arg0, %gt3A_189 : i32
    %convert_element_type3A_191 = arith.extui %gt3A_190 : i1 to i32
    %cond3A_192 = arith.constant 0 : i32
    %cond3A_193 = arith.cmpi ne, %convert_element_type3A_191, %cond3A_192 : i32
    scf.if %cond3A_193 {
      %get3A_194 = arith.index_cast %arg1 : i32 to index
      %get3A_195 = arith.index_cast %mul3A_183 : i32 to index
      %get3A_196 = arith.constant 0 : index
      %get3A_197 = vector.load %arg14[%get3A_194, %get3A_195, %get3A_196] : memref<2x2048x1024xf32, #tpu.memory_space<vmem>>, vector<1x256x1024xf32>
      %broadcast_in_dim3A_198 = vector.shape_cast %dot_general3A_181 : vector<256x1024xf32> to vector<1x256x1024xf32>
      %add3A_199 = arith.addf %get3A_197, %broadcast_in_dim3A_198 : vector<1x256x1024xf32>
      %swap3A_200 = arith.index_cast %arg1 : i32 to index
      %swap3A_201 = arith.index_cast %mul3A_183 : i32 to index
      %swap3A_202 = arith.constant 0 : index
      %swap3A_203 = vector.load %arg14[%swap3A_200, %swap3A_201, %swap3A_202] : memref<2x2048x1024xf32, #tpu.memory_space<vmem>>, vector<1x256x1024xf32>
      tpu.vector_store %arg14[%swap3A_200, %swap3A_201, %swap3A_202], %add3A_199 {strides = array<i32>} : memref<2x2048x1024xf32, #tpu.memory_space<vmem>>, vector<1x256x1024xf32>,
    } else {
    }
    return
  }
  func.func @transform_0(%arg0: i32, %arg1: i32, %arg2: i32) -> (i32, i32, i32) {
    %c0_i32 = arith.constant 0 : i32
    %c0_i32_0 = arith.constant 0 : i32
    return %arg1, %arg2, %c0_i32 : i32, i32, i32
  }
  func.func @transform_1(%arg0: i32, %arg1: i32, %arg2: i32) -> (i32, i32, i32) {
    %c0_i32 = arith.constant 0 : i32
    %c0_i32_0 = arith.constant 0 : i32
    %c0_i32_1 = arith.constant 0 : i32
    return %arg0, %c0_i32, %c0_i32_0 : i32, i32, i32
  }
  func.func @transform_2(%arg0: i32, %arg1: i32, %arg2: i32) -> (i32, i32, i32) {
    %c0_i32 = arith.constant 0 : i32
    %c0_i32_0 = arith.constant 0 : i32
    %c0_i32_1 = arith.constant 0 : i32
    return %arg0, %c0_i32, %c0_i32_0 : i32, i32, i32
  }
  func.func @transform_3(%arg0: i32, %arg1: i32, %arg2: i32) -> (i32, i32, i32) {
    %c0_i32 = arith.constant 0 : i32
    %c0_i32_0 = arith.constant 0 : i32
    %c0_i32_1 = arith.constant 0 : i32
    return %arg0, %c0_i32, %c0_i32_0 : i32, i32, i32
  }
  func.func @transform_4(%arg0: i32, %arg1: i32, %arg2: i32) -> (i32, i32, i32) {
    %c0_i32 = arith.constant 0 : i32
    %c0_i32_0 = arith.constant 0 : i32
    %c0_i32_1 = arith.constant 0 : i32
    return %arg0, %c0_i32, %c0_i32_0 : i32, i32, i32
  }
  func.func @transform_5(%arg0: i32, %arg1: i32, %arg2: i32) -> (i32, i32, i32) {
    %c0_i32 = arith.constant 0 : i32
    %c0_i32_0 = arith.constant 0 : i32
    %c0_i32_1 = arith.constant 0 : i32
    return %arg0, %c0_i32, %c0_i32_0 : i32, i32, i32
  }
  func.func @transform_6(%arg0: i32, %arg1: i32, %arg2: i32) -> (i32, i32, i32) {
    %c0_i32 = arith.constant 0 : i32
    %c0_i32_0 = arith.constant 0 : i32
    %c0_i32_1 = arith.constant 0 : i32
    return %arg0, %c0_i32, %c0_i32_0 : i32, i32, i32
  }
  func.func @transform_7(%arg0: i32, %arg1: i32, %arg2: i32) -> (i32, i32, i32) {
    %c0_i32 = arith.constant 0 : i32
    %c0_i32_0 = arith.constant 0 : i32
    %c0_i32_1 = arith.constant 0 : i32
    return %arg0, %c0_i32, %c0_i32_0 : i32, i32, i32
  }
  func.func @transform_8(%arg0: i32, %arg1: i32, %arg2: i32) -> (i32, i32, i32) {
    %c0_i32 = arith.constant 0 : i32
    %c0_i32_0 = arith.constant 0 : i32
    %c0_i32_1 = arith.constant 0 : i32
    return %arg0, %c0_i32, %c0_i32_0 : i32, i32, i32
  }
  func.func @transform_9(%arg0: i32, %arg1: i32, %arg2: i32) -> (i32, i32, i32) {
    %c0_i32 = arith.constant 0 : i32
    %c0_i32_0 = arith.constant 0 : i32
    %c0_i32_1 = arith.constant 0 : i32
    return %arg0, %c0_i32, %c0_i32_0 : i32, i32, i32
  }
  func.func @transform_10(%arg0: i32, %arg1: i32, %arg2: i32) -> (i32, i32, i32) {
    %c0_i32 = arith.constant 0 : i32
    %c0_i32_0 = arith.constant 0 : i32
    return %arg1, %c0_i32, %arg2 : i32, i32, i32
  }
  func.func @transform_11(%arg0: i32, %arg1: i32, %arg2: i32) -> (i32, i32, i32) {
    %c0_i32 = arith.constant 0 : i32
    %c0_i32_0 = arith.constant 0 : i32
    %c0_i32_1 = arith.constant 0 : i32
    %c0_i32_2 = arith.constant 0 : i32
    return %c0_i32, %c0_i32_0, %c0_i32_1 : i32, i32, i32
  }
}

</mosaic_0001>

<sc_bundles>
// kernel: kernel.6.cloned.1.call-start
scs
__scs_entry_jumppad:
0x0: {  	(pc) =	sbr.rel $0x88, $3  }
0x1: {  	(tag) =	ssettag $0x0;
	lr =	simm.s32 $0x1  }
0x2: {  	[smem:$0x3F96] =	sst lr;
	_ =	strace $0xD0000000  }
0x3: {  	_ = 	snop  }
0x4: {  	_ = 	snop  }
0x5: {  	_ = 	snop  }
0x6: {  	_ = 	snop  }
0x7: {  	_ = 	snop  }
__scs_overlays_trampoline_lowered:
0x8: {  	[smem:$0x3FA5] =	sst s0  }
0x9: {  	[smem:$0x3FA6] =	sst s1  }
0xa: {  	[smem:$0x3FA7] =	sst s2  }
0xb: {  	[smem:$0x3FA8] =	sst s3  }
0xc: {  	[smem:$0x3FA9] =	sst s4  }
0xd: {  	[smem:$0x3FAA] =	sst s5  }
0xe: {  	[smem:$0x3FAB] =	sst s6  }
0xf: {  	[smem:$0x3FAC] =	sst s7  }
0x10: {  	[smem:$0x3FAD] =	sst s8  }
0x11: {  	[smem:$0x3FAE] =	sst s9;
	s0 =	simm.s32 @!p0 $0x0  }
0x12: {  	s1 =	sld [smem:$0x3F94];
	s0 =	simm.s32 @p0 $0x1  }
0x13: {  	[smem:$0x3FAF] =	sst s0;
	s0 =	simm.s32 @!p1 $0x0  }
0x14: {  	s2 =	sld [smem:$0x3F93];
	s0 =	simm.s32 @p1 $0x1  }
0x15: {  	[smem:$0x3FB0] =	sst s0;
	s0 =	simm.s32 @!p2 $0x0  }
0x16: {  	s3 =	sld [smem:$0x3FDB];
	s0 =	simm.s32 @p2 $0x1  }
0x17: {  	s4 =	simm.s32 $0x1BF5;
	[smem:$0x3FB2] =	sst s0  }
0x18: {  	s0 =	sld [smem:$0x3F95];
	_ =	swait.ge [sflag:s4], $0x0  }
0x19: {  	s7 =	sld [smem:$0x3F96]  }
0x1a: {  	s8 =	sadd.s32 $0xFFFFE003, lr  }
0x1b: {  	s9 =	sadd.s32 $0xFFFFFEF7, lr;
	s5 =	simm.s32 $0xFFFFFFFF;
	p2 =	slt.u32 s8, $0xFFFFF086  }
0x1c: {  	p1 =	slt.u32 s9, $0xF7A;
	s5 =	simm.s32 @!p2 $0x0  }
0x1d: {  	s5 =	simm.s32 @p1 $0x1;
	p0 =	seq.s32 s7, s2  }
0x1e: {  	s7 =	smul.u32 @!p0 $0xF7A, s2;
	p2 =	seq.s32 @!p0 s5, $0x0  }
0x1f: {  	s9 =	smul.u32 $0xF7A, s1;
	s8 =	simm.s32 @!p0 $0x1BF5;
	p2 =	por !p2, p0  }
0x20: {  	[sflag:s8] =	ssyncset.s32 @!p0 $0xFFFFF086;
	s6 =	sadd.s32 @!p0 s3, s7;
	s7 =	simm.s32 @!p0 $0x108  }
0x21: {  	s3 =	sadd.s32 s3, s9;
	s6 =	sadd.s32 @!p0 $0x88, s6;
	s7 =	simm.s32 @p2 $0x1082  }
0x22: {  	[simem:s7], [sflag:s8] =	dma.local @!p0 [hbm:s6], $0xF7A  }
0x23: {  	s9 =	sor.u32 $0xD0000000, s2;
	s6 =	simm.s32 $0x108;
	_ =	swait.ge @!p0 [sflag:s8], $0x0  }
0x24: {  	s3 =	sadd.s32 $0x88, s3;
	s6 =	simm.s32 @!p1 $0x1082;
	[sflag:s4] =	ssyncset.s32 $0xFFFFF086  }
0x25: {  	[simem:s6], [sflag:s4] =	dma.local [hbm:s3], $0xF7A  }
0x26: {  	[smem:$0x3F96] =	sst s1;
	(tag) =	ssettag s2;
	_ =	strace s9  }
0x27: {  	s1 =	sld [smem:$0x3FA6]  }
0x28: {  	s2 =	sld [smem:$0x3FA7]  }
0x29: {  	s4 =	sld [smem:$0x3FA9]  }
0x2a: {  	p0 =	seq.s32 s5, $0x0;
	s5 =	sld [smem:$0x3FAA]  }
0x2b: {  	s6 =	sld [smem:$0x3FAB]  }
0x2c: {  	s7 =	sld [smem:$0x3FAC]  }
0x2d: {  	s3 =	simm.s32 $0x108;
	s8 =	sld [smem:$0x3FAD]  }
0x2e: {  	s3 =	simm.s32 @!p0 $0x1082;
	s9 =	sld [smem:$0x3FAE]  }
0x2f: {  	lr =	sadd.s32 s0, s3;
	s0 =	sld [smem:$0x3FA5]  }
0x30: {  	s3 =	sld [smem:$0x3FA8]  }
0x31: {  	[smem:$0x3FB1] =	sst s10  }
0x32: {  	s10 =	sld [smem:$0x3FAF];
	_ =	sdelay $0x3  }
0x33: {  	p0 =	seq.s32 s10, $0x1;
	s10 =	sld [smem:$0x3FB1];
	_ =	sdelay $0x3  }
0x34: {  	[smem:$0x3FB1] =	sst s10  }
0x35: {  	s10 =	sld [smem:$0x3FB0];
	_ =	sdelay $0x3  }
0x36: {  	p1 =	seq.s32 s10, $0x1;
	s10 =	sld [smem:$0x3FB1];
	_ =	sdelay $0x3  }
0x37: {  	[smem:$0x3FB1] =	sst s10  }
0x38: {  	s10 =	sld [smem:$0x3FB2]  }
0x39: {  	_ = 	snop;
	(pc) =	sbr.ind lr, $3  }
0x3a: {  	_ = 	snop  }
0x3b: {  	_ = 	snop  }
0x3c: {  	p2 =	seq.s32 s10, $0x1;
	s10 =	sld [smem:$0x3FB1]  }
0x3d: {  	_ =	shalt  }
0x3e: {  	_ =	shalt  }
0x3f: {  	_ =	shalt  }
0x40: {  	_ =	shalt  }
0x41: {  	_ =	shalt  }
0x42: {  	_ =	shalt  }
0x43: {  	_ =	shalt  }
0x44: {  	_ =	shalt  }
0x45: {  	_ =	shalt  }
0x46: {  	_ =	shalt  }
0x47: {  	_ =	shalt  }
0x48: {  	_ =	shalt  }
0x49: {  	_ =	shalt  }
0x4a: {  	_ =	shalt  }
0x4b: {  	_ =	shalt  }
0x4c: {  	_ =	shalt  }
0x4d: {  	_ =	shalt  }
0x4e: {  	_ =	shalt  }
0x4f: {  	_ =	shalt  }
0x50: {  	_ =	shalt  }
0x51: {  	_ =	shalt  }
0x52: {  	_ =	shalt  }
0x53: {  	_ =	shalt  }
0x54: {  	_ =	shalt  }
0x55: {  	_ =	shalt  }
0x56: {  	_ =	shalt  }
0x57: {  	_ =	shalt  }
0x58: {  	_ =	shalt  }
0x59: {  	_ =	shalt  }
0x5a: {  	_ =	shalt  }
0x5b: {  	_ =	shalt  }
0x5c: {  	_ =	shalt  }
0x5d: {  	_ =	shalt  }
0x5e: {  	_ =	shalt  }
0x5f: {  	_ =	shalt  }
0x60: {  	_ =	shalt  }
0x61: {  	_ =	shalt  }
0x62: {  	_ =	shalt  }
0x63: {  	_ =	shalt  }
0x64: {  	_ =	shalt  }
0x65: {  	_ =	shalt  }
0x66: {  	_ =	shalt  }
0x67: {  	_ =	shalt  }
0x68: {  	_ =	shalt  }
0x69: {  	_ =	shalt  }
0x6a: {  	_ =	shalt  }
0x6b: {  	_ =	shalt  }
0x6c: {  	_ =	shalt  }
0x6d: {  	_ =	shalt  }
0x6e: {  	_ =	shalt  }
0x6f: {  	_ =	shalt  }
0x70: {  	_ =	shalt  }
0x71: {  	_ =	shalt  }
0x72: {  	_ =	shalt  }
0x73: {  	_ =	shalt  }
0x74: {  	_ =	shalt  }
0x75: {  	_ =	shalt  }
0x76: {  	_ =	shalt  }
0x77: {  	_ =	shalt  }
0x78: {  	_ =	shalt  }
0x79: {  	_ =	shalt  }
0x7a: {  	_ =	shalt  }
0x7b: {  	_ =	shalt  }
0x7c: {  	_ =	shalt  }
0x7d: {  	_ =	shalt  }
0x7e: {  	_ =	shalt  }
0x7f: {  	_ =	shalt  }
0x80: {  	_ =	shalt  }
0x81: {  	_ =	shalt  }
0x82: {  	_ =	shalt  }
0x83: {  	_ =	shalt  }
0x84: {  	_ =	shalt  }
0x85: {  	_ =	shalt  }
0x86: {  	_ =	shalt  }
0x87: {  	_ =	shalt  }
.Lfunc_end0:
.L_simem_size_0:
called_computation_lowered:
.L_overlay_start_0:
0x88: {  	s2 =	sld [smem:$0x3FD9]  }
0x89: {  	s3 =	sld [smem:$0x3FFE];
	_ =	sdelay $0x1  }
0x8a: {  	s1 =	srdreg.scid  }
0x8b: {  	s0 =	sand.u32 $0x1, s1  }
0x8c: {  	s14 =	sshll.u32 s0, $0xA;
	s2 =	sadd.s32 s3, s2  }
0x8d: {  	s2 =	sadd.s32 s2, s14  }
0x8e: {  	[smem:$0x3FBD] =	sst s2  }
0x8f: {  	_ = 	snop  }
0x90: {  	s2 =	sld [smem:$0x3FD0];
	_ =	sdelay $0x2  }
0x91: {  	s15 =	simm.s32 $0xA;
	s4 =	simm.s32 $0x10  }
0x92: {  	[smem:s4], [sflag:s15] =	dma.local [hbm:s2], $0x1  }
0x93: {  	_ =	swait.eq [sflag:s15], $0x1  }
0x94: {  	[sflag:s15] =	ssyncset.done $0x0  }
0x95: {  	[sflag:s15] =	ssyncadd.s32 $0xFFFFFFFF  }
0x96: {  	s16 =	sld [smem:$0x10];
	(tm) =	ssettm $0x1  }
0x97: {  	s17 =	sld [smem:$0x3FFB];
	_ =	sdelay $0x3  }
0x98: {  	_ =	strace s17  }
0x99: {  	s3 =	sld [smem:$0x3FFC];
	_ =	sdelay $0x3  }
0x9a: {  	_ =	strace s3  }
0x9b: {  	s3 =	sld [smem:$0x3FFD];
	_ =	sdelay $0x3  }
0x9c: {  	_ =	strace s3  }
0x9d: {  	_ =	strace $0x8FFFFFFF  }
0x9e: {  	s18 =	sld [smem:$0x3FDB];
	_ =	sdelay $0x1  }
0x9f: {  	s19 =	simm.s32 $_scs_section_size  }
0xa0: {  	s5 =	simm.s32 $_size__tile_overlayer_lowered;
	s6 =	simm.s32 $_tile_overlayer_lowered  }
0xa1: {  	s22 =	simm.s32 $0x1BFF;
	s21 =	sshll.u32 s6, $0x1;
	s3 =	sadd.s32 s19, s18  }
0xa2: {  	s7 =	simm.s32 $0x0;
	s20 =	sshll.u32 s5, $0x1;
	s5 =	sadd.s32 s21, s3  }
0xa3: {  	[timem:s7], [sflag:s22] =	dma.local [hbm:s5], s20  }
0xa4: {  	_ =	swait.ge [sflag:s22], s20  }
0xa5: {  	s4 =	ssub.s32 $0x0, s20;
	[sflag:s22] =	ssyncset.done $0x0  }
0xa6: {  	[sflag:s22] =	ssyncadd.s32 s4;
	_ =	sdelay $0x1  }
0xa7: {  	s23 =	simm.s32 $0x1B8B  }
0xa8: {  	_ =	swait.ge [sflag:s23], $0x1  }
0xa9: {  	[sflag:s23] =	ssyncset.done $0x0  }
0xaa: {  	s25 =	simm.s32 $0x1B8E;
	s24 =	sld [smem:$0x3FFE];
	[sflag:s23] =	ssyncadd.s32 $0xFFFFFFFF  }
0xab: {  	s26 =	simm.s32 $execute0_lowered;
	[smem:$0x3FD2] =	sst s25  }
0xac: {  	s5 =	sshll.u32 s26, $0x1;
	_ =	strace $0x80000046;
	[dreg:$0x1] =	wrdreg $0xFFFFFFFF  }
0xad: {  	s28 =	simm.s32 $_size_execute0_lowered;
	s3 =	sadd.s32 s3, s5;
	[dreg:$0x0] =	wrdreg $0x0  }
0xae: {  	s5 =	sshll.u32 s28, $0x1;
	[dreg:$0x2] =	wrdreg s3  }
0xaf: {  	[dreg:$0x3] =	wrdreg s5  }
0xb0: {  	[dreg:$0x4] =	wrdreg $0xC0  }
0xb1: {  	_ =	task [dreg:s7], $0x5FFFF  }
0xb2: {  	[dreg:$0x1] =	wrdreg $0xFFFFFFFF  }
0xb3: {  	[dreg:$0x0] =	wrdreg $0x60  }
0xb4: {  	[dreg:$0x2] =	wrdreg s16  }
0xb5: {  	[dreg:$0x3] =	wrdreg s24  }
0xb6: {  	[dreg:$0x4] =	wrdreg $0x9  }
0xb7: {  	_ =	task.clear_ibuf [dreg:s7], $0x5FFFF;
	_ =	strace $0x90000046  }
0xb8: {  	s29 =	simm.s32 $0x9;
	_ =	strace $0x8000004E  }
0xb9: {  	_ =	swait.ge [sflag:s29], $0x1  }
0xba: {  	[sflag:s29] =	ssyncadd.s32 $0xFFFFFFFF  }
0xbb: {  	_ =	strace $0x9000004E  }
0xbc: {  	_ =	sfence  }
0xbd: {  	s30 =	sld [smem:$0x0];
	_ =	sdelay $0x2  }
0xbe: {  	s31 =	sshll.u32 s1, $0xD;
	s1 =	sshrl.u32 s1, $0x2  }
0xbf: {  	s3 =	sand.u32 $0x4000, s31;
	s1 =	sadd.s32 s1, s30  }
0xc0: {  	s0 =	sor.u32 s3, s0;
	s1 =	sshll.u32 s1, $0x11  }
0xc1: {  	s0 =	sor.u32 s1, s0  }
0xc2: {  	s0 =	sadd.s32 $0x8F2B, s0  }
0xc3: {  	[sflag:s0] =	ssyncadd.remote.s32 $0x1  }
0xc4: {  	_ =	sfence.sel $0xFFFF  }
0xc5: {  	[dreg:$0x0] =	wrdreg $0xFFFFFFFF;
	(pc) =	sbr.abs _section_cstart, $3  }
0xc6: {  	[dreg:$0x1] =	wrdreg $0xFFFFFFFF  }
0xc7: {  	_ =	task.clear_ibuf [dreg:s7], $0x2FFFF;
	_ =	strace $0x9FFFFFFF  }
0xc8: {  	(tm) =	ssettm $0x7FFFFFFF  }
0xc9: {  	_ =	shalt  }
tec
execute0_lowered:
.L_overlay_start_1:
0x0: {  	(tag) =	ssettag $0x1  }
0x1: {  	s3 =	rddreg [dreg:$0x0]  }
0x2: {  	s4 =	rddreg [dreg:$0x1]  }
0x3: {  	s0 =	rddreg [dreg:$0x2];
	s5 =	srdreg.scid  }
0x4: {  	s2 =	simm.s32 $0x0;
	s1 =	stileid.u32;
	s9 =	simm.s32 $0x1000  }
0x5: {  	s10 =	simm.s32 $0x3;
	s11 =	simm.s32 $0x5;
	s5 =	sand.u32 $0x1, s5  }
0x6: {  	s7 =	sshll.u32 s1, $0x7;
	s6 =	sshll.u32 s5, $0xB;
	s5 =	ssub.s32 $0x2, s5  }
0x7: {  	[smem:$0x7FF] =	sst s2;
	s6 =	sor.u32 s7, s6;
	s31 =	sshrl.u32 s5, $0x1  }
0x8: {  	_ =	strace $0x80000047;
	s8 =	sadd.s32 s6, s4;
	s7 =	ssub.s32 s5, s31  }
0x9: {  	s3 =	sadd.s32 s3, s6;
	s4 =	sadd.s32 $0x2A00, s8;
	s5 =	sadd.s32 $0x1A00, s8  }
0xa: {  	v23 =	vimm.s32 $0x0;
	s6 =	smax.u32 s7, $0x1;
	s7 =	simm.s32 $0x1;
	s8 =	simm.s32 $0x800  }
.LBB2_1:
0xb: {  	_ =	strace $0x80000048  }
0xc: {  	[tilespmem:s2], [sflag:$0x1] =	stream.linear.gather [hbm4b:s3+s2], $0x400, $0x200038;
	[tilespmem:$0x1800] =	vst v63  }
0xd: {  	_ =	strace $0x90000048  }
0xe: {  	_ =	strace $0x80000049  }
0xf: {  	_ =	swait.ge [sflag:s7], $0x400  }
0x10: {  	[sflag:s7] =	ssyncset.done $0x0  }
0x11: {  	[sflag:s7] =	ssyncadd.s32 $0xFFFFFC00  }
0x12: {  	_ =	strace $0x90000049  }
0x13: {  	_ =	strace $0x8000004A  }
0x14: {  	v0 =	vld [tilespmem:$0x0];
	_ =	sdelay $0x1  }
0x15: {  	v1 =	vld [tilespmem:$0x80];
	_ =	sdelay $0x2  }
0x16: {  	v2 =	vld [tilespmem:$0x100];
	vm0 =	vgt.f32 v0, $-1.000000020e+30  }
0x17: {  	v0 =	vnsel vm0, $0xF149F2CA, v0  }
0x18: {  	vm1 =	vgt.f32 v1, $-1.000000020e+30;
	vm0 =	vgt.f32 v1, v0  }
0x19: {  	v4 =	vld [tilespmem:$0x180];
	v3 =	vnsel vm1, $0xF149F2CA, v1;
	vm3 =	vmneg vm0  }
0x1a: {  	v3 =	vsel vm3, v3, v0  }
0x1b: {  	v0 =	vsel vm3, v0, v1;
	vm7 =	vgt.f32 v2, v3  }
0x1c: {  	v15 =	vld [tilespmem:$0x200];
	vm2 =	vgt.f32 v2, v0;
	v14 =	vsel vm7, v2, v3  }
0x1d: {  	v1 =	vsel vm2, v0, v14  }
0x1e: {  	v0 =	vsel vm2, v2, v0;
	vm11 =	vgt.f32 v4, v1  }
0x1f: {  	v16 =	vld [tilespmem:$0x280];
	vm4 =	vgt.f32 v4, v0;
	v1 =	vsel vm11, v4, v1  }
0x20: {  	v1 =	vsel vm4, v0, v1  }
0x21: {  	v0 =	vsel vm4, v4, v0;
	vm12 =	vgt.f32 v15, v1  }
0x22: {  	v17 =	vld [tilespmem:$0x300];
	vm9 =	vgt.f32 v15, v0;
	v1 =	vsel vm12, v15, v1  }
0x23: {  	v1 =	vsel vm9, v0, v1  }
0x24: {  	v0 =	vsel vm9, v15, v0;
	vm14 =	vgt.f32 v16, v1  }
0x25: {  	v18 =	vld [tilespmem:$0x380];
	vm10 =	vgt.f32 v16, v0;
	v1 =	vsel vm14, v16, v1  }
0x26: {  	v1 =	vsel vm10, v0, v1  }
0x27: {  	v0 =	vsel vm10, v16, v0;
	vm13 =	vgt.f32 v17, v1  }
0x28: {  	vm8 =	vgt.f32 v17, v0;
	v1 =	vsel vm13, v17, v1  }
0x29: {  	v1 =	vsel vm8, v0, v1;
	v0 =	vsel vm8, v17, v0  }
0x2a: {  	vm6 =	vgt.f32 v18, v0;
	vm5 =	vgt.f32 v18, v1  }
0x2b: {  	vm6 =	vmneg vm6;
	v1 =	vsel vm5, v18, v1  }
0x2c: {  	v1 =	vsel vm6, v1, v0;
	v0 =	vsel vm6, v0, v18  }
0x2d: {  	v0 =	vsub.f32 v1, v0  }
0x2e: {  	v6 =	vimm.s32 $0x0  }
0x2f: {  	v30 =	vimm.s32 $0x0;
	v38 =	vimm.s32 $0x0;
	[tilespmem:$0x1FEC0] =	vst v0;
	v0 =	vmul.f32 $1.442695020e+00, v0  }
0x30: {  	v41 =	vimm.s32 $0x0;
	v10 =	vimm.s32 $0x0;
	v46 =	vimm.s32 $0x0;
	v26 =	vld [tilespmem:$0x10]  }
0x31: {  	v49 =	vimm.s32 $0x0;
	v50 =	vimm.s32 $0x0;
	(erf) = vpow2.f32 v0  }
0x32: {  	v51 =	vimm.s32 $0x0;
	v54 =	vimm.s32 $0x0;
	v5 =	vld [tilespmem:$0x90];
	vm1 =	vmand vm1, vm3  }
0x33: {  	v57 =	vimm.s32 $0x0;
	v59 =	vimm.s32 $0x0;
	v19 =	vsel vm1, $0x1, v23  }
0x34: {  	v62 =	vimm.s32 $0x0;
	v24 =	vsel vm0, $0x1, v23;
	v0 =	vsel vm7, $0x2, v19  }
0x35: {  	v15 =	vimm.s32 $0x0;
	vm7 =	vgt.f32 v26, $-1.000000020e+30;
	v0 =	vsel vm2, v24, v0  }
0x36: {  	v1 =	vsel vm2, $0x2, v24;
	v2 =	vnsel vm7, $0xF149F2CA, v26;
	v0 =	vsel vm11, $0x3, v0  }
0x37: {  	vm15 =	vgt.f32 v5, v2;
	v0 =	vsel vm4, v1, v0;
	v1 =	vsel vm4, $0x3, v1  }
0x38: {  	v28 =	vld [tilespmem:$0x110];
	vm2 =	vmneg vm15;
	v13 =	vsel vm15, $0x1, v23;
	v0 =	vsel vm12, $0x4, v0  }
0x39: {  	v0 =	vsel vm9, v1, v0;
	v1 =	vsel vm9, $0x4, v1;
	vm9 =	vgt.f32 v5, $-1.000000020e+30  }
0x3a: {  	v0 =	vsel vm14, $0x5, v0;
	v6 =	vsel vm9, $0xFFFFFFFF, v6;
	v29 =	vnsel vm9, $0xF149F2CA, v5;
	v25 =	vpop (erf)  }
0x3b: {  	v5 =	vsel vm2, v2, v5;
	v0 =	vsel vm10, v1, v0;
	v27 =	vadd.f32 $1.000000000e+00, v25  }
0x3c: {  	v1 =	vsel vm10, $0x5, v1;
	[tilespmem:$0x1FC70] =	vst v6;
	v6 =	vsel vm2, v29, v2;
	v0 =	vsel vm13, $0x6, v0  }
0x3d: {  	v7 =	vld [tilespmem:$0x190];
	vm10 =	vgt.f32 v28, v6;
	v0 =	vsel vm8, v1, v0;
	(erf) = vrcp.f32 v27  }
0x3e: {  	v1 =	vsel vm8, $0x6, v1;
	v2 =	vsel vm10, $0xFFFFFFFF, v30;
	v6 =	vsel vm10, v28, v6  }
0x3f: {  	v0 =	vsel vm5, $0x7, v0;
	vm5 =	vgt.f32 v28, v5;
	v9 =	vnsel vm6, $0x7, v1  }
0x40: {  	v8 =	vld [tilespmem:$0x210];
	v0 =	vsel vm6, v0, v1;
	v6 =	vsel vm5, v5, v6;
	v37 =	vsel vm5, v28, v5  }
0x41: {  	vm12 =	veq.s32 v9, $0x0;
	vm4 =	veq.s32 v9, $0x1;
	vm0 =	veq.s32 v9, $0x4  }
0x42: {  	v16 =	vsel vm5, $0x2, v13;
	vm11 =	vgt.f32 v7, v6;
	vm7 =	vgt.f32 v7, v37  }
0x43: {  	v40 =	vld [tilespmem:$0x290];
	vm13 =	veq.s32 v0, $0x0;
	v4 =	vsel vm11, $0xFFFFFFFF, v38;
	v39 =	vsel vm11, v7, v6  }
0x44: {  	v45 =	vld [tilespmem:$0xA0];
	vm10 =	veq.s32 v0, $0x1;
	v3 =	vsel vm7, v7, v37;
	[tilespmem:$0x1FC90] =	vst v4;
	v4 =	vsel vm7, v37, v39  }
0x45: {  	v27 =	vsel vm7, $0x3, v16;
	vm11 =	vgt.f32 v8, v3;
	vm14 =	vgt.f32 v8, v4  }
0x46: {  	v42 =	vld [tilespmem:$0x310];
	v6 =	vsel vm14, $0xFFFFFFFF, v41;
	v4 =	vsel vm14, v8, v4;
	vm14 =	veq.s32 v9, $0x2;
	v31 =	vpop (erf)  }
0x47: {  	v44 =	vld [tilespmem:$0x20];
	v4 =	vsel vm11, v3, v4;
	v3 =	vsel vm11, v8, v3;
	v1 =	vmul.f32 v31, v25  }
0x48: {  	v24 =	vnsel vm12, $0x0, v31;
	v35 =	vnsel vm4, $0x0, v31;
	vm12 =	vgt.f32 v40, v3  }
0x49: {  	v43 =	vld [tilespmem:$0x390];
	v38 =	vnsel vm14, $0x0, v31;
	vm14 =	vgt.f32 v45, $-1.000000020e+30;
	v5 =	vsel vm12, v40, v3  }
0x4a: {  	v52 =	vnsel vm14, $0xF149F2CA, v45;
	v33 =	vnsel vm13, $0x0, v1;
	vm13 =	vgt.f32 v40, v4  }
0x4b: {  	v37 =	vnsel vm10, $0x0, v1;
	vm3 =	vgt.f32 v42, v5;
	v4 =	vsel vm13, v40, v4  }
0x4c: {  	vm10 =	vgt.f32 v44, $-1.000000020e+30;
	v10 =	vsel vm13, $0xFFFFFFFF, v10;
	v3 =	vsel vm12, v3, v4  }
0x4d: {  	v47 =	vsel vm3, v42, v5;
	v8 =	vnsel vm10, $0xF149F2CA, v44;
	vm4 =	vgt.f32 v42, v3  }
0x4e: {  	vm9 =	vgt.f32 v43, v47;
	vm13 =	vgt.f32 v45, v8;
	v3 =	vsel vm4, v42, v3  }
0x4f: {  	v4 =	vsel vm4, $0xFFFFFFFF, v46;
	vm4 =	vmneg vm9;
	v3 =	vsel vm3, v5, v3  }
0x50: {  	v48 =	vld [tilespmem:$0x120];
	v42 =	vnsel vm0, $0x0, v31;
	vm0 =	veq.s32 v0, $0x4;
	vm9 =	vgt.f32 v43, v3  }
0x51: {  	[tilespmem:$0x1FCC0] =	vst v4;
	v4 =	vsel vm4, v47, v43;
	v5 =	vsel vm9, $0xFFFFFFFF, v49;
	v3 =	vsel vm9, v43, v3  }
0x52: {  	v44 =	vnsel vm0, $0x0, v1;
	[tilespmem:$0x1FCD0] =	vst v5;
	v5 =	vsel vm13, $0xFFFFFFFF, v50;
	v3 =	vsel vm4, v3, v47  }
0x53: {  	v11 =	vld [tilespmem:$0x1A0];
	vm13 =	vmneg vm13;
	[tilespmem:$0x1FCF0] =	vst v5;
	v5 =	vsel vm14, $0xFFFFFFFF, v51;
	v7 =	vsub.f32 v3, v4  }
0x54: {  	v53 =	vsel vm13, v8, v45;
	vm14 =	veq.s32 v0, $0x2;
	[tilespmem:$0x1FCE0] =	vst v5;
	v5 =	vsel vm13, v52, v8  }
0x55: {  	vm9 =	vgt.f32 v48, v53;
	v39 =	vnsel vm14, $0x0, v1;
	vm10 =	vgt.f32 v48, v5  }
0x56: {  	v56 =	vld [tilespmem:$0x220];
	[tilespmem:$0x1FEF0] =	vst v7;
	v7 =	vmul.f32 $1.442695020e+00, v7;
	v4 =	vsel vm10, $0xFFFFFFFF, v54;
	v55 =	vsel vm10, v48, v5  }
0x57: {  	v3 =	vsel vm9, v48, v53;
	vm10 =	veq.s32 v9, $0x3;
	[tilespmem:$0x1FD00] =	vst v4;
	v4 =	vsel vm9, v53, v55  }
0x58: {  	v61 =	vld [tilespmem:$0x1FC70];
	v41 =	vnsel vm10, $0x0, v31;
	(erf) = vpow2.f32 v7;
	vm14 =	vgt.f32 v11, v4  }
0x59: {  	v58 =	vld [tilespmem:$0x2A0];
	[tilespmem:$0x1FCA0] =	vst v6;
	v6 =	vsel vm14, $0xFFFFFFFF, v57;
	v4 =	vsel vm14, v11, v4;
	vm14 =	vgt.f32 v11, v3  }
0x5a: {  	[tilespmem:$0x1FC80] =	vst v2;
	vm10 =	veq.s32 v0, $0x3;
	v4 =	vsel vm14, v3, v4;
	v3 =	vsel vm14, v11, v3  }
0x5b: {  	v14 =	vld [tilespmem:$0x1FC80];
	v43 =	vnsel vm10, $0x0, v1;
	vm10 =	vgt.f32 v56, v4;
	vm1 =	vgt.f32 v56, v3  }
0x5c: {  	v60 =	vld [tilespmem:$0x320];
	v7 =	vsel vm10, $0xFFFFFFFF, v59;
	v4 =	vsel vm10, v56, v4;
	vm10 =	veq.s32 v9, $0x5  }
0x5d: {  	v19 =	vld [tilespmem:$0x1FC90];
	v25 =	vnsel vm10, $0x0, v31;
	v4 =	vsel vm1, v3, v4;
	vm10 =	vnez.u8 v61  }
0x5e: {  	v49 =	vsel vm6, $0x0, v31;
	vm0 =	vmand vm10, vm2;
	vm10 =	vgt.f32 v58, v4  }
0x5f: {  	v3 =	vsel vm1, v56, v3;
	v5 =	vsel vm10, $0xFFFFFFFF, v62;
	v63 =	vsel vm0, $0x1, v23  }
0x60: {  	v12 =	vld [tilespmem:$0x3A0];
	v4 =	vsel vm10, v58, v4;
	vm0 =	vgt.f32 v58, v3;
	vm10 =	vnez.u8 v14  }
0x61: {  	[tilespmem:$0x1FD30] =	vst v5;
	v5 =	vsel vm10, $0x2, v63;
	v4 =	vsel vm0, v3, v4;
	v3 =	vsel vm0, v58, v3  }
0x62: {  	v17 =	vpop (erf);
	vm10 =	vnez.u8 v19;
	v5 =	vsel vm5, v13, v5;
	vm15 =	vgt.f32 v60, v4  }
0x63: {  	v28 =	vld [tilespmem:$0x1FCA0];
	vm5 =	vgt.f32 v60, v3;
	v18 =	vadd.f32 $1.000000000e+00, v17;
	v4 =	vsel vm15, v60, v4  }
0x64: {  	[tilespmem:$0x1FD10] =	vst v6;
	v6 =	vsel vm15, $0xFFFFFFFF, v15;
	v4 =	vsel vm5, v3, v4;
	v3 =	vsel vm5, v60, v3  }
0x65: {  	[tilespmem:$0x1FCB0] =	vst v10;
	v5 =	vsel vm10, $0x3, v5;
	vm15 =	vgt.f32 v12, v3;
	vm10 =	vgt.f32 v12, v4  }
0x66: {  	v30 =	vld [tilespmem:$0x1FCB0];
	(erf) = vrcp.f32 v18;
	vm2 =	vmneg vm15;
	v4 =	vsel vm10, v12, v4  }
0x67: {  	v5 =	vsel vm7, v16, v5;
	vm15 =	veq.s32 v0, $0x5;
	v4 =	vsel vm2, v4, v3  }
0x68: {  	v34 =	vld [tilespmem:$0x1FCD0];
	v3 =	vsel vm2, v3, v12;
	v45 =	vnsel vm15, $0x0, v1;
	vm15 =	vnez.u8 v28  }
0x69: {  	v32 =	vld [tilespmem:$0x1FCC0];
	v26 =	vsub.f32 v4, v3;
	v4 =	vsel vm15, $0x4, v5;
	vm15 =	vmand vm8, vm6  }
0x6a: {  	v3 =	vsel vm11, $0x4, v27;
	v46 =	vnsel vm15, $0x0, v31;
	v4 =	vsel vm11, v27, v4  }
0x6b: {  	vm15 =	vnez.u8 v30;
	vm11 =	veq.s32 v0, $0x6;
	v31 =	vsel vm12, $0x5, v3  }
0x6c: {  	v29 =	vmul.f32 $1.442695020e+00, v26;
	v4 =	vsel vm15, $0x5, v4;
	v47 =	vnsel vm11, $0x0, v1  }
0x6d: {  	v2 =	vsel vm3, $0x6, v31;
	vm15 =	veq.s32 v0, $0x7;
	vm11 =	vnez.u8 v34  }
0x6e: {  	v4 =	vsel vm12, v3, v4;
	vm12 =	vnez.u8 v32;
	v50 =	vnsel vm15, $0x0, v1  }
0x6f: {  	v36 =	vnsel vm4, $0x7, v2;
	(erf) = vpow2.f32 v29;
	v3 =	vsel vm12, $0x6, v4  }
0x70: {  	vm12 =	veq.s32 v36, $0x0;
	v3 =	vsel vm3, v31, v3;
	v40 =	vpop (erf);
	vm3 =	vmand vm3, vm4  }
0x71: {  	v0 =	vsel vm11, $0x7, v3;
	v12 =	vmul.f32 v40, v17;
	v51 =	vnsel vm12, $0x0, v40  }
0x72: {  	v13 =	vld [tilespmem:$0x1FCE0];
	vm11 =	veq.s32 v36, $0x1;
	v62 =	vnsel vm3, $0x0, v40;
	v0 =	vsel vm4, v0, v2  }
0x73: {  	v18 =	vld [tilespmem:$0x1FD00];
	v3 =	vsel vm4, $0x0, v40;
	v53 =	vnsel vm11, $0x0, v40;
	vm15 =	veq.s32 v0, $0x0  }
0x74: {  	v17 =	vld [tilespmem:$0x1FCF0];
	vm12 =	veq.s32 v0, $0x1;
	vm11 =	veq.s32 v0, $0x2;
	v52 =	vnsel vm15, $0x0, v12  }
0x75: {  	[tilespmem:$0x1FF00] =	vst v26;
	v26 =	vld [tilespmem:$0x1FD10];
	v54 =	vnsel vm12, $0x0, v12;
	vm15 =	veq.s32 v36, $0x2;
	v28 =	vnsel vm11, $0x0, v12  }
0x76: {  	vm12 =	veq.s32 v36, $0x3;
	vm11 =	veq.s32 v0, $0x3;
	v56 =	vnsel vm15, $0x0, v40  }
0x77: {  	v55 =	vnsel vm12, $0x0, v40;
	vm15 =	vnez.u8 v13;
	v57 =	vnsel vm11, $0x0, v12  }
0x78: {  	v31 =	vld [tilespmem:$0x1FD30];
	vm12 =	veq.s32 v36, $0x4;
	vm11 =	veq.s32 v0, $0x4;
	vm6 =	vmand vm15, vm13  }
0x79: {  	[tilespmem:$0x1FD20] =	vst v7;
	vm13 =	vnez.u8 v17;
	vm15 =	vnez.u8 v18;
	v58 =	vnsel vm12, $0x0, v40  }
0x7a: {  	[tilespmem:$0x1FD40] =	vst v6;
	v30 =	vld [tilespmem:$0x1FD20];
	vm12 =	vnez.u8 v26;
	v59 =	vnsel vm11, $0x0, v12;
	v15 =	vsel vm6, $0x1, v23  }
0x7b: {  	v32 =	vld [tilespmem:$0x1FD40];
	v7 =	vsel vm13, $0x1, v23;
	vm13 =	veq.s32 v36, $0x5;
	vm6 =	veq.s32 v0, $0x7  }
0x7c: {  	v5 =	vsel vm15, $0x2, v15;
	v19 =	vsel vm9, $0x2, v7;
	vm15 =	veq.s32 v0, $0x5  }
0x7d: {  	v14 =	vpop (erf);
	v60 =	vnsel vm13, $0x0, v40;
	vm13 =	vnez.u8 v31;
	v5 =	vsel vm9, v7, v5  }
0x7e: {  	v36 =	vld [tilespmem:$0x30];
	v2 =	vnsel vm6, $0x0, v12;
	v16 =	vadd.f32 $1.000000000e+00, v14;
	v5 =	vsel vm12, $0x3, v5  }
0x7f: {  	v48 =	vld [tilespmem:$0xB0];
	v29 =	vsel vm14, $0x3, v19;
	vm12 =	vnez.u8 v30;
	v27 =	vsel vm14, v19, v5  }
0x80: {  	v61 =	vnsel vm15, $0x0, v12;
	vm15 =	vnez.u8 v32;
	v1 =	vsel vm12, $0x4, v27  }
0x81: {  	(erf) = vrcp.f32 v16;
	vm14 =	veq.s32 v0, $0x6;
	v1 =	vsel vm1, v29, v1  }
0x82: {  	v5 =	vsel vm1, $0x4, v29;
	v63 =	vnsel vm14, $0x0, v12;
	v1 =	vsel vm13, $0x5, v1  }
0x83: {  	vm12 =	vgt.f32 v36, $-1.000000020e+30;
	v1 =	vsel vm0, v5, v1;
	v5 =	vsel vm0, $0x5, v5  }
0x84: {  	vm0 =	vgt.f32 v48, $-1.000000020e+30;
	v1 =	vsel vm15, $0x6, v1;
	v40 =	vsel vm5, $0x6, v5  }
0x85: {  	[tilespmem:$0x1FDC0] =	vst v2;
	v17 =	vnsel vm0, $0xF149F2CA, v48;
	v34 =	vsel vm5, v5, v1;
	v2 =	vnsel vm2, $0x7, v40  }
0x86: {  	v1 =	vnsel vm12, $0xF149F2CA, v36;
	v0 =	vsel vm10, $0x7, v34;
	vm7 =	veq.s32 v2, $0x0  }
0x87: {  	vm9 =	veq.s32 v2, $0x1;
	vm11 =	veq.s32 v2, $0x2;
	vm1 =	vgt.f32 v48, v1  }
0x88: {  	vm14 =	veq.s32 v2, $0x3;
	v0 =	vsel vm2, v0, v40;
	vm4 =	vmneg vm1  }
0x89: {  	vm8 =	veq.s32 v0, $0x0;
	vm10 =	veq.s32 v0, $0x1;
	vm13 =	veq.s32 v0, $0x2  }
0x8a: {  	[tilespmem:$0x1FDB0] =	vst v3;
	v3 =	vpop (erf);
	v7 =	vsel vm4, v17, v1;
	vm15 =	veq.s32 v0, $0x3;
	v1 =	vsel vm4, v1, v48  }
0x8b: {  	vm12 =	veq.s32 v0, $0x4;
	vm0 =	vmand vm0, vm4;
	v4 =	vmul.f32 v3, v14;
	v14 =	vld [tilespmem:$0x130]  }
0x8c: {  	v12 =	vnsel vm7, $0x0, v3;
	v13 =	vnsel vm9, $0x0, v3;
	v16 =	vnsel vm11, $0x0, v3  }
0x8d: {  	v26 =	vnsel vm14, $0x0, v3;
	vm11 =	veq.s32 v2, $0x4;
	vm7 =	veq.s32 v0, $0x5  }
0x8e: {  	v18 =	vld [tilespmem:$0x1B0];
	vm14 =	vmand vm5, vm2;
	v36 =	vnsel vm11, $0x0, v3;
	v31 =	vnsel vm8, $0x0, v4  }
0x8f: {  	v15 =	vnsel vm10, $0x0, v4;
	v19 =	vnsel vm13, $0x0, v4;
	v34 =	vnsel vm15, $0x0, v4  }
0x90: {  	v29 =	vld [tilespmem:$0x230];
	[tilespmem:$0x1FDE0] =	vst v13;
	vm13 =	veq.s32 v2, $0x5;
	v32 =	vnsel vm12, $0x0, v4;
	vm8 =	vgt.f32 v14, v7  }
0x91: {  	[tilespmem:$0x1FE20] =	vst v26;
	v26 =	vld [tilespmem:$0xC0];
	v13 =	vnsel vm7, $0x0, v4;
	vm6 =	vgt.f32 v14, v1;
	v27 =	vsel vm8, v14, v7  }
0x92: {  	vm15 =	veq.s32 v0, $0x6;
	v11 =	vnsel vm13, $0x0, v3;
	v5 =	vsel vm6, v1, v27  }
0x93: {  	[tilespmem:$0x1FDF0] =	vst v15;
	v15 =	vnsel vm15, $0x0, v4;
	v1 =	vsel vm6, v14, v1;
	vm9 =	vgt.f32 v18, v5  }
0x94: {  	v48 =	vld [tilespmem:$0x2B0];
	[tilespmem:$0x1FE10] =	vst v19;
	vm13 =	veq.s32 v0, $0x7;
	vm3 =	vgt.f32 v18, v1;
	v40 =	vsel vm9, v18, v5  }
0x95: {  	[tilespmem:$0x1FE30] =	vst v34;
	v19 =	vsel vm0, $0x1, v23;
	v34 =	vimm.s32 $0x0;
	v2 =	vsel vm3, v1, v40  }
0x96: {  	vm0 =	vgt.f32 v26, $-1.000000020e+30;
	v1 =	vsel vm3, v18, v1;
	v18 =	vld [tilespmem:$0x40];
	vm12 =	vgt.f32 v29, v2  }
0x97: {  	[tilespmem:$0x1FDD0] =	vst v12;
	v12 =	vld [tilespmem:$0x330];
	v14 =	vnsel vm14, $0x0, v3;
	vm5 =	vgt.f32 v29, v1;
	v2 =	vsel vm12, v29, v2  }
0x98: {  	[tilespmem:$0x1FE00] =	vst v16;
	v3 =	vsel vm2, $0x0, v3;
	v27 =	vsel vm1, $0x1, v23;
	v2 =	vsel vm5, v1, v2  }
0x99: {  	[tilespmem:$0x1FE90] =	vst v3;
	v3 =	vsel vm8, $0x2, v19;
	v1 =	vsel vm5, v29, v1;
	vm11 =	vgt.f32 v48, v2  }
0x9a: {  	v16 =	vld [tilespmem:$0x3B0];
	[tilespmem:$0x1FE40] =	vst v36;
	v36 =	vsel vm6, v27, v3;
	vm7 =	vgt.f32 v48, v1;
	v2 =	vsel vm11, v48, v2  }
0x9b: {  	v40 =	vnsel vm0, $0xF149F2CA, v26;
	vm10 =	vgt.f32 v18, $-1.000000020e+30;
	v17 =	vsel vm7, v1, v2  }
0x9c: {  	v1 =	vsel vm7, v48, v1;
	v2 =	vnsel vm10, $0xF149F2CA, v18;
	vm2 =	vgt.f32 v12, v17  }
0x9d: {  	vm4 =	vgt.f32 v12, v1;
	vm15 =	vgt.f32 v26, v2;
	v0 =	vsel vm2, v12, v17  }
0x9e: {  	v0 =	vsel vm4, v1, v0;
	v1 =	vsel vm4, v12, v1;
	v12 =	vsel vm6, $0x2, v27  }
0x9f: {  	[tilespmem:$0x1FE80] =	vst v15;
	v29 =	vld [tilespmem:$0x140];
	vm8 =	vgt.f32 v16, v1;
	vm14 =	vgt.f32 v16, v0;
	v15 =	vsel vm3, $0x3, v12  }
0xa0: {  	vm1 =	vmneg vm8;
	v0 =	vsel vm14, v16, v0;
	vm8 =	vmneg vm15  }
0xa1: {  	v0 =	vsel vm1, v0, v1;
	v1 =	vsel vm1, v1, v16;
	vm0 =	vmand vm0, vm8  }
0xa2: {  	v30 =	vsub.f32 v0, v1;
	v0 =	vsel vm15, $0xFFFFFFFF, v34;
	v1 =	vsel vm8, v40, v2  }
0xa3: {  	v48 =	vld [tilespmem:$0x1C0];
	v2 =	vsel vm8, v2, v26;
	v34 =	vnsel vm13, $0x0, v4;
	v4 =	vsel vm5, $0x4, v15  }
0xa4: {  	v27 =	vsel vm0, $0x1, v23;
	[tilespmem:$0x1FD50] =	vst v0;
	v0 =	vsel vm9, $0x3, v36;
	vm10 =	vgt.f32 v29, v1  }
0xa5: {  	[tilespmem:$0x1FE60] =	vst v13;
	v26 =	vld [tilespmem:$0x50];
	vm9 =	vgt.f32 v29, v2;
	v13 =	vmul.f32 $1.442695020e+00, v30;
	v1 =	vsel vm10, v29, v1  }
0xa6: {  	v0 =	vsel vm3, v12, v0;
	v6 =	vsel vm10, $0x2, v27;
	v1 =	vsel vm9, v2, v1  }
0xa7: {  	[tilespmem:$0x1FE70] =	vst v14;
	v14 =	vld [tilespmem:$0x240];
	v2 =	vsel vm9, v29, v2;
	v0 =	vsel vm12, $0x4, v0;
	v29 =	vimm.s32 $0x0  }
0xa8: {  	[tilespmem:$0x1FFC0] =	vst v30;
	v30 =	vld [tilespmem:$0xD0];
	(erf) = vpow2.f32 v13;
	vm3 =	vgt.f32 v48, v1;
	vm6 =	vgt.f32 v48, v2  }
0xa9: {  	v0 =	vsel vm5, v15, v0;
	v15 =	vimm.s32 $0x0;
	v1 =	vsel vm3, v48, v1  }
0xaa: {  	v0 =	vsel vm11, $0x5, v0;
	vm10 =	vgt.f32 v26, $-1.000000020e+30;
	v1 =	vsel vm6, v2, v1  }
0xab: {  	v16 =	vld [tilespmem:$0x2C0];
	v2 =	vsel vm6, v48, v2;
	v0 =	vsel vm7, v4, v0;
	v4 =	vsel vm7, $0x5, v4  }
0xac: {  	v3 =	vnsel vm10, $0xF149F2CA, v26;
	vm13 =	vgt.f32 v14, v1;
	vm11 =	vgt.f32 v14, v2  }
0xad: {  	v36 =	vld [tilespmem:$0x1FD50];
	v0 =	vsel vm2, $0x6, v0;
	vm10 =	vgt.f32 v30, $-1.000000020e+30;
	v1 =	vsel vm13, v14, v1  }
0xae: {  	v0 =	vsel vm4, v4, v0;
	v4 =	vsel vm4, $0x6, v4;
	v1 =	vsel vm11, v2, v1  }
0xaf: {  	v17 =	vld [tilespmem:$0x340];
	v2 =	vsel vm11, v14, v2;
	v0 =	vsel vm14, $0x7, v0;
	v9 =	vnsel vm1, $0x7, v4  }
0xb0: {  	v14 =	vimm.s32 $0x0;
	vm15 =	vgt.f32 v16, v1;
	vm12 =	vgt.f32 v16, v2  }
0xb1: {  	vm7 =	veq.s32 v9, $0x0;
	v0 =	vsel vm1, v0, v4;
	v1 =	vsel vm15, v16, v1  }
0xb2: {  	v8 =	vsel vm7, $0xFFFFFFFF, v29;
	vm7 =	vnez.u8 v36;
	v1 =	vsel vm12, v2, v1  }
0xb3: {  	v18 =	vld [tilespmem:$0x3C0];
	v2 =	vsel vm12, v16, v2;
	v10 =	vsel vm7, $0x1, v23;
	v16 =	vnsel vm10, $0xF149F2CA, v30  }
0xb4: {  	v5 =	vpop (erf);
	vm14 =	vgt.f32 v17, v1;
	vm5 =	vgt.f32 v17, v2;
	v40 =	vsel vm9, v10, v6  }
0xb5: {  	v48 =	vsel vm9, $0x2, v10;
	vm9 =	vgt.f32 v30, v3;
	v19 =	vadd.f32 $1.000000000e+00, v5  }
0xb6: {  	v1 =	vsel vm14, v17, v1;
	v10 =	vsel vm9, $0xFFFFFFFF, v14;
	v14 =	vimm.s32 $0x0  }
0xb7: {  	v1 =	vsel vm5, v2, v1;
	v2 =	vsel vm5, v17, v2;
	[tilespmem:$0x1FD90] =	vst v10;
	v10 =	vsel vm10, $0xFFFFFFFF, v15  }
0xb8: {  	vm10 =	veq.s32 v9, $0x3;
	vm0 =	vgt.f32 v18, v2;
	vm2 =	vgt.f32 v18, v1  }
0xb9: {  	v12 =	vld [tilespmem:$0x150];
	(erf) = vrcp.f32 v19;
	vm8 =	vmneg vm0;
	v1 =	vsel vm2, v18, v1  }
0xba: {  	vm0 =	veq.s32 v9, $0x1;
	v1 =	vsel vm8, v1, v2;
	v2 =	vsel vm8, v2, v18  }
0xbb: {  	v18 =	vimm.s32 $0x0;
	v22 =	vsub.f32 v1, v2;
	v1 =	vsel vm3, $0x3, v40  }
0xbc: {  	vm3 =	vmneg vm9;
	v2 =	vsel vm6, $0x3, v48;
	v1 =	vsel vm6, v48, v1  }
0xbd: {  	[tilespmem:$0x1FD60] =	vst v8;
	v17 =	vld [tilespmem:$0x1D0];
	v7 =	vsel vm3, v16, v3;
	v3 =	vsel vm3, v3, v30;
	v13 =	vmul.f32 $1.442695020e+00, v22  }
0xbe: {  	v40 =	vld [tilespmem:$0x1FD60];
	v1 =	vsel vm13, $0x4, v1;
	vm9 =	vgt.f32 v12, v7;
	vm7 =	vgt.f32 v12, v3  }
0xbf: {  	v1 =	vsel vm11, v2, v1;
	v8 =	vsel vm9, $0xFFFFFFFF, v18;
	v2 =	vsel vm11, $0x4, v2  }
0xc0: {  	v7 =	vsel vm9, v12, v7;
	vm9 =	veq.s32 v9, $0x2;
	(erf) = vpow2.f32 v13  }
0xc1: {  	v1 =	vsel vm15, $0x5, v1;
	v7 =	vsel vm7, v3, v7;
	v3 =	vsel vm7, v12, v3  }
0xc2: {  	v19 =	vld [tilespmem:$0x250];
	vm15 =	veq.s32 v0, $0x0;
	v1 =	vsel vm12, v2, v1;
	vm11 =	vgt.f32 v17, v7  }
0xc3: {  	v2 =	vsel vm12, $0x5, v2;
	vm6 =	vgt.f32 v17, v3;
	vm12 =	vnez.u8 v40  }
0xc4: {  	v30 =	vsel vm11, v17, v7;
	v1 =	vsel vm14, $0x6, v1;
	vm14 =	vmand vm4, vm1  }
0xc5: {  	vm4 =	veq.s32 v0, $0x1;
	v7 =	vpop (erf);
	v6 =	vsel vm6, v3, v30;
	v3 =	vsel vm6, v17, v3  }
0xc6: {  	v1 =	vsel vm5, v2, v1;
	v29 =	vnsel vm12, $0x0, v7;
	vm12 =	veq.s32 v9, $0x4  }
0xc7: {  	v27 =	vnsel vm0, $0x0, v7;
	vm13 =	vgt.f32 v19, v6;
	v48 =	vnsel vm9, $0x0, v7  }
0xc8: {  	vm9 =	vgt.f32 v19, v3;
	v12 =	vnsel vm10, $0x0, v7;
	vm10 =	veq.s32 v9, $0x5  }
0xc9: {  	v5 =	vmul.f32 v7, v5;
	v18 =	vnsel vm14, $0x0, v7;
	v1 =	vsel vm2, $0x7, v1  }
0xca: {  	v36 =	vld [tilespmem:$0x2D0];
	[tilespmem:$0x1FD80] =	vst v8;
	vm14 =	veq.s32 v0, $0x3;
	vm2 =	veq.s32 v0, $0x5;
	v6 =	vsel vm13, v19, v6;
	v8 =	vpop (erf)  }
0xcb: {  	v13 =	vnsel vm12, $0x0, v7;
	v16 =	vnsel vm10, $0x0, v7;
	v15 =	vadd.f32 $1.000000000e+00, v8  }
0xcc: {  	v7 =	vsel vm1, $0x0, v7;
	v6 =	vsel vm9, v3, v6;
	v3 =	vsel vm9, v19, v3  }
0xcd: {  	v19 =	vld [tilespmem:$0x350];
	v26 =	vnsel vm15, $0x0, v5;
	v30 =	vnsel vm4, $0x0, v5;
	(erf) = vrcp.f32 v15  }
0xce: {  	vm15 =	veq.s32 v0, $0x4;
	vm4 =	veq.s32 v0, $0x6;
	v40 =	vnsel vm2, $0x0, v5  }
0xcf: {  	[tilespmem:$0x1FF50] =	vst v16;
	v16 =	vsel vm5, $0x6, v2;
	vm12 =	vgt.f32 v36, v6;
	vm10 =	vgt.f32 v36, v3  }
0xd0: {  	v1 =	vsel vm8, v1, v16;
	v9 =	vsel vm12, $0xFFFFFFFF, v14;
	v6 =	vsel vm12, v36, v6  }
0xd1: {  	[tilespmem:$0x1FF10] =	vst v48;
	vm12 =	veq.s32 v0, $0x2;
	vm1 =	veq.s32 v1, $0x3;
	v17 =	vsel vm10, v3, v6  }
0xd2: {  	v48 =	vld [tilespmem:$0x3D0];
	[tilespmem:$0x1FF30] =	vst v13;
	v3 =	vsel vm10, v36, v3;
	v36 =	vnsel vm15, $0x0, v5;
	vm15 =	vgt.f32 v19, v17  }
0xd3: {  	[tilespmem:$0x1FF90] =	vst v7;
	v7 =	vnsel vm12, $0x0, v5;
	vm12 =	veq.s32 v0, $0x7;
	v4 =	vsel vm15, v19, v17  }
0xd4: {  	[tilespmem:$0x1FDA0] =	vst v9;
	v9 =	vnsel vm14, $0x0, v5;
	v0 =	vnsel vm8, $0x7, v16;
	v13 =	vnsel vm12, $0x0, v5  }
0xd5: {  	vm14 =	veq.s32 v0, $0x0;
	vm0 =	veq.s32 v0, $0x1;
	vm2 =	vgt.f32 v19, v3  }
0xd6: {  	v15 =	vnsel vm4, $0x0, v5;
	v17 =	vsel vm2, v3, v4;
	v3 =	vsel vm2, v19, v3;
	v4 =	vpop (erf)  }
0xd7: {  	vm4 =	veq.s32 v1, $0x0;
	vm12 =	vgt.f32 v48, v3;
	v21 =	vmul.f32 v4, v8  }
0xd8: {  	[tilespmem:$0x1FF70] =	vst v18;
	v18 =	vnsel vm14, $0x0, v4;
	v20 =	vnsel vm0, $0x0, v4;
	vm0 =	veq.s32 v0, $0x2  }
0xd9: {  	[tilespmem:$0x1FF20] =	vst v12;
	vm14 =	veq.s32 v1, $0x1;
	v12 =	vsel vm8, $0x0, v4;
	v16 =	vnsel vm0, $0x0, v4  }
0xda: {  	[tilespmem:$0x1FE50] =	vst v11;
	vm0 =	veq.s32 v0, $0x3;
	v19 =	vnsel vm4, $0x0, v21;
	vm4 =	vmneg vm12  }
0xdb: {  	[tilespmem:$0x1FD70] =	vst v10;
	vm12 =	vgt.f32 v48, v17;
	v11 =	vnsel vm0, $0x0, v4;
	v10 =	vnsel vm1, $0x0, v21  }
0xdc: {  	vm0 =	veq.s32 v1, $0x4;
	[tilespmem:$0x1FFB0] =	vst v19;
	v19 =	vnsel vm14, $0x0, v21;
	vm14 =	veq.s32 v1, $0x2  }
0xdd: {  	[tilespmem:$0x1FF60] =	vst v40;
	v2 =	vsel vm12, v48, v17;
	v14 =	vnsel vm14, $0x0, v21;
	vm14 =	veq.s32 v0, $0x4  }
0xde: {  	[tilespmem:$0x1FF40] =	vst v36;
	v8 =	vnsel vm0, $0x0, v21;
	v17 =	vnsel vm14, $0x0, v4;
	vm14 =	veq.s32 v0, $0x5  }
0xdf: {  	v36 =	vld [tilespmem:$0x60];
	[tilespmem:$0x1FF80] =	vst v15;
	v15 =	vnsel vm14, $0x0, v4;
	vm14 =	vmand vm5, vm8;
	vm5 =	veq.s32 v1, $0x5  }
0xe0: {  	v40 =	vld [tilespmem:$0xE0];
	[tilespmem:$0x1FFA0] =	vst v18;
	vm8 =	veq.s32 v1, $0x6;
	v18 =	vnsel vm14, $0x0, v4;
	vm14 =	veq.s32 v1, $0x7  }
0xe1: {  	v5 =	vnsel vm5, $0x0, v21;
	v6 =	vnsel vm8, $0x0, v21;
	v4 =	vnsel vm14, $0x0, v21;
	v21 =	vld [tilespmem:$0x1FD70]  }
0xe2: {  	v2 =	vsel vm4, v2, v3;
	v3 =	vsel vm4, v3, v48  }
0xe3: {  	v48 =	vsub.f32 v2, v3  }
0xe4: {  	v37 =	vadd.f32 v37, v35;
	vm5 =	vgt.f32 v36, $-1.000000020e+30  }
0xe5: {  	v35 =	vadd.f32 v39, v38;
	v39 =	vld [tilespmem:$0x1FD80];
	v3 =	vmul.f32 $1.442695020e+00, v48;
	v2 =	vnsel vm5, $0xF149F2CA, v36  }
0xe6: {  	v1 =	vld [tilespmem:$0x160];
	vm1 =	vgt.f32 v40, v2;
	vm8 =	vnez.u8 v21;
	v21 =	vimm.s32 $0x0  }
0xe7: {  	(erf) = vpow2.f32 v3;
	vm0 =	vmand vm8, vm3;
	v21 =	vsel vm1, $0xFFFFFFFF, v21  }
0xe8: {  	vm5 =	vgt.f32 v40, $-1.000000020e+30;
	v36 =	vld [tilespmem:$0x1E0];
	[tilespmem:$0x1FEA0] =	vst v21;
	v21 =	vsel vm0, $0x1, v23;
	vm0 =	vmneg vm1  }
0xe9: {  	v3 =	vadd.f32 v33, v24;
	v24 =	vnsel vm5, $0xF149F2CA, v40;
	v0 =	vsel vm0, v2, v40;
	v40 =	vld [tilespmem:$0x1FD90]  }
0xea: {  	v46 =	vadd.f32 v47, v46;
	v47 =	vadd.f32 v52, v51;
	v33 =	vsel vm0, v24, v2  }
0xeb: {  	v52 =	vadd.f32 v57, v55;
	vm14 =	vnez.u8 v39;
	vm3 =	vgt.f32 v1, v33  }
0xec: {  	v2 =	vsel vm14, $0x2, v21;
	vm1 =	vgt.f32 v1, v0;
	v21 =	vsel vm3, v1, v33  }
0xed: {  	v55 =	vadd.f32 v63, v62;
	vm0 =	vmand vm5, vm0;
	v21 =	vsel vm1, v0, v21  }
0xee: {  	v0 =	vsel vm1, v1, v0;
	vm14 =	vgt.f32 v36, v21;
	vm8 =	vnez.u8 v40  }
0xef: {  	v38 =	vld [tilespmem:$0x260];
	v40 =	vimm.s32 $0x0;
	v21 =	vsel vm14, v36, v21;
	v24 =	vsel vm8, $0x1, v23  }
0xf0: {  	v39 =	vpop (erf);
	v1 =	vsel vm7, v24, v2;
	v2 =	vsel vm7, $0x2, v24;
	v24 =	vsel vm14, $0xFFFFFFFF, v40  }
0xf1: {  	v40 =	vld [tilespmem:$0x2E0];
	[tilespmem:$0x1FEB0] =	vst v24;
	v24 =	vadd.f32 $1.000000000e+00, v39;
	v1 =	vsel vm11, $0x3, v1;
	vm11 =	vgt.f32 v36, v0  }
0xf2: {  	v21 =	vsel vm11, v0, v21;
	v0 =	vsel vm11, v36, v0;
	v36 =	vadd.f32 v43, v41;
	v43 =	vld [tilespmem:$0x1FDA0]  }
0xf3: {  	v1 =	vsel vm6, v2, v1;
	v2 =	vsel vm6, $0x3, v2;
	v41 =	vimm.s32 $0x0  }
0xf4: {  	(erf) = vrcp.f32 v24;
	vm8 =	vgt.f32 v38, v21;
	v1 =	vsel vm13, $0x4, v1  }
0xf5: {  	v33 =	vld [tilespmem:$0x360];
	vm14 =	vgt.f32 v38, v0;
	v21 =	vsel vm8, v38, v21;
	v1 =	vsel vm9, v2, v1  }
0xf6: {  	v2 =	vsel vm9, $0x4, v2;
	v21 =	vsel vm14, v0, v21;
	v0 =	vsel vm14, v38, v0  }
0xf7: {  	v38 =	vadd.f32 v44, v42;
	vm9 =	vgt.f32 v40, v21;
	vm13 =	vnez.u8 v43  }
0xf8: {  	v51 =	vld [tilespmem:$0x1FDB0];
	v21 =	vsel vm9, v40, v21;
	v1 =	vsel vm13, $0x5, v1;
	vm13 =	vgt.f32 v40, v0  }
0xf9: {  	[tilespmem:$0xB10] =	vst v55;
	v55 =	vld [tilespmem:$0x1FEF0];
	v44 =	vimm.s32 $0x0;
	v24 =	vsel vm9, $0xFFFFFFFF, v41;
	v21 =	vsel vm13, v0, v21  }
0xfa: {  	v57 =	vld [tilespmem:$0x1FDD0];
	v41 =	vadd.f32 v50, v49;
	v49 =	vadd.f32 v54, v53;
	vm9 =	vgt.f32 v33, v21  }
0xfb: {  	v50 =	vadd.f32 v28, v56;
	[tilespmem:$0x1FED0] =	vst v24;
	v0 =	vsel vm13, v40, v0;
	v40 =	vld [tilespmem:$0x70];
	v24 =	vsel vm9, $0xFFFFFFFF, v44  }
0xfc: {  	v53 =	vadd.f32 v59, v58;
	v54 =	vadd.f32 v61, v60;
	v1 =	vsel vm10, v2, v1;
	[tilespmem:$0x1FEE0] =	vst v24;
	v24 =	vld [tilespmem:$0x3E0]  }
0xfd: {  	v56 =	vld [tilespmem:$0x1FDC0];
	v2 =	vsel vm10, $0x5, v2;
	v1 =	vsel vm15, $0x6, v1;
	vm7 =	vgt.f32 v33, v0  }
0xfe: {  	v58 =	vld [tilespmem:$0x1FDE0];
	v42 =	vsel vm2, $0x6, v2;
	v21 =	vsel vm9, v33, v21;
	v1 =	vsel vm2, v2, v1  }
0xff: {  	v59 =	vld [tilespmem:$0x1FDF0];
	v43 =	vnsel vm4, $0x7, v42;
	v21 =	vsel vm7, v0, v21;
	v0 =	vsel vm7, v33, v0  }
0x100: {  	v60 =	vld [tilespmem:$0x1FE00];
	v33 =	vsel vm12, $0x7, v1;
	vm10 =	veq.s32 v43, $0x0;
	vm12 =	vgt.f32 v40, $-1.000000020e+30  }
0x101: {  	v61 =	vld [tilespmem:$0x1FE10];
	v44 =	vpop (erf);
	v40 =	vnsel vm12, $0xF149F2CA, v40;
	vm12 =	vgt.f32 v24, v0;
	vm5 =	vgt.f32 v24, v21  }
0x102: {  	v62 =	vld [tilespmem:$0x1FE20];
	v1 =	vnsel vm10, $0x0, v44;
	vm10 =	vmneg vm12;
	v21 =	vsel vm5, v24, v21  }
0x103: {  	v63 =	vld [tilespmem:$0x1FE30];
	v21 =	vsel vm10, v21, v0;
	v0 =	vsel vm10, v0, v24  }
0x104: {  	[tilespmem:$0x1010] =	vst v55;
	v55 =	vld [tilespmem:$0x1FF50];
	v51 =	vadd.f32 v56, v51;
	v0 =	vsub.f32 v21, v0  }
0x105: {  	v56 =	vadd.f32 v31, v57;
	v57 =	vadd.f32 v59, v58;
	v59 =	vld [tilespmem:$0xF0]  }
0x106: {  	v45 =	vadd.f32 v45, v25;
	v58 =	vadd.f32 v61, v60;
	v60 =	vld [tilespmem:$0x1FE40];
	v25 =	vmul.f32 $1.442695020e+00, v0  }
0x107: {  	v10 =	vadd.f32 v10, v11;
	v19 =	vadd.f32 v19, v20;
	v61 =	vld [tilespmem:$0x1FE50]  }
0x108: {  	v8 =	vadd.f32 v8, v17;
	(erf) = vpow2.f32 v25;
	v25 =	vadd.f32 v63, v62;
	v62 =	vld [tilespmem:$0x1FE60]  }
0x109: {  	v5 =	vadd.f32 v5, v15;
	v6 =	vadd.f32 v6, v18;
	[tilespmem:$0xB90] =	vst v51;
	v51 =	vld [tilespmem:$0x1FF20]  }
0x10a: {  	v4 =	vadd.f32 v4, v12;
	vm2 =	vmand vm2, vm4;
	vm15 =	veq.s32 v43, $0x1;
	v63 =	vld [tilespmem:$0x1FE90]  }
0x10b: {  	vm9 =	veq.s32 v43, $0x3;
	v2 =	vnsel vm15, $0x0, v44;
	vm15 =	veq.s32 v43, $0x2;
	[tilespmem:$0x820] =	vst v56;
	v56 =	vld [tilespmem:$0x1FF60]  }
0x10c: {  	v28 =	vnsel vm9, $0x0, v44;
	v60 =	vadd.f32 v32, v60;
	vm12 =	veq.s32 v43, $0x4;
	v24 =	vld [tilespmem:$0x1FE70]  }
0x10d: {  	v21 =	vnsel vm15, $0x0, v44;
	vm15 =	veq.s32 v43, $0x5;
	v43 =	vadd.f32 v62, v61;
	v61 =	vld [tilespmem:$0x1FE80]  }
0x10e: {  	[tilespmem:$0x900] =	vst v35;
	v33 =	vsel vm4, v33, v42;
	vm6 =	vgt.f32 v59, $-1.000000020e+30;
	v9 =	vadd.f32 v9, v51  }
0x10f: {  	v35 =	vmul.f32 v44, v39;
	v42 =	vnsel vm6, $0xF149F2CA, v59;
	[tilespmem:$0xA20] =	vst v60;
	v60 =	vld [tilespmem:$0x1FF90];
	v62 =	vadd.f32 v34, v63  }
0x110: {  	v31 =	vnsel vm12, $0x0, v44;
	v51 =	vadd.f32 v14, v16;
	v32 =	vnsel vm15, $0x0, v44;
	[tilespmem:$0x9B0] =	vst v9  }
0x111: {  	vm15 =	vgt.f32 v59, v40;
	v9 =	vadd.f32 v56, v55;
	v63 =	vadd.f32 v30, v27;
	[tilespmem:$0xBA0] =	vst v62;
	v62 =	vld [tilespmem:$0x1FF00]  }
0x112: {  	v34 =	vimm.s32 $0x0;
	v61 =	vadd.f32 v61, v24;
	v24 =	vadd.f32 v26, v29;
	v26 =	vld [tilespmem:$0x170]  }
0x113: {  	[tilespmem:$0x800] =	vst v3;
	v27 =	vnsel vm2, $0x0, v44;
	v3 =	vsel vm6, $0xFFFFFFFF, v34;
	v29 =	vsel vm4, $0x0, v44;
	v44 =	vld [tilespmem:$0x1FEA0]  }
0x114: {  	v13 =	vadd.f32 v13, v60;
	[tilespmem:$0x1FFD0] =	vst v3;
	v3 =	vsel vm0, $0x1, v23;
	vm0 =	vmneg vm15;
	v39 =	vpop (erf)  }
0x115: {  	vm2 =	veq.s32 v33, $0x4;
	v34 =	vld [tilespmem:$0x1F0];
	v30 =	vsel vm0, v42, v40;
	v42 =	vadd.f32 $1.000000000e+00, v39  }
0x116: {  	v59 =	vsel vm0, v40, v59;
	v3 =	vsel vm3, $0x2, v3;
	v40 =	vimm.s32 $0x0;
	[tilespmem:$0xB20] =	vst v61;
	v61 =	vld [tilespmem:$0x1FFA0]  }
0x117: {  	vm3 =	veq.s32 v33, $0x5;
	(erf) = vrcp.f32 v42;
	v42 =	vimm.s32 $0x0;
	[tilespmem:$0x1020] =	vst v62;
	v62 =	vld [tilespmem:$0x1FFB0]  }
0x118: {  	[tilespmem:$0x980] =	vst v36;
	vm9 =	vgt.f32 v26, v30;
	vm12 =	vnez.u8 v44;
	vm6 =	vgt.f32 v26, v59;
	v44 =	vld [tilespmem:$0x1FEB0]  }
0x119: {  	[tilespmem:$0xA00] =	vst v38;
	v36 =	vsel vm9, $0xFFFFFFFF, v40;
	v38 =	vsel vm12, $0x1, v23;
	v30 =	vsel vm9, v26, v30  }
0x11a: {  	[tilespmem:$0xA80] =	vst v45;
	v45 =	vld [tilespmem:$0x1FEC0];
	v26 =	vsel vm6, v26, v59;
	vm12 =	veq.s32 v33, $0x1;
	v30 =	vsel vm6, v59, v30  }
0x11b: {  	[tilespmem:$0x880] =	vst v37;
	v3 =	vsel vm1, v38, v3;
	v40 =	vsel vm1, $0x2, v38;
	vm4 =	vgt.f32 v34, v30  }
0x11c: {  	[tilespmem:$0xBB0] =	vst v13;
	v13 =	vadd.f32 v62, v61;
	v37 =	vsel vm11, $0x3, v40;
	v38 =	vsel vm4, $0xFFFFFFFF, v42  }
0x11d: {  	[tilespmem:$0xB00] =	vst v46;
	v59 =	vld [tilespmem:$0x270];
	v30 =	vsel vm4, v34, v30;
	vm4 =	veq.s32 v33, $0x6;
	vm9 =	vnez.u8 v44  }
0x11e: {  	[tilespmem:$0x910] =	vst v50;
	v50 =	vld [tilespmem:$0x1FED0];
	v44 =	vnsel vm3, $0x0, v35;
	v3 =	vsel vm9, $0x3, v3;
	vm9 =	vgt.f32 v34, v26  }
0x11f: {  	[tilespmem:$0x1000] =	vst v45;
	v45 =	vnsel vm4, $0x0, v35;
	v32 =	vadd.f32 v44, v32;
	v46 =	vsel vm9, v26, v30  }
0x120: {  	[tilespmem:$0x990] =	vst v52;
	v34 =	vsel vm9, v34, v26;
	v3 =	vsel vm11, v40, v3;
	vm11 =	veq.s32 v33, $0x0  }
0x121: {  	[tilespmem:$0xB80] =	vst v41;
	v30 =	vnsel vm12, $0x0, v35;
	vm12 =	veq.s32 v33, $0x3;
	v3 =	vsel vm8, $0x4, v3  }
0x122: {  	[tilespmem:$0xA10] =	vst v53;
	v53 =	vld [tilespmem:$0x1FEE0];
	v26 =	vnsel vm11, $0x0, v35;
	vm1 =	vgt.f32 v59, v46;
	vm11 =	vgt.f32 v59, v34  }
0x123: {  	v52 =	vld [tilespmem:$0x2F0];
	[tilespmem:$0x1FFE0] =	vst v36;
	vm8 =	vnez.u8 v50;
	v41 =	vnsel vm12, $0x0, v35;
	vm12 =	veq.s32 v33, $0x7  }
0x124: {  	[tilespmem:$0x1FFF0] =	vst v38;
	v38 =	vsel vm1, v59, v46;
	v36 =	vsel vm11, v59, v34;
	v3 =	vsel vm14, v37, v3  }
0x125: {  	[tilespmem:$0xA90] =	vst v54;
	v37 =	vsel vm14, $0x4, v37;
	vm14 =	veq.s32 v33, $0x2;
	v33 =	vnsel vm2, $0x0, v35  }
0x126: {  	v54 =	vld [tilespmem:$0x370];
	[tilespmem:$0x9A0] =	vst v25;
	v25 =	vnsel vm12, $0x0, v35;
	v38 =	vsel vm11, v34, v38;
	v3 =	vsel vm8, $0x5, v3  }
0x127: {  	v3 =	vsel vm13, v37, v3;
	v37 =	vsel vm13, $0x5, v37;
	vm13 =	vnez.u8 v53  }
0x128: {  	vm3 =	vgt.f32 v52, v36;
	vm8 =	vgt.f32 v52, v38;
	v3 =	vsel vm13, $0x6, v3  }
0x129: {  	v59 =	vld [tilespmem:$0x3F0];
	v38 =	vsel vm8, v52, v38;
	v3 =	vsel vm7, v37, v3;
	v37 =	vsel vm7, $0x6, v37  }
0x12a: {  	[tilespmem:$0x810] =	vst v47;
	v34 =	vnsel vm14, $0x0, v35;
	v38 =	vsel vm3, v36, v38;
	v36 =	vsel vm3, v52, v36  }
0x12b: {  	[tilespmem:$0x890] =	vst v49;
	v49 =	vld [tilespmem:$0x1FF10];
	v3 =	vsel vm5, $0x7, v3;
	vm5 =	vgt.f32 v54, v38;
	v35 =	vnsel vm10, $0x7, v37  }
0x12c: {  	[tilespmem:$0x1040] =	vst v22;
	vm2 =	vgt.f32 v54, v36;
	v3 =	vsel vm10, v3, v37;
	v38 =	vsel vm5, v54, v38;
	v37 =	vpop (erf)  }
0x12d: {  	[tilespmem:$0x9C0] =	vst v10;
	v53 =	vld [tilespmem:$0x1FF30];
	v38 =	vsel vm2, v36, v38;
	v36 =	vsel vm2, v54, v36;
	v39 =	vmul.f32 v37, v39  }
0x12e: {  	[tilespmem:$0x920] =	vst v58;
	v2 =	vadd.f32 v30, v2;
	vm12 =	veq.s32 v3, $0x0;
	v54 =	vld [tilespmem:$0x1FF40];
	vm4 =	vgt.f32 v59, v36  }
0x12f: {  	v58 =	vld [tilespmem:$0x1FF70];
	[tilespmem:$0xAA0] =	vst v43;
	vm4 =	vmneg vm4;
	v43 =	vnsel vm12, $0x0, v39;
	vm12 =	vgt.f32 v59, v38  }
0x130: {  	[tilespmem:$0x8C0] =	vst v19;
	v46 =	vadd.f32 v7, v49;
	v52 =	vsel vm4, v36, v59;
	v50 =	vsel vm12, v59, v38;
	v59 =	vld [tilespmem:$0x1FF80]  }
0x131: {  	[tilespmem:$0x8A0] =	vst v57;
	v1 =	vadd.f32 v26, v1;
	v30 =	vadd.f32 v41, v28;
	vm13 =	veq.s32 v35, $0x1  }
0x132: {  	[tilespmem:$0x830] =	vst v24;
	v31 =	vadd.f32 v33, v31;
	v24 =	vnsel vm13, $0x0, v37;
	v7 =	vsel vm4, v50, v36  }
0x133: {  	[tilespmem:$0x8B0] =	vst v63;
	vm13 =	veq.s32 v35, $0x2;
	v38 =	vadd.f32 v54, v53;
	v7 =	vsub.f32 v7, v52  }
0x134: {  	v33 =	vadd.f32 v45, v27;
	[tilespmem:$0x930] =	vst v46;
	v26 =	vadd.f32 v34, v21;
	v46 =	vnsel vm13, $0x0, v37  }
0x135: {  	v63 =	vld [tilespmem:$0x1FFC0];
	vm13 =	veq.s32 v3, $0x2;
	[tilespmem:$0xA30] =	vst v38;
	v57 =	vmul.f32 $1.442695020e+00, v7;
	v38 =	vadd.f32 v59, v58  }
0x136: {  	[tilespmem:$0xAB0] =	vst v9;
	v55 =	vld [tilespmem:$0x1FFD0];
	v34 =	vadd.f32 v25, v29;
	v9 =	vnsel vm13, $0x0, v39;
	vm13 =	veq.s32 v3, $0x3  }
0x137: {  	(erf) = vpow2.f32 v57;
	[tilespmem:$0xB30] =	vst v38;
	v38 =	vnsel vm13, $0x0, v39;
	vm13 =	veq.s32 v35, $0x4  }
0x138: {  	[tilespmem:$0x1050] =	vst v48;
	vm7 =	vmand vm7, vm10;
	v58 =	vld [tilespmem:$0x1FFE0];
	v47 =	vnsel vm13, $0x0, v37;
	vm13 =	veq.s32 v3, $0x4  }
0x139: {  	[tilespmem:$0xA40] =	vst v8;
	vm14 =	veq.s32 v35, $0x0;
	v20 =	vnsel vm13, $0x0, v39;
	vm13 =	veq.s32 v35, $0x5  }
0x13a: {  	[tilespmem:$0x1030] =	vst v63;
	v63 =	vld [tilespmem:$0x1FFF0];
	v42 =	vnsel vm14, $0x0, v37;
	v52 =	vnsel vm13, $0x0, v37;
	vm13 =	veq.s32 v3, $0x5  }
0x13b: {  	[tilespmem:$0xAC0] =	vst v5;
	vm14 =	veq.s32 v3, $0x1;
	v53 =	vnsel vm13, $0x0, v39;
	vm13 =	vnez.u8 v55  }
0x13c: {  	[tilespmem:$0xB40] =	vst v6;
	v36 =	vnsel vm14, $0x0, v39;
	vm14 =	veq.s32 v35, $0x3;
	vm0 =	vmand vm13, vm0  }
0x13d: {  	[tilespmem:$0xBC0] =	vst v4;
	v40 =	vnsel vm14, $0x0, v37;
	vm14 =	vnez.u8 v58;
	v56 =	vsel vm0, $0x1, v23  }
0x13e: {  	[tilespmem:$0x940] =	vst v51;
	v9 =	vadd.f32 v9, v46;
	v57 =	vsel vm15, $0x1, v23;
	v5 =	vsel vm14, $0x2, v56  }
0x13f: {  	[tilespmem:$0x1060] =	vst v0;
	v54 =	vnsel vm7, $0x0, v37;
	vm7 =	vnez.u8 v63;
	v5 =	vsel vm6, v57, v5  }
0x140: {  	[tilespmem:$0x840] =	vst v13;
	v36 =	vadd.f32 v36, v24;
	v62 =	vsel vm6, $0x2, v57;
	v59 =	vpop (erf);
	v5 =	vsel vm7, $0x3, v5  }
0x141: {  	[tilespmem:$0xAD0] =	vst v32;
	vm15 =	veq.s32 v3, $0x6;
	v61 =	vadd.f32 $1.000000000e+00, v59;
	v18 =	vsel vm9, v62, v5  }
0x142: {  	[tilespmem:$0x8D0] =	vst v2;
	v60 =	vnsel vm15, $0x0, v39;
	v19 =	vsel vm9, $0x3, v62;
	v4 =	vsel vm1, $0x4, v18  }
0x143: {  	[tilespmem:$0x850] =	vst v1;
	v40 =	vadd.f32 v38, v40;
	(erf) = vrcp.f32 v61;
	v4 =	vsel vm11, v19, v4  }
0x144: {  	[tilespmem:$0x9D0] =	vst v30;
	v10 =	vadd.f32 v60, v54;
	v5 =	vsel vm11, $0x4, v19;
	v4 =	vsel vm8, $0x5, v4  }
0x145: {  	[tilespmem:$0xA50] =	vst v31;
	v35 =	vadd.f32 v43, v42;
	v42 =	vsel vm10, $0x0, v37;
	v4 =	vsel vm3, v5, v4  }
0x146: {  	[tilespmem:$0xB50] =	vst v33;
	v41 =	vadd.f32 v20, v47;
	v5 =	vsel vm3, $0x5, v5;
	v4 =	vsel vm5, $0x6, v4  }
0x147: {  	[tilespmem:$0x950] =	vst v26;
	v11 =	vadd.f32 v53, v52;
	vm11 =	veq.s32 v3, $0x7;
	v43 =	vsel vm2, v5, v4  }
0x148: {  	[tilespmem:$0xBD0] =	vst v34;
	v44 =	vnsel vm11, $0x0, v39;
	v5 =	vsel vm2, $0x6, v5;
	v3 =	vsel vm12, $0x7, v43  }
0x149: {  	[tilespmem:$0x960] =	vst v9;
	v2 =	vadd.f32 v44, v42;
	v3 =	vsel vm4, v3, v5;
	v5 =	vnsel vm4, $0x7, v5  }
0x14a: {  	[tilespmem:$0x8E0] =	vst v36;
	vm12 =	veq.s32 v5, $0x0;
	vm13 =	veq.s32 v3, $0x0;
	vm14 =	veq.s32 v5, $0x1  }
0x14b: {  	[tilespmem:$0x1070] =	vst v7;
	vm15 =	veq.s32 v3, $0x1;
	vm5 =	veq.s32 v5, $0x2;
	vm6 =	veq.s32 v3, $0x2  }
0x14c: {  	[tilespmem:$0x9E0] =	vst v40;
	vm7 =	veq.s32 v5, $0x3;
	vm8 =	veq.s32 v3, $0x3;
	vm9 =	veq.s32 v5, $0x4;
	v45 =	vpop (erf)  }
0x14d: {  	[tilespmem:$0xB60] =	vst v10;
	vm10 =	veq.s32 v3, $0x4;
	vm11 =	veq.s32 v5, $0x5;
	v8 =	vmul.f32 v45, v59  }
0x14e: {  	[tilespmem:$0x860] =	vst v35;
	v46 =	vnsel vm12, $0x0, v45;
	v49 =	vnsel vm14, $0x0, v45;
	v51 =	vnsel vm5, $0x0, v45  }
0x14f: {  	[tilespmem:$0xA60] =	vst v41;
	v53 =	vnsel vm7, $0x0, v45;
	v56 =	vnsel vm9, $0x0, v45;
	v47 =	vnsel vm13, $0x0, v8  }
0x150: {  	[tilespmem:$0xAE0] =	vst v11;
	vm12 =	veq.s32 v3, $0x5;
	v50 =	vnsel vm15, $0x0, v8;
	v48 =	vadd.f32 v47, v46  }
0x151: {  	[tilespmem:$0xBE0] =	vst v2;
	v58 =	vnsel vm11, $0x0, v45;
	v52 =	vnsel vm6, $0x0, v8;
	v4 =	vadd.f32 v50, v49  }
0x152: {  	vm14 =	veq.s32 v3, $0x6;
	v54 =	vnsel vm8, $0x0, v8;
	v6 =	vadd.f32 v52, v51;
	[tilespmem:$0x870] =	vst v48  }
0x153: {  	v57 =	vnsel vm10, $0x0, v8;
	v59 =	vnsel vm12, $0x0, v8;
	v55 =	vadd.f32 v54, v53;
	[tilespmem:$0x8F0] =	vst v4  }
0x154: {  	vm13 =	vmand vm2, vm4;
	vm15 =	veq.s32 v3, $0x7;
	v1 =	vadd.f32 v57, v56;
	[tilespmem:$0x970] =	vst v6  }
0x155: {  	v61 =	vnsel vm14, $0x0, v8;
	v2 =	vadd.f32 v59, v58;
	v60 =	vnsel vm13, $0x0, v45;
	[tilespmem:$0x9F0] =	vst v55  }
0x156: {  	v62 =	vsel vm4, $0x0, v45;
	v63 =	vnsel vm15, $0x0, v8;
	v0 =	vadd.f32 v61, v60;
	[tilespmem:$0xA70] =	vst v1  }
0x157: {  	[tilespmem:$0xAF0] =	vst v2;
	v1 =	vadd.f32 v63, v62  }
0x158: {  	[tilespmem:$0xB70] =	vst v0  }
0x159: {  	[tilespmem:$0xBF0] =	vst v1  }
0x15a: {  	_ =	strace $0x9000004A  }
0x15b: {  	_ =	strace $0x8000004B  }
0x15c: {  	[hbm4b:s4+s2] =	stream.linear.scatter [tilespmem:s8], [sflag:$0x3], $0x400, $0x200038;
	[tilespmem:$0x1800] =	vst v63  }
0x15d: {  	_ =	strace $0x9000004B  }
0x15e: {  	_ =	strace $0x8000004C  }
0x15f: {  	[hbm4b:s5+s2] =	stream.linear.scatter [tilespmem:s9], [sflag:$0x5], $0x400, $0x200038;
	[tilespmem:$0x1800] =	vst v63  }
0x160: {  	_ =	strace $0x9000004C  }
0x161: {  	_ =	strace $0x8000004D  }
0x162: {  	_ =	swait.ge [sflag:s10], $0x400  }
0x163: {  	p0 =	sne.s32 s6, $0x1;
	[sflag:s10] =	ssyncset.done $0x0  }
.Ltmp0:
0x164: {  	[sflag:s10] =	ssyncadd.s32 $0xFFFFFC00;
	(pc) =	sbr.rel @p0 .LBB2_1-.Ltmp0, $4  }
0x165: {  	_ =	swait.ge [sflag:s11], $0x400  }
0x166: {  	[sflag:s11] =	ssyncset.done $0x0  }
0x167: {  	[sflag:s11] =	ssyncadd.s32 $0xFFFFFC00  }
0x168: {  	s6 =	sadd.s32 $0xFFFFFFFF, s6;
	_ =	strace $0x9000004D  }
0x169: {  	_ =	sfence.sel $0x180000  }
0x16a: {  	[bflag:$0x0] =	sbarrier.arrive $0xFFFF  }
0x16b: {  	p0 =	sne.s32 s1, $0x0;
	_ =	strace $0x90000047  }
0x16c: {  	s0 =	sadd.s32 @!p0 $0x100000, s0;
	[bflag:$0x2] =	sbarrier.arrive $0xFFFF  }
0x16d: {  	[sflag:s0] =	ssyncadd.tile.s32 @!p0 $0x1;
	_ =	shalt  }
.Lfunc_end2:
_tile_overlayer_lowered:
.L_overlay_start_2:
0x16e: {  	(tag) =	ssettag $0x2  }
0x16f: {  	s0 =	rddreg [dreg:$0x0];
	s2 =	stileid.u32  }
0x170: {  	s1 =	rddreg [dreg:$0x1];
	p0 =	sne.s32 s2, $0x0  }
0x171: {  	s3 =	rddreg [dreg:$0x2];
	[bflag:$0x3] =	sbarrier.arrive $0xFFFF;
	s2 =	simm.s32 @!p0 $0x1C01  }
0x172: {  	[timem:s3], [sflag:s2] =	dma.local @!p0 [hbm:s0], s1  }
0x173: {  	s0 =	simm.s32 @!p0 $0x1  }
0x174: {  	_ =	swait.ge @!p0 [sflag:s0], s1  }
0x175: {  	s1 =	ssub.s32 @!p0 $0x0, s1;
	[sflag:s0] =	ssyncset.done @!p0 $0x0  }
0x176: {  	[sflag:s0] =	ssyncadd.s32 @!p0 s1  }
0x177: {  	[bflag:$0x3] =	sbarrier.arrive $0xFFFF  }
0x178: {  	_ =	shalt  }

</sc_bundles>
